<compile_context>
chip_gen: v7x
topology: tpu7x:2x2x1
jax: 0.10.2.dev20260603
libtpu: 0.0.44.dev20260713+nightly
codegen_flags: <defaults>
</compile_context>

<pallas_src>
import jax
import jax.numpy as jnp
from jax import lax
from jax.experimental import pallas as pl
from jax.experimental.pallas import tpu as pltpu
from jax.experimental.pallas import tpu_sc as plsc

B = 1024
F = 26
T = 26
D = 32
V = 1000 * F
NC = 2
NS = 16
NW = NC * NS

PAIRS = B * F
PAIRS_PER_W = PAIRS // NW
HALF = PAIRS_PER_W // 2


def _sc_body(tab_hbm, x_hbm, out_hbm, xv, bv, idx0, idx1, rows0, rows1,
             gsem, wsem0, wsem1):
    w = lax.axis_index("s") * NC + lax.axis_index("c")
    lane = lax.iota(jnp.int32, 16)

    pltpu.sync_copy(x_hbm.at[pl.ds(w * PAIRS_PER_W, PAIRS_PER_W)], xv)

    def bv_body(j, carry):
        p16 = j * 16 + lane
        f16 = lax.rem(p16, F)
        bv[pl.ds(j * 16, 16)] = xv[pl.ds(j * 16, 16)] + f16 * 1000
        return carry

    lax.fori_loop(0, PAIRS_PER_W // 16, bv_body, 0)

    idxs = (idx0, idx1)
    rows = (rows0, rows1)
    wsems = (wsem0, wsem1)
    p0 = w * PAIRS_PER_W

    for t in range(T):
        it = t % 2
        idxv = idxs[it]

        def idx_body(j, carry):
            idxv[pl.ds(j * 16, 16)] = (bv[pl.ds(j * 16, 16)] + t * V) * 4
            return carry

        lax.fori_loop(0, PAIRS_PER_W // 16, idx_body, 0)

        for h in range(2):
            if t >= 1:
                pltpu.make_async_copy(
                    rows[h],
                    out_hbm.at[pl.ds(0, HALF), 0, pl.ds(0, D)],
                    wsems[h]).wait()
            pltpu.async_copy(
                tab_hbm.at[idxv.at[pl.ds(h * HALF, HALF)]],
                rows[h], gsem).wait()
            pltpu.async_copy(
                rows[h],
                out_hbm.at[pl.ds(p0 + h * HALF, HALF), t, pl.ds(0, D)],
                wsems[h])

    for h in range(2):
        pltpu.make_async_copy(
            rows[h],
            out_hbm.at[pl.ds(0, HALF), 0, pl.ds(0, D)],
            wsems[h]).wait()


@jax.jit
def _sc_gather(tab_pad, x_flat):
    mesh = plsc.VectorSubcoreMesh(
        core_axis_name="c", subcore_axis_name="s",
        num_cores=NC, num_subcores=NS)
    run = pl.kernel(
        _sc_body,
        out_type=jax.ShapeDtypeStruct((PAIRS, 32, 128), jnp.float32),
        mesh=mesh,
        compiler_params=pltpu.CompilerParams(use_tc_tiling_on_sc=False),
        scratch_types=[
            pltpu.VMEM((PAIRS_PER_W,), jnp.int32),
            pltpu.VMEM((PAIRS_PER_W,), jnp.int32),
            pltpu.VMEM((PAIRS_PER_W,), jnp.int32),
            pltpu.VMEM((PAIRS_PER_W,), jnp.int32),
            pltpu.VMEM((HALF, D), jnp.float32),
            pltpu.VMEM((HALF, D), jnp.float32),
            pltpu.SemaphoreType.DMA,
            pltpu.SemaphoreType.DMA,
            pltpu.SemaphoreType.DMA,
        ],
    )
    return run(tab_pad, x_flat)


def kernel(x, tables):
    tab_pad = jnp.pad(
        tables.reshape(T * V, D), ((0, 0), (0, 128 - D))).reshape(4 * T * V, D)
    x_flat = x.reshape(PAIRS)
    out = _sc_gather(tab_pad, x_flat)
    return out[:, :T, :D].reshape(B, F, T, D)

# --- scband reference (transcript-rebuilt; emitter-appended) ---
"""Pipeline reference for scband-field-aware-embed-features-42502996361607 (READ-ONLY COPY).

The authoritative reference and input builder live on the scoring server;
editing this copy changes nothing except your own understanding.
"""

import jax, jax.numpy as jnp
import numpy as np

FEATURE_CARDS = [1000] * 26
FACTOR_DIM = 32
NUM_FEATURES = len(FEATURE_CARDS)
TOTAL_VOCAB = int(sum(FEATURE_CARDS))
BATCH = 1024
OFFSETS = jnp.asarray(np.concatenate(([0], np.cumsum(FEATURE_CARDS)[:-1])), dtype=jnp.int32)


def setup_inputs(seed: int = 0) -> dict:
    key = jax.random.key(seed)
    k1, k2 = jax.random.split(key)
    x = jax.random.randint(k1, (BATCH, NUM_FEATURES), 0, 1000, dtype=jnp.int32)
    # num_features separate embedding tables, each over the full (offset) vocab,
    # stacked into a single [T, V, D] tensor. Keras Embedding default init is
    # uniform; exact init values are irrelevant for the reference computation.
    tables = jax.random.uniform(k2, (NUM_FEATURES, TOTAL_VOCAB, FACTOR_DIM), dtype=jnp.float32, minval=-0.05, maxval=0.05)
    return {"x": x, "tables": tables}


def reference(x, tables):
    # x: int32 [B, F]; tables: float32 [T, V, D] with T == F
    idx = x + OFFSETS  # offset each field into its slice of the shared vocab
    # For each of the T field-aware tables, look up all B*F indices:
    # gathered[t, b, f, :] = tables[t, idx[b, f], :]
    gathered = jnp.take(tables, idx, axis=1)  # [T, B, F, D]
    # Original concatenates expand_dims(embedding(x), 2) along axis 2 ->
    # output [B, F, T, D]
    out = jnp.transpose(gathered, (1, 2, 0, 3))
    return out

if __name__ == "__main__":
    import jax
    _d = setup_inputs()
    print(jax.jit(kernel)(*tuple(_d.values())))

</pallas_src>

<mosaic_0001>
#map = affine_map<(d0, d1) -> (0, 0)>
#map1 = affine_map<(d0, d1) -> (0)>
#map2 = affine_map<(d0, d1) -> (0, 0, 0)>
module attributes {stable_mosaic.version = 14 : i64} {
  func.func @_sc_body(%arg0: i32, %arg1: i32, %arg2: memref<2704000x32xf32, #tpu.memory_space<hbm>>, %arg3: memref<26624xi32, #tpu.memory_space<hbm>>, %arg4: memref<26624x32x128xf32, #tpu.memory_space<hbm>>, %arg5: memref<832xi32, #tpu.memory_space<vmem>>, %arg6: memref<832xi32, #tpu.memory_space<vmem>>, %arg7: memref<832xi32, #tpu.memory_space<vmem>>, %arg8: memref<832xi32, #tpu.memory_space<vmem>>, %arg9: memref<416x32xf32, #tpu.memory_space<vmem>>, %arg10: memref<416x32xf32, #tpu.memory_space<vmem>>, %arg11: memref<!tpu.dma_semaphore, #tpu.memory_space<semaphore_mem>>, %arg12: memref<!tpu.dma_semaphore, #tpu.memory_space<semaphore_mem>>, %arg13: memref<!tpu.dma_semaphore, #tpu.memory_space<semaphore_mem>>) attributes {dimension_semantics = [#tpu.dimension_semantics<core_parallel>, #tpu.dimension_semantics<subcore_parallel>], iteration_bounds = array<i64: 2, 16>, scalar_prefetch = 0 : i64, scratch_operands = 9 : i64, tpu.core_type = #tpu.core_type<sc_vector_subcore>, window_params = [{transform_indices = #map}, {transform_indices = #map1}, {transform_indices = #map2}]} {
    %mul3A = arith.constant 2 : i32
    %mul3A_0 = arith.muli %arg1, %mul3A : i32
    %add3A = arith.addi %mul3A_0, %arg0 : i32
    %iota3A = tpu.iota {dimensions = array<i32: 0>} : vector<16xi32>
    %mul3A_1 = arith.constant 832 : i32
    %mul3A_2 = arith.muli %add3A, %mul3A_1 : i32
    "tpu.region"() ({
      %run_scoped3A = tpu.sem_alloc : memref<!tpu.dma_semaphore, #tpu.memory_space<semaphore_mem>>
      %dma_start3A_1620 = tpu.memref_slice %arg3[%mul3A_2] : memref<26624xi32, #tpu.memory_space<hbm>> -> memref<832xi32, #tpu.memory_space<hbm>>
      %dma_start3A_1621 = tpu.memref_slice %arg3[%mul3A_2] : memref<26624xi32, #tpu.memory_space<hbm>> -> memref<832xi32, #tpu.memory_space<hbm>>
      tpu.enqueue_dma source(%dma_start3A_1621 : memref<832xi32, #tpu.memory_space<hbm>>) target(%arg5 : memref<832xi32, #tpu.memory_space<vmem>>) target_semaphore(%run_scoped3A : memref<!tpu.dma_semaphore, #tpu.memory_space<semaphore_mem>>)
      %dma_wait3A_1622 = tpu.memref_slice %arg3[%mul3A_2] : memref<26624xi32, #tpu.memory_space<hbm>> -> memref<832xi32, #tpu.memory_space<hbm>>
      %dma_wait3A_1623 = tpu.memref_slice %arg3[%mul3A_2] : memref<26624xi32, #tpu.memory_space<hbm>> -> memref<832xi32, #tpu.memory_space<hbm>>
      tpu.wait_dma2 semaphore(%run_scoped3A : memref<!tpu.dma_semaphore, #tpu.memory_space<semaphore_mem>>) src(%dma_wait3A_1623 : memref<832xi32, #tpu.memory_space<hbm>>) dst(%arg5 : memref<832xi32, #tpu.memory_space<vmem>>)
      tpu.yield
    }) : () -> ()
    %scan3A = arith.constant 0 : i32
    %scan3A_3 = arith.constant 0 : i32
    %scan3A_4 = arith.constant 52 : i32
    %scan3A_5 = arith.addi %scan3A_3, %scan3A_4 : i32
    %scan3A_6 = arith.constant 1 : i32
    scf.for %scan3A_1620 = %scan3A_3 to %scan3A_5 step %scan3A_6  : i32 {
      %mul3A_1621 = arith.constant 16 : i32
      %mul3A_1622 = arith.muli %scan3A_1620, %mul3A_1621 : i32
      %add3A_1623 = vector.broadcast %mul3A_1622 : i32 to vector<16xi32>
      %add3A_1624 = arith.addi %add3A_1623, %iota3A : vector<16xi32>
      %rem3A = arith.constant 26 : i32
      %rem3A_1625 = vector.broadcast %rem3A : i32 to vector<16xi32>
      %rem3A_1626 = arith.remsi %add3A_1624, %rem3A_1625 : vector<16xi32>
      %mul3A_1627 = arith.constant 16 : i32
      %mul3A_1628 = arith.muli %scan3A_1620, %mul3A_1627 : i32
      %get3A = arith.index_cast %mul3A_1628 : i32 to index
      %get3A_1629 = tpu.vector_load %arg5[%get3A] {strides = array<i32>} : memref<832xi32, #tpu.memory_space<vmem>>, vector<16xi32>,
      %get3A_1630 = vector.shape_cast %get3A_1629 : vector<16xi32> to vector<16xi32>
      %mul3A_1631 = arith.constant 1000 : i32
      %mul3A_1632 = vector.broadcast %mul3A_1631 : i32 to vector<16xi32>
      %mul3A_1633 = arith.muli %rem3A_1626, %mul3A_1632 : vector<16xi32>
      %add3A_1634 = arith.addi %get3A_1630, %mul3A_1633 : vector<16xi32>
      %mul3A_1635 = arith.constant 16 : i32
      %mul3A_1636 = arith.muli %scan3A_1620, %mul3A_1635 : i32
      %swap3A = arith.index_cast %mul3A_1636 : i32 to index
      %swap3A_1637 = tpu.vector_load %arg6[%swap3A] {strides = array<i32>} : memref<832xi32, #tpu.memory_space<vmem>>, vector<16xi32>,
      %swap3A_1638 = vector.shape_cast %swap3A_1637 : vector<16xi32> to vector<16xi32>
      %swap3A_1639 = vector.shape_cast %add3A_1634 : vector<16xi32> to vector<16xi32>
      tpu.vector_store %arg6[%swap3A], %swap3A_1639 {strides = array<i32>} : memref<832xi32, #tpu.memory_space<vmem>>, vector<16xi32>,
    }
    %scan3A_7 = arith.constant 52 : i32
    %mul3A_8 = arith.constant 832 : i32
    %mul3A_9 = arith.muli %add3A, %mul3A_8 : i32
    %scan3A_10 = arith.constant 0 : i32
    %scan3A_11 = arith.constant 0 : i32
    %scan3A_12 = arith.constant 52 : i32
    %scan3A_13 = arith.addi %scan3A_11, %scan3A_12 : i32
    %scan3A_14 = arith.constant 1 : i32
    scf.for %scan3A_1620 = %scan3A_11 to %scan3A_13 step %scan3A_14  : i32 {
      %mul3A_1621 = arith.constant 16 : i32
      %mul3A_1622 = arith.muli %scan3A_1620, %mul3A_1621 : i32
      %get3A = arith.index_cast %mul3A_1622 : i32 to index
      %get3A_1623 = tpu.vector_load %arg6[%get3A] {strides = array<i32>} : memref<832xi32, #tpu.memory_space<vmem>>, vector<16xi32>,
      %get3A_1624 = vector.shape_cast %get3A_1623 : vector<16xi32> to vector<16xi32>
      %add3A_1625 = arith.constant 0 : i32
      %add3A_1626 = vector.broadcast %add3A_1625 : i32 to vector<16xi32>
      %add3A_1627 = arith.addi %get3A_1624, %add3A_1626 : vector<16xi32>
      %mul3A_1628 = arith.constant 4 : i32
      %mul3A_1629 = vector.broadcast %mul3A_1628 : i32 to vector<16xi32>
      %mul3A_1630 = arith.muli %add3A_1627, %mul3A_1629 : vector<16xi32>
      %mul3A_1631 = arith.constant 16 : i32
      %mul3A_1632 = arith.muli %scan3A_1620, %mul3A_1631 : i32
      %swap3A = arith.index_cast %mul3A_1632 : i32 to index
      %swap3A_1633 = tpu.vector_load %arg7[%swap3A] {strides = array<i32>} : memref<832xi32, #tpu.memory_space<vmem>>, vector<16xi32>,
      %swap3A_1634 = vector.shape_cast %swap3A_1633 : vector<16xi32> to vector<16xi32>
      %swap3A_1635 = vector.shape_cast %mul3A_1630 : vector<16xi32> to vector<16xi32>
      tpu.vector_store %arg7[%swap3A], %swap3A_1635 {strides = array<i32>} : memref<832xi32, #tpu.memory_space<vmem>>, vector<16xi32>,
    }
    %scan3A_15 = arith.constant 52 : i32
    %dma_start3A = arith.constant 0 : i32
    %dma_start3A_16 = tpu.memref_slice %arg7[%dma_start3A] : memref<832xi32, #tpu.memory_space<vmem>> -> memref<416xi32, #tpu.memory_space<vmem>>
    %dma_start3A_17 = arith.constant 0 : i32
    %dma_start3A_18 = arith.constant 0 : i32
    %dma_start3A_19 = tpu.memref_slice %arg2[%dma_start3A_17, %dma_start3A_18] : memref<2704000x32xf32, #tpu.memory_space<hbm>> -> memref<2704000x32xf32, #tpu.memory_space<hbm>>
    tpu.enqueue_indirect_dma source(%dma_start3A_19 : memref<2704000x32xf32, #tpu.memory_space<hbm>>) target(%arg9 : memref<416x32xf32, #tpu.memory_space<vmem>>) offsets(%dma_start3A_16 : memref<416xi32, #tpu.memory_space<vmem>>) semaphore(%arg11 : memref<!tpu.dma_semaphore, #tpu.memory_space<semaphore_mem>>)
    %dma_wait3A = arith.constant 0 : i32
    %dma_wait3A_20 = tpu.memref_slice %arg7[%dma_wait3A] : memref<832xi32, #tpu.memory_space<vmem>> -> memref<416xi32, #tpu.memory_space<vmem>>
    %dma_wait3A_21 = arith.constant 0 : i32
    %dma_wait3A_22 = arith.constant 0 : i32
    %dma_wait3A_23 = tpu.memref_slice %arg2[%dma_wait3A_21, %dma_wait3A_22] : memref<2704000x32xf32, #tpu.memory_space<hbm>> -> memref<2704000x32xf32, #tpu.memory_space<hbm>>
    tpu.wait_indirect_dma semaphore(%arg11 : memref<!tpu.dma_semaphore, #tpu.memory_space<semaphore_mem>>) src(%dma_wait3A_23 : memref<2704000x32xf32, #tpu.memory_space<hbm>>) dst(%arg9 : memref<416x32xf32, #tpu.memory_space<vmem>>)
    %add3A_24 = arith.constant 0 : i32
    %add3A_25 = arith.addi %mul3A_9, %add3A_24 : i32
    %dma_start3A_26 = arith.constant 0 : i32
    %dma_start3A_27 = arith.constant 0 : i32
    %dma_start3A_28 = tpu.memref_slice %arg4[%add3A_25, %dma_start3A_26, %dma_start3A_27] : memref<26624x32x128xf32, #tpu.memory_space<hbm>> -> memref<416x1x32xf32, #tpu.memory_space<hbm>>
    %dma_start3A_29 = tpu.memref_squeeze %dma_start3A_28 : memref<416x1x32xf32, #tpu.memory_space<hbm>> -> memref<416x32xf32, #tpu.memory_space<hbm>>
    %dma_start3A_30 = arith.constant 0 : i32
    %dma_start3A_31 = tpu.memref_slice %arg4[%add3A_25, %dma_start3A_26, %dma_start3A_30] : memref<26624x32x128xf32, #tpu.memory_space<hbm>> -> memref<416x1x32xf32, #tpu.memory_space<hbm>>
    %dma_start3A_32 = tpu.memref_squeeze %dma_start3A_31 : memref<416x1x32xf32, #tpu.memory_space<hbm>> -> memref<416x32xf32, #tpu.memory_space<hbm>>
    tpu.enqueue_dma source(%arg9 : memref<416x32xf32, #tpu.memory_space<vmem>>) target(%dma_start3A_32 : memref<416x32xf32, #tpu.memory_space<hbm>>) target_semaphore(%arg12 : memref<!tpu.dma_semaphore, #tpu.memory_space<semaphore_mem>>)
    %dma_start3A_33 = arith.constant 416 : i32
    %dma_start3A_34 = tpu.memref_slice %arg7[%dma_start3A_33] : memref<832xi32, #tpu.memory_space<vmem>> -> memref<416xi32, #tpu.memory_space<vmem>>
    %dma_start3A_35 = arith.constant 0 : i32
    %dma_start3A_36 = arith.constant 0 : i32
    %dma_start3A_37 = tpu.memref_slice %arg2[%dma_start3A_35, %dma_start3A_36] : memref<2704000x32xf32, #tpu.memory_space<hbm>> -> memref<2704000x32xf32, #tpu.memory_space<hbm>>
    tpu.enqueue_indirect_dma source(%dma_start3A_37 : memref<2704000x32xf32, #tpu.memory_space<hbm>>) target(%arg10 : memref<416x32xf32, #tpu.memory_space<vmem>>) offsets(%dma_start3A_34 : memref<416xi32, #tpu.memory_space<vmem>>) semaphore(%arg11 : memref<!tpu.dma_semaphore, #tpu.memory_space<semaphore_mem>>)
    %dma_wait3A_38 = arith.constant 416 : i32
    %dma_wait3A_39 = tpu.memref_slice %arg7[%dma_wait3A_38] : memref<832xi32, #tpu.memory_space<vmem>> -> memref<416xi32, #tpu.memory_space<vmem>>
    %dma_wait3A_40 = arith.constant 0 : i32
    %dma_wait3A_41 = arith.constant 0 : i32
    %dma_wait3A_42 = tpu.memref_slice %arg2[%dma_wait3A_40, %dma_wait3A_41] : memref<2704000x32xf32, #tpu.memory_space<hbm>> -> memref<2704000x32xf32, #tpu.memory_space<hbm>>
    tpu.wait_indirect_dma semaphore(%arg11 : memref<!tpu.dma_semaphore, #tpu.memory_space<semaphore_mem>>) src(%dma_wait3A_42 : memref<2704000x32xf32, #tpu.memory_space<hbm>>) dst(%arg10 : memref<416x32xf32, #tpu.memory_space<vmem>>)
    %add3A_43 = arith.constant 416 : i32
    %add3A_44 = arith.addi %mul3A_9, %add3A_43 : i32
    %dma_start3A_45 = arith.constant 0 : i32
    %dma_start3A_46 = arith.constant 0 : i32
    %dma_start3A_47 = tpu.memref_slice %arg4[%add3A_44, %dma_start3A_45, %dma_start3A_46] : memref<26624x32x128xf32, #tpu.memory_space<hbm>> -> memref<416x1x32xf32, #tpu.memory_space<hbm>>
    %dma_start3A_48 = tpu.memref_squeeze %dma_start3A_47 : memref<416x1x32xf32, #tpu.memory_space<hbm>> -> memref<416x32xf32, #tpu.memory_space<hbm>>
    %dma_start3A_49 = arith.constant 0 : i32
    %dma_start3A_50 = tpu.memref_slice %arg4[%add3A_44, %dma_start3A_45, %dma_start3A_49] : memref<26624x32x128xf32, #tpu.memory_space<hbm>> -> memref<416x1x32xf32, #tpu.memory_space<hbm>>
    %dma_start3A_51 = tpu.memref_squeeze %dma_start3A_50 : memref<416x1x32xf32, #tpu.memory_space<hbm>> -> memref<416x32xf32, #tpu.memory_space<hbm>>
    tpu.enqueue_dma source(%arg10 : memref<416x32xf32, #tpu.memory_space<vmem>>) target(%dma_start3A_51 : memref<416x32xf32, #tpu.memory_space<hbm>>) target_semaphore(%arg13 : memref<!tpu.dma_semaphore, #tpu.memory_space<semaphore_mem>>)
    %scan3A_52 = arith.constant 0 : i32
    %scan3A_53 = arith.constant 0 : i32
    %scan3A_54 = arith.constant 52 : i32
    %scan3A_55 = arith.addi %scan3A_53, %scan3A_54 : i32
    %scan3A_56 = arith.constant 1 : i32
    scf.for %scan3A_1620 = %scan3A_53 to %scan3A_55 step %scan3A_56  : i32 {
      %mul3A_1621 = arith.constant 16 : i32
      %mul3A_1622 = arith.muli %scan3A_1620, %mul3A_1621 : i32
      %get3A = arith.index_cast %mul3A_1622 : i32 to index
      %get3A_1623 = tpu.vector_load %arg6[%get3A] {strides = array<i32>} : memref<832xi32, #tpu.memory_space<vmem>>, vector<16xi32>,
      %get3A_1624 = vector.shape_cast %get3A_1623 : vector<16xi32> to vector<16xi32>
      %add3A_1625 = arith.constant 26000 : i32
      %add3A_1626 = vector.broadcast %add3A_1625 : i32 to vector<16xi32>
      %add3A_1627 = arith.addi %get3A_1624, %add3A_1626 : vector<16xi32>
      %mul3A_1628 = arith.constant 4 : i32
      %mul3A_1629 = vector.broadcast %mul3A_1628 : i32 to vector<16xi32>
      %mul3A_1630 = arith.muli %add3A_1627, %mul3A_1629 : vector<16xi32>
      %mul3A_1631 = arith.constant 16 : i32
      %mul3A_1632 = arith.muli %scan3A_1620, %mul3A_1631 : i32
      %swap3A = arith.index_cast %mul3A_1632 : i32 to index
      %swap3A_1633 = tpu.vector_load %arg8[%swap3A] {strides = array<i32>} : memref<832xi32, #tpu.memory_space<vmem>>, vector<16xi32>,
      %swap3A_1634 = vector.shape_cast %swap3A_1633 : vector<16xi32> to vector<16xi32>
      %swap3A_1635 = vector.shape_cast %mul3A_1630 : vector<16xi32> to vector<16xi32>
      tpu.vector_store %arg8[%swap3A], %swap3A_1635 {strides = array<i32>} : memref<832xi32, #tpu.memory_space<vmem>>, vector<16xi32>,
    }
    %scan3A_57 = arith.constant 52 : i32
    %dma_wait3A_58 = arith.constant 0 : i32
    %dma_wait3A_59 = arith.constant 0 : i32
    %dma_wait3A_60 = arith.constant 0 : i32
    %dma_wait3A_61 = tpu.memref_slice %arg4[%dma_wait3A_59, %dma_wait3A_58, %dma_wait3A_60] : memref<26624x32x128xf32, #tpu.memory_space<hbm>> -> memref<416x1x32xf32, #tpu.memory_space<hbm>>
    %dma_wait3A_62 = tpu.memref_squeeze %dma_wait3A_61 : memref<416x1x32xf32, #tpu.memory_space<hbm>> -> memref<416x32xf32, #tpu.memory_space<hbm>>
    %dma_wait3A_63 = arith.constant 0 : i32
    %dma_wait3A_64 = arith.constant 0 : i32
    %dma_wait3A_65 = tpu.memref_slice %arg4[%dma_wait3A_63, %dma_wait3A_58, %dma_wait3A_64] : memref<26624x32x128xf32, #tpu.memory_space<hbm>> -> memref<416x1x32xf32, #tpu.memory_space<hbm>>
    %dma_wait3A_66 = tpu.memref_squeeze %dma_wait3A_65 : memref<416x1x32xf32, #tpu.memory_space<hbm>> -> memref<416x32xf32, #tpu.memory_space<hbm>>
    tpu.wait_dma2 semaphore(%arg12 : memref<!tpu.dma_semaphore, #tpu.memory_space<semaphore_mem>>) src(%arg9 : memref<416x32xf32, #tpu.memory_space<vmem>>) dst(%dma_wait3A_66 : memref<416x32xf32, #tpu.memory_space<hbm>>)
    %dma_start3A_67 = arith.constant 0 : i32
    %dma_start3A_68 = tpu.memref_slice %arg8[%dma_start3A_67] : memref<832xi32, #tpu.memory_space<vmem>> -> memref<416xi32, #tpu.memory_space<vmem>>
    %dma_start3A_69 = arith.constant 0 : i32
    %dma_start3A_70 = arith.constant 0 : i32
    %dma_start3A_71 = tpu.memref_slice %arg2[%dma_start3A_69, %dma_start3A_70] : memref<2704000x32xf32, #tpu.memory_space<hbm>> -> memref<2704000x32xf32, #tpu.memory_space<hbm>>
    tpu.enqueue_indirect_dma source(%dma_start3A_71 : memref<2704000x32xf32, #tpu.memory_space<hbm>>) target(%arg9 : memref<416x32xf32, #tpu.memory_space<vmem>>) offsets(%dma_start3A_68 : memref<416xi32, #tpu.memory_space<vmem>>) semaphore(%arg11 : memref<!tpu.dma_semaphore, #tpu.memory_space<semaphore_mem>>)
    %dma_wait3A_72 = arith.constant 0 : i32
    %dma_wait3A_73 = tpu.memref_slice %arg8[%dma_wait3A_72] : memref<832xi32, #tpu.memory_space<vmem>> -> memref<416xi32, #tpu.memory_space<vmem>>
    %dma_wait3A_74 = arith.constant 0 : i32
    %dma_wait3A_75 = arith.constant 0 : i32
    %dma_wait3A_76 = tpu.memref_slice %arg2[%dma_wait3A_74, %dma_wait3A_75] : memref<2704000x32xf32, #tpu.memory_space<hbm>> -> memref<2704000x32xf32, #tpu.memory_space<hbm>>
    tpu.wait_indirect_dma semaphore(%arg11 : memref<!tpu.dma_semaphore, #tpu.memory_space<semaphore_mem>>) src(%dma_wait3A_76 : memref<2704000x32xf32, #tpu.memory_space<hbm>>) dst(%arg9 : memref<416x32xf32, #tpu.memory_space<vmem>>)
    %add3A_77 = arith.constant 0 : i32
    %add3A_78 = arith.addi %mul3A_9, %add3A_77 : i32
    %dma_start3A_79 = arith.constant 1 : i32
    %dma_start3A_80 = arith.constant 0 : i32
    %dma_start3A_81 = tpu.memref_slice %arg4[%add3A_78, %dma_start3A_79, %dma_start3A_80] : memref<26624x32x128xf32, #tpu.memory_space<hbm>> -> memref<416x1x32xf32, #tpu.memory_space<hbm>>
    %dma_start3A_82 = tpu.memref_squeeze %dma_start3A_81 : memref<416x1x32xf32, #tpu.memory_space<hbm>> -> memref<416x32xf32, #tpu.memory_space<hbm>>
    %dma_start3A_83 = arith.constant 0 : i32
    %dma_start3A_84 = tpu.memref_slice %arg4[%add3A_78, %dma_start3A_79, %dma_start3A_83] : memref<26624x32x128xf32, #tpu.memory_space<hbm>> -> memref<416x1x32xf32, #tpu.memory_space<hbm>>
    %dma_start3A_85 = tpu.memref_squeeze %dma_start3A_84 : memref<416x1x32xf32, #tpu.memory_space<hbm>> -> memref<416x32xf32, #tpu.memory_space<hbm>>
    tpu.enqueue_dma source(%arg9 : memref<416x32xf32, #tpu.memory_space<vmem>>) target(%dma_start3A_85 : memref<416x32xf32, #tpu.memory_space<hbm>>) target_semaphore(%arg12 : memref<!tpu.dma_semaphore, #tpu.memory_space<semaphore_mem>>)
    %dma_wait3A_86 = arith.constant 0 : i32
    %dma_wait3A_87 = arith.constant 0 : i32
    %dma_wait3A_88 = arith.constant 0 : i32
    %dma_wait3A_89 = tpu.memref_slice %arg4[%dma_wait3A_87, %dma_wait3A_86, %dma_wait3A_88] : memref<26624x32x128xf32, #tpu.memory_space<hbm>> -> memref<416x1x32xf32, #tpu.memory_space<hbm>>
    %dma_wait3A_90 = tpu.memref_squeeze %dma_wait3A_89 : memref<416x1x32xf32, #tpu.memory_space<hbm>> -> memref<416x32xf32, #tpu.memory_space<hbm>>
    %dma_wait3A_91 = arith.constant 0 : i32
    %dma_wait3A_92 = arith.constant 0 : i32
    %dma_wait3A_93 = tpu.memref_slice %arg4[%dma_wait3A_91, %dma_wait3A_86, %dma_wait3A_92] : memref<26624x32x128xf32, #tpu.memory_space<hbm>> -> memref<416x1x32xf32, #tpu.memory_space<hbm>>
    %dma_wait3A_94 = tpu.memref_squeeze %dma_wait3A_93 : memref<416x1x32xf32, #tpu.memory_space<hbm>> -> memref<416x32xf32, #tpu.memory_space<hbm>>
    tpu.wait_dma2 semaphore(%arg13 : memref<!tpu.dma_semaphore, #tpu.memory_space<semaphore_mem>>) src(%arg10 : memref<416x32xf32, #tpu.memory_space<vmem>>) dst(%dma_wait3A_94 : memref<416x32xf32, #tpu.memory_space<hbm>>)
    %dma_start3A_95 = arith.constant 416 : i32
    %dma_start3A_96 = tpu.memref_slice %arg8[%dma_start3A_95] : memref<832xi32, #tpu.memory_space<vmem>> -> memref<416xi32, #tpu.memory_space<vmem>>
    %dma_start3A_97 = arith.constant 0 : i32
    %dma_start3A_98 = arith.constant 0 : i32
    %dma_start3A_99 = tpu.memref_slice %arg2[%dma_start3A_97, %dma_start3A_98] : memref<2704000x32xf32, #tpu.memory_space<hbm>> -> memref<2704000x32xf32, #tpu.memory_space<hbm>>
    tpu.enqueue_indirect_dma source(%dma_start3A_99 : memref<2704000x32xf32, #tpu.memory_space<hbm>>) target(%arg10 : memref<416x32xf32, #tpu.memory_space<vmem>>) offsets(%dma_start3A_96 : memref<416xi32, #tpu.memory_space<vmem>>) semaphore(%arg11 : memref<!tpu.dma_semaphore, #tpu.memory_space<semaphore_mem>>)
    %dma_wait3A_100 = arith.constant 416 : i32
    %dma_wait3A_101 = tpu.memref_slice %arg8[%dma_wait3A_100] : memref<832xi32, #tpu.memory_space<vmem>> -> memref<416xi32, #tpu.memory_space<vmem>>
    %dma_wait3A_102 = arith.constant 0 : i32
    %dma_wait3A_103 = arith.constant 0 : i32
    %dma_wait3A_104 = tpu.memref_slice %arg2[%dma_wait3A_102, %dma_wait3A_103] : memref<2704000x32xf32, #tpu.memory_space<hbm>> -> memref<2704000x32xf32, #tpu.memory_space<hbm>>
    tpu.wait_indirect_dma semaphore(%arg11 : memref<!tpu.dma_semaphore, #tpu.memory_space<semaphore_mem>>) src(%dma_wait3A_104 : memref<2704000x32xf32, #tpu.memory_space<hbm>>) dst(%arg10 : memref<416x32xf32, #tpu.memory_space<vmem>>)
    %add3A_105 = arith.constant 416 : i32
    %add3A_106 = arith.addi %mul3A_9, %add3A_105 : i32
    %dma_start3A_107 = arith.constant 1 : i32
    %dma_start3A_108 = arith.constant 0 : i32
    %dma_start3A_109 = tpu.memref_slice %arg4[%add3A_106, %dma_start3A_107, %dma_start3A_108] : memref<26624x32x128xf32, #tpu.memory_space<hbm>> -> memref<416x1x32xf32, #tpu.memory_space<hbm>>
    %dma_start3A_110 = tpu.memref_squeeze %dma_start3A_109 : memref<416x1x32xf32, #tpu.memory_space<hbm>> -> memref<416x32xf32, #tpu.memory_space<hbm>>
    %dma_start3A_111 = arith.constant 0 : i32
    %dma_start3A_112 = tpu.memref_slice %arg4[%add3A_106, %dma_start3A_107, %dma_start3A_111] : memref<26624x32x128xf32, #tpu.memory_space<hbm>> -> memref<416x1x32xf32, #tpu.memory_space<hbm>>
    %dma_start3A_113 = tpu.memref_squeeze %dma_start3A_112 : memref<416x1x32xf32, #tpu.memory_space<hbm>> -> memref<416x32xf32, #tpu.memory_space<hbm>>
    tpu.enqueue_dma source(%arg10 : memref<416x32xf32, #tpu.memory_space<vmem>>) target(%dma_start3A_113 : memref<416x32xf32, #tpu.memory_space<hbm>>) target_semaphore(%arg13 : memref<!tpu.dma_semaphore, #tpu.memory_space<semaphore_mem>>)
    %scan3A_114 = arith.constant 0 : i32
    %scan3A_115 = arith.constant 0 : i32
    %scan3A_116 = arith.constant 52 : i32
    %scan3A_117 = arith.addi %scan3A_115, %scan3A_116 : i32
    %scan3A_118 = arith.constant 1 : i32
    scf.for %scan3A_1620 = %scan3A_115 to %scan3A_117 step %scan3A_118  : i32 {
      %mul3A_1621 = arith.constant 16 : i32
      %mul3A_1622 = arith.muli %scan3A_1620, %mul3A_1621 : i32
      %get3A = arith.index_cast %mul3A_1622 : i32 to index
      %get3A_1623 = tpu.vector_load %arg6[%get3A] {strides = array<i32>} : memref<832xi32, #tpu.memory_space<vmem>>, vector<16xi32>,
      %get3A_1624 = vector.shape_cast %get3A_1623 : vector<16xi32> to vector<16xi32>
      %add3A_1625 = arith.constant 52000 : i32
      %add3A_1626 = vector.broadcast %add3A_1625 : i32 to vector<16xi32>
      %add3A_1627 = arith.addi %get3A_1624, %add3A_1626 : vector<16xi32>
      %mul3A_1628 = arith.constant 4 : i32
      %mul3A_1629 = vector.broadcast %mul3A_1628 : i32 to vector<16xi32>
      %mul3A_1630 = arith.muli %add3A_1627, %mul3A_1629 : vector<16xi32>
      %mul3A_1631 = arith.constant 16 : i32
      %mul3A_1632 = arith.muli %scan3A_1620, %mul3A_1631 : i32
      %swap3A = arith.index_cast %mul3A_1632 : i32 to index
      %swap3A_1633 = tpu.vector_load %arg7[%swap3A] {strides = array<i32>} : memref<832xi32, #tpu.memory_space<vmem>>, vector<16xi32>,
      %swap3A_1634 = vector.shape_cast %swap3A_1633 : vector<16xi32> to vector<16xi32>
      %swap3A_1635 = vector.shape_cast %mul3A_1630 : vector<16xi32> to vector<16xi32>
      tpu.vector_store %arg7[%swap3A], %swap3A_1635 {strides = array<i32>} : memref<832xi32, #tpu.memory_space<vmem>>, vector<16xi32>,
    }
    %scan3A_119 = arith.constant 52 : i32
    %dma_wait3A_120 = arith.constant 0 : i32
    %dma_wait3A_121 = arith.constant 0 : i32
    %dma_wait3A_122 = arith.constant 0 : i32
    %dma_wait3A_123 = tpu.memref_slice %arg4[%dma_wait3A_121, %dma_wait3A_120, %dma_wait3A_122] : memref<26624x32x128xf32, #tpu.memory_space<hbm>> -> memref<416x1x32xf32, #tpu.memory_space<hbm>>
    %dma_wait3A_124 = tpu.memref_squeeze %dma_wait3A_123 : memref<416x1x32xf32, #tpu.memory_space<hbm>> -> memref<416x32xf32, #tpu.memory_space<hbm>>
    %dma_wait3A_125 = arith.constant 0 : i32
    %dma_wait3A_126 = arith.constant 0 : i32
    %dma_wait3A_127 = tpu.memref_slice %arg4[%dma_wait3A_125, %dma_wait3A_120, %dma_wait3A_126] : memref<26624x32x128xf32, #tpu.memory_space<hbm>> -> memref<416x1x32xf32, #tpu.memory_space<hbm>>
    %dma_wait3A_128 = tpu.memref_squeeze %dma_wait3A_127 : memref<416x1x32xf32, #tpu.memory_space<hbm>> -> memref<416x32xf32, #tpu.memory_space<hbm>>
    tpu.wait_dma2 semaphore(%arg12 : memref<!tpu.dma_semaphore, #tpu.memory_space<semaphore_mem>>) src(%arg9 : memref<416x32xf32, #tpu.memory_space<vmem>>) dst(%dma_wait3A_128 : memref<416x32xf32, #tpu.memory_space<hbm>>)
    %dma_start3A_129 = arith.constant 0 : i32
    %dma_start3A_130 = tpu.memref_slice %arg7[%dma_start3A_129] : memref<832xi32, #tpu.memory_space<vmem>> -> memref<416xi32, #tpu.memory_space<vmem>>
    %dma_start3A_131 = arith.constant 0 : i32
    %dma_start3A_132 = arith.constant 0 : i32
    %dma_start3A_133 = tpu.memref_slice %arg2[%dma_start3A_131, %dma_start3A_132] : memref<2704000x32xf32, #tpu.memory_space<hbm>> -> memref<2704000x32xf32, #tpu.memory_space<hbm>>
    tpu.enqueue_indirect_dma source(%dma_start3A_133 : memref<2704000x32xf32, #tpu.memory_space<hbm>>) target(%arg9 : memref<416x32xf32, #tpu.memory_space<vmem>>) offsets(%dma_start3A_130 : memref<416xi32, #tpu.memory_space<vmem>>) semaphore(%arg11 : memref<!tpu.dma_semaphore, #tpu.memory_space<semaphore_mem>>)
    %dma_wait3A_134 = arith.constant 0 : i32
    %dma_wait3A_135 = tpu.memref_slice %arg7[%dma_wait3A_134] : memref<832xi32, #tpu.memory_space<vmem>> -> memref<416xi32, #tpu.memory_space<vmem>>
    %dma_wait3A_136 = arith.constant 0 : i32
    %dma_wait3A_137 = arith.constant 0 : i32
    %dma_wait3A_138 = tpu.memref_slice %arg2[%dma_wait3A_136, %dma_wait3A_137] : memref<2704000x32xf32, #tpu.memory_space<hbm>> -> memref<2704000x32xf32, #tpu.memory_space<hbm>>
    tpu.wait_indirect_dma semaphore(%arg11 : memref<!tpu.dma_semaphore, #tpu.memory_space<semaphore_mem>>) src(%dma_wait3A_138 : memref<2704000x32xf32, #tpu.memory_space<hbm>>) dst(%arg9 : memref<416x32xf32, #tpu.memory_space<vmem>>)
    %add3A_139 = arith.constant 0 : i32
    %add3A_140 = arith.addi %mul3A_9, %add3A_139 : i32
    %dma_start3A_141 = arith.constant 2 : i32
    %dma_start3A_142 = arith.constant 0 : i32
    %dma_start3A_143 = tpu.memref_slice %arg4[%add3A_140, %dma_start3A_141, %dma_start3A_142] : memref<26624x32x128xf32, #tpu.memory_space<hbm>> -> memref<416x1x32xf32, #tpu.memory_space<hbm>>
    %dma_start3A_144 = tpu.memref_squeeze %dma_start3A_143 : memref<416x1x32xf32, #tpu.memory_space<hbm>> -> memref<416x32xf32, #tpu.memory_space<hbm>>
    %dma_start3A_145 = arith.constant 0 : i32
    %dma_start3A_146 = tpu.memref_slice %arg4[%add3A_140, %dma_start3A_141, %dma_start3A_145] : memref<26624x32x128xf32, #tpu.memory_space<hbm>> -> memref<416x1x32xf32, #tpu.memory_space<hbm>>
    %dma_start3A_147 = tpu.memref_squeeze %dma_start3A_146 : memref<416x1x32xf32, #tpu.memory_space<hbm>> -> memref<416x32xf32, #tpu.memory_space<hbm>>
    tpu.enqueue_dma source(%arg9 : memref<416x32xf32, #tpu.memory_space<vmem>>) target(%dma_start3A_147 : memref<416x32xf32, #tpu.memory_space<hbm>>) target_semaphore(%arg12 : memref<!tpu.dma_semaphore, #tpu.memory_space<semaphore_mem>>)
    %dma_wait3A_148 = arith.constant 0 : i32
    %dma_wait3A_149 = arith.constant 0 : i32
    %dma_wait3A_150 = arith.constant 0 : i32
    %dma_wait3A_151 = tpu.memref_slice %arg4[%dma_wait3A_149, %dma_wait3A_148, %dma_wait3A_150] : memref<26624x32x128xf32, #tpu.memory_space<hbm>> -> memref<416x1x32xf32, #tpu.memory_space<hbm>>
    %dma_wait3A_152 = tpu.memref_squeeze %dma_wait3A_151 : memref<416x1x32xf32, #tpu.memory_space<hbm>> -> memref<416x32xf32, #tpu.memory_space<hbm>>
    %dma_wait3A_153 = arith.constant 0 : i32
    %dma_wait3A_154 = arith.constant 0 : i32
    %dma_wait3A_155 = tpu.memref_slice %arg4[%dma_wait3A_153, %dma_wait3A_148, %dma_wait3A_154] : memref<26624x32x128xf32, #tpu.memory_space<hbm>> -> memref<416x1x32xf32, #tpu.memory_space<hbm>>
    %dma_wait3A_156 = tpu.memref_squeeze %dma_wait3A_155 : memref<416x1x32xf32, #tpu.memory_space<hbm>> -> memref<416x32xf32, #tpu.memory_space<hbm>>
    tpu.wait_dma2 semaphore(%arg13 : memref<!tpu.dma_semaphore, #tpu.memory_space<semaphore_mem>>) src(%arg10 : memref<416x32xf32, #tpu.memory_space<vmem>>) dst(%dma_wait3A_156 : memref<416x32xf32, #tpu.memory_space<hbm>>)
    %dma_start3A_157 = arith.constant 416 : i32
    %dma_start3A_158 = tpu.memref_slice %arg7[%dma_start3A_157] : memref<832xi32, #tpu.memory_space<vmem>> -> memref<416xi32, #tpu.memory_space<vmem>>
    %dma_start3A_159 = arith.constant 0 : i32
    %dma_start3A_160 = arith.constant 0 : i32
    %dma_start3A_161 = tpu.memref_slice %arg2[%dma_start3A_159, %dma_start3A_160] : memref<2704000x32xf32, #tpu.memory_space<hbm>> -> memref<2704000x32xf32, #tpu.memory_space<hbm>>
    tpu.enqueue_indirect_dma source(%dma_start3A_161 : memref<2704000x32xf32, #tpu.memory_space<hbm>>) target(%arg10 : memref<416x32xf32, #tpu.memory_space<vmem>>) offsets(%dma_start3A_158 : memref<416xi32, #tpu.memory_space<vmem>>) semaphore(%arg11 : memref<!tpu.dma_semaphore, #tpu.memory_space<semaphore_mem>>)
    %dma_wait3A_162 = arith.constant 416 : i32
    %dma_wait3A_163 = tpu.memref_slice %arg7[%dma_wait3A_162] : memref<832xi32, #tpu.memory_space<vmem>> -> memref<416xi32, #tpu.memory_space<vmem>>
    %dma_wait3A_164 = arith.constant 0 : i32
    %dma_wait3A_165 = arith.constant 0 : i32
    %dma_wait3A_166 = tpu.memref_slice %arg2[%dma_wait3A_164, %dma_wait3A_165] : memref<2704000x32xf32, #tpu.memory_space<hbm>> -> memref<2704000x32xf32, #tpu.memory_space<hbm>>
    tpu.wait_indirect_dma semaphore(%arg11 : memref<!tpu.dma_semaphore, #tpu.memory_space<semaphore_mem>>) src(%dma_wait3A_166 : memref<2704000x32xf32, #tpu.memory_space<hbm>>) dst(%arg10 : memref<416x32xf32, #tpu.memory_space<vmem>>)
    %add3A_167 = arith.constant 416 : i32
    %add3A_168 = arith.addi %mul3A_9, %add3A_167 : i32
    %dma_start3A_169 = arith.constant 2 : i32
    %dma_start3A_170 = arith.constant 0 : i32
    %dma_start3A_171 = tpu.memref_slice %arg4[%add3A_168, %dma_start3A_169, %dma_start3A_170] : memref<26624x32x128xf32, #tpu.memory_space<hbm>> -> memref<416x1x32xf32, #tpu.memory_space<hbm>>
    %dma_start3A_172 = tpu.memref_squeeze %dma_start3A_171 : memref<416x1x32xf32, #tpu.memory_space<hbm>> -> memref<416x32xf32, #tpu.memory_space<hbm>>
    %dma_start3A_173 = arith.constant 0 : i32
    %dma_start3A_174 = tpu.memref_slice %arg4[%add3A_168, %dma_start3A_169, %dma_start3A_173] : memref<26624x32x128xf32, #tpu.memory_space<hbm>> -> memref<416x1x32xf32, #tpu.memory_space<hbm>>
    %dma_start3A_175 = tpu.memref_squeeze %dma_start3A_174 : memref<416x1x32xf32, #tpu.memory_space<hbm>> -> memref<416x32xf32, #tpu.memory_space<hbm>>
    tpu.enqueue_dma source(%arg10 : memref<416x32xf32, #tpu.memory_space<vmem>>) target(%dma_start3A_175 : memref<416x32xf32, #tpu.memory_space<hbm>>) target_semaphore(%arg13 : memref<!tpu.dma_semaphore, #tpu.memory_space<semaphore_mem>>)
    %scan3A_176 = arith.constant 0 : i32
    %scan3A_177 = arith.constant 0 : i32
    %scan3A_178 = arith.constant 52 : i32
    %scan3A_179 = arith.addi %scan3A_177, %scan3A_178 : i32
    %scan3A_180 = arith.constant 1 : i32
    scf.for %scan3A_1620 = %scan3A_177 to %scan3A_179 step %scan3A_180  : i32 {
      %mul3A_1621 = arith.constant 16 : i32
      %mul3A_1622 = arith.muli %scan3A_1620, %mul3A_1621 : i32
      %get3A = arith.index_cast %mul3A_1622 : i32 to index
      %get3A_1623 = tpu.vector_load %arg6[%get3A] {strides = array<i32>} : memref<832xi32, #tpu.memory_space<vmem>>, vector<16xi32>,
      %get3A_1624 = vector.shape_cast %get3A_1623 : vector<16xi32> to vector<16xi32>
      %add3A_1625 = arith.constant 78000 : i32
      %add3A_1626 = vector.broadcast %add3A_1625 : i32 to vector<16xi32>
      %add3A_1627 = arith.addi %get3A_1624, %add3A_1626 : vector<16xi32>
      %mul3A_1628 = arith.constant 4 : i32
      %mul3A_1629 = vector.broadcast %mul3A_1628 : i32 to vector<16xi32>
      %mul3A_1630 = arith.muli %add3A_1627, %mul3A_1629 : vector<16xi32>
      %mul3A_1631 = arith.constant 16 : i32
      %mul3A_1632 = arith.muli %scan3A_1620, %mul3A_1631 : i32
      %swap3A = arith.index_cast %mul3A_1632 : i32 to index
      %swap3A_1633 = tpu.vector_load %arg8[%swap3A] {strides = array<i32>} : memref<832xi32, #tpu.memory_space<vmem>>, vector<16xi32>,
      %swap3A_1634 = vector.shape_cast %swap3A_1633 : vector<16xi32> to vector<16xi32>
      %swap3A_1635 = vector.shape_cast %mul3A_1630 : vector<16xi32> to vector<16xi32>
      tpu.vector_store %arg8[%swap3A], %swap3A_1635 {strides = array<i32>} : memref<832xi32, #tpu.memory_space<vmem>>, vector<16xi32>,
    }
    %scan3A_181 = arith.constant 52 : i32
    %dma_wait3A_182 = arith.constant 0 : i32
    %dma_wait3A_183 = arith.constant 0 : i32
    %dma_wait3A_184 = arith.constant 0 : i32
    %dma_wait3A_185 = tpu.memref_slice %arg4[%dma_wait3A_183, %dma_wait3A_182, %dma_wait3A_184] : memref<26624x32x128xf32, #tpu.memory_space<hbm>> -> memref<416x1x32xf32, #tpu.memory_space<hbm>>
    %dma_wait3A_186 = tpu.memref_squeeze %dma_wait3A_185 : memref<416x1x32xf32, #tpu.memory_space<hbm>> -> memref<416x32xf32, #tpu.memory_space<hbm>>
    %dma_wait3A_187 = arith.constant 0 : i32
    %dma_wait3A_188 = arith.constant 0 : i32
    %dma_wait3A_189 = tpu.memref_slice %arg4[%dma_wait3A_187, %dma_wait3A_182, %dma_wait3A_188] : memref<26624x32x128xf32, #tpu.memory_space<hbm>> -> memref<416x1x32xf32, #tpu.memory_space<hbm>>
    %dma_wait3A_190 = tpu.memref_squeeze %dma_wait3A_189 : memref<416x1x32xf32, #tpu.memory_space<hbm>> -> memref<416x32xf32, #tpu.memory_space<hbm>>
    tpu.wait_dma2 semaphore(%arg12 : memref<!tpu.dma_semaphore, #tpu.memory_space<semaphore_mem>>) src(%arg9 : memref<416x32xf32, #tpu.memory_space<vmem>>) dst(%dma_wait3A_190 : memref<416x32xf32, #tpu.memory_space<hbm>>)
    %dma_start3A_191 = arith.constant 0 : i32
    %dma_start3A_192 = tpu.memref_slice %arg8[%dma_start3A_191] : memref<832xi32, #tpu.memory_space<vmem>> -> memref<416xi32, #tpu.memory_space<vmem>>
    %dma_start3A_193 = arith.constant 0 : i32
    %dma_start3A_194 = arith.constant 0 : i32
    %dma_start3A_195 = tpu.memref_slice %arg2[%dma_start3A_193, %dma_start3A_194] : memref<2704000x32xf32, #tpu.memory_space<hbm>> -> memref<2704000x32xf32, #tpu.memory_space<hbm>>
    tpu.enqueue_indirect_dma source(%dma_start3A_195 : memref<2704000x32xf32, #tpu.memory_space<hbm>>) target(%arg9 : memref<416x32xf32, #tpu.memory_space<vmem>>) offsets(%dma_start3A_192 : memref<416xi32, #tpu.memory_space<vmem>>) semaphore(%arg11 : memref<!tpu.dma_semaphore, #tpu.memory_space<semaphore_mem>>)
    %dma_wait3A_196 = arith.constant 0 : i32
    %dma_wait3A_197 = tpu.memref_slice %arg8[%dma_wait3A_196] : memref<832xi32, #tpu.memory_space<vmem>> -> memref<416xi32, #tpu.memory_space<vmem>>
    %dma_wait3A_198 = arith.constant 0 : i32
    %dma_wait3A_199 = arith.constant 0 : i32
    %dma_wait3A_200 = tpu.memref_slice %arg2[%dma_wait3A_198, %dma_wait3A_199] : memref<2704000x32xf32, #tpu.memory_space<hbm>> -> memref<2704000x32xf32, #tpu.memory_space<hbm>>
    tpu.wait_indirect_dma semaphore(%arg11 : memref<!tpu.dma_semaphore, #tpu.memory_space<semaphore_mem>>) src(%dma_wait3A_200 : memref<2704000x32xf32, #tpu.memory_space<hbm>>) dst(%arg9 : memref<416x32xf32, #tpu.memory_space<vmem>>)
    %add3A_201 = arith.constant 0 : i32
    %add3A_202 = arith.addi %mul3A_9, %add3A_201 : i32
    %dma_start3A_203 = arith.constant 3 : i32
    %dma_start3A_204 = arith.constant 0 : i32
    %dma_start3A_205 = tpu.memref_slice %arg4[%add3A_202, %dma_start3A_203, %dma_start3A_204] : memref<26624x32x128xf32, #tpu.memory_space<hbm>> -> memref<416x1x32xf32, #tpu.memory_space<hbm>>
    %dma_start3A_206 = tpu.memref_squeeze %dma_start3A_205 : memref<416x1x32xf32, #tpu.memory_space<hbm>> -> memref<416x32xf32, #tpu.memory_space<hbm>>
    %dma_start3A_207 = arith.constant 0 : i32
    %dma_start3A_208 = tpu.memref_slice %arg4[%add3A_202, %dma_start3A_203, %dma_start3A_207] : memref<26624x32x128xf32, #tpu.memory_space<hbm>> -> memref<416x1x32xf32, #tpu.memory_space<hbm>>
    %dma_start3A_209 = tpu.memref_squeeze %dma_start3A_208 : memref<416x1x32xf32, #tpu.memory_space<hbm>> -> memref<416x32xf32, #tpu.memory_space<hbm>>
    tpu.enqueue_dma source(%arg9 : memref<416x32xf32, #tpu.memory_space<vmem>>) target(%dma_start3A_209 : memref<416x32xf32, #tpu.memory_space<hbm>>) target_semaphore(%arg12 : memref<!tpu.dma_semaphore, #tpu.memory_space<semaphore_mem>>)
    %dma_wait3A_210 = arith.constant 0 : i32
    %dma_wait3A_211 = arith.constant 0 : i32
    %dma_wait3A_212 = arith.constant 0 : i32
    %dma_wait3A_213 = tpu.memref_slice %arg4[%dma_wait3A_211, %dma_wait3A_210, %dma_wait3A_212] : memref<26624x32x128xf32, #tpu.memory_space<hbm>> -> memref<416x1x32xf32, #tpu.memory_space<hbm>>
    %dma_wait3A_214 = tpu.memref_squeeze %dma_wait3A_213 : memref<416x1x32xf32, #tpu.memory_space<hbm>> -> memref<416x32xf32, #tpu.memory_space<hbm>>
    %dma_wait3A_215 = arith.constant 0 : i32
    %dma_wait3A_216 = arith.constant 0 : i32
    %dma_wait3A_217 = tpu.memref_slice %arg4[%dma_wait3A_215, %dma_wait3A_210, %dma_wait3A_216] : memref<26624x32x128xf32, #tpu.memory_space<hbm>> -> memref<416x1x32xf32, #tpu.memory_space<hbm>>
    %dma_wait3A_218 = tpu.memref_squeeze %dma_wait3A_217 : memref<416x1x32xf32, #tpu.memory_space<hbm>> -> memref<416x32xf32, #tpu.memory_space<hbm>>
    tpu.wait_dma2 semaphore(%arg13 : memref<!tpu.dma_semaphore, #tpu.memory_space<semaphore_mem>>) src(%arg10 : memref<416x32xf32, #tpu.memory_space<vmem>>) dst(%dma_wait3A_218 : memref<416x32xf32, #tpu.memory_space<hbm>>)
    %dma_start3A_219 = arith.constant 416 : i32
    %dma_start3A_220 = tpu.memref_slice %arg8[%dma_start3A_219] : memref<832xi32, #tpu.memory_space<vmem>> -> memref<416xi32, #tpu.memory_space<vmem>>
    %dma_start3A_221 = arith.constant 0 : i32
    %dma_start3A_222 = arith.constant 0 : i32
    %dma_start3A_223 = tpu.memref_slice %arg2[%dma_start3A_221, %dma_start3A_222] : memref<2704000x32xf32, #tpu.memory_space<hbm>> -> memref<2704000x32xf32, #tpu.memory_space<hbm>>
    tpu.enqueue_indirect_dma source(%dma_start3A_223 : memref<2704000x32xf32, #tpu.memory_space<hbm>>) target(%arg10 : memref<416x32xf32, #tpu.memory_space<vmem>>) offsets(%dma_start3A_220 : memref<416xi32, #tpu.memory_space<vmem>>) semaphore(%arg11 : memref<!tpu.dma_semaphore, #tpu.memory_space<semaphore_mem>>)
    %dma_wait3A_224 = arith.constant 416 : i32
    %dma_wait3A_225 = tpu.memref_slice %arg8[%dma_wait3A_224] : memref<832xi32, #tpu.memory_space<vmem>> -> memref<416xi32, #tpu.memory_space<vmem>>
    %dma_wait3A_226 = arith.constant 0 : i32
    %dma_wait3A_227 = arith.constant 0 : i32
    %dma_wait3A_228 = tpu.memref_slice %arg2[%dma_wait3A_226, %dma_wait3A_227] : memref<2704000x32xf32, #tpu.memory_space<hbm>> -> memref<2704000x32xf32, #tpu.memory_space<hbm>>
    tpu.wait_indirect_dma semaphore(%arg11 : memref<!tpu.dma_semaphore, #tpu.memory_space<semaphore_mem>>) src(%dma_wait3A_228 : memref<2704000x32xf32, #tpu.memory_space<hbm>>) dst(%arg10 : memref<416x32xf32, #tpu.memory_space<vmem>>)
    %add3A_229 = arith.constant 416 : i32
    %add3A_230 = arith.addi %mul3A_9, %add3A_229 : i32
    %dma_start3A_231 = arith.constant 3 : i32
    %dma_start3A_232 = arith.constant 0 : i32
    %dma_start3A_233 = tpu.memref_slice %arg4[%add3A_230, %dma_start3A_231, %dma_start3A_232] : memref<26624x32x128xf32, #tpu.memory_space<hbm>> -> memref<416x1x32xf32, #tpu.memory_space<hbm>>
    %dma_start3A_234 = tpu.memref_squeeze %dma_start3A_233 : memref<416x1x32xf32, #tpu.memory_space<hbm>> -> memref<416x32xf32, #tpu.memory_space<hbm>>
    %dma_start3A_235 = arith.constant 0 : i32
    %dma_start3A_236 = tpu.memref_slice %arg4[%add3A_230, %dma_start3A_231, %dma_start3A_235] : memref<26624x32x128xf32, #tpu.memory_space<hbm>> -> memref<416x1x32xf32, #tpu.memory_space<hbm>>
    %dma_start3A_237 = tpu.memref_squeeze %dma_start3A_236 : memref<416x1x32xf32, #tpu.memory_space<hbm>> -> memref<416x32xf32, #tpu.memory_space<hbm>>
    tpu.enqueue_dma source(%arg10 : memref<416x32xf32, #tpu.memory_space<vmem>>) target(%dma_start3A_237 : memref<416x32xf32, #tpu.memory_space<hbm>>) target_semaphore(%arg13 : memref<!tpu.dma_semaphore, #tpu.memory_space<semaphore_mem>>)
    %scan3A_238 = arith.constant 0 : i32
    %scan3A_239 = arith.constant 0 : i32
    %scan3A_240 = arith.constant 52 : i32
    %scan3A_241 = arith.addi %scan3A_239, %scan3A_240 : i32
    %scan3A_242 = arith.constant 1 : i32
    scf.for %scan3A_1620 = %scan3A_239 to %scan3A_241 step %scan3A_242  : i32 {
      %mul3A_1621 = arith.constant 16 : i32
      %mul3A_1622 = arith.muli %scan3A_1620, %mul3A_1621 : i32
      %get3A = arith.index_cast %mul3A_1622 : i32 to index
      %get3A_1623 = tpu.vector_load %arg6[%get3A] {strides = array<i32>} : memref<832xi32, #tpu.memory_space<vmem>>, vector<16xi32>,
      %get3A_1624 = vector.shape_cast %get3A_1623 : vector<16xi32> to vector<16xi32>
      %add3A_1625 = arith.constant 104000 : i32
      %add3A_1626 = vector.broadcast %add3A_1625 : i32 to vector<16xi32>
      %add3A_1627 = arith.addi %get3A_1624, %add3A_1626 : vector<16xi32>
      %mul3A_1628 = arith.constant 4 : i32
      %mul3A_1629 = vector.broadcast %mul3A_1628 : i32 to vector<16xi32>
      %mul3A_1630 = arith.muli %add3A_1627, %mul3A_1629 : vector<16xi32>
      %mul3A_1631 = arith.constant 16 : i32
      %mul3A_1632 = arith.muli %scan3A_1620, %mul3A_1631 : i32
      %swap3A = arith.index_cast %mul3A_1632 : i32 to index
      %swap3A_1633 = tpu.vector_load %arg7[%swap3A] {strides = array<i32>} : memref<832xi32, #tpu.memory_space<vmem>>, vector<16xi32>,
      %swap3A_1634 = vector.shape_cast %swap3A_1633 : vector<16xi32> to vector<16xi32>
      %swap3A_1635 = vector.shape_cast %mul3A_1630 : vector<16xi32> to vector<16xi32>
      tpu.vector_store %arg7[%swap3A], %swap3A_1635 {strides = array<i32>} : memref<832xi32, #tpu.memory_space<vmem>>, vector<16xi32>,
    }
    %scan3A_243 = arith.constant 52 : i32
    %dma_wait3A_244 = arith.constant 0 : i32
    %dma_wait3A_245 = arith.constant 0 : i32
    %dma_wait3A_246 = arith.constant 0 : i32
    %dma_wait3A_247 = tpu.memref_slice %arg4[%dma_wait3A_245, %dma_wait3A_244, %dma_wait3A_246] : memref<26624x32x128xf32, #tpu.memory_space<hbm>> -> memref<416x1x32xf32, #tpu.memory_space<hbm>>
    %dma_wait3A_248 = tpu.memref_squeeze %dma_wait3A_247 : memref<416x1x32xf32, #tpu.memory_space<hbm>> -> memref<416x32xf32, #tpu.memory_space<hbm>>
    %dma_wait3A_249 = arith.constant 0 : i32
    %dma_wait3A_250 = arith.constant 0 : i32
    %dma_wait3A_251 = tpu.memref_slice %arg4[%dma_wait3A_249, %dma_wait3A_244, %dma_wait3A_250] : memref<26624x32x128xf32, #tpu.memory_space<hbm>> -> memref<416x1x32xf32, #tpu.memory_space<hbm>>
    %dma_wait3A_252 = tpu.memref_squeeze %dma_wait3A_251 : memref<416x1x32xf32, #tpu.memory_space<hbm>> -> memref<416x32xf32, #tpu.memory_space<hbm>>
    tpu.wait_dma2 semaphore(%arg12 : memref<!tpu.dma_semaphore, #tpu.memory_space<semaphore_mem>>) src(%arg9 : memref<416x32xf32, #tpu.memory_space<vmem>>) dst(%dma_wait3A_252 : memref<416x32xf32, #tpu.memory_space<hbm>>)
    %dma_start3A_253 = arith.constant 0 : i32
    %dma_start3A_254 = tpu.memref_slice %arg7[%dma_start3A_253] : memref<832xi32, #tpu.memory_space<vmem>> -> memref<416xi32, #tpu.memory_space<vmem>>
    %dma_start3A_255 = arith.constant 0 : i32
    %dma_start3A_256 = arith.constant 0 : i32
    %dma_start3A_257 = tpu.memref_slice %arg2[%dma_start3A_255, %dma_start3A_256] : memref<2704000x32xf32, #tpu.memory_space<hbm>> -> memref<2704000x32xf32, #tpu.memory_space<hbm>>
    tpu.enqueue_indirect_dma source(%dma_start3A_257 : memref<2704000x32xf32, #tpu.memory_space<hbm>>) target(%arg9 : memref<416x32xf32, #tpu.memory_space<vmem>>) offsets(%dma_start3A_254 : memref<416xi32, #tpu.memory_space<vmem>>) semaphore(%arg11 : memref<!tpu.dma_semaphore, #tpu.memory_space<semaphore_mem>>)
    %dma_wait3A_258 = arith.constant 0 : i32
    %dma_wait3A_259 = tpu.memref_slice %arg7[%dma_wait3A_258] : memref<832xi32, #tpu.memory_space<vmem>> -> memref<416xi32, #tpu.memory_space<vmem>>
    %dma_wait3A_260 = arith.constant 0 : i32
    %dma_wait3A_261 = arith.constant 0 : i32
    %dma_wait3A_262 = tpu.memref_slice %arg2[%dma_wait3A_260, %dma_wait3A_261] : memref<2704000x32xf32, #tpu.memory_space<hbm>> -> memref<2704000x32xf32, #tpu.memory_space<hbm>>
    tpu.wait_indirect_dma semaphore(%arg11 : memref<!tpu.dma_semaphore, #tpu.memory_space<semaphore_mem>>) src(%dma_wait3A_262 : memref<2704000x32xf32, #tpu.memory_space<hbm>>) dst(%arg9 : memref<416x32xf32, #tpu.memory_space<vmem>>)
    %add3A_263 = arith.constant 0 : i32
    %add3A_264 = arith.addi %mul3A_9, %add3A_263 : i32
    %dma_start3A_265 = arith.constant 4 : i32
    %dma_start3A_266 = arith.constant 0 : i32
    %dma_start3A_267 = tpu.memref_slice %arg4[%add3A_264, %dma_start3A_265, %dma_start3A_266] : memref<26624x32x128xf32, #tpu.memory_space<hbm>> -> memref<416x1x32xf32, #tpu.memory_space<hbm>>
    %dma_start3A_268 = tpu.memref_squeeze %dma_start3A_267 : memref<416x1x32xf32, #tpu.memory_space<hbm>> -> memref<416x32xf32, #tpu.memory_space<hbm>>
    %dma_start3A_269 = arith.constant 0 : i32
    %dma_start3A_270 = tpu.memref_slice %arg4[%add3A_264, %dma_start3A_265, %dma_start3A_269] : memref<26624x32x128xf32, #tpu.memory_space<hbm>> -> memref<416x1x32xf32, #tpu.memory_space<hbm>>
    %dma_start3A_271 = tpu.memref_squeeze %dma_start3A_270 : memref<416x1x32xf32, #tpu.memory_space<hbm>> -> memref<416x32xf32, #tpu.memory_space<hbm>>
    tpu.enqueue_dma source(%arg9 : memref<416x32xf32, #tpu.memory_space<vmem>>) target(%dma_start3A_271 : memref<416x32xf32, #tpu.memory_space<hbm>>) target_semaphore(%arg12 : memref<!tpu.dma_semaphore, #tpu.memory_space<semaphore_mem>>)
    %dma_wait3A_272 = arith.constant 0 : i32
    %dma_wait3A_273 = arith.constant 0 : i32
    %dma_wait3A_274 = arith.constant 0 : i32
    %dma_wait3A_275 = tpu.memref_slice %arg4[%dma_wait3A_273, %dma_wait3A_272, %dma_wait3A_274] : memref<26624x32x128xf32, #tpu.memory_space<hbm>> -> memref<416x1x32xf32, #tpu.memory_space<hbm>>
    %dma_wait3A_276 = tpu.memref_squeeze %dma_wait3A_275 : memref<416x1x32xf32, #tpu.memory_space<hbm>> -> memref<416x32xf32, #tpu.memory_space<hbm>>
    %dma_wait3A_277 = arith.constant 0 : i32
    %dma_wait3A_278 = arith.constant 0 : i32
    %dma_wait3A_279 = tpu.memref_slice %arg4[%dma_wait3A_277, %dma_wait3A_272, %dma_wait3A_278] : memref<26624x32x128xf32, #tpu.memory_space<hbm>> -> memref<416x1x32xf32, #tpu.memory_space<hbm>>
    %dma_wait3A_280 = tpu.memref_squeeze %dma_wait3A_279 : memref<416x1x32xf32, #tpu.memory_space<hbm>> -> memref<416x32xf32, #tpu.memory_space<hbm>>
    tpu.wait_dma2 semaphore(%arg13 : memref<!tpu.dma_semaphore, #tpu.memory_space<semaphore_mem>>) src(%arg10 : memref<416x32xf32, #tpu.memory_space<vmem>>) dst(%dma_wait3A_280 : memref<416x32xf32, #tpu.memory_space<hbm>>)
    %dma_start3A_281 = arith.constant 416 : i32
    %dma_start3A_282 = tpu.memref_slice %arg7[%dma_start3A_281] : memref<832xi32, #tpu.memory_space<vmem>> -> memref<416xi32, #tpu.memory_space<vmem>>
    %dma_start3A_283 = arith.constant 0 : i32
    %dma_start3A_284 = arith.constant 0 : i32
    %dma_start3A_285 = tpu.memref_slice %arg2[%dma_start3A_283, %dma_start3A_284] : memref<2704000x32xf32, #tpu.memory_space<hbm>> -> memref<2704000x32xf32, #tpu.memory_space<hbm>>
    tpu.enqueue_indirect_dma source(%dma_start3A_285 : memref<2704000x32xf32, #tpu.memory_space<hbm>>) target(%arg10 : memref<416x32xf32, #tpu.memory_space<vmem>>) offsets(%dma_start3A_282 : memref<416xi32, #tpu.memory_space<vmem>>) semaphore(%arg11 : memref<!tpu.dma_semaphore, #tpu.memory_space<semaphore_mem>>)
    %dma_wait3A_286 = arith.constant 416 : i32
    %dma_wait3A_287 = tpu.memref_slice %arg7[%dma_wait3A_286] : memref<832xi32, #tpu.memory_space<vmem>> -> memref<416xi32, #tpu.memory_space<vmem>>
    %dma_wait3A_288 = arith.constant 0 : i32
    %dma_wait3A_289 = arith.constant 0 : i32
    %dma_wait3A_290 = tpu.memref_slice %arg2[%dma_wait3A_288, %dma_wait3A_289] : memref<2704000x32xf32, #tpu.memory_space<hbm>> -> memref<2704000x32xf32, #tpu.memory_space<hbm>>
    tpu.wait_indirect_dma semaphore(%arg11 : memref<!tpu.dma_semaphore, #tpu.memory_space<semaphore_mem>>) src(%dma_wait3A_290 : memref<2704000x32xf32, #tpu.memory_space<hbm>>) dst(%arg10 : memref<416x32xf32, #tpu.memory_space<vmem>>)
    %add3A_291 = arith.constant 416 : i32
    %add3A_292 = arith.addi %mul3A_9, %add3A_291 : i32
    %dma_start3A_293 = arith.constant 4 : i32
    %dma_start3A_294 = arith.constant 0 : i32
    %dma_start3A_295 = tpu.memref_slice %arg4[%add3A_292, %dma_start3A_293, %dma_start3A_294] : memref<26624x32x128xf32, #tpu.memory_space<hbm>> -> memref<416x1x32xf32, #tpu.memory_space<hbm>>
    %dma_start3A_296 = tpu.memref_squeeze %dma_start3A_295 : memref<416x1x32xf32, #tpu.memory_space<hbm>> -> memref<416x32xf32, #tpu.memory_space<hbm>>
    %dma_start3A_297 = arith.constant 0 : i32
    %dma_start3A_298 = tpu.memref_slice %arg4[%add3A_292, %dma_start3A_293, %dma_start3A_297] : memref<26624x32x128xf32, #tpu.memory_space<hbm>> -> memref<416x1x32xf32, #tpu.memory_space<hbm>>
    %dma_start3A_299 = tpu.memref_squeeze %dma_start3A_298 : memref<416x1x32xf32, #tpu.memory_space<hbm>> -> memref<416x32xf32, #tpu.memory_space<hbm>>
    tpu.enqueue_dma source(%arg10 : memref<416x32xf32, #tpu.memory_space<vmem>>) target(%dma_start3A_299 : memref<416x32xf32, #tpu.memory_space<hbm>>) target_semaphore(%arg13 : memref<!tpu.dma_semaphore, #tpu.memory_space<semaphore_mem>>)
    %scan3A_300 = arith.constant 0 : i32
    %scan3A_301 = arith.constant 0 : i32
    %scan3A_302 = arith.constant 52 : i32
    %scan3A_303 = arith.addi %scan3A_301, %scan3A_302 : i32
    %scan3A_304 = arith.constant 1 : i32
    scf.for %scan3A_1620 = %scan3A_301 to %scan3A_303 step %scan3A_304  : i32 {
      %mul3A_1621 = arith.constant 16 : i32
      %mul3A_1622 = arith.muli %scan3A_1620, %mul3A_1621 : i32
      %get3A = arith.index_cast %mul3A_1622 : i32 to index
      %get3A_1623 = tpu.vector_load %arg6[%get3A] {strides = array<i32>} : memref<832xi32, #tpu.memory_space<vmem>>, vector<16xi32>,
      %get3A_1624 = vector.shape_cast %get3A_1623 : vector<16xi32> to vector<16xi32>
      %add3A_1625 = arith.constant 130000 : i32
      %add3A_1626 = vector.broadcast %add3A_1625 : i32 to vector<16xi32>
      %add3A_1627 = arith.addi %get3A_1624, %add3A_1626 : vector<16xi32>
      %mul3A_1628 = arith.constant 4 : i32
      %mul3A_1629 = vector.broadcast %mul3A_1628 : i32 to vector<16xi32>
      %mul3A_1630 = arith.muli %add3A_1627, %mul3A_1629 : vector<16xi32>
      %mul3A_1631 = arith.constant 16 : i32
      %mul3A_1632 = arith.muli %scan3A_1620, %mul3A_1631 : i32
      %swap3A = arith.index_cast %mul3A_1632 : i32 to index
      %swap3A_1633 = tpu.vector_load %arg8[%swap3A] {strides = array<i32>} : memref<832xi32, #tpu.memory_space<vmem>>, vector<16xi32>,
      %swap3A_1634 = vector.shape_cast %swap3A_1633 : vector<16xi32> to vector<16xi32>
      %swap3A_1635 = vector.shape_cast %mul3A_1630 : vector<16xi32> to vector<16xi32>
      tpu.vector_store %arg8[%swap3A], %swap3A_1635 {strides = array<i32>} : memref<832xi32, #tpu.memory_space<vmem>>, vector<16xi32>,
    }
    %scan3A_305 = arith.constant 52 : i32
    %dma_wait3A_306 = arith.constant 0 : i32
    %dma_wait3A_307 = arith.constant 0 : i32
    %dma_wait3A_308 = arith.constant 0 : i32
    %dma_wait3A_309 = tpu.memref_slice %arg4[%dma_wait3A_307, %dma_wait3A_306, %dma_wait3A_308] : memref<26624x32x128xf32, #tpu.memory_space<hbm>> -> memref<416x1x32xf32, #tpu.memory_space<hbm>>
    %dma_wait3A_310 = tpu.memref_squeeze %dma_wait3A_309 : memref<416x1x32xf32, #tpu.memory_space<hbm>> -> memref<416x32xf32, #tpu.memory_space<hbm>>
    %dma_wait3A_311 = arith.constant 0 : i32
    %dma_wait3A_312 = arith.constant 0 : i32
    %dma_wait3A_313 = tpu.memref_slice %arg4[%dma_wait3A_311, %dma_wait3A_306, %dma_wait3A_312] : memref<26624x32x128xf32, #tpu.memory_space<hbm>> -> memref<416x1x32xf32, #tpu.memory_space<hbm>>
    %dma_wait3A_314 = tpu.memref_squeeze %dma_wait3A_313 : memref<416x1x32xf32, #tpu.memory_space<hbm>> -> memref<416x32xf32, #tpu.memory_space<hbm>>
    tpu.wait_dma2 semaphore(%arg12 : memref<!tpu.dma_semaphore, #tpu.memory_space<semaphore_mem>>) src(%arg9 : memref<416x32xf32, #tpu.memory_space<vmem>>) dst(%dma_wait3A_314 : memref<416x32xf32, #tpu.memory_space<hbm>>)
    %dma_start3A_315 = arith.constant 0 : i32
    %dma_start3A_316 = tpu.memref_slice %arg8[%dma_start3A_315] : memref<832xi32, #tpu.memory_space<vmem>> -> memref<416xi32, #tpu.memory_space<vmem>>
    %dma_start3A_317 = arith.constant 0 : i32
    %dma_start3A_318 = arith.constant 0 : i32
    %dma_start3A_319 = tpu.memref_slice %arg2[%dma_start3A_317, %dma_start3A_318] : memref<2704000x32xf32, #tpu.memory_space<hbm>> -> memref<2704000x32xf32, #tpu.memory_space<hbm>>
    tpu.enqueue_indirect_dma source(%dma_start3A_319 : memref<2704000x32xf32, #tpu.memory_space<hbm>>) target(%arg9 : memref<416x32xf32, #tpu.memory_space<vmem>>) offsets(%dma_start3A_316 : memref<416xi32, #tpu.memory_space<vmem>>) semaphore(%arg11 : memref<!tpu.dma_semaphore, #tpu.memory_space<semaphore_mem>>)
    %dma_wait3A_320 = arith.constant 0 : i32
    %dma_wait3A_321 = tpu.memref_slice %arg8[%dma_wait3A_320] : memref<832xi32, #tpu.memory_space<vmem>> -> memref<416xi32, #tpu.memory_space<vmem>>
    %dma_wait3A_322 = arith.constant 0 : i32
    %dma_wait3A_323 = arith.constant 0 : i32
    %dma_wait3A_324 = tpu.memref_slice %arg2[%dma_wait3A_322, %dma_wait3A_323] : memref<2704000x32xf32, #tpu.memory_space<hbm>> -> memref<2704000x32xf32, #tpu.memory_space<hbm>>
    tpu.wait_indirect_dma semaphore(%arg11 : memref<!tpu.dma_semaphore, #tpu.memory_space<semaphore_mem>>) src(%dma_wait3A_324 : memref<2704000x32xf32, #tpu.memory_space<hbm>>) dst(%arg9 : memref<416x32xf32, #tpu.memory_space<vmem>>)
    %add3A_325 = arith.constant 0 : i32
    %add3A_326 = arith.addi %mul3A_9, %add3A_325 : i32
    %dma_start3A_327 = arith.constant 5 : i32
    %dma_start3A_328 = arith.constant 0 : i32
    %dma_start3A_329 = tpu.memref_slice %arg4[%add3A_326, %dma_start3A_327, %dma_start3A_328] : memref<26624x32x128xf32, #tpu.memory_space<hbm>> -> memref<416x1x32xf32, #tpu.memory_space<hbm>>
    %dma_start3A_330 = tpu.memref_squeeze %dma_start3A_329 : memref<416x1x32xf32, #tpu.memory_space<hbm>> -> memref<416x32xf32, #tpu.memory_space<hbm>>
    %dma_start3A_331 = arith.constant 0 : i32
    %dma_start3A_332 = tpu.memref_slice %arg4[%add3A_326, %dma_start3A_327, %dma_start3A_331] : memref<26624x32x128xf32, #tpu.memory_space<hbm>> -> memref<416x1x32xf32, #tpu.memory_space<hbm>>
    %dma_start3A_333 = tpu.memref_squeeze %dma_start3A_332 : memref<416x1x32xf32, #tpu.memory_space<hbm>> -> memref<416x32xf32, #tpu.memory_space<hbm>>
    tpu.enqueue_dma source(%arg9 : memref<416x32xf32, #tpu.memory_space<vmem>>) target(%dma_start3A_333 : memref<416x32xf32, #tpu.memory_space<hbm>>) target_semaphore(%arg12 : memref<!tpu.dma_semaphore, #tpu.memory_space<semaphore_mem>>)
    %dma_wait3A_334 = arith.constant 0 : i32
    %dma_wait3A_335 = arith.constant 0 : i32
    %dma_wait3A_336 = arith.constant 0 : i32
    %dma_wait3A_337 = tpu.memref_slice %arg4[%dma_wait3A_335, %dma_wait3A_334, %dma_wait3A_336] : memref<26624x32x128xf32, #tpu.memory_space<hbm>> -> memref<416x1x32xf32, #tpu.memory_space<hbm>>
    %dma_wait3A_338 = tpu.memref_squeeze %dma_wait3A_337 : memref<416x1x32xf32, #tpu.memory_space<hbm>> -> memref<416x32xf32, #tpu.memory_space<hbm>>
    %dma_wait3A_339 = arith.constant 0 : i32
    %dma_wait3A_340 = arith.constant 0 : i32
    %dma_wait3A_341 = tpu.memref_slice %arg4[%dma_wait3A_339, %dma_wait3A_334, %dma_wait3A_340] : memref<26624x32x128xf32, #tpu.memory_space<hbm>> -> memref<416x1x32xf32, #tpu.memory_space<hbm>>
    %dma_wait3A_342 = tpu.memref_squeeze %dma_wait3A_341 : memref<416x1x32xf32, #tpu.memory_space<hbm>> -> memref<416x32xf32, #tpu.memory_space<hbm>>
    tpu.wait_dma2 semaphore(%arg13 : memref<!tpu.dma_semaphore, #tpu.memory_space<semaphore_mem>>) src(%arg10 : memref<416x32xf32, #tpu.memory_space<vmem>>) dst(%dma_wait3A_342 : memref<416x32xf32, #tpu.memory_space<hbm>>)
    %dma_start3A_343 = arith.constant 416 : i32
    %dma_start3A_344 = tpu.memref_slice %arg8[%dma_start3A_343] : memref<832xi32, #tpu.memory_space<vmem>> -> memref<416xi32, #tpu.memory_space<vmem>>
    %dma_start3A_345 = arith.constant 0 : i32
    %dma_start3A_346 = arith.constant 0 : i32
    %dma_start3A_347 = tpu.memref_slice %arg2[%dma_start3A_345, %dma_start3A_346] : memref<2704000x32xf32, #tpu.memory_space<hbm>> -> memref<2704000x32xf32, #tpu.memory_space<hbm>>
    tpu.enqueue_indirect_dma source(%dma_start3A_347 : memref<2704000x32xf32, #tpu.memory_space<hbm>>) target(%arg10 : memref<416x32xf32, #tpu.memory_space<vmem>>) offsets(%dma_start3A_344 : memref<416xi32, #tpu.memory_space<vmem>>) semaphore(%arg11 : memref<!tpu.dma_semaphore, #tpu.memory_space<semaphore_mem>>)
    %dma_wait3A_348 = arith.constant 416 : i32
    %dma_wait3A_349 = tpu.memref_slice %arg8[%dma_wait3A_348] : memref<832xi32, #tpu.memory_space<vmem>> -> memref<416xi32, #tpu.memory_space<vmem>>
    %dma_wait3A_350 = arith.constant 0 : i32
    %dma_wait3A_351 = arith.constant 0 : i32
    %dma_wait3A_352 = tpu.memref_slice %arg2[%dma_wait3A_350, %dma_wait3A_351] : memref<2704000x32xf32, #tpu.memory_space<hbm>> -> memref<2704000x32xf32, #tpu.memory_space<hbm>>
    tpu.wait_indirect_dma semaphore(%arg11 : memref<!tpu.dma_semaphore, #tpu.memory_space<semaphore_mem>>) src(%dma_wait3A_352 : memref<2704000x32xf32, #tpu.memory_space<hbm>>) dst(%arg10 : memref<416x32xf32, #tpu.memory_space<vmem>>)
    %add3A_353 = arith.constant 416 : i32
    %add3A_354 = arith.addi %mul3A_9, %add3A_353 : i32
    %dma_start3A_355 = arith.constant 5 : i32
    %dma_start3A_356 = arith.constant 0 : i32
    %dma_start3A_357 = tpu.memref_slice %arg4[%add3A_354, %dma_start3A_355, %dma_start3A_356] : memref<26624x32x128xf32, #tpu.memory_space<hbm>> -> memref<416x1x32xf32, #tpu.memory_space<hbm>>
    %dma_start3A_358 = tpu.memref_squeeze %dma_start3A_357 : memref<416x1x32xf32, #tpu.memory_space<hbm>> -> memref<416x32xf32, #tpu.memory_space<hbm>>
    %dma_start3A_359 = arith.constant 0 : i32
    %dma_start3A_360 = tpu.memref_slice %arg4[%add3A_354, %dma_start3A_355, %dma_start3A_359] : memref<26624x32x128xf32, #tpu.memory_space<hbm>> -> memref<416x1x32xf32, #tpu.memory_space<hbm>>
    %dma_start3A_361 = tpu.memref_squeeze %dma_start3A_360 : memref<416x1x32xf32, #tpu.memory_space<hbm>> -> memref<416x32xf32, #tpu.memory_space<hbm>>
    tpu.enqueue_dma source(%arg10 : memref<416x32xf32, #tpu.memory_space<vmem>>) target(%dma_start3A_361 : memref<416x32xf32, #tpu.memory_space<hbm>>) target_semaphore(%arg13 : memref<!tpu.dma_semaphore, #tpu.memory_space<semaphore_mem>>)
    %scan3A_362 = arith.constant 0 : i32
    %scan3A_363 = arith.constant 0 : i32
    %scan3A_364 = arith.constant 52 : i32
    %scan3A_365 = arith.addi %scan3A_363, %scan3A_364 : i32
    %scan3A_366 = arith.constant 1 : i32
    scf.for %scan3A_1620 = %scan3A_363 to %scan3A_365 step %scan3A_366  : i32 {
      %mul3A_1621 = arith.constant 16 : i32
      %mul3A_1622 = arith.muli %scan3A_1620, %mul3A_1621 : i32
      %get3A = arith.index_cast %mul3A_1622 : i32 to index
      %get3A_1623 = tpu.vector_load %arg6[%get3A] {strides = array<i32>} : memref<832xi32, #tpu.memory_space<vmem>>, vector<16xi32>,
      %get3A_1624 = vector.shape_cast %get3A_1623 : vector<16xi32> to vector<16xi32>
      %add3A_1625 = arith.constant 156000 : i32
      %add3A_1626 = vector.broadcast %add3A_1625 : i32 to vector<16xi32>
      %add3A_1627 = arith.addi %get3A_1624, %add3A_1626 : vector<16xi32>
      %mul3A_1628 = arith.constant 4 : i32
      %mul3A_1629 = vector.broadcast %mul3A_1628 : i32 to vector<16xi32>
      %mul3A_1630 = arith.muli %add3A_1627, %mul3A_1629 : vector<16xi32>
      %mul3A_1631 = arith.constant 16 : i32
      %mul3A_1632 = arith.muli %scan3A_1620, %mul3A_1631 : i32
      %swap3A = arith.index_cast %mul3A_1632 : i32 to index
      %swap3A_1633 = tpu.vector_load %arg7[%swap3A] {strides = array<i32>} : memref<832xi32, #tpu.memory_space<vmem>>, vector<16xi32>,
      %swap3A_1634 = vector.shape_cast %swap3A_1633 : vector<16xi32> to vector<16xi32>
      %swap3A_1635 = vector.shape_cast %mul3A_1630 : vector<16xi32> to vector<16xi32>
      tpu.vector_store %arg7[%swap3A], %swap3A_1635 {strides = array<i32>} : memref<832xi32, #tpu.memory_space<vmem>>, vector<16xi32>,
    }
    %scan3A_367 = arith.constant 52 : i32
    %dma_wait3A_368 = arith.constant 0 : i32
    %dma_wait3A_369 = arith.constant 0 : i32
    %dma_wait3A_370 = arith.constant 0 : i32
    %dma_wait3A_371 = tpu.memref_slice %arg4[%dma_wait3A_369, %dma_wait3A_368, %dma_wait3A_370] : memref<26624x32x128xf32, #tpu.memory_space<hbm>> -> memref<416x1x32xf32, #tpu.memory_space<hbm>>
    %dma_wait3A_372 = tpu.memref_squeeze %dma_wait3A_371 : memref<416x1x32xf32, #tpu.memory_space<hbm>> -> memref<416x32xf32, #tpu.memory_space<hbm>>
    %dma_wait3A_373 = arith.constant 0 : i32
    %dma_wait3A_374 = arith.constant 0 : i32
    %dma_wait3A_375 = tpu.memref_slice %arg4[%dma_wait3A_373, %dma_wait3A_368, %dma_wait3A_374] : memref<26624x32x128xf32, #tpu.memory_space<hbm>> -> memref<416x1x32xf32, #tpu.memory_space<hbm>>
    %dma_wait3A_376 = tpu.memref_squeeze %dma_wait3A_375 : memref<416x1x32xf32, #tpu.memory_space<hbm>> -> memref<416x32xf32, #tpu.memory_space<hbm>>
    tpu.wait_dma2 semaphore(%arg12 : memref<!tpu.dma_semaphore, #tpu.memory_space<semaphore_mem>>) src(%arg9 : memref<416x32xf32, #tpu.memory_space<vmem>>) dst(%dma_wait3A_376 : memref<416x32xf32, #tpu.memory_space<hbm>>)
    %dma_start3A_377 = arith.constant 0 : i32
    %dma_start3A_378 = tpu.memref_slice %arg7[%dma_start3A_377] : memref<832xi32, #tpu.memory_space<vmem>> -> memref<416xi32, #tpu.memory_space<vmem>>
    %dma_start3A_379 = arith.constant 0 : i32
    %dma_start3A_380 = arith.constant 0 : i32
    %dma_start3A_381 = tpu.memref_slice %arg2[%dma_start3A_379, %dma_start3A_380] : memref<2704000x32xf32, #tpu.memory_space<hbm>> -> memref<2704000x32xf32, #tpu.memory_space<hbm>>
    tpu.enqueue_indirect_dma source(%dma_start3A_381 : memref<2704000x32xf32, #tpu.memory_space<hbm>>) target(%arg9 : memref<416x32xf32, #tpu.memory_space<vmem>>) offsets(%dma_start3A_378 : memref<416xi32, #tpu.memory_space<vmem>>) semaphore(%arg11 : memref<!tpu.dma_semaphore, #tpu.memory_space<semaphore_mem>>)
    %dma_wait3A_382 = arith.constant 0 : i32
    %dma_wait3A_383 = tpu.memref_slice %arg7[%dma_wait3A_382] : memref<832xi32, #tpu.memory_space<vmem>> -> memref<416xi32, #tpu.memory_space<vmem>>
    %dma_wait3A_384 = arith.constant 0 : i32
    %dma_wait3A_385 = arith.constant 0 : i32
    %dma_wait3A_386 = tpu.memref_slice %arg2[%dma_wait3A_384, %dma_wait3A_385] : memref<2704000x32xf32, #tpu.memory_space<hbm>> -> memref<2704000x32xf32, #tpu.memory_space<hbm>>
    tpu.wait_indirect_dma semaphore(%arg11 : memref<!tpu.dma_semaphore, #tpu.memory_space<semaphore_mem>>) src(%dma_wait3A_386 : memref<2704000x32xf32, #tpu.memory_space<hbm>>) dst(%arg9 : memref<416x32xf32, #tpu.memory_space<vmem>>)
    %add3A_387 = arith.constant 0 : i32
    %add3A_388 = arith.addi %mul3A_9, %add3A_387 : i32
    %dma_start3A_389 = arith.constant 6 : i32
    %dma_start3A_390 = arith.constant 0 : i32
    %dma_start3A_391 = tpu.memref_slice %arg4[%add3A_388, %dma_start3A_389, %dma_start3A_390] : memref<26624x32x128xf32, #tpu.memory_space<hbm>> -> memref<416x1x32xf32, #tpu.memory_space<hbm>>
    %dma_start3A_392 = tpu.memref_squeeze %dma_start3A_391 : memref<416x1x32xf32, #tpu.memory_space<hbm>> -> memref<416x32xf32, #tpu.memory_space<hbm>>
    %dma_start3A_393 = arith.constant 0 : i32
    %dma_start3A_394 = tpu.memref_slice %arg4[%add3A_388, %dma_start3A_389, %dma_start3A_393] : memref<26624x32x128xf32, #tpu.memory_space<hbm>> -> memref<416x1x32xf32, #tpu.memory_space<hbm>>
    %dma_start3A_395 = tpu.memref_squeeze %dma_start3A_394 : memref<416x1x32xf32, #tpu.memory_space<hbm>> -> memref<416x32xf32, #tpu.memory_space<hbm>>
    tpu.enqueue_dma source(%arg9 : memref<416x32xf32, #tpu.memory_space<vmem>>) target(%dma_start3A_395 : memref<416x32xf32, #tpu.memory_space<hbm>>) target_semaphore(%arg12 : memref<!tpu.dma_semaphore, #tpu.memory_space<semaphore_mem>>)
    %dma_wait3A_396 = arith.constant 0 : i32
    %dma_wait3A_397 = arith.constant 0 : i32
    %dma_wait3A_398 = arith.constant 0 : i32
    %dma_wait3A_399 = tpu.memref_slice %arg4[%dma_wait3A_397, %dma_wait3A_396, %dma_wait3A_398] : memref<26624x32x128xf32, #tpu.memory_space<hbm>> -> memref<416x1x32xf32, #tpu.memory_space<hbm>>
    %dma_wait3A_400 = tpu.memref_squeeze %dma_wait3A_399 : memref<416x1x32xf32, #tpu.memory_space<hbm>> -> memref<416x32xf32, #tpu.memory_space<hbm>>
    %dma_wait3A_401 = arith.constant 0 : i32
    %dma_wait3A_402 = arith.constant 0 : i32
    %dma_wait3A_403 = tpu.memref_slice %arg4[%dma_wait3A_401, %dma_wait3A_396, %dma_wait3A_402] : memref<26624x32x128xf32, #tpu.memory_space<hbm>> -> memref<416x1x32xf32, #tpu.memory_space<hbm>>
    %dma_wait3A_404 = tpu.memref_squeeze %dma_wait3A_403 : memref<416x1x32xf32, #tpu.memory_space<hbm>> -> memref<416x32xf32, #tpu.memory_space<hbm>>
    tpu.wait_dma2 semaphore(%arg13 : memref<!tpu.dma_semaphore, #tpu.memory_space<semaphore_mem>>) src(%arg10 : memref<416x32xf32, #tpu.memory_space<vmem>>) dst(%dma_wait3A_404 : memref<416x32xf32, #tpu.memory_space<hbm>>)
    %dma_start3A_405 = arith.constant 416 : i32
    %dma_start3A_406 = tpu.memref_slice %arg7[%dma_start3A_405] : memref<832xi32, #tpu.memory_space<vmem>> -> memref<416xi32, #tpu.memory_space<vmem>>
    %dma_start3A_407 = arith.constant 0 : i32
    %dma_start3A_408 = arith.constant 0 : i32
    %dma_start3A_409 = tpu.memref_slice %arg2[%dma_start3A_407, %dma_start3A_408] : memref<2704000x32xf32, #tpu.memory_space<hbm>> -> memref<2704000x32xf32, #tpu.memory_space<hbm>>
    tpu.enqueue_indirect_dma source(%dma_start3A_409 : memref<2704000x32xf32, #tpu.memory_space<hbm>>) target(%arg10 : memref<416x32xf32, #tpu.memory_space<vmem>>) offsets(%dma_start3A_406 : memref<416xi32, #tpu.memory_space<vmem>>) semaphore(%arg11 : memref<!tpu.dma_semaphore, #tpu.memory_space<semaphore_mem>>)
    %dma_wait3A_410 = arith.constant 416 : i32
    %dma_wait3A_411 = tpu.memref_slice %arg7[%dma_wait3A_410] : memref<832xi32, #tpu.memory_space<vmem>> -> memref<416xi32, #tpu.memory_space<vmem>>
    %dma_wait3A_412 = arith.constant 0 : i32
    %dma_wait3A_413 = arith.constant 0 : i32
    %dma_wait3A_414 = tpu.memref_slice %arg2[%dma_wait3A_412, %dma_wait3A_413] : memref<2704000x32xf32, #tpu.memory_space<hbm>> -> memref<2704000x32xf32, #tpu.memory_space<hbm>>
    tpu.wait_indirect_dma semaphore(%arg11 : memref<!tpu.dma_semaphore, #tpu.memory_space<semaphore_mem>>) src(%dma_wait3A_414 : memref<2704000x32xf32, #tpu.memory_space<hbm>>) dst(%arg10 : memref<416x32xf32, #tpu.memory_space<vmem>>)
    %add3A_415 = arith.constant 416 : i32
    %add3A_416 = arith.addi %mul3A_9, %add3A_415 : i32
    %dma_start3A_417 = arith.constant 6 : i32
    %dma_start3A_418 = arith.constant 0 : i32
    %dma_start3A_419 = tpu.memref_slice %arg4[%add3A_416, %dma_start3A_417, %dma_start3A_418] : memref<26624x32x128xf32, #tpu.memory_space<hbm>> -> memref<416x1x32xf32, #tpu.memory_space<hbm>>
    %dma_start3A_420 = tpu.memref_squeeze %dma_start3A_419 : memref<416x1x32xf32, #tpu.memory_space<hbm>> -> memref<416x32xf32, #tpu.memory_space<hbm>>
    %dma_start3A_421 = arith.constant 0 : i32
    %dma_start3A_422 = tpu.memref_slice %arg4[%add3A_416, %dma_start3A_417, %dma_start3A_421] : memref<26624x32x128xf32, #tpu.memory_space<hbm>> -> memref<416x1x32xf32, #tpu.memory_space<hbm>>
    %dma_start3A_423 = tpu.memref_squeeze %dma_start3A_422 : memref<416x1x32xf32, #tpu.memory_space<hbm>> -> memref<416x32xf32, #tpu.memory_space<hbm>>
    tpu.enqueue_dma source(%arg10 : memref<416x32xf32, #tpu.memory_space<vmem>>) target(%dma_start3A_423 : memref<416x32xf32, #tpu.memory_space<hbm>>) target_semaphore(%arg13 : memref<!tpu.dma_semaphore, #tpu.memory_space<semaphore_mem>>)
    %scan3A_424 = arith.constant 0 : i32
    %scan3A_425 = arith.constant 0 : i32
    %scan3A_426 = arith.constant 52 : i32
    %scan3A_427 = arith.addi %scan3A_425, %scan3A_426 : i32
    %scan3A_428 = arith.constant 1 : i32
    scf.for %scan3A_1620 = %scan3A_425 to %scan3A_427 step %scan3A_428  : i32 {
      %mul3A_1621 = arith.constant 16 : i32
      %mul3A_1622 = arith.muli %scan3A_1620, %mul3A_1621 : i32
      %get3A = arith.index_cast %mul3A_1622 : i32 to index
      %get3A_1623 = tpu.vector_load %arg6[%get3A] {strides = array<i32>} : memref<832xi32, #tpu.memory_space<vmem>>, vector<16xi32>,
      %get3A_1624 = vector.shape_cast %get3A_1623 : vector<16xi32> to vector<16xi32>
      %add3A_1625 = arith.constant 182000 : i32
      %add3A_1626 = vector.broadcast %add3A_1625 : i32 to vector<16xi32>
      %add3A_1627 = arith.addi %get3A_1624, %add3A_1626 : vector<16xi32>
      %mul3A_1628 = arith.constant 4 : i32
      %mul3A_1629 = vector.broadcast %mul3A_1628 : i32 to vector<16xi32>
      %mul3A_1630 = arith.muli %add3A_1627, %mul3A_1629 : vector<16xi32>
      %mul3A_1631 = arith.constant 16 : i32
      %mul3A_1632 = arith.muli %scan3A_1620, %mul3A_1631 : i32
      %swap3A = arith.index_cast %mul3A_1632 : i32 to index
      %swap3A_1633 = tpu.vector_load %arg8[%swap3A] {strides = array<i32>} : memref<832xi32, #tpu.memory_space<vmem>>, vector<16xi32>,
      %swap3A_1634 = vector.shape_cast %swap3A_1633 : vector<16xi32> to vector<16xi32>
      %swap3A_1635 = vector.shape_cast %mul3A_1630 : vector<16xi32> to vector<16xi32>
      tpu.vector_store %arg8[%swap3A], %swap3A_1635 {strides = array<i32>} : memref<832xi32, #tpu.memory_space<vmem>>, vector<16xi32>,
    }
    %scan3A_429 = arith.constant 52 : i32
    %dma_wait3A_430 = arith.constant 0 : i32
    %dma_wait3A_431 = arith.constant 0 : i32
    %dma_wait3A_432 = arith.constant 0 : i32
    %dma_wait3A_433 = tpu.memref_slice %arg4[%dma_wait3A_431, %dma_wait3A_430, %dma_wait3A_432] : memref<26624x32x128xf32, #tpu.memory_space<hbm>> -> memref<416x1x32xf32, #tpu.memory_space<hbm>>
    %dma_wait3A_434 = tpu.memref_squeeze %dma_wait3A_433 : memref<416x1x32xf32, #tpu.memory_space<hbm>> -> memref<416x32xf32, #tpu.memory_space<hbm>>
    %dma_wait3A_435 = arith.constant 0 : i32
    %dma_wait3A_436 = arith.constant 0 : i32
    %dma_wait3A_437 = tpu.memref_slice %arg4[%dma_wait3A_435, %dma_wait3A_430, %dma_wait3A_436] : memref<26624x32x128xf32, #tpu.memory_space<hbm>> -> memref<416x1x32xf32, #tpu.memory_space<hbm>>
    %dma_wait3A_438 = tpu.memref_squeeze %dma_wait3A_437 : memref<416x1x32xf32, #tpu.memory_space<hbm>> -> memref<416x32xf32, #tpu.memory_space<hbm>>
    tpu.wait_dma2 semaphore(%arg12 : memref<!tpu.dma_semaphore, #tpu.memory_space<semaphore_mem>>) src(%arg9 : memref<416x32xf32, #tpu.memory_space<vmem>>) dst(%dma_wait3A_438 : memref<416x32xf32, #tpu.memory_space<hbm>>)
    %dma_start3A_439 = arith.constant 0 : i32
    %dma_start3A_440 = tpu.memref_slice %arg8[%dma_start3A_439] : memref<832xi32, #tpu.memory_space<vmem>> -> memref<416xi32, #tpu.memory_space<vmem>>
    %dma_start3A_441 = arith.constant 0 : i32
    %dma_start3A_442 = arith.constant 0 : i32
    %dma_start3A_443 = tpu.memref_slice %arg2[%dma_start3A_441, %dma_start3A_442] : memref<2704000x32xf32, #tpu.memory_space<hbm>> -> memref<2704000x32xf32, #tpu.memory_space<hbm>>
    tpu.enqueue_indirect_dma source(%dma_start3A_443 : memref<2704000x32xf32, #tpu.memory_space<hbm>>) target(%arg9 : memref<416x32xf32, #tpu.memory_space<vmem>>) offsets(%dma_start3A_440 : memref<416xi32, #tpu.memory_space<vmem>>) semaphore(%arg11 : memref<!tpu.dma_semaphore, #tpu.memory_space<semaphore_mem>>)
    %dma_wait3A_444 = arith.constant 0 : i32
    %dma_wait3A_445 = tpu.memref_slice %arg8[%dma_wait3A_444] : memref<832xi32, #tpu.memory_space<vmem>> -> memref<416xi32, #tpu.memory_space<vmem>>
    %dma_wait3A_446 = arith.constant 0 : i32
    %dma_wait3A_447 = arith.constant 0 : i32
    %dma_wait3A_448 = tpu.memref_slice %arg2[%dma_wait3A_446, %dma_wait3A_447] : memref<2704000x32xf32, #tpu.memory_space<hbm>> -> memref<2704000x32xf32, #tpu.memory_space<hbm>>
    tpu.wait_indirect_dma semaphore(%arg11 : memref<!tpu.dma_semaphore, #tpu.memory_space<semaphore_mem>>) src(%dma_wait3A_448 : memref<2704000x32xf32, #tpu.memory_space<hbm>>) dst(%arg9 : memref<416x32xf32, #tpu.memory_space<vmem>>)
    %add3A_449 = arith.constant 0 : i32
    %add3A_450 = arith.addi %mul3A_9, %add3A_449 : i32
    %dma_start3A_451 = arith.constant 7 : i32
    %dma_start3A_452 = arith.constant 0 : i32
    %dma_start3A_453 = tpu.memref_slice %arg4[%add3A_450, %dma_start3A_451, %dma_start3A_452] : memref<26624x32x128xf32, #tpu.memory_space<hbm>> -> memref<416x1x32xf32, #tpu.memory_space<hbm>>
    %dma_start3A_454 = tpu.memref_squeeze %dma_start3A_453 : memref<416x1x32xf32, #tpu.memory_space<hbm>> -> memref<416x32xf32, #tpu.memory_space<hbm>>
    %dma_start3A_455 = arith.constant 0 : i32
    %dma_start3A_456 = tpu.memref_slice %arg4[%add3A_450, %dma_start3A_451, %dma_start3A_455] : memref<26624x32x128xf32, #tpu.memory_space<hbm>> -> memref<416x1x32xf32, #tpu.memory_space<hbm>>
    %dma_start3A_457 = tpu.memref_squeeze %dma_start3A_456 : memref<416x1x32xf32, #tpu.memory_space<hbm>> -> memref<416x32xf32, #tpu.memory_space<hbm>>
    tpu.enqueue_dma source(%arg9 : memref<416x32xf32, #tpu.memory_space<vmem>>) target(%dma_start3A_457 : memref<416x32xf32, #tpu.memory_space<hbm>>) target_semaphore(%arg12 : memref<!tpu.dma_semaphore, #tpu.memory_space<semaphore_mem>>)
    %dma_wait3A_458 = arith.constant 0 : i32
    %dma_wait3A_459 = arith.constant 0 : i32
    %dma_wait3A_460 = arith.constant 0 : i32
    %dma_wait3A_461 = tpu.memref_slice %arg4[%dma_wait3A_459, %dma_wait3A_458, %dma_wait3A_460] : memref<26624x32x128xf32, #tpu.memory_space<hbm>> -> memref<416x1x32xf32, #tpu.memory_space<hbm>>
    %dma_wait3A_462 = tpu.memref_squeeze %dma_wait3A_461 : memref<416x1x32xf32, #tpu.memory_space<hbm>> -> memref<416x32xf32, #tpu.memory_space<hbm>>
    %dma_wait3A_463 = arith.constant 0 : i32
    %dma_wait3A_464 = arith.constant 0 : i32
    %dma_wait3A_465 = tpu.memref_slice %arg4[%dma_wait3A_463, %dma_wait3A_458, %dma_wait3A_464] : memref<26624x32x128xf32, #tpu.memory_space<hbm>> -> memref<416x1x32xf32, #tpu.memory_space<hbm>>
    %dma_wait3A_466 = tpu.memref_squeeze %dma_wait3A_465 : memref<416x1x32xf32, #tpu.memory_space<hbm>> -> memref<416x32xf32, #tpu.memory_space<hbm>>
    tpu.wait_dma2 semaphore(%arg13 : memref<!tpu.dma_semaphore, #tpu.memory_space<semaphore_mem>>) src(%arg10 : memref<416x32xf32, #tpu.memory_space<vmem>>) dst(%dma_wait3A_466 : memref<416x32xf32, #tpu.memory_space<hbm>>)
    %dma_start3A_467 = arith.constant 416 : i32
    %dma_start3A_468 = tpu.memref_slice %arg8[%dma_start3A_467] : memref<832xi32, #tpu.memory_space<vmem>> -> memref<416xi32, #tpu.memory_space<vmem>>
    %dma_start3A_469 = arith.constant 0 : i32
    %dma_start3A_470 = arith.constant 0 : i32
    %dma_start3A_471 = tpu.memref_slice %arg2[%dma_start3A_469, %dma_start3A_470] : memref<2704000x32xf32, #tpu.memory_space<hbm>> -> memref<2704000x32xf32, #tpu.memory_space<hbm>>
    tpu.enqueue_indirect_dma source(%dma_start3A_471 : memref<2704000x32xf32, #tpu.memory_space<hbm>>) target(%arg10 : memref<416x32xf32, #tpu.memory_space<vmem>>) offsets(%dma_start3A_468 : memref<416xi32, #tpu.memory_space<vmem>>) semaphore(%arg11 : memref<!tpu.dma_semaphore, #tpu.memory_space<semaphore_mem>>)
    %dma_wait3A_472 = arith.constant 416 : i32
    %dma_wait3A_473 = tpu.memref_slice %arg8[%dma_wait3A_472] : memref<832xi32, #tpu.memory_space<vmem>> -> memref<416xi32, #tpu.memory_space<vmem>>
    %dma_wait3A_474 = arith.constant 0 : i32
    %dma_wait3A_475 = arith.constant 0 : i32
    %dma_wait3A_476 = tpu.memref_slice %arg2[%dma_wait3A_474, %dma_wait3A_475] : memref<2704000x32xf32, #tpu.memory_space<hbm>> -> memref<2704000x32xf32, #tpu.memory_space<hbm>>
    tpu.wait_indirect_dma semaphore(%arg11 : memref<!tpu.dma_semaphore, #tpu.memory_space<semaphore_mem>>) src(%dma_wait3A_476 : memref<2704000x32xf32, #tpu.memory_space<hbm>>) dst(%arg10 : memref<416x32xf32, #tpu.memory_space<vmem>>)
    %add3A_477 = arith.constant 416 : i32
    %add3A_478 = arith.addi %mul3A_9, %add3A_477 : i32
    %dma_start3A_479 = arith.constant 7 : i32
    %dma_start3A_480 = arith.constant 0 : i32
    %dma_start3A_481 = tpu.memref_slice %arg4[%add3A_478, %dma_start3A_479, %dma_start3A_480] : memref<26624x32x128xf32, #tpu.memory_space<hbm>> -> memref<416x1x32xf32, #tpu.memory_space<hbm>>
    %dma_start3A_482 = tpu.memref_squeeze %dma_start3A_481 : memref<416x1x32xf32, #tpu.memory_space<hbm>> -> memref<416x32xf32, #tpu.memory_space<hbm>>
    %dma_start3A_483 = arith.constant 0 : i32
    %dma_start3A_484 = tpu.memref_slice %arg4[%add3A_478, %dma_start3A_479, %dma_start3A_483] : memref<26624x32x128xf32, #tpu.memory_space<hbm>> -> memref<416x1x32xf32, #tpu.memory_space<hbm>>
    %dma_start3A_485 = tpu.memref_squeeze %dma_start3A_484 : memref<416x1x32xf32, #tpu.memory_space<hbm>> -> memref<416x32xf32, #tpu.memory_space<hbm>>
    tpu.enqueue_dma source(%arg10 : memref<416x32xf32, #tpu.memory_space<vmem>>) target(%dma_start3A_485 : memref<416x32xf32, #tpu.memory_space<hbm>>) target_semaphore(%arg13 : memref<!tpu.dma_semaphore, #tpu.memory_space<semaphore_mem>>)
    %scan3A_486 = arith.constant 0 : i32
    %scan3A_487 = arith.constant 0 : i32
    %scan3A_488 = arith.constant 52 : i32
    %scan3A_489 = arith.addi %scan3A_487, %scan3A_488 : i32
    %scan3A_490 = arith.constant 1 : i32
    scf.for %scan3A_1620 = %scan3A_487 to %scan3A_489 step %scan3A_490  : i32 {
      %mul3A_1621 = arith.constant 16 : i32
      %mul3A_1622 = arith.muli %scan3A_1620, %mul3A_1621 : i32
      %get3A = arith.index_cast %mul3A_1622 : i32 to index
      %get3A_1623 = tpu.vector_load %arg6[%get3A] {strides = array<i32>} : memref<832xi32, #tpu.memory_space<vmem>>, vector<16xi32>,
      %get3A_1624 = vector.shape_cast %get3A_1623 : vector<16xi32> to vector<16xi32>
      %add3A_1625 = arith.constant 208000 : i32
      %add3A_1626 = vector.broadcast %add3A_1625 : i32 to vector<16xi32>
      %add3A_1627 = arith.addi %get3A_1624, %add3A_1626 : vector<16xi32>
      %mul3A_1628 = arith.constant 4 : i32
      %mul3A_1629 = vector.broadcast %mul3A_1628 : i32 to vector<16xi32>
      %mul3A_1630 = arith.muli %add3A_1627, %mul3A_1629 : vector<16xi32>
      %mul3A_1631 = arith.constant 16 : i32
      %mul3A_1632 = arith.muli %scan3A_1620, %mul3A_1631 : i32
      %swap3A = arith.index_cast %mul3A_1632 : i32 to index
      %swap3A_1633 = tpu.vector_load %arg7[%swap3A] {strides = array<i32>} : memref<832xi32, #tpu.memory_space<vmem>>, vector<16xi32>,
      %swap3A_1634 = vector.shape_cast %swap3A_1633 : vector<16xi32> to vector<16xi32>
      %swap3A_1635 = vector.shape_cast %mul3A_1630 : vector<16xi32> to vector<16xi32>
      tpu.vector_store %arg7[%swap3A], %swap3A_1635 {strides = array<i32>} : memref<832xi32, #tpu.memory_space<vmem>>, vector<16xi32>,
    }
    %scan3A_491 = arith.constant 52 : i32
    %dma_wait3A_492 = arith.constant 0 : i32
    %dma_wait3A_493 = arith.constant 0 : i32
    %dma_wait3A_494 = arith.constant 0 : i32
    %dma_wait3A_495 = tpu.memref_slice %arg4[%dma_wait3A_493, %dma_wait3A_492, %dma_wait3A_494] : memref<26624x32x128xf32, #tpu.memory_space<hbm>> -> memref<416x1x32xf32, #tpu.memory_space<hbm>>
    %dma_wait3A_496 = tpu.memref_squeeze %dma_wait3A_495 : memref<416x1x32xf32, #tpu.memory_space<hbm>> -> memref<416x32xf32, #tpu.memory_space<hbm>>
    %dma_wait3A_497 = arith.constant 0 : i32
    %dma_wait3A_498 = arith.constant 0 : i32
    %dma_wait3A_499 = tpu.memref_slice %arg4[%dma_wait3A_497, %dma_wait3A_492, %dma_wait3A_498] : memref<26624x32x128xf32, #tpu.memory_space<hbm>> -> memref<416x1x32xf32, #tpu.memory_space<hbm>>
    %dma_wait3A_500 = tpu.memref_squeeze %dma_wait3A_499 : memref<416x1x32xf32, #tpu.memory_space<hbm>> -> memref<416x32xf32, #tpu.memory_space<hbm>>
    tpu.wait_dma2 semaphore(%arg12 : memref<!tpu.dma_semaphore, #tpu.memory_space<semaphore_mem>>) src(%arg9 : memref<416x32xf32, #tpu.memory_space<vmem>>) dst(%dma_wait3A_500 : memref<416x32xf32, #tpu.memory_space<hbm>>)
    %dma_start3A_501 = arith.constant 0 : i32
    %dma_start3A_502 = tpu.memref_slice %arg7[%dma_start3A_501] : memref<832xi32, #tpu.memory_space<vmem>> -> memref<416xi32, #tpu.memory_space<vmem>>
    %dma_start3A_503 = arith.constant 0 : i32
    %dma_start3A_504 = arith.constant 0 : i32
    %dma_start3A_505 = tpu.memref_slice %arg2[%dma_start3A_503, %dma_start3A_504] : memref<2704000x32xf32, #tpu.memory_space<hbm>> -> memref<2704000x32xf32, #tpu.memory_space<hbm>>
    tpu.enqueue_indirect_dma source(%dma_start3A_505 : memref<2704000x32xf32, #tpu.memory_space<hbm>>) target(%arg9 : memref<416x32xf32, #tpu.memory_space<vmem>>) offsets(%dma_start3A_502 : memref<416xi32, #tpu.memory_space<vmem>>) semaphore(%arg11 : memref<!tpu.dma_semaphore, #tpu.memory_space<semaphore_mem>>)
    %dma_wait3A_506 = arith.constant 0 : i32
    %dma_wait3A_507 = tpu.memref_slice %arg7[%dma_wait3A_506] : memref<832xi32, #tpu.memory_space<vmem>> -> memref<416xi32, #tpu.memory_space<vmem>>
    %dma_wait3A_508 = arith.constant 0 : i32
    %dma_wait3A_509 = arith.constant 0 : i32
    %dma_wait3A_510 = tpu.memref_slice %arg2[%dma_wait3A_508, %dma_wait3A_509] : memref<2704000x32xf32, #tpu.memory_space<hbm>> -> memref<2704000x32xf32, #tpu.memory_space<hbm>>
    tpu.wait_indirect_dma semaphore(%arg11 : memref<!tpu.dma_semaphore, #tpu.memory_space<semaphore_mem>>) src(%dma_wait3A_510 : memref<2704000x32xf32, #tpu.memory_space<hbm>>) dst(%arg9 : memref<416x32xf32, #tpu.memory_space<vmem>>)
    %add3A_511 = arith.constant 0 : i32
    %add3A_512 = arith.addi %mul3A_9, %add3A_511 : i32
    %dma_start3A_513 = arith.constant 8 : i32
    %dma_start3A_514 = arith.constant 0 : i32
    %dma_start3A_515 = tpu.memref_slice %arg4[%add3A_512, %dma_start3A_513, %dma_start3A_514] : memref<26624x32x128xf32, #tpu.memory_space<hbm>> -> memref<416x1x32xf32, #tpu.memory_space<hbm>>
    %dma_start3A_516 = tpu.memref_squeeze %dma_start3A_515 : memref<416x1x32xf32, #tpu.memory_space<hbm>> -> memref<416x32xf32, #tpu.memory_space<hbm>>
    %dma_start3A_517 = arith.constant 0 : i32
    %dma_start3A_518 = tpu.memref_slice %arg4[%add3A_512, %dma_start3A_513, %dma_start3A_517] : memref<26624x32x128xf32, #tpu.memory_space<hbm>> -> memref<416x1x32xf32, #tpu.memory_space<hbm>>
    %dma_start3A_519 = tpu.memref_squeeze %dma_start3A_518 : memref<416x1x32xf32, #tpu.memory_space<hbm>> -> memref<416x32xf32, #tpu.memory_space<hbm>>
    tpu.enqueue_dma source(%arg9 : memref<416x32xf32, #tpu.memory_space<vmem>>) target(%dma_start3A_519 : memref<416x32xf32, #tpu.memory_space<hbm>>) target_semaphore(%arg12 : memref<!tpu.dma_semaphore, #tpu.memory_space<semaphore_mem>>)
    %dma_wait3A_520 = arith.constant 0 : i32
    %dma_wait3A_521 = arith.constant 0 : i32
    %dma_wait3A_522 = arith.constant 0 : i32
    %dma_wait3A_523 = tpu.memref_slice %arg4[%dma_wait3A_521, %dma_wait3A_520, %dma_wait3A_522] : memref<26624x32x128xf32, #tpu.memory_space<hbm>> -> memref<416x1x32xf32, #tpu.memory_space<hbm>>
    %dma_wait3A_524 = tpu.memref_squeeze %dma_wait3A_523 : memref<416x1x32xf32, #tpu.memory_space<hbm>> -> memref<416x32xf32, #tpu.memory_space<hbm>>
    %dma_wait3A_525 = arith.constant 0 : i32
    %dma_wait3A_526 = arith.constant 0 : i32
    %dma_wait3A_527 = tpu.memref_slice %arg4[%dma_wait3A_525, %dma_wait3A_520, %dma_wait3A_526] : memref<26624x32x128xf32, #tpu.memory_space<hbm>> -> memref<416x1x32xf32, #tpu.memory_space<hbm>>
    %dma_wait3A_528 = tpu.memref_squeeze %dma_wait3A_527 : memref<416x1x32xf32, #tpu.memory_space<hbm>> -> memref<416x32xf32, #tpu.memory_space<hbm>>
    tpu.wait_dma2 semaphore(%arg13 : memref<!tpu.dma_semaphore, #tpu.memory_space<semaphore_mem>>) src(%arg10 : memref<416x32xf32, #tpu.memory_space<vmem>>) dst(%dma_wait3A_528 : memref<416x32xf32, #tpu.memory_space<hbm>>)
    %dma_start3A_529 = arith.constant 416 : i32
    %dma_start3A_530 = tpu.memref_slice %arg7[%dma_start3A_529] : memref<832xi32, #tpu.memory_space<vmem>> -> memref<416xi32, #tpu.memory_space<vmem>>
    %dma_start3A_531 = arith.constant 0 : i32
    %dma_start3A_532 = arith.constant 0 : i32
    %dma_start3A_533 = tpu.memref_slice %arg2[%dma_start3A_531, %dma_start3A_532] : memref<2704000x32xf32, #tpu.memory_space<hbm>> -> memref<2704000x32xf32, #tpu.memory_space<hbm>>
    tpu.enqueue_indirect_dma source(%dma_start3A_533 : memref<2704000x32xf32, #tpu.memory_space<hbm>>) target(%arg10 : memref<416x32xf32, #tpu.memory_space<vmem>>) offsets(%dma_start3A_530 : memref<416xi32, #tpu.memory_space<vmem>>) semaphore(%arg11 : memref<!tpu.dma_semaphore, #tpu.memory_space<semaphore_mem>>)
    %dma_wait3A_534 = arith.constant 416 : i32
    %dma_wait3A_535 = tpu.memref_slice %arg7[%dma_wait3A_534] : memref<832xi32, #tpu.memory_space<vmem>> -> memref<416xi32, #tpu.memory_space<vmem>>
    %dma_wait3A_536 = arith.constant 0 : i32
    %dma_wait3A_537 = arith.constant 0 : i32
    %dma_wait3A_538 = tpu.memref_slice %arg2[%dma_wait3A_536, %dma_wait3A_537] : memref<2704000x32xf32, #tpu.memory_space<hbm>> -> memref<2704000x32xf32, #tpu.memory_space<hbm>>
    tpu.wait_indirect_dma semaphore(%arg11 : memref<!tpu.dma_semaphore, #tpu.memory_space<semaphore_mem>>) src(%dma_wait3A_538 : memref<2704000x32xf32, #tpu.memory_space<hbm>>) dst(%arg10 : memref<416x32xf32, #tpu.memory_space<vmem>>)
    %add3A_539 = arith.constant 416 : i32
    %add3A_540 = arith.addi %mul3A_9, %add3A_539 : i32
    %dma_start3A_541 = arith.constant 8 : i32
    %dma_start3A_542 = arith.constant 0 : i32
    %dma_start3A_543 = tpu.memref_slice %arg4[%add3A_540, %dma_start3A_541, %dma_start3A_542] : memref<26624x32x128xf32, #tpu.memory_space<hbm>> -> memref<416x1x32xf32, #tpu.memory_space<hbm>>
    %dma_start3A_544 = tpu.memref_squeeze %dma_start3A_543 : memref<416x1x32xf32, #tpu.memory_space<hbm>> -> memref<416x32xf32, #tpu.memory_space<hbm>>
    %dma_start3A_545 = arith.constant 0 : i32
    %dma_start3A_546 = tpu.memref_slice %arg4[%add3A_540, %dma_start3A_541, %dma_start3A_545] : memref<26624x32x128xf32, #tpu.memory_space<hbm>> -> memref<416x1x32xf32, #tpu.memory_space<hbm>>
    %dma_start3A_547 = tpu.memref_squeeze %dma_start3A_546 : memref<416x1x32xf32, #tpu.memory_space<hbm>> -> memref<416x32xf32, #tpu.memory_space<hbm>>
    tpu.enqueue_dma source(%arg10 : memref<416x32xf32, #tpu.memory_space<vmem>>) target(%dma_start3A_547 : memref<416x32xf32, #tpu.memory_space<hbm>>) target_semaphore(%arg13 : memref<!tpu.dma_semaphore, #tpu.memory_space<semaphore_mem>>)
    %scan3A_548 = arith.constant 0 : i32
    %scan3A_549 = arith.constant 0 : i32
    %scan3A_550 = arith.constant 52 : i32
    %scan3A_551 = arith.addi %scan3A_549, %scan3A_550 : i32
    %scan3A_552 = arith.constant 1 : i32
    scf.for %scan3A_1620 = %scan3A_549 to %scan3A_551 step %scan3A_552  : i32 {
      %mul3A_1621 = arith.constant 16 : i32
      %mul3A_1622 = arith.muli %scan3A_1620, %mul3A_1621 : i32
      %get3A = arith.index_cast %mul3A_1622 : i32 to index
      %get3A_1623 = tpu.vector_load %arg6[%get3A] {strides = array<i32>} : memref<832xi32, #tpu.memory_space<vmem>>, vector<16xi32>,
      %get3A_1624 = vector.shape_cast %get3A_1623 : vector<16xi32> to vector<16xi32>
      %add3A_1625 = arith.constant 234000 : i32
      %add3A_1626 = vector.broadcast %add3A_1625 : i32 to vector<16xi32>
      %add3A_1627 = arith.addi %get3A_1624, %add3A_1626 : vector<16xi32>
      %mul3A_1628 = arith.constant 4 : i32
      %mul3A_1629 = vector.broadcast %mul3A_1628 : i32 to vector<16xi32>
      %mul3A_1630 = arith.muli %add3A_1627, %mul3A_1629 : vector<16xi32>
      %mul3A_1631 = arith.constant 16 : i32
      %mul3A_1632 = arith.muli %scan3A_1620, %mul3A_1631 : i32
      %swap3A = arith.index_cast %mul3A_1632 : i32 to index
      %swap3A_1633 = tpu.vector_load %arg8[%swap3A] {strides = array<i32>} : memref<832xi32, #tpu.memory_space<vmem>>, vector<16xi32>,
      %swap3A_1634 = vector.shape_cast %swap3A_1633 : vector<16xi32> to vector<16xi32>
      %swap3A_1635 = vector.shape_cast %mul3A_1630 : vector<16xi32> to vector<16xi32>
      tpu.vector_store %arg8[%swap3A], %swap3A_1635 {strides = array<i32>} : memref<832xi32, #tpu.memory_space<vmem>>, vector<16xi32>,
    }
    %scan3A_553 = arith.constant 52 : i32
    %dma_wait3A_554 = arith.constant 0 : i32
    %dma_wait3A_555 = arith.constant 0 : i32
    %dma_wait3A_556 = arith.constant 0 : i32
    %dma_wait3A_557 = tpu.memref_slice %arg4[%dma_wait3A_555, %dma_wait3A_554, %dma_wait3A_556] : memref<26624x32x128xf32, #tpu.memory_space<hbm>> -> memref<416x1x32xf32, #tpu.memory_space<hbm>>
    %dma_wait3A_558 = tpu.memref_squeeze %dma_wait3A_557 : memref<416x1x32xf32, #tpu.memory_space<hbm>> -> memref<416x32xf32, #tpu.memory_space<hbm>>
    %dma_wait3A_559 = arith.constant 0 : i32
    %dma_wait3A_560 = arith.constant 0 : i32
    %dma_wait3A_561 = tpu.memref_slice %arg4[%dma_wait3A_559, %dma_wait3A_554, %dma_wait3A_560] : memref<26624x32x128xf32, #tpu.memory_space<hbm>> -> memref<416x1x32xf32, #tpu.memory_space<hbm>>
    %dma_wait3A_562 = tpu.memref_squeeze %dma_wait3A_561 : memref<416x1x32xf32, #tpu.memory_space<hbm>> -> memref<416x32xf32, #tpu.memory_space<hbm>>
    tpu.wait_dma2 semaphore(%arg12 : memref<!tpu.dma_semaphore, #tpu.memory_space<semaphore_mem>>) src(%arg9 : memref<416x32xf32, #tpu.memory_space<vmem>>) dst(%dma_wait3A_562 : memref<416x32xf32, #tpu.memory_space<hbm>>)
    %dma_start3A_563 = arith.constant 0 : i32
    %dma_start3A_564 = tpu.memref_slice %arg8[%dma_start3A_563] : memref<832xi32, #tpu.memory_space<vmem>> -> memref<416xi32, #tpu.memory_space<vmem>>
    %dma_start3A_565 = arith.constant 0 : i32
    %dma_start3A_566 = arith.constant 0 : i32
    %dma_start3A_567 = tpu.memref_slice %arg2[%dma_start3A_565, %dma_start3A_566] : memref<2704000x32xf32, #tpu.memory_space<hbm>> -> memref<2704000x32xf32, #tpu.memory_space<hbm>>
    tpu.enqueue_indirect_dma source(%dma_start3A_567 : memref<2704000x32xf32, #tpu.memory_space<hbm>>) target(%arg9 : memref<416x32xf32, #tpu.memory_space<vmem>>) offsets(%dma_start3A_564 : memref<416xi32, #tpu.memory_space<vmem>>) semaphore(%arg11 : memref<!tpu.dma_semaphore, #tpu.memory_space<semaphore_mem>>)
    %dma_wait3A_568 = arith.constant 0 : i32
    %dma_wait3A_569 = tpu.memref_slice %arg8[%dma_wait3A_568] : memref<832xi32, #tpu.memory_space<vmem>> -> memref<416xi32, #tpu.memory_space<vmem>>
    %dma_wait3A_570 = arith.constant 0 : i32
    %dma_wait3A_571 = arith.constant 0 : i32
    %dma_wait3A_572 = tpu.memref_slice %arg2[%dma_wait3A_570, %dma_wait3A_571] : memref<2704000x32xf32, #tpu.memory_space<hbm>> -> memref<2704000x32xf32, #tpu.memory_space<hbm>>
    tpu.wait_indirect_dma semaphore(%arg11 : memref<!tpu.dma_semaphore, #tpu.memory_space<semaphore_mem>>) src(%dma_wait3A_572 : memref<2704000x32xf32, #tpu.memory_space<hbm>>) dst(%arg9 : memref<416x32xf32, #tpu.memory_space<vmem>>)
    %add3A_573 = arith.constant 0 : i32
    %add3A_574 = arith.addi %mul3A_9, %add3A_573 : i32
    %dma_start3A_575 = arith.constant 9 : i32
    %dma_start3A_576 = arith.constant 0 : i32
    %dma_start3A_577 = tpu.memref_slice %arg4[%add3A_574, %dma_start3A_575, %dma_start3A_576] : memref<26624x32x128xf32, #tpu.memory_space<hbm>> -> memref<416x1x32xf32, #tpu.memory_space<hbm>>
    %dma_start3A_578 = tpu.memref_squeeze %dma_start3A_577 : memref<416x1x32xf32, #tpu.memory_space<hbm>> -> memref<416x32xf32, #tpu.memory_space<hbm>>
    %dma_start3A_579 = arith.constant 0 : i32
    %dma_start3A_580 = tpu.memref_slice %arg4[%add3A_574, %dma_start3A_575, %dma_start3A_579] : memref<26624x32x128xf32, #tpu.memory_space<hbm>> -> memref<416x1x32xf32, #tpu.memory_space<hbm>>
    %dma_start3A_581 = tpu.memref_squeeze %dma_start3A_580 : memref<416x1x32xf32, #tpu.memory_space<hbm>> -> memref<416x32xf32, #tpu.memory_space<hbm>>
    tpu.enqueue_dma source(%arg9 : memref<416x32xf32, #tpu.memory_space<vmem>>) target(%dma_start3A_581 : memref<416x32xf32, #tpu.memory_space<hbm>>) target_semaphore(%arg12 : memref<!tpu.dma_semaphore, #tpu.memory_space<semaphore_mem>>)
    %dma_wait3A_582 = arith.constant 0 : i32
    %dma_wait3A_583 = arith.constant 0 : i32
    %dma_wait3A_584 = arith.constant 0 : i32
    %dma_wait3A_585 = tpu.memref_slice %arg4[%dma_wait3A_583, %dma_wait3A_582, %dma_wait3A_584] : memref<26624x32x128xf32, #tpu.memory_space<hbm>> -> memref<416x1x32xf32, #tpu.memory_space<hbm>>
    %dma_wait3A_586 = tpu.memref_squeeze %dma_wait3A_585 : memref<416x1x32xf32, #tpu.memory_space<hbm>> -> memref<416x32xf32, #tpu.memory_space<hbm>>
    %dma_wait3A_587 = arith.constant 0 : i32
    %dma_wait3A_588 = arith.constant 0 : i32
    %dma_wait3A_589 = tpu.memref_slice %arg4[%dma_wait3A_587, %dma_wait3A_582, %dma_wait3A_588] : memref<26624x32x128xf32, #tpu.memory_space<hbm>> -> memref<416x1x32xf32, #tpu.memory_space<hbm>>
    %dma_wait3A_590 = tpu.memref_squeeze %dma_wait3A_589 : memref<416x1x32xf32, #tpu.memory_space<hbm>> -> memref<416x32xf32, #tpu.memory_space<hbm>>
    tpu.wait_dma2 semaphore(%arg13 : memref<!tpu.dma_semaphore, #tpu.memory_space<semaphore_mem>>) src(%arg10 : memref<416x32xf32, #tpu.memory_space<vmem>>) dst(%dma_wait3A_590 : memref<416x32xf32, #tpu.memory_space<hbm>>)
    %dma_start3A_591 = arith.constant 416 : i32
    %dma_start3A_592 = tpu.memref_slice %arg8[%dma_start3A_591] : memref<832xi32, #tpu.memory_space<vmem>> -> memref<416xi32, #tpu.memory_space<vmem>>
    %dma_start3A_593 = arith.constant 0 : i32
    %dma_start3A_594 = arith.constant 0 : i32
    %dma_start3A_595 = tpu.memref_slice %arg2[%dma_start3A_593, %dma_start3A_594] : memref<2704000x32xf32, #tpu.memory_space<hbm>> -> memref<2704000x32xf32, #tpu.memory_space<hbm>>
    tpu.enqueue_indirect_dma source(%dma_start3A_595 : memref<2704000x32xf32, #tpu.memory_space<hbm>>) target(%arg10 : memref<416x32xf32, #tpu.memory_space<vmem>>) offsets(%dma_start3A_592 : memref<416xi32, #tpu.memory_space<vmem>>) semaphore(%arg11 : memref<!tpu.dma_semaphore, #tpu.memory_space<semaphore_mem>>)
    %dma_wait3A_596 = arith.constant 416 : i32
    %dma_wait3A_597 = tpu.memref_slice %arg8[%dma_wait3A_596] : memref<832xi32, #tpu.memory_space<vmem>> -> memref<416xi32, #tpu.memory_space<vmem>>
    %dma_wait3A_598 = arith.constant 0 : i32
    %dma_wait3A_599 = arith.constant 0 : i32
    %dma_wait3A_600 = tpu.memref_slice %arg2[%dma_wait3A_598, %dma_wait3A_599] : memref<2704000x32xf32, #tpu.memory_space<hbm>> -> memref<2704000x32xf32, #tpu.memory_space<hbm>>
    tpu.wait_indirect_dma semaphore(%arg11 : memref<!tpu.dma_semaphore, #tpu.memory_space<semaphore_mem>>) src(%dma_wait3A_600 : memref<2704000x32xf32, #tpu.memory_space<hbm>>) dst(%arg10 : memref<416x32xf32, #tpu.memory_space<vmem>>)
    %add3A_601 = arith.constant 416 : i32
    %add3A_602 = arith.addi %mul3A_9, %add3A_601 : i32
    %dma_start3A_603 = arith.constant 9 : i32
    %dma_start3A_604 = arith.constant 0 : i32
    %dma_start3A_605 = tpu.memref_slice %arg4[%add3A_602, %dma_start3A_603, %dma_start3A_604] : memref<26624x32x128xf32, #tpu.memory_space<hbm>> -> memref<416x1x32xf32, #tpu.memory_space<hbm>>
    %dma_start3A_606 = tpu.memref_squeeze %dma_start3A_605 : memref<416x1x32xf32, #tpu.memory_space<hbm>> -> memref<416x32xf32, #tpu.memory_space<hbm>>
    %dma_start3A_607 = arith.constant 0 : i32
    %dma_start3A_608 = tpu.memref_slice %arg4[%add3A_602, %dma_start3A_603, %dma_start3A_607] : memref<26624x32x128xf32, #tpu.memory_space<hbm>> -> memref<416x1x32xf32, #tpu.memory_space<hbm>>
    %dma_start3A_609 = tpu.memref_squeeze %dma_start3A_608 : memref<416x1x32xf32, #tpu.memory_space<hbm>> -> memref<416x32xf32, #tpu.memory_space<hbm>>
    tpu.enqueue_dma source(%arg10 : memref<416x32xf32, #tpu.memory_space<vmem>>) target(%dma_start3A_609 : memref<416x32xf32, #tpu.memory_space<hbm>>) target_semaphore(%arg13 : memref<!tpu.dma_semaphore, #tpu.memory_space<semaphore_mem>>)
    %scan3A_610 = arith.constant 0 : i32
    %scan3A_611 = arith.constant 0 : i32
    %scan3A_612 = arith.constant 52 : i32
    %scan3A_613 = arith.addi %scan3A_611, %scan3A_612 : i32
    %scan3A_614 = arith.constant 1 : i32
    scf.for %scan3A_1620 = %scan3A_611 to %scan3A_613 step %scan3A_614  : i32 {
      %mul3A_1621 = arith.constant 16 : i32
      %mul3A_1622 = arith.muli %scan3A_1620, %mul3A_1621 : i32
      %get3A = arith.index_cast %mul3A_1622 : i32 to index
      %get3A_1623 = tpu.vector_load %arg6[%get3A] {strides = array<i32>} : memref<832xi32, #tpu.memory_space<vmem>>, vector<16xi32>,
      %get3A_1624 = vector.shape_cast %get3A_1623 : vector<16xi32> to vector<16xi32>
      %add3A_1625 = arith.constant 260000 : i32
      %add3A_1626 = vector.broadcast %add3A_1625 : i32 to vector<16xi32>
      %add3A_1627 = arith.addi %get3A_1624, %add3A_1626 : vector<16xi32>
      %mul3A_1628 = arith.constant 4 : i32
      %mul3A_1629 = vector.broadcast %mul3A_1628 : i32 to vector<16xi32>
      %mul3A_1630 = arith.muli %add3A_1627, %mul3A_1629 : vector<16xi32>
      %mul3A_1631 = arith.constant 16 : i32
      %mul3A_1632 = arith.muli %scan3A_1620, %mul3A_1631 : i32
      %swap3A = arith.index_cast %mul3A_1632 : i32 to index
      %swap3A_1633 = tpu.vector_load %arg7[%swap3A] {strides = array<i32>} : memref<832xi32, #tpu.memory_space<vmem>>, vector<16xi32>,
      %swap3A_1634 = vector.shape_cast %swap3A_1633 : vector<16xi32> to vector<16xi32>
      %swap3A_1635 = vector.shape_cast %mul3A_1630 : vector<16xi32> to vector<16xi32>
      tpu.vector_store %arg7[%swap3A], %swap3A_1635 {strides = array<i32>} : memref<832xi32, #tpu.memory_space<vmem>>, vector<16xi32>,
    }
    %scan3A_615 = arith.constant 52 : i32
    %dma_wait3A_616 = arith.constant 0 : i32
    %dma_wait3A_617 = arith.constant 0 : i32
    %dma_wait3A_618 = arith.constant 0 : i32
    %dma_wait3A_619 = tpu.memref_slice %arg4[%dma_wait3A_617, %dma_wait3A_616, %dma_wait3A_618] : memref<26624x32x128xf32, #tpu.memory_space<hbm>> -> memref<416x1x32xf32, #tpu.memory_space<hbm>>
    %dma_wait3A_620 = tpu.memref_squeeze %dma_wait3A_619 : memref<416x1x32xf32, #tpu.memory_space<hbm>> -> memref<416x32xf32, #tpu.memory_space<hbm>>
    %dma_wait3A_621 = arith.constant 0 : i32
    %dma_wait3A_622 = arith.constant 0 : i32
    %dma_wait3A_623 = tpu.memref_slice %arg4[%dma_wait3A_621, %dma_wait3A_616, %dma_wait3A_622] : memref<26624x32x128xf32, #tpu.memory_space<hbm>> -> memref<416x1x32xf32, #tpu.memory_space<hbm>>
    %dma_wait3A_624 = tpu.memref_squeeze %dma_wait3A_623 : memref<416x1x32xf32, #tpu.memory_space<hbm>> -> memref<416x32xf32, #tpu.memory_space<hbm>>
    tpu.wait_dma2 semaphore(%arg12 : memref<!tpu.dma_semaphore, #tpu.memory_space<semaphore_mem>>) src(%arg9 : memref<416x32xf32, #tpu.memory_space<vmem>>) dst(%dma_wait3A_624 : memref<416x32xf32, #tpu.memory_space<hbm>>)
    %dma_start3A_625 = arith.constant 0 : i32
    %dma_start3A_626 = tpu.memref_slice %arg7[%dma_start3A_625] : memref<832xi32, #tpu.memory_space<vmem>> -> memref<416xi32, #tpu.memory_space<vmem>>
    %dma_start3A_627 = arith.constant 0 : i32
    %dma_start3A_628 = arith.constant 0 : i32
    %dma_start3A_629 = tpu.memref_slice %arg2[%dma_start3A_627, %dma_start3A_628] : memref<2704000x32xf32, #tpu.memory_space<hbm>> -> memref<2704000x32xf32, #tpu.memory_space<hbm>>
    tpu.enqueue_indirect_dma source(%dma_start3A_629 : memref<2704000x32xf32, #tpu.memory_space<hbm>>) target(%arg9 : memref<416x32xf32, #tpu.memory_space<vmem>>) offsets(%dma_start3A_626 : memref<416xi32, #tpu.memory_space<vmem>>) semaphore(%arg11 : memref<!tpu.dma_semaphore, #tpu.memory_space<semaphore_mem>>)
    %dma_wait3A_630 = arith.constant 0 : i32
    %dma_wait3A_631 = tpu.memref_slice %arg7[%dma_wait3A_630] : memref<832xi32, #tpu.memory_space<vmem>> -> memref<416xi32, #tpu.memory_space<vmem>>
    %dma_wait3A_632 = arith.constant 0 : i32
    %dma_wait3A_633 = arith.constant 0 : i32
    %dma_wait3A_634 = tpu.memref_slice %arg2[%dma_wait3A_632, %dma_wait3A_633] : memref<2704000x32xf32, #tpu.memory_space<hbm>> -> memref<2704000x32xf32, #tpu.memory_space<hbm>>
    tpu.wait_indirect_dma semaphore(%arg11 : memref<!tpu.dma_semaphore, #tpu.memory_space<semaphore_mem>>) src(%dma_wait3A_634 : memref<2704000x32xf32, #tpu.memory_space<hbm>>) dst(%arg9 : memref<416x32xf32, #tpu.memory_space<vmem>>)
    %add3A_635 = arith.constant 0 : i32
    %add3A_636 = arith.addi %mul3A_9, %add3A_635 : i32
    %dma_start3A_637 = arith.constant 10 : i32
    %dma_start3A_638 = arith.constant 0 : i32
    %dma_start3A_639 = tpu.memref_slice %arg4[%add3A_636, %dma_start3A_637, %dma_start3A_638] : memref<26624x32x128xf32, #tpu.memory_space<hbm>> -> memref<416x1x32xf32, #tpu.memory_space<hbm>>
    %dma_start3A_640 = tpu.memref_squeeze %dma_start3A_639 : memref<416x1x32xf32, #tpu.memory_space<hbm>> -> memref<416x32xf32, #tpu.memory_space<hbm>>
    %dma_start3A_641 = arith.constant 0 : i32
    %dma_start3A_642 = tpu.memref_slice %arg4[%add3A_636, %dma_start3A_637, %dma_start3A_641] : memref<26624x32x128xf32, #tpu.memory_space<hbm>> -> memref<416x1x32xf32, #tpu.memory_space<hbm>>
    %dma_start3A_643 = tpu.memref_squeeze %dma_start3A_642 : memref<416x1x32xf32, #tpu.memory_space<hbm>> -> memref<416x32xf32, #tpu.memory_space<hbm>>
    tpu.enqueue_dma source(%arg9 : memref<416x32xf32, #tpu.memory_space<vmem>>) target(%dma_start3A_643 : memref<416x32xf32, #tpu.memory_space<hbm>>) target_semaphore(%arg12 : memref<!tpu.dma_semaphore, #tpu.memory_space<semaphore_mem>>)
    %dma_wait3A_644 = arith.constant 0 : i32
    %dma_wait3A_645 = arith.constant 0 : i32
    %dma_wait3A_646 = arith.constant 0 : i32
    %dma_wait3A_647 = tpu.memref_slice %arg4[%dma_wait3A_645, %dma_wait3A_644, %dma_wait3A_646] : memref<26624x32x128xf32, #tpu.memory_space<hbm>> -> memref<416x1x32xf32, #tpu.memory_space<hbm>>
    %dma_wait3A_648 = tpu.memref_squeeze %dma_wait3A_647 : memref<416x1x32xf32, #tpu.memory_space<hbm>> -> memref<416x32xf32, #tpu.memory_space<hbm>>
    %dma_wait3A_649 = arith.constant 0 : i32
    %dma_wait3A_650 = arith.constant 0 : i32
    %dma_wait3A_651 = tpu.memref_slice %arg4[%dma_wait3A_649, %dma_wait3A_644, %dma_wait3A_650] : memref<26624x32x128xf32, #tpu.memory_space<hbm>> -> memref<416x1x32xf32, #tpu.memory_space<hbm>>
    %dma_wait3A_652 = tpu.memref_squeeze %dma_wait3A_651 : memref<416x1x32xf32, #tpu.memory_space<hbm>> -> memref<416x32xf32, #tpu.memory_space<hbm>>
    tpu.wait_dma2 semaphore(%arg13 : memref<!tpu.dma_semaphore, #tpu.memory_space<semaphore_mem>>) src(%arg10 : memref<416x32xf32, #tpu.memory_space<vmem>>) dst(%dma_wait3A_652 : memref<416x32xf32, #tpu.memory_space<hbm>>)
    %dma_start3A_653 = arith.constant 416 : i32
    %dma_start3A_654 = tpu.memref_slice %arg7[%dma_start3A_653] : memref<832xi32, #tpu.memory_space<vmem>> -> memref<416xi32, #tpu.memory_space<vmem>>
    %dma_start3A_655 = arith.constant 0 : i32
    %dma_start3A_656 = arith.constant 0 : i32
    %dma_start3A_657 = tpu.memref_slice %arg2[%dma_start3A_655, %dma_start3A_656] : memref<2704000x32xf32, #tpu.memory_space<hbm>> -> memref<2704000x32xf32, #tpu.memory_space<hbm>>
    tpu.enqueue_indirect_dma source(%dma_start3A_657 : memref<2704000x32xf32, #tpu.memory_space<hbm>>) target(%arg10 : memref<416x32xf32, #tpu.memory_space<vmem>>) offsets(%dma_start3A_654 : memref<416xi32, #tpu.memory_space<vmem>>) semaphore(%arg11 : memref<!tpu.dma_semaphore, #tpu.memory_space<semaphore_mem>>)
    %dma_wait3A_658 = arith.constant 416 : i32
    %dma_wait3A_659 = tpu.memref_slice %arg7[%dma_wait3A_658] : memref<832xi32, #tpu.memory_space<vmem>> -> memref<416xi32, #tpu.memory_space<vmem>>
    %dma_wait3A_660 = arith.constant 0 : i32
    %dma_wait3A_661 = arith.constant 0 : i32
    %dma_wait3A_662 = tpu.memref_slice %arg2[%dma_wait3A_660, %dma_wait3A_661] : memref<2704000x32xf32, #tpu.memory_space<hbm>> -> memref<2704000x32xf32, #tpu.memory_space<hbm>>
    tpu.wait_indirect_dma semaphore(%arg11 : memref<!tpu.dma_semaphore, #tpu.memory_space<semaphore_mem>>) src(%dma_wait3A_662 : memref<2704000x32xf32, #tpu.memory_space<hbm>>) dst(%arg10 : memref<416x32xf32, #tpu.memory_space<vmem>>)
    %add3A_663 = arith.constant 416 : i32
    %add3A_664 = arith.addi %mul3A_9, %add3A_663 : i32
    %dma_start3A_665 = arith.constant 10 : i32
    %dma_start3A_666 = arith.constant 0 : i32
    %dma_start3A_667 = tpu.memref_slice %arg4[%add3A_664, %dma_start3A_665, %dma_start3A_666] : memref<26624x32x128xf32, #tpu.memory_space<hbm>> -> memref<416x1x32xf32, #tpu.memory_space<hbm>>
    %dma_start3A_668 = tpu.memref_squeeze %dma_start3A_667 : memref<416x1x32xf32, #tpu.memory_space<hbm>> -> memref<416x32xf32, #tpu.memory_space<hbm>>
    %dma_start3A_669 = arith.constant 0 : i32
    %dma_start3A_670 = tpu.memref_slice %arg4[%add3A_664, %dma_start3A_665, %dma_start3A_669] : memref<26624x32x128xf32, #tpu.memory_space<hbm>> -> memref<416x1x32xf32, #tpu.memory_space<hbm>>
    %dma_start3A_671 = tpu.memref_squeeze %dma_start3A_670 : memref<416x1x32xf32, #tpu.memory_space<hbm>> -> memref<416x32xf32, #tpu.memory_space<hbm>>
    tpu.enqueue_dma source(%arg10 : memref<416x32xf32, #tpu.memory_space<vmem>>) target(%dma_start3A_671 : memref<416x32xf32, #tpu.memory_space<hbm>>) target_semaphore(%arg13 : memref<!tpu.dma_semaphore, #tpu.memory_space<semaphore_mem>>)
    %scan3A_672 = arith.constant 0 : i32
    %scan3A_673 = arith.constant 0 : i32
    %scan3A_674 = arith.constant 52 : i32
    %scan3A_675 = arith.addi %scan3A_673, %scan3A_674 : i32
    %scan3A_676 = arith.constant 1 : i32
    scf.for %scan3A_1620 = %scan3A_673 to %scan3A_675 step %scan3A_676  : i32 {
      %mul3A_1621 = arith.constant 16 : i32
      %mul3A_1622 = arith.muli %scan3A_1620, %mul3A_1621 : i32
      %get3A = arith.index_cast %mul3A_1622 : i32 to index
      %get3A_1623 = tpu.vector_load %arg6[%get3A] {strides = array<i32>} : memref<832xi32, #tpu.memory_space<vmem>>, vector<16xi32>,
      %get3A_1624 = vector.shape_cast %get3A_1623 : vector<16xi32> to vector<16xi32>
      %add3A_1625 = arith.constant 286000 : i32
      %add3A_1626 = vector.broadcast %add3A_1625 : i32 to vector<16xi32>
      %add3A_1627 = arith.addi %get3A_1624, %add3A_1626 : vector<16xi32>
      %mul3A_1628 = arith.constant 4 : i32
      %mul3A_1629 = vector.broadcast %mul3A_1628 : i32 to vector<16xi32>
      %mul3A_1630 = arith.muli %add3A_1627, %mul3A_1629 : vector<16xi32>
      %mul3A_1631 = arith.constant 16 : i32
      %mul3A_1632 = arith.muli %scan3A_1620, %mul3A_1631 : i32
      %swap3A = arith.index_cast %mul3A_1632 : i32 to index
      %swap3A_1633 = tpu.vector_load %arg8[%swap3A] {strides = array<i32>} : memref<832xi32, #tpu.memory_space<vmem>>, vector<16xi32>,
      %swap3A_1634 = vector.shape_cast %swap3A_1633 : vector<16xi32> to vector<16xi32>
      %swap3A_1635 = vector.shape_cast %mul3A_1630 : vector<16xi32> to vector<16xi32>
      tpu.vector_store %arg8[%swap3A], %swap3A_1635 {strides = array<i32>} : memref<832xi32, #tpu.memory_space<vmem>>, vector<16xi32>,
    }
    %scan3A_677 = arith.constant 52 : i32
    %dma_wait3A_678 = arith.constant 0 : i32
    %dma_wait3A_679 = arith.constant 0 : i32
    %dma_wait3A_680 = arith.constant 0 : i32
    %dma_wait3A_681 = tpu.memref_slice %arg4[%dma_wait3A_679, %dma_wait3A_678, %dma_wait3A_680] : memref<26624x32x128xf32, #tpu.memory_space<hbm>> -> memref<416x1x32xf32, #tpu.memory_space<hbm>>
    %dma_wait3A_682 = tpu.memref_squeeze %dma_wait3A_681 : memref<416x1x32xf32, #tpu.memory_space<hbm>> -> memref<416x32xf32, #tpu.memory_space<hbm>>
    %dma_wait3A_683 = arith.constant 0 : i32
    %dma_wait3A_684 = arith.constant 0 : i32
    %dma_wait3A_685 = tpu.memref_slice %arg4[%dma_wait3A_683, %dma_wait3A_678, %dma_wait3A_684] : memref<26624x32x128xf32, #tpu.memory_space<hbm>> -> memref<416x1x32xf32, #tpu.memory_space<hbm>>
    %dma_wait3A_686 = tpu.memref_squeeze %dma_wait3A_685 : memref<416x1x32xf32, #tpu.memory_space<hbm>> -> memref<416x32xf32, #tpu.memory_space<hbm>>
    tpu.wait_dma2 semaphore(%arg12 : memref<!tpu.dma_semaphore, #tpu.memory_space<semaphore_mem>>) src(%arg9 : memref<416x32xf32, #tpu.memory_space<vmem>>) dst(%dma_wait3A_686 : memref<416x32xf32, #tpu.memory_space<hbm>>)
    %dma_start3A_687 = arith.constant 0 : i32
    %dma_start3A_688 = tpu.memref_slice %arg8[%dma_start3A_687] : memref<832xi32, #tpu.memory_space<vmem>> -> memref<416xi32, #tpu.memory_space<vmem>>
    %dma_start3A_689 = arith.constant 0 : i32
    %dma_start3A_690 = arith.constant 0 : i32
    %dma_start3A_691 = tpu.memref_slice %arg2[%dma_start3A_689, %dma_start3A_690] : memref<2704000x32xf32, #tpu.memory_space<hbm>> -> memref<2704000x32xf32, #tpu.memory_space<hbm>>
    tpu.enqueue_indirect_dma source(%dma_start3A_691 : memref<2704000x32xf32, #tpu.memory_space<hbm>>) target(%arg9 : memref<416x32xf32, #tpu.memory_space<vmem>>) offsets(%dma_start3A_688 : memref<416xi32, #tpu.memory_space<vmem>>) semaphore(%arg11 : memref<!tpu.dma_semaphore, #tpu.memory_space<semaphore_mem>>)
    %dma_wait3A_692 = arith.constant 0 : i32
    %dma_wait3A_693 = tpu.memref_slice %arg8[%dma_wait3A_692] : memref<832xi32, #tpu.memory_space<vmem>> -> memref<416xi32, #tpu.memory_space<vmem>>
    %dma_wait3A_694 = arith.constant 0 : i32
    %dma_wait3A_695 = arith.constant 0 : i32
    %dma_wait3A_696 = tpu.memref_slice %arg2[%dma_wait3A_694, %dma_wait3A_695] : memref<2704000x32xf32, #tpu.memory_space<hbm>> -> memref<2704000x32xf32, #tpu.memory_space<hbm>>
    tpu.wait_indirect_dma semaphore(%arg11 : memref<!tpu.dma_semaphore, #tpu.memory_space<semaphore_mem>>) src(%dma_wait3A_696 : memref<2704000x32xf32, #tpu.memory_space<hbm>>) dst(%arg9 : memref<416x32xf32, #tpu.memory_space<vmem>>)
    %add3A_697 = arith.constant 0 : i32
    %add3A_698 = arith.addi %mul3A_9, %add3A_697 : i32
    %dma_start3A_699 = arith.constant 11 : i32
    %dma_start3A_700 = arith.constant 0 : i32
    %dma_start3A_701 = tpu.memref_slice %arg4[%add3A_698, %dma_start3A_699, %dma_start3A_700] : memref<26624x32x128xf32, #tpu.memory_space<hbm>> -> memref<416x1x32xf32, #tpu.memory_space<hbm>>
    %dma_start3A_702 = tpu.memref_squeeze %dma_start3A_701 : memref<416x1x32xf32, #tpu.memory_space<hbm>> -> memref<416x32xf32, #tpu.memory_space<hbm>>
    %dma_start3A_703 = arith.constant 0 : i32
    %dma_start3A_704 = tpu.memref_slice %arg4[%add3A_698, %dma_start3A_699, %dma_start3A_703] : memref<26624x32x128xf32, #tpu.memory_space<hbm>> -> memref<416x1x32xf32, #tpu.memory_space<hbm>>
    %dma_start3A_705 = tpu.memref_squeeze %dma_start3A_704 : memref<416x1x32xf32, #tpu.memory_space<hbm>> -> memref<416x32xf32, #tpu.memory_space<hbm>>
    tpu.enqueue_dma source(%arg9 : memref<416x32xf32, #tpu.memory_space<vmem>>) target(%dma_start3A_705 : memref<416x32xf32, #tpu.memory_space<hbm>>) target_semaphore(%arg12 : memref<!tpu.dma_semaphore, #tpu.memory_space<semaphore_mem>>)
    %dma_wait3A_706 = arith.constant 0 : i32
    %dma_wait3A_707 = arith.constant 0 : i32
    %dma_wait3A_708 = arith.constant 0 : i32
    %dma_wait3A_709 = tpu.memref_slice %arg4[%dma_wait3A_707, %dma_wait3A_706, %dma_wait3A_708] : memref<26624x32x128xf32, #tpu.memory_space<hbm>> -> memref<416x1x32xf32, #tpu.memory_space<hbm>>
    %dma_wait3A_710 = tpu.memref_squeeze %dma_wait3A_709 : memref<416x1x32xf32, #tpu.memory_space<hbm>> -> memref<416x32xf32, #tpu.memory_space<hbm>>
    %dma_wait3A_711 = arith.constant 0 : i32
    %dma_wait3A_712 = arith.constant 0 : i32
    %dma_wait3A_713 = tpu.memref_slice %arg4[%dma_wait3A_711, %dma_wait3A_706, %dma_wait3A_712] : memref<26624x32x128xf32, #tpu.memory_space<hbm>> -> memref<416x1x32xf32, #tpu.memory_space<hbm>>
    %dma_wait3A_714 = tpu.memref_squeeze %dma_wait3A_713 : memref<416x1x32xf32, #tpu.memory_space<hbm>> -> memref<416x32xf32, #tpu.memory_space<hbm>>
    tpu.wait_dma2 semaphore(%arg13 : memref<!tpu.dma_semaphore, #tpu.memory_space<semaphore_mem>>) src(%arg10 : memref<416x32xf32, #tpu.memory_space<vmem>>) dst(%dma_wait3A_714 : memref<416x32xf32, #tpu.memory_space<hbm>>)
    %dma_start3A_715 = arith.constant 416 : i32
    %dma_start3A_716 = tpu.memref_slice %arg8[%dma_start3A_715] : memref<832xi32, #tpu.memory_space<vmem>> -> memref<416xi32, #tpu.memory_space<vmem>>
    %dma_start3A_717 = arith.constant 0 : i32
    %dma_start3A_718 = arith.constant 0 : i32
    %dma_start3A_719 = tpu.memref_slice %arg2[%dma_start3A_717, %dma_start3A_718] : memref<2704000x32xf32, #tpu.memory_space<hbm>> -> memref<2704000x32xf32, #tpu.memory_space<hbm>>
    tpu.enqueue_indirect_dma source(%dma_start3A_719 : memref<2704000x32xf32, #tpu.memory_space<hbm>>) target(%arg10 : memref<416x32xf32, #tpu.memory_space<vmem>>) offsets(%dma_start3A_716 : memref<416xi32, #tpu.memory_space<vmem>>) semaphore(%arg11 : memref<!tpu.dma_semaphore, #tpu.memory_space<semaphore_mem>>)
    %dma_wait3A_720 = arith.constant 416 : i32
    %dma_wait3A_721 = tpu.memref_slice %arg8[%dma_wait3A_720] : memref<832xi32, #tpu.memory_space<vmem>> -> memref<416xi32, #tpu.memory_space<vmem>>
    %dma_wait3A_722 = arith.constant 0 : i32
    %dma_wait3A_723 = arith.constant 0 : i32
    %dma_wait3A_724 = tpu.memref_slice %arg2[%dma_wait3A_722, %dma_wait3A_723] : memref<2704000x32xf32, #tpu.memory_space<hbm>> -> memref<2704000x32xf32, #tpu.memory_space<hbm>>
    tpu.wait_indirect_dma semaphore(%arg11 : memref<!tpu.dma_semaphore, #tpu.memory_space<semaphore_mem>>) src(%dma_wait3A_724 : memref<2704000x32xf32, #tpu.memory_space<hbm>>) dst(%arg10 : memref<416x32xf32, #tpu.memory_space<vmem>>)
    %add3A_725 = arith.constant 416 : i32
    %add3A_726 = arith.addi %mul3A_9, %add3A_725 : i32
    %dma_start3A_727 = arith.constant 11 : i32
    %dma_start3A_728 = arith.constant 0 : i32
    %dma_start3A_729 = tpu.memref_slice %arg4[%add3A_726, %dma_start3A_727, %dma_start3A_728] : memref<26624x32x128xf32, #tpu.memory_space<hbm>> -> memref<416x1x32xf32, #tpu.memory_space<hbm>>
    %dma_start3A_730 = tpu.memref_squeeze %dma_start3A_729 : memref<416x1x32xf32, #tpu.memory_space<hbm>> -> memref<416x32xf32, #tpu.memory_space<hbm>>
    %dma_start3A_731 = arith.constant 0 : i32
    %dma_start3A_732 = tpu.memref_slice %arg4[%add3A_726, %dma_start3A_727, %dma_start3A_731] : memref<26624x32x128xf32, #tpu.memory_space<hbm>> -> memref<416x1x32xf32, #tpu.memory_space<hbm>>
    %dma_start3A_733 = tpu.memref_squeeze %dma_start3A_732 : memref<416x1x32xf32, #tpu.memory_space<hbm>> -> memref<416x32xf32, #tpu.memory_space<hbm>>
    tpu.enqueue_dma source(%arg10 : memref<416x32xf32, #tpu.memory_space<vmem>>) target(%dma_start3A_733 : memref<416x32xf32, #tpu.memory_space<hbm>>) target_semaphore(%arg13 : memref<!tpu.dma_semaphore, #tpu.memory_space<semaphore_mem>>)
    %scan3A_734 = arith.constant 0 : i32
    %scan3A_735 = arith.constant 0 : i32
    %scan3A_736 = arith.constant 52 : i32
    %scan3A_737 = arith.addi %scan3A_735, %scan3A_736 : i32
    %scan3A_738 = arith.constant 1 : i32
    scf.for %scan3A_1620 = %scan3A_735 to %scan3A_737 step %scan3A_738  : i32 {
      %mul3A_1621 = arith.constant 16 : i32
      %mul3A_1622 = arith.muli %scan3A_1620, %mul3A_1621 : i32
      %get3A = arith.index_cast %mul3A_1622 : i32 to index
      %get3A_1623 = tpu.vector_load %arg6[%get3A] {strides = array<i32>} : memref<832xi32, #tpu.memory_space<vmem>>, vector<16xi32>,
      %get3A_1624 = vector.shape_cast %get3A_1623 : vector<16xi32> to vector<16xi32>
      %add3A_1625 = arith.constant 312000 : i32
      %add3A_1626 = vector.broadcast %add3A_1625 : i32 to vector<16xi32>
      %add3A_1627 = arith.addi %get3A_1624, %add3A_1626 : vector<16xi32>
      %mul3A_1628 = arith.constant 4 : i32
      %mul3A_1629 = vector.broadcast %mul3A_1628 : i32 to vector<16xi32>
      %mul3A_1630 = arith.muli %add3A_1627, %mul3A_1629 : vector<16xi32>
      %mul3A_1631 = arith.constant 16 : i32
      %mul3A_1632 = arith.muli %scan3A_1620, %mul3A_1631 : i32
      %swap3A = arith.index_cast %mul3A_1632 : i32 to index
      %swap3A_1633 = tpu.vector_load %arg7[%swap3A] {strides = array<i32>} : memref<832xi32, #tpu.memory_space<vmem>>, vector<16xi32>,
      %swap3A_1634 = vector.shape_cast %swap3A_1633 : vector<16xi32> to vector<16xi32>
      %swap3A_1635 = vector.shape_cast %mul3A_1630 : vector<16xi32> to vector<16xi32>
      tpu.vector_store %arg7[%swap3A], %swap3A_1635 {strides = array<i32>} : memref<832xi32, #tpu.memory_space<vmem>>, vector<16xi32>,
    }
    %scan3A_739 = arith.constant 52 : i32
    %dma_wait3A_740 = arith.constant 0 : i32
    %dma_wait3A_741 = arith.constant 0 : i32
    %dma_wait3A_742 = arith.constant 0 : i32
    %dma_wait3A_743 = tpu.memref_slice %arg4[%dma_wait3A_741, %dma_wait3A_740, %dma_wait3A_742] : memref<26624x32x128xf32, #tpu.memory_space<hbm>> -> memref<416x1x32xf32, #tpu.memory_space<hbm>>
    %dma_wait3A_744 = tpu.memref_squeeze %dma_wait3A_743 : memref<416x1x32xf32, #tpu.memory_space<hbm>> -> memref<416x32xf32, #tpu.memory_space<hbm>>
    %dma_wait3A_745 = arith.constant 0 : i32
    %dma_wait3A_746 = arith.constant 0 : i32
    %dma_wait3A_747 = tpu.memref_slice %arg4[%dma_wait3A_745, %dma_wait3A_740, %dma_wait3A_746] : memref<26624x32x128xf32, #tpu.memory_space<hbm>> -> memref<416x1x32xf32, #tpu.memory_space<hbm>>
    %dma_wait3A_748 = tpu.memref_squeeze %dma_wait3A_747 : memref<416x1x32xf32, #tpu.memory_space<hbm>> -> memref<416x32xf32, #tpu.memory_space<hbm>>
    tpu.wait_dma2 semaphore(%arg12 : memref<!tpu.dma_semaphore, #tpu.memory_space<semaphore_mem>>) src(%arg9 : memref<416x32xf32, #tpu.memory_space<vmem>>) dst(%dma_wait3A_748 : memref<416x32xf32, #tpu.memory_space<hbm>>)
    %dma_start3A_749 = arith.constant 0 : i32
    %dma_start3A_750 = tpu.memref_slice %arg7[%dma_start3A_749] : memref<832xi32, #tpu.memory_space<vmem>> -> memref<416xi32, #tpu.memory_space<vmem>>
    %dma_start3A_751 = arith.constant 0 : i32
    %dma_start3A_752 = arith.constant 0 : i32
    %dma_start3A_753 = tpu.memref_slice %arg2[%dma_start3A_751, %dma_start3A_752] : memref<2704000x32xf32, #tpu.memory_space<hbm>> -> memref<2704000x32xf32, #tpu.memory_space<hbm>>
    tpu.enqueue_indirect_dma source(%dma_start3A_753 : memref<2704000x32xf32, #tpu.memory_space<hbm>>) target(%arg9 : memref<416x32xf32, #tpu.memory_space<vmem>>) offsets(%dma_start3A_750 : memref<416xi32, #tpu.memory_space<vmem>>) semaphore(%arg11 : memref<!tpu.dma_semaphore, #tpu.memory_space<semaphore_mem>>)
    %dma_wait3A_754 = arith.constant 0 : i32
    %dma_wait3A_755 = tpu.memref_slice %arg7[%dma_wait3A_754] : memref<832xi32, #tpu.memory_space<vmem>> -> memref<416xi32, #tpu.memory_space<vmem>>
    %dma_wait3A_756 = arith.constant 0 : i32
    %dma_wait3A_757 = arith.constant 0 : i32
    %dma_wait3A_758 = tpu.memref_slice %arg2[%dma_wait3A_756, %dma_wait3A_757] : memref<2704000x32xf32, #tpu.memory_space<hbm>> -> memref<2704000x32xf32, #tpu.memory_space<hbm>>
    tpu.wait_indirect_dma semaphore(%arg11 : memref<!tpu.dma_semaphore, #tpu.memory_space<semaphore_mem>>) src(%dma_wait3A_758 : memref<2704000x32xf32, #tpu.memory_space<hbm>>) dst(%arg9 : memref<416x32xf32, #tpu.memory_space<vmem>>)
    %add3A_759 = arith.constant 0 : i32
    %add3A_760 = arith.addi %mul3A_9, %add3A_759 : i32
    %dma_start3A_761 = arith.constant 12 : i32
    %dma_start3A_762 = arith.constant 0 : i32
    %dma_start3A_763 = tpu.memref_slice %arg4[%add3A_760, %dma_start3A_761, %dma_start3A_762] : memref<26624x32x128xf32, #tpu.memory_space<hbm>> -> memref<416x1x32xf32, #tpu.memory_space<hbm>>
    %dma_start3A_764 = tpu.memref_squeeze %dma_start3A_763 : memref<416x1x32xf32, #tpu.memory_space<hbm>> -> memref<416x32xf32, #tpu.memory_space<hbm>>
    %dma_start3A_765 = arith.constant 0 : i32
    %dma_start3A_766 = tpu.memref_slice %arg4[%add3A_760, %dma_start3A_761, %dma_start3A_765] : memref<26624x32x128xf32, #tpu.memory_space<hbm>> -> memref<416x1x32xf32, #tpu.memory_space<hbm>>
    %dma_start3A_767 = tpu.memref_squeeze %dma_start3A_766 : memref<416x1x32xf32, #tpu.memory_space<hbm>> -> memref<416x32xf32, #tpu.memory_space<hbm>>
    tpu.enqueue_dma source(%arg9 : memref<416x32xf32, #tpu.memory_space<vmem>>) target(%dma_start3A_767 : memref<416x32xf32, #tpu.memory_space<hbm>>) target_semaphore(%arg12 : memref<!tpu.dma_semaphore, #tpu.memory_space<semaphore_mem>>)
    %dma_wait3A_768 = arith.constant 0 : i32
    %dma_wait3A_769 = arith.constant 0 : i32
    %dma_wait3A_770 = arith.constant 0 : i32
    %dma_wait3A_771 = tpu.memref_slice %arg4[%dma_wait3A_769, %dma_wait3A_768, %dma_wait3A_770] : memref<26624x32x128xf32, #tpu.memory_space<hbm>> -> memref<416x1x32xf32, #tpu.memory_space<hbm>>
    %dma_wait3A_772 = tpu.memref_squeeze %dma_wait3A_771 : memref<416x1x32xf32, #tpu.memory_space<hbm>> -> memref<416x32xf32, #tpu.memory_space<hbm>>
    %dma_wait3A_773 = arith.constant 0 : i32
    %dma_wait3A_774 = arith.constant 0 : i32
    %dma_wait3A_775 = tpu.memref_slice %arg4[%dma_wait3A_773, %dma_wait3A_768, %dma_wait3A_774] : memref<26624x32x128xf32, #tpu.memory_space<hbm>> -> memref<416x1x32xf32, #tpu.memory_space<hbm>>
    %dma_wait3A_776 = tpu.memref_squeeze %dma_wait3A_775 : memref<416x1x32xf32, #tpu.memory_space<hbm>> -> memref<416x32xf32, #tpu.memory_space<hbm>>
    tpu.wait_dma2 semaphore(%arg13 : memref<!tpu.dma_semaphore, #tpu.memory_space<semaphore_mem>>) src(%arg10 : memref<416x32xf32, #tpu.memory_space<vmem>>) dst(%dma_wait3A_776 : memref<416x32xf32, #tpu.memory_space<hbm>>)
    %dma_start3A_777 = arith.constant 416 : i32
    %dma_start3A_778 = tpu.memref_slice %arg7[%dma_start3A_777] : memref<832xi32, #tpu.memory_space<vmem>> -> memref<416xi32, #tpu.memory_space<vmem>>
    %dma_start3A_779 = arith.constant 0 : i32
    %dma_start3A_780 = arith.constant 0 : i32
    %dma_start3A_781 = tpu.memref_slice %arg2[%dma_start3A_779, %dma_start3A_780] : memref<2704000x32xf32, #tpu.memory_space<hbm>> -> memref<2704000x32xf32, #tpu.memory_space<hbm>>
    tpu.enqueue_indirect_dma source(%dma_start3A_781 : memref<2704000x32xf32, #tpu.memory_space<hbm>>) target(%arg10 : memref<416x32xf32, #tpu.memory_space<vmem>>) offsets(%dma_start3A_778 : memref<416xi32, #tpu.memory_space<vmem>>) semaphore(%arg11 : memref<!tpu.dma_semaphore, #tpu.memory_space<semaphore_mem>>)
    %dma_wait3A_782 = arith.constant 416 : i32
    %dma_wait3A_783 = tpu.memref_slice %arg7[%dma_wait3A_782] : memref<832xi32, #tpu.memory_space<vmem>> -> memref<416xi32, #tpu.memory_space<vmem>>
    %dma_wait3A_784 = arith.constant 0 : i32
    %dma_wait3A_785 = arith.constant 0 : i32
    %dma_wait3A_786 = tpu.memref_slice %arg2[%dma_wait3A_784, %dma_wait3A_785] : memref<2704000x32xf32, #tpu.memory_space<hbm>> -> memref<2704000x32xf32, #tpu.memory_space<hbm>>
    tpu.wait_indirect_dma semaphore(%arg11 : memref<!tpu.dma_semaphore, #tpu.memory_space<semaphore_mem>>) src(%dma_wait3A_786 : memref<2704000x32xf32, #tpu.memory_space<hbm>>) dst(%arg10 : memref<416x32xf32, #tpu.memory_space<vmem>>)
    %add3A_787 = arith.constant 416 : i32
    %add3A_788 = arith.addi %mul3A_9, %add3A_787 : i32
    %dma_start3A_789 = arith.constant 12 : i32
    %dma_start3A_790 = arith.constant 0 : i32
    %dma_start3A_791 = tpu.memref_slice %arg4[%add3A_788, %dma_start3A_789, %dma_start3A_790] : memref<26624x32x128xf32, #tpu.memory_space<hbm>> -> memref<416x1x32xf32, #tpu.memory_space<hbm>>
    %dma_start3A_792 = tpu.memref_squeeze %dma_start3A_791 : memref<416x1x32xf32, #tpu.memory_space<hbm>> -> memref<416x32xf32, #tpu.memory_space<hbm>>
    %dma_start3A_793 = arith.constant 0 : i32
    %dma_start3A_794 = tpu.memref_slice %arg4[%add3A_788, %dma_start3A_789, %dma_start3A_793] : memref<26624x32x128xf32, #tpu.memory_space<hbm>> -> memref<416x1x32xf32, #tpu.memory_space<hbm>>
    %dma_start3A_795 = tpu.memref_squeeze %dma_start3A_794 : memref<416x1x32xf32, #tpu.memory_space<hbm>> -> memref<416x32xf32, #tpu.memory_space<hbm>>
    tpu.enqueue_dma source(%arg10 : memref<416x32xf32, #tpu.memory_space<vmem>>) target(%dma_start3A_795 : memref<416x32xf32, #tpu.memory_space<hbm>>) target_semaphore(%arg13 : memref<!tpu.dma_semaphore, #tpu.memory_space<semaphore_mem>>)
    %scan3A_796 = arith.constant 0 : i32
    %scan3A_797 = arith.constant 0 : i32
    %scan3A_798 = arith.constant 52 : i32
    %scan3A_799 = arith.addi %scan3A_797, %scan3A_798 : i32
    %scan3A_800 = arith.constant 1 : i32
    scf.for %scan3A_1620 = %scan3A_797 to %scan3A_799 step %scan3A_800  : i32 {
      %mul3A_1621 = arith.constant 16 : i32
      %mul3A_1622 = arith.muli %scan3A_1620, %mul3A_1621 : i32
      %get3A = arith.index_cast %mul3A_1622 : i32 to index
      %get3A_1623 = tpu.vector_load %arg6[%get3A] {strides = array<i32>} : memref<832xi32, #tpu.memory_space<vmem>>, vector<16xi32>,
      %get3A_1624 = vector.shape_cast %get3A_1623 : vector<16xi32> to vector<16xi32>
      %add3A_1625 = arith.constant 338000 : i32
      %add3A_1626 = vector.broadcast %add3A_1625 : i32 to vector<16xi32>
      %add3A_1627 = arith.addi %get3A_1624, %add3A_1626 : vector<16xi32>
      %mul3A_1628 = arith.constant 4 : i32
      %mul3A_1629 = vector.broadcast %mul3A_1628 : i32 to vector<16xi32>
      %mul3A_1630 = arith.muli %add3A_1627, %mul3A_1629 : vector<16xi32>
      %mul3A_1631 = arith.constant 16 : i32
      %mul3A_1632 = arith.muli %scan3A_1620, %mul3A_1631 : i32
      %swap3A = arith.index_cast %mul3A_1632 : i32 to index
      %swap3A_1633 = tpu.vector_load %arg8[%swap3A] {strides = array<i32>} : memref<832xi32, #tpu.memory_space<vmem>>, vector<16xi32>,
      %swap3A_1634 = vector.shape_cast %swap3A_1633 : vector<16xi32> to vector<16xi32>
      %swap3A_1635 = vector.shape_cast %mul3A_1630 : vector<16xi32> to vector<16xi32>
      tpu.vector_store %arg8[%swap3A], %swap3A_1635 {strides = array<i32>} : memref<832xi32, #tpu.memory_space<vmem>>, vector<16xi32>,
    }
    %scan3A_801 = arith.constant 52 : i32
    %dma_wait3A_802 = arith.constant 0 : i32
    %dma_wait3A_803 = arith.constant 0 : i32
    %dma_wait3A_804 = arith.constant 0 : i32
    %dma_wait3A_805 = tpu.memref_slice %arg4[%dma_wait3A_803, %dma_wait3A_802, %dma_wait3A_804] : memref<26624x32x128xf32, #tpu.memory_space<hbm>> -> memref<416x1x32xf32, #tpu.memory_space<hbm>>
    %dma_wait3A_806 = tpu.memref_squeeze %dma_wait3A_805 : memref<416x1x32xf32, #tpu.memory_space<hbm>> -> memref<416x32xf32, #tpu.memory_space<hbm>>
    %dma_wait3A_807 = arith.constant 0 : i32
    %dma_wait3A_808 = arith.constant 0 : i32
    %dma_wait3A_809 = tpu.memref_slice %arg4[%dma_wait3A_807, %dma_wait3A_802, %dma_wait3A_808] : memref<26624x32x128xf32, #tpu.memory_space<hbm>> -> memref<416x1x32xf32, #tpu.memory_space<hbm>>
    %dma_wait3A_810 = tpu.memref_squeeze %dma_wait3A_809 : memref<416x1x32xf32, #tpu.memory_space<hbm>> -> memref<416x32xf32, #tpu.memory_space<hbm>>
    tpu.wait_dma2 semaphore(%arg12 : memref<!tpu.dma_semaphore, #tpu.memory_space<semaphore_mem>>) src(%arg9 : memref<416x32xf32, #tpu.memory_space<vmem>>) dst(%dma_wait3A_810 : memref<416x32xf32, #tpu.memory_space<hbm>>)
    %dma_start3A_811 = arith.constant 0 : i32
    %dma_start3A_812 = tpu.memref_slice %arg8[%dma_start3A_811] : memref<832xi32, #tpu.memory_space<vmem>> -> memref<416xi32, #tpu.memory_space<vmem>>
    %dma_start3A_813 = arith.constant 0 : i32
    %dma_start3A_814 = arith.constant 0 : i32
    %dma_start3A_815 = tpu.memref_slice %arg2[%dma_start3A_813, %dma_start3A_814] : memref<2704000x32xf32, #tpu.memory_space<hbm>> -> memref<2704000x32xf32, #tpu.memory_space<hbm>>
    tpu.enqueue_indirect_dma source(%dma_start3A_815 : memref<2704000x32xf32, #tpu.memory_space<hbm>>) target(%arg9 : memref<416x32xf32, #tpu.memory_space<vmem>>) offsets(%dma_start3A_812 : memref<416xi32, #tpu.memory_space<vmem>>) semaphore(%arg11 : memref<!tpu.dma_semaphore, #tpu.memory_space<semaphore_mem>>)
    %dma_wait3A_816 = arith.constant 0 : i32
    %dma_wait3A_817 = tpu.memref_slice %arg8[%dma_wait3A_816] : memref<832xi32, #tpu.memory_space<vmem>> -> memref<416xi32, #tpu.memory_space<vmem>>
    %dma_wait3A_818 = arith.constant 0 : i32
    %dma_wait3A_819 = arith.constant 0 : i32
    %dma_wait3A_820 = tpu.memref_slice %arg2[%dma_wait3A_818, %dma_wait3A_819] : memref<2704000x32xf32, #tpu.memory_space<hbm>> -> memref<2704000x32xf32, #tpu.memory_space<hbm>>
    tpu.wait_indirect_dma semaphore(%arg11 : memref<!tpu.dma_semaphore, #tpu.memory_space<semaphore_mem>>) src(%dma_wait3A_820 : memref<2704000x32xf32, #tpu.memory_space<hbm>>) dst(%arg9 : memref<416x32xf32, #tpu.memory_space<vmem>>)
    %add3A_821 = arith.constant 0 : i32
    %add3A_822 = arith.addi %mul3A_9, %add3A_821 : i32
    %dma_start3A_823 = arith.constant 13 : i32
    %dma_start3A_824 = arith.constant 0 : i32
    %dma_start3A_825 = tpu.memref_slice %arg4[%add3A_822, %dma_start3A_823, %dma_start3A_824] : memref<26624x32x128xf32, #tpu.memory_space<hbm>> -> memref<416x1x32xf32, #tpu.memory_space<hbm>>
    %dma_start3A_826 = tpu.memref_squeeze %dma_start3A_825 : memref<416x1x32xf32, #tpu.memory_space<hbm>> -> memref<416x32xf32, #tpu.memory_space<hbm>>
    %dma_start3A_827 = arith.constant 0 : i32
    %dma_start3A_828 = tpu.memref_slice %arg4[%add3A_822, %dma_start3A_823, %dma_start3A_827] : memref<26624x32x128xf32, #tpu.memory_space<hbm>> -> memref<416x1x32xf32, #tpu.memory_space<hbm>>
    %dma_start3A_829 = tpu.memref_squeeze %dma_start3A_828 : memref<416x1x32xf32, #tpu.memory_space<hbm>> -> memref<416x32xf32, #tpu.memory_space<hbm>>
    tpu.enqueue_dma source(%arg9 : memref<416x32xf32, #tpu.memory_space<vmem>>) target(%dma_start3A_829 : memref<416x32xf32, #tpu.memory_space<hbm>>) target_semaphore(%arg12 : memref<!tpu.dma_semaphore, #tpu.memory_space<semaphore_mem>>)
    %dma_wait3A_830 = arith.constant 0 : i32
    %dma_wait3A_831 = arith.constant 0 : i32
    %dma_wait3A_832 = arith.constant 0 : i32
    %dma_wait3A_833 = tpu.memref_slice %arg4[%dma_wait3A_831, %dma_wait3A_830, %dma_wait3A_832] : memref<26624x32x128xf32, #tpu.memory_space<hbm>> -> memref<416x1x32xf32, #tpu.memory_space<hbm>>
    %dma_wait3A_834 = tpu.memref_squeeze %dma_wait3A_833 : memref<416x1x32xf32, #tpu.memory_space<hbm>> -> memref<416x32xf32, #tpu.memory_space<hbm>>
    %dma_wait3A_835 = arith.constant 0 : i32
    %dma_wait3A_836 = arith.constant 0 : i32
    %dma_wait3A_837 = tpu.memref_slice %arg4[%dma_wait3A_835, %dma_wait3A_830, %dma_wait3A_836] : memref<26624x32x128xf32, #tpu.memory_space<hbm>> -> memref<416x1x32xf32, #tpu.memory_space<hbm>>
    %dma_wait3A_838 = tpu.memref_squeeze %dma_wait3A_837 : memref<416x1x32xf32, #tpu.memory_space<hbm>> -> memref<416x32xf32, #tpu.memory_space<hbm>>
    tpu.wait_dma2 semaphore(%arg13 : memref<!tpu.dma_semaphore, #tpu.memory_space<semaphore_mem>>) src(%arg10 : memref<416x32xf32, #tpu.memory_space<vmem>>) dst(%dma_wait3A_838 : memref<416x32xf32, #tpu.memory_space<hbm>>)
    %dma_start3A_839 = arith.constant 416 : i32
    %dma_start3A_840 = tpu.memref_slice %arg8[%dma_start3A_839] : memref<832xi32, #tpu.memory_space<vmem>> -> memref<416xi32, #tpu.memory_space<vmem>>
    %dma_start3A_841 = arith.constant 0 : i32
    %dma_start3A_842 = arith.constant 0 : i32
    %dma_start3A_843 = tpu.memref_slice %arg2[%dma_start3A_841, %dma_start3A_842] : memref<2704000x32xf32, #tpu.memory_space<hbm>> -> memref<2704000x32xf32, #tpu.memory_space<hbm>>
    tpu.enqueue_indirect_dma source(%dma_start3A_843 : memref<2704000x32xf32, #tpu.memory_space<hbm>>) target(%arg10 : memref<416x32xf32, #tpu.memory_space<vmem>>) offsets(%dma_start3A_840 : memref<416xi32, #tpu.memory_space<vmem>>) semaphore(%arg11 : memref<!tpu.dma_semaphore, #tpu.memory_space<semaphore_mem>>)
    %dma_wait3A_844 = arith.constant 416 : i32
    %dma_wait3A_845 = tpu.memref_slice %arg8[%dma_wait3A_844] : memref<832xi32, #tpu.memory_space<vmem>> -> memref<416xi32, #tpu.memory_space<vmem>>
    %dma_wait3A_846 = arith.constant 0 : i32
    %dma_wait3A_847 = arith.constant 0 : i32
    %dma_wait3A_848 = tpu.memref_slice %arg2[%dma_wait3A_846, %dma_wait3A_847] : memref<2704000x32xf32, #tpu.memory_space<hbm>> -> memref<2704000x32xf32, #tpu.memory_space<hbm>>
    tpu.wait_indirect_dma semaphore(%arg11 : memref<!tpu.dma_semaphore, #tpu.memory_space<semaphore_mem>>) src(%dma_wait3A_848 : memref<2704000x32xf32, #tpu.memory_space<hbm>>) dst(%arg10 : memref<416x32xf32, #tpu.memory_space<vmem>>)
    %add3A_849 = arith.constant 416 : i32
    %add3A_850 = arith.addi %mul3A_9, %add3A_849 : i32
    %dma_start3A_851 = arith.constant 13 : i32
    %dma_start3A_852 = arith.constant 0 : i32
    %dma_start3A_853 = tpu.memref_slice %arg4[%add3A_850, %dma_start3A_851, %dma_start3A_852] : memref<26624x32x128xf32, #tpu.memory_space<hbm>> -> memref<416x1x32xf32, #tpu.memory_space<hbm>>
    %dma_start3A_854 = tpu.memref_squeeze %dma_start3A_853 : memref<416x1x32xf32, #tpu.memory_space<hbm>> -> memref<416x32xf32, #tpu.memory_space<hbm>>
    %dma_start3A_855 = arith.constant 0 : i32
    %dma_start3A_856 = tpu.memref_slice %arg4[%add3A_850, %dma_start3A_851, %dma_start3A_855] : memref<26624x32x128xf32, #tpu.memory_space<hbm>> -> memref<416x1x32xf32, #tpu.memory_space<hbm>>
    %dma_start3A_857 = tpu.memref_squeeze %dma_start3A_856 : memref<416x1x32xf32, #tpu.memory_space<hbm>> -> memref<416x32xf32, #tpu.memory_space<hbm>>
    tpu.enqueue_dma source(%arg10 : memref<416x32xf32, #tpu.memory_space<vmem>>) target(%dma_start3A_857 : memref<416x32xf32, #tpu.memory_space<hbm>>) target_semaphore(%arg13 : memref<!tpu.dma_semaphore, #tpu.memory_space<semaphore_mem>>)
    %scan3A_858 = arith.constant 0 : i32
    %scan3A_859 = arith.constant 0 : i32
    %scan3A_860 = arith.constant 52 : i32
    %scan3A_861 = arith.addi %scan3A_859, %scan3A_860 : i32
    %scan3A_862 = arith.constant 1 : i32
    scf.for %scan3A_1620 = %scan3A_859 to %scan3A_861 step %scan3A_862  : i32 {
      %mul3A_1621 = arith.constant 16 : i32
      %mul3A_1622 = arith.muli %scan3A_1620, %mul3A_1621 : i32
      %get3A = arith.index_cast %mul3A_1622 : i32 to index
      %get3A_1623 = tpu.vector_load %arg6[%get3A] {strides = array<i32>} : memref<832xi32, #tpu.memory_space<vmem>>, vector<16xi32>,
      %get3A_1624 = vector.shape_cast %get3A_1623 : vector<16xi32> to vector<16xi32>
      %add3A_1625 = arith.constant 364000 : i32
      %add3A_1626 = vector.broadcast %add3A_1625 : i32 to vector<16xi32>
      %add3A_1627 = arith.addi %get3A_1624, %add3A_1626 : vector<16xi32>
      %mul3A_1628 = arith.constant 4 : i32
      %mul3A_1629 = vector.broadcast %mul3A_1628 : i32 to vector<16xi32>
      %mul3A_1630 = arith.muli %add3A_1627, %mul3A_1629 : vector<16xi32>
      %mul3A_1631 = arith.constant 16 : i32
      %mul3A_1632 = arith.muli %scan3A_1620, %mul3A_1631 : i32
      %swap3A = arith.index_cast %mul3A_1632 : i32 to index
      %swap3A_1633 = tpu.vector_load %arg7[%swap3A] {strides = array<i32>} : memref<832xi32, #tpu.memory_space<vmem>>, vector<16xi32>,
      %swap3A_1634 = vector.shape_cast %swap3A_1633 : vector<16xi32> to vector<16xi32>
      %swap3A_1635 = vector.shape_cast %mul3A_1630 : vector<16xi32> to vector<16xi32>
      tpu.vector_store %arg7[%swap3A], %swap3A_1635 {strides = array<i32>} : memref<832xi32, #tpu.memory_space<vmem>>, vector<16xi32>,
    }
    %scan3A_863 = arith.constant 52 : i32
    %dma_wait3A_864 = arith.constant 0 : i32
    %dma_wait3A_865 = arith.constant 0 : i32
    %dma_wait3A_866 = arith.constant 0 : i32
    %dma_wait3A_867 = tpu.memref_slice %arg4[%dma_wait3A_865, %dma_wait3A_864, %dma_wait3A_866] : memref<26624x32x128xf32, #tpu.memory_space<hbm>> -> memref<416x1x32xf32, #tpu.memory_space<hbm>>
    %dma_wait3A_868 = tpu.memref_squeeze %dma_wait3A_867 : memref<416x1x32xf32, #tpu.memory_space<hbm>> -> memref<416x32xf32, #tpu.memory_space<hbm>>
    %dma_wait3A_869 = arith.constant 0 : i32
    %dma_wait3A_870 = arith.constant 0 : i32
    %dma_wait3A_871 = tpu.memref_slice %arg4[%dma_wait3A_869, %dma_wait3A_864, %dma_wait3A_870] : memref<26624x32x128xf32, #tpu.memory_space<hbm>> -> memref<416x1x32xf32, #tpu.memory_space<hbm>>
    %dma_wait3A_872 = tpu.memref_squeeze %dma_wait3A_871 : memref<416x1x32xf32, #tpu.memory_space<hbm>> -> memref<416x32xf32, #tpu.memory_space<hbm>>
    tpu.wait_dma2 semaphore(%arg12 : memref<!tpu.dma_semaphore, #tpu.memory_space<semaphore_mem>>) src(%arg9 : memref<416x32xf32, #tpu.memory_space<vmem>>) dst(%dma_wait3A_872 : memref<416x32xf32, #tpu.memory_space<hbm>>)
    %dma_start3A_873 = arith.constant 0 : i32
    %dma_start3A_874 = tpu.memref_slice %arg7[%dma_start3A_873] : memref<832xi32, #tpu.memory_space<vmem>> -> memref<416xi32, #tpu.memory_space<vmem>>
    %dma_start3A_875 = arith.constant 0 : i32
    %dma_start3A_876 = arith.constant 0 : i32
    %dma_start3A_877 = tpu.memref_slice %arg2[%dma_start3A_875, %dma_start3A_876] : memref<2704000x32xf32, #tpu.memory_space<hbm>> -> memref<2704000x32xf32, #tpu.memory_space<hbm>>
    tpu.enqueue_indirect_dma source(%dma_start3A_877 : memref<2704000x32xf32, #tpu.memory_space<hbm>>) target(%arg9 : memref<416x32xf32, #tpu.memory_space<vmem>>) offsets(%dma_start3A_874 : memref<416xi32, #tpu.memory_space<vmem>>) semaphore(%arg11 : memref<!tpu.dma_semaphore, #tpu.memory_space<semaphore_mem>>)
    %dma_wait3A_878 = arith.constant 0 : i32
    %dma_wait3A_879 = tpu.memref_slice %arg7[%dma_wait3A_878] : memref<832xi32, #tpu.memory_space<vmem>> -> memref<416xi32, #tpu.memory_space<vmem>>
    %dma_wait3A_880 = arith.constant 0 : i32
    %dma_wait3A_881 = arith.constant 0 : i32
    %dma_wait3A_882 = tpu.memref_slice %arg2[%dma_wait3A_880, %dma_wait3A_881] : memref<2704000x32xf32, #tpu.memory_space<hbm>> -> memref<2704000x32xf32, #tpu.memory_space<hbm>>
    tpu.wait_indirect_dma semaphore(%arg11 : memref<!tpu.dma_semaphore, #tpu.memory_space<semaphore_mem>>) src(%dma_wait3A_882 : memref<2704000x32xf32, #tpu.memory_space<hbm>>) dst(%arg9 : memref<416x32xf32, #tpu.memory_space<vmem>>)
    %add3A_883 = arith.constant 0 : i32
    %add3A_884 = arith.addi %mul3A_9, %add3A_883 : i32
    %dma_start3A_885 = arith.constant 14 : i32
    %dma_start3A_886 = arith.constant 0 : i32
    %dma_start3A_887 = tpu.memref_slice %arg4[%add3A_884, %dma_start3A_885, %dma_start3A_886] : memref<26624x32x128xf32, #tpu.memory_space<hbm>> -> memref<416x1x32xf32, #tpu.memory_space<hbm>>
    %dma_start3A_888 = tpu.memref_squeeze %dma_start3A_887 : memref<416x1x32xf32, #tpu.memory_space<hbm>> -> memref<416x32xf32, #tpu.memory_space<hbm>>
    %dma_start3A_889 = arith.constant 0 : i32
    %dma_start3A_890 = tpu.memref_slice %arg4[%add3A_884, %dma_start3A_885, %dma_start3A_889] : memref<26624x32x128xf32, #tpu.memory_space<hbm>> -> memref<416x1x32xf32, #tpu.memory_space<hbm>>
    %dma_start3A_891 = tpu.memref_squeeze %dma_start3A_890 : memref<416x1x32xf32, #tpu.memory_space<hbm>> -> memref<416x32xf32, #tpu.memory_space<hbm>>
    tpu.enqueue_dma source(%arg9 : memref<416x32xf32, #tpu.memory_space<vmem>>) target(%dma_start3A_891 : memref<416x32xf32, #tpu.memory_space<hbm>>) target_semaphore(%arg12 : memref<!tpu.dma_semaphore, #tpu.memory_space<semaphore_mem>>)
    %dma_wait3A_892 = arith.constant 0 : i32
    %dma_wait3A_893 = arith.constant 0 : i32
    %dma_wait3A_894 = arith.constant 0 : i32
    %dma_wait3A_895 = tpu.memref_slice %arg4[%dma_wait3A_893, %dma_wait3A_892, %dma_wait3A_894] : memref<26624x32x128xf32, #tpu.memory_space<hbm>> -> memref<416x1x32xf32, #tpu.memory_space<hbm>>
    %dma_wait3A_896 = tpu.memref_squeeze %dma_wait3A_895 : memref<416x1x32xf32, #tpu.memory_space<hbm>> -> memref<416x32xf32, #tpu.memory_space<hbm>>
    %dma_wait3A_897 = arith.constant 0 : i32
    %dma_wait3A_898 = arith.constant 0 : i32
    %dma_wait3A_899 = tpu.memref_slice %arg4[%dma_wait3A_897, %dma_wait3A_892, %dma_wait3A_898] : memref<26624x32x128xf32, #tpu.memory_space<hbm>> -> memref<416x1x32xf32, #tpu.memory_space<hbm>>
    %dma_wait3A_900 = tpu.memref_squeeze %dma_wait3A_899 : memref<416x1x32xf32, #tpu.memory_space<hbm>> -> memref<416x32xf32, #tpu.memory_space<hbm>>
    tpu.wait_dma2 semaphore(%arg13 : memref<!tpu.dma_semaphore, #tpu.memory_space<semaphore_mem>>) src(%arg10 : memref<416x32xf32, #tpu.memory_space<vmem>>) dst(%dma_wait3A_900 : memref<416x32xf32, #tpu.memory_space<hbm>>)
    %dma_start3A_901 = arith.constant 416 : i32
    %dma_start3A_902 = tpu.memref_slice %arg7[%dma_start3A_901] : memref<832xi32, #tpu.memory_space<vmem>> -> memref<416xi32, #tpu.memory_space<vmem>>
    %dma_start3A_903 = arith.constant 0 : i32
    %dma_start3A_904 = arith.constant 0 : i32
    %dma_start3A_905 = tpu.memref_slice %arg2[%dma_start3A_903, %dma_start3A_904] : memref<2704000x32xf32, #tpu.memory_space<hbm>> -> memref<2704000x32xf32, #tpu.memory_space<hbm>>
    tpu.enqueue_indirect_dma source(%dma_start3A_905 : memref<2704000x32xf32, #tpu.memory_space<hbm>>) target(%arg10 : memref<416x32xf32, #tpu.memory_space<vmem>>) offsets(%dma_start3A_902 : memref<416xi32, #tpu.memory_space<vmem>>) semaphore(%arg11 : memref<!tpu.dma_semaphore, #tpu.memory_space<semaphore_mem>>)
    %dma_wait3A_906 = arith.constant 416 : i32
    %dma_wait3A_907 = tpu.memref_slice %arg7[%dma_wait3A_906] : memref<832xi32, #tpu.memory_space<vmem>> -> memref<416xi32, #tpu.memory_space<vmem>>
    %dma_wait3A_908 = arith.constant 0 : i32
    %dma_wait3A_909 = arith.constant 0 : i32
    %dma_wait3A_910 = tpu.memref_slice %arg2[%dma_wait3A_908, %dma_wait3A_909] : memref<2704000x32xf32, #tpu.memory_space<hbm>> -> memref<2704000x32xf32, #tpu.memory_space<hbm>>
    tpu.wait_indirect_dma semaphore(%arg11 : memref<!tpu.dma_semaphore, #tpu.memory_space<semaphore_mem>>) src(%dma_wait3A_910 : memref<2704000x32xf32, #tpu.memory_space<hbm>>) dst(%arg10 : memref<416x32xf32, #tpu.memory_space<vmem>>)
    %add3A_911 = arith.constant 416 : i32
    %add3A_912 = arith.addi %mul3A_9, %add3A_911 : i32
    %dma_start3A_913 = arith.constant 14 : i32
    %dma_start3A_914 = arith.constant 0 : i32
    %dma_start3A_915 = tpu.memref_slice %arg4[%add3A_912, %dma_start3A_913, %dma_start3A_914] : memref<26624x32x128xf32, #tpu.memory_space<hbm>> -> memref<416x1x32xf32, #tpu.memory_space<hbm>>
    %dma_start3A_916 = tpu.memref_squeeze %dma_start3A_915 : memref<416x1x32xf32, #tpu.memory_space<hbm>> -> memref<416x32xf32, #tpu.memory_space<hbm>>
    %dma_start3A_917 = arith.constant 0 : i32
    %dma_start3A_918 = tpu.memref_slice %arg4[%add3A_912, %dma_start3A_913, %dma_start3A_917] : memref<26624x32x128xf32, #tpu.memory_space<hbm>> -> memref<416x1x32xf32, #tpu.memory_space<hbm>>
    %dma_start3A_919 = tpu.memref_squeeze %dma_start3A_918 : memref<416x1x32xf32, #tpu.memory_space<hbm>> -> memref<416x32xf32, #tpu.memory_space<hbm>>
    tpu.enqueue_dma source(%arg10 : memref<416x32xf32, #tpu.memory_space<vmem>>) target(%dma_start3A_919 : memref<416x32xf32, #tpu.memory_space<hbm>>) target_semaphore(%arg13 : memref<!tpu.dma_semaphore, #tpu.memory_space<semaphore_mem>>)
    %scan3A_920 = arith.constant 0 : i32
    %scan3A_921 = arith.constant 0 : i32
    %scan3A_922 = arith.constant 52 : i32
    %scan3A_923 = arith.addi %scan3A_921, %scan3A_922 : i32
    %scan3A_924 = arith.constant 1 : i32
    scf.for %scan3A_1620 = %scan3A_921 to %scan3A_923 step %scan3A_924  : i32 {
      %mul3A_1621 = arith.constant 16 : i32
      %mul3A_1622 = arith.muli %scan3A_1620, %mul3A_1621 : i32
      %get3A = arith.index_cast %mul3A_1622 : i32 to index
      %get3A_1623 = tpu.vector_load %arg6[%get3A] {strides = array<i32>} : memref<832xi32, #tpu.memory_space<vmem>>, vector<16xi32>,
      %get3A_1624 = vector.shape_cast %get3A_1623 : vector<16xi32> to vector<16xi32>
      %add3A_1625 = arith.constant 390000 : i32
      %add3A_1626 = vector.broadcast %add3A_1625 : i32 to vector<16xi32>
      %add3A_1627 = arith.addi %get3A_1624, %add3A_1626 : vector<16xi32>
      %mul3A_1628 = arith.constant 4 : i32
      %mul3A_1629 = vector.broadcast %mul3A_1628 : i32 to vector<16xi32>
      %mul3A_1630 = arith.muli %add3A_1627, %mul3A_1629 : vector<16xi32>
      %mul3A_1631 = arith.constant 16 : i32
      %mul3A_1632 = arith.muli %scan3A_1620, %mul3A_1631 : i32
      %swap3A = arith.index_cast %mul3A_1632 : i32 to index
      %swap3A_1633 = tpu.vector_load %arg8[%swap3A] {strides = array<i32>} : memref<832xi32, #tpu.memory_space<vmem>>, vector<16xi32>,
      %swap3A_1634 = vector.shape_cast %swap3A_1633 : vector<16xi32> to vector<16xi32>
      %swap3A_1635 = vector.shape_cast %mul3A_1630 : vector<16xi32> to vector<16xi32>
      tpu.vector_store %arg8[%swap3A], %swap3A_1635 {strides = array<i32>} : memref<832xi32, #tpu.memory_space<vmem>>, vector<16xi32>,
    }
    %scan3A_925 = arith.constant 52 : i32
    %dma_wait3A_926 = arith.constant 0 : i32
    %dma_wait3A_927 = arith.constant 0 : i32
    %dma_wait3A_928 = arith.constant 0 : i32
    %dma_wait3A_929 = tpu.memref_slice %arg4[%dma_wait3A_927, %dma_wait3A_926, %dma_wait3A_928] : memref<26624x32x128xf32, #tpu.memory_space<hbm>> -> memref<416x1x32xf32, #tpu.memory_space<hbm>>
    %dma_wait3A_930 = tpu.memref_squeeze %dma_wait3A_929 : memref<416x1x32xf32, #tpu.memory_space<hbm>> -> memref<416x32xf32, #tpu.memory_space<hbm>>
    %dma_wait3A_931 = arith.constant 0 : i32
    %dma_wait3A_932 = arith.constant 0 : i32
    %dma_wait3A_933 = tpu.memref_slice %arg4[%dma_wait3A_931, %dma_wait3A_926, %dma_wait3A_932] : memref<26624x32x128xf32, #tpu.memory_space<hbm>> -> memref<416x1x32xf32, #tpu.memory_space<hbm>>
    %dma_wait3A_934 = tpu.memref_squeeze %dma_wait3A_933 : memref<416x1x32xf32, #tpu.memory_space<hbm>> -> memref<416x32xf32, #tpu.memory_space<hbm>>
    tpu.wait_dma2 semaphore(%arg12 : memref<!tpu.dma_semaphore, #tpu.memory_space<semaphore_mem>>) src(%arg9 : memref<416x32xf32, #tpu.memory_space<vmem>>) dst(%dma_wait3A_934 : memref<416x32xf32, #tpu.memory_space<hbm>>)
    %dma_start3A_935 = arith.constant 0 : i32
    %dma_start3A_936 = tpu.memref_slice %arg8[%dma_start3A_935] : memref<832xi32, #tpu.memory_space<vmem>> -> memref<416xi32, #tpu.memory_space<vmem>>
    %dma_start3A_937 = arith.constant 0 : i32
    %dma_start3A_938 = arith.constant 0 : i32
    %dma_start3A_939 = tpu.memref_slice %arg2[%dma_start3A_937, %dma_start3A_938] : memref<2704000x32xf32, #tpu.memory_space<hbm>> -> memref<2704000x32xf32, #tpu.memory_space<hbm>>
    tpu.enqueue_indirect_dma source(%dma_start3A_939 : memref<2704000x32xf32, #tpu.memory_space<hbm>>) target(%arg9 : memref<416x32xf32, #tpu.memory_space<vmem>>) offsets(%dma_start3A_936 : memref<416xi32, #tpu.memory_space<vmem>>) semaphore(%arg11 : memref<!tpu.dma_semaphore, #tpu.memory_space<semaphore_mem>>)
    %dma_wait3A_940 = arith.constant 0 : i32
    %dma_wait3A_941 = tpu.memref_slice %arg8[%dma_wait3A_940] : memref<832xi32, #tpu.memory_space<vmem>> -> memref<416xi32, #tpu.memory_space<vmem>>
    %dma_wait3A_942 = arith.constant 0 : i32
    %dma_wait3A_943 = arith.constant 0 : i32
    %dma_wait3A_944 = tpu.memref_slice %arg2[%dma_wait3A_942, %dma_wait3A_943] : memref<2704000x32xf32, #tpu.memory_space<hbm>> -> memref<2704000x32xf32, #tpu.memory_space<hbm>>
    tpu.wait_indirect_dma semaphore(%arg11 : memref<!tpu.dma_semaphore, #tpu.memory_space<semaphore_mem>>) src(%dma_wait3A_944 : memref<2704000x32xf32, #tpu.memory_space<hbm>>) dst(%arg9 : memref<416x32xf32, #tpu.memory_space<vmem>>)
    %add3A_945 = arith.constant 0 : i32
    %add3A_946 = arith.addi %mul3A_9, %add3A_945 : i32
    %dma_start3A_947 = arith.constant 15 : i32
    %dma_start3A_948 = arith.constant 0 : i32
    %dma_start3A_949 = tpu.memref_slice %arg4[%add3A_946, %dma_start3A_947, %dma_start3A_948] : memref<26624x32x128xf32, #tpu.memory_space<hbm>> -> memref<416x1x32xf32, #tpu.memory_space<hbm>>
    %dma_start3A_950 = tpu.memref_squeeze %dma_start3A_949 : memref<416x1x32xf32, #tpu.memory_space<hbm>> -> memref<416x32xf32, #tpu.memory_space<hbm>>
    %dma_start3A_951 = arith.constant 0 : i32
    %dma_start3A_952 = tpu.memref_slice %arg4[%add3A_946, %dma_start3A_947, %dma_start3A_951] : memref<26624x32x128xf32, #tpu.memory_space<hbm>> -> memref<416x1x32xf32, #tpu.memory_space<hbm>>
    %dma_start3A_953 = tpu.memref_squeeze %dma_start3A_952 : memref<416x1x32xf32, #tpu.memory_space<hbm>> -> memref<416x32xf32, #tpu.memory_space<hbm>>
    tpu.enqueue_dma source(%arg9 : memref<416x32xf32, #tpu.memory_space<vmem>>) target(%dma_start3A_953 : memref<416x32xf32, #tpu.memory_space<hbm>>) target_semaphore(%arg12 : memref<!tpu.dma_semaphore, #tpu.memory_space<semaphore_mem>>)
    %dma_wait3A_954 = arith.constant 0 : i32
    %dma_wait3A_955 = arith.constant 0 : i32
    %dma_wait3A_956 = arith.constant 0 : i32
    %dma_wait3A_957 = tpu.memref_slice %arg4[%dma_wait3A_955, %dma_wait3A_954, %dma_wait3A_956] : memref<26624x32x128xf32, #tpu.memory_space<hbm>> -> memref<416x1x32xf32, #tpu.memory_space<hbm>>
    %dma_wait3A_958 = tpu.memref_squeeze %dma_wait3A_957 : memref<416x1x32xf32, #tpu.memory_space<hbm>> -> memref<416x32xf32, #tpu.memory_space<hbm>>
    %dma_wait3A_959 = arith.constant 0 : i32
    %dma_wait3A_960 = arith.constant 0 : i32
    %dma_wait3A_961 = tpu.memref_slice %arg4[%dma_wait3A_959, %dma_wait3A_954, %dma_wait3A_960] : memref<26624x32x128xf32, #tpu.memory_space<hbm>> -> memref<416x1x32xf32, #tpu.memory_space<hbm>>
    %dma_wait3A_962 = tpu.memref_squeeze %dma_wait3A_961 : memref<416x1x32xf32, #tpu.memory_space<hbm>> -> memref<416x32xf32, #tpu.memory_space<hbm>>
    tpu.wait_dma2 semaphore(%arg13 : memref<!tpu.dma_semaphore, #tpu.memory_space<semaphore_mem>>) src(%arg10 : memref<416x32xf32, #tpu.memory_space<vmem>>) dst(%dma_wait3A_962 : memref<416x32xf32, #tpu.memory_space<hbm>>)
    %dma_start3A_963 = arith.constant 416 : i32
    %dma_start3A_964 = tpu.memref_slice %arg8[%dma_start3A_963] : memref<832xi32, #tpu.memory_space<vmem>> -> memref<416xi32, #tpu.memory_space<vmem>>
    %dma_start3A_965 = arith.constant 0 : i32
    %dma_start3A_966 = arith.constant 0 : i32
    %dma_start3A_967 = tpu.memref_slice %arg2[%dma_start3A_965, %dma_start3A_966] : memref<2704000x32xf32, #tpu.memory_space<hbm>> -> memref<2704000x32xf32, #tpu.memory_space<hbm>>
    tpu.enqueue_indirect_dma source(%dma_start3A_967 : memref<2704000x32xf32, #tpu.memory_space<hbm>>) target(%arg10 : memref<416x32xf32, #tpu.memory_space<vmem>>) offsets(%dma_start3A_964 : memref<416xi32, #tpu.memory_space<vmem>>) semaphore(%arg11 : memref<!tpu.dma_semaphore, #tpu.memory_space<semaphore_mem>>)
    %dma_wait3A_968 = arith.constant 416 : i32
    %dma_wait3A_969 = tpu.memref_slice %arg8[%dma_wait3A_968] : memref<832xi32, #tpu.memory_space<vmem>> -> memref<416xi32, #tpu.memory_space<vmem>>
    %dma_wait3A_970 = arith.constant 0 : i32
    %dma_wait3A_971 = arith.constant 0 : i32
    %dma_wait3A_972 = tpu.memref_slice %arg2[%dma_wait3A_970, %dma_wait3A_971] : memref<2704000x32xf32, #tpu.memory_space<hbm>> -> memref<2704000x32xf32, #tpu.memory_space<hbm>>
    tpu.wait_indirect_dma semaphore(%arg11 : memref<!tpu.dma_semaphore, #tpu.memory_space<semaphore_mem>>) src(%dma_wait3A_972 : memref<2704000x32xf32, #tpu.memory_space<hbm>>) dst(%arg10 : memref<416x32xf32, #tpu.memory_space<vmem>>)
    %add3A_973 = arith.constant 416 : i32
    %add3A_974 = arith.addi %mul3A_9, %add3A_973 : i32
    %dma_start3A_975 = arith.constant 15 : i32
    %dma_start3A_976 = arith.constant 0 : i32
    %dma_start3A_977 = tpu.memref_slice %arg4[%add3A_974, %dma_start3A_975, %dma_start3A_976] : memref<26624x32x128xf32, #tpu.memory_space<hbm>> -> memref<416x1x32xf32, #tpu.memory_space<hbm>>
    %dma_start3A_978 = tpu.memref_squeeze %dma_start3A_977 : memref<416x1x32xf32, #tpu.memory_space<hbm>> -> memref<416x32xf32, #tpu.memory_space<hbm>>
    %dma_start3A_979 = arith.constant 0 : i32
    %dma_start3A_980 = tpu.memref_slice %arg4[%add3A_974, %dma_start3A_975, %dma_start3A_979] : memref<26624x32x128xf32, #tpu.memory_space<hbm>> -> memref<416x1x32xf32, #tpu.memory_space<hbm>>
    %dma_start3A_981 = tpu.memref_squeeze %dma_start3A_980 : memref<416x1x32xf32, #tpu.memory_space<hbm>> -> memref<416x32xf32, #tpu.memory_space<hbm>>
    tpu.enqueue_dma source(%arg10 : memref<416x32xf32, #tpu.memory_space<vmem>>) target(%dma_start3A_981 : memref<416x32xf32, #tpu.memory_space<hbm>>) target_semaphore(%arg13 : memref<!tpu.dma_semaphore, #tpu.memory_space<semaphore_mem>>)
    %scan3A_982 = arith.constant 0 : i32
    %scan3A_983 = arith.constant 0 : i32
    %scan3A_984 = arith.constant 52 : i32
    %scan3A_985 = arith.addi %scan3A_983, %scan3A_984 : i32
    %scan3A_986 = arith.constant 1 : i32
    scf.for %scan3A_1620 = %scan3A_983 to %scan3A_985 step %scan3A_986  : i32 {
      %mul3A_1621 = arith.constant 16 : i32
      %mul3A_1622 = arith.muli %scan3A_1620, %mul3A_1621 : i32
      %get3A = arith.index_cast %mul3A_1622 : i32 to index
      %get3A_1623 = tpu.vector_load %arg6[%get3A] {strides = array<i32>} : memref<832xi32, #tpu.memory_space<vmem>>, vector<16xi32>,
      %get3A_1624 = vector.shape_cast %get3A_1623 : vector<16xi32> to vector<16xi32>
      %add3A_1625 = arith.constant 416000 : i32
      %add3A_1626 = vector.broadcast %add3A_1625 : i32 to vector<16xi32>
      %add3A_1627 = arith.addi %get3A_1624, %add3A_1626 : vector<16xi32>
      %mul3A_1628 = arith.constant 4 : i32
      %mul3A_1629 = vector.broadcast %mul3A_1628 : i32 to vector<16xi32>
      %mul3A_1630 = arith.muli %add3A_1627, %mul3A_1629 : vector<16xi32>
      %mul3A_1631 = arith.constant 16 : i32
      %mul3A_1632 = arith.muli %scan3A_1620, %mul3A_1631 : i32
      %swap3A = arith.index_cast %mul3A_1632 : i32 to index
      %swap3A_1633 = tpu.vector_load %arg7[%swap3A] {strides = array<i32>} : memref<832xi32, #tpu.memory_space<vmem>>, vector<16xi32>,
      %swap3A_1634 = vector.shape_cast %swap3A_1633 : vector<16xi32> to vector<16xi32>
      %swap3A_1635 = vector.shape_cast %mul3A_1630 : vector<16xi32> to vector<16xi32>
      tpu.vector_store %arg7[%swap3A], %swap3A_1635 {strides = array<i32>} : memref<832xi32, #tpu.memory_space<vmem>>, vector<16xi32>,
    }
    %scan3A_987 = arith.constant 52 : i32
    %dma_wait3A_988 = arith.constant 0 : i32
    %dma_wait3A_989 = arith.constant 0 : i32
    %dma_wait3A_990 = arith.constant 0 : i32
    %dma_wait3A_991 = tpu.memref_slice %arg4[%dma_wait3A_989, %dma_wait3A_988, %dma_wait3A_990] : memref<26624x32x128xf32, #tpu.memory_space<hbm>> -> memref<416x1x32xf32, #tpu.memory_space<hbm>>
    %dma_wait3A_992 = tpu.memref_squeeze %dma_wait3A_991 : memref<416x1x32xf32, #tpu.memory_space<hbm>> -> memref<416x32xf32, #tpu.memory_space<hbm>>
    %dma_wait3A_993 = arith.constant 0 : i32
    %dma_wait3A_994 = arith.constant 0 : i32
    %dma_wait3A_995 = tpu.memref_slice %arg4[%dma_wait3A_993, %dma_wait3A_988, %dma_wait3A_994] : memref<26624x32x128xf32, #tpu.memory_space<hbm>> -> memref<416x1x32xf32, #tpu.memory_space<hbm>>
    %dma_wait3A_996 = tpu.memref_squeeze %dma_wait3A_995 : memref<416x1x32xf32, #tpu.memory_space<hbm>> -> memref<416x32xf32, #tpu.memory_space<hbm>>
    tpu.wait_dma2 semaphore(%arg12 : memref<!tpu.dma_semaphore, #tpu.memory_space<semaphore_mem>>) src(%arg9 : memref<416x32xf32, #tpu.memory_space<vmem>>) dst(%dma_wait3A_996 : memref<416x32xf32, #tpu.memory_space<hbm>>)
    %dma_start3A_997 = arith.constant 0 : i32
    %dma_start3A_998 = tpu.memref_slice %arg7[%dma_start3A_997] : memref<832xi32, #tpu.memory_space<vmem>> -> memref<416xi32, #tpu.memory_space<vmem>>
    %dma_start3A_999 = arith.constant 0 : i32
    %dma_start3A_1000 = arith.constant 0 : i32
    %dma_start3A_1001 = tpu.memref_slice %arg2[%dma_start3A_999, %dma_start3A_1000] : memref<2704000x32xf32, #tpu.memory_space<hbm>> -> memref<2704000x32xf32, #tpu.memory_space<hbm>>
    tpu.enqueue_indirect_dma source(%dma_start3A_1001 : memref<2704000x32xf32, #tpu.memory_space<hbm>>) target(%arg9 : memref<416x32xf32, #tpu.memory_space<vmem>>) offsets(%dma_start3A_998 : memref<416xi32, #tpu.memory_space<vmem>>) semaphore(%arg11 : memref<!tpu.dma_semaphore, #tpu.memory_space<semaphore_mem>>)
    %dma_wait3A_1002 = arith.constant 0 : i32
    %dma_wait3A_1003 = tpu.memref_slice %arg7[%dma_wait3A_1002] : memref<832xi32, #tpu.memory_space<vmem>> -> memref<416xi32, #tpu.memory_space<vmem>>
    %dma_wait3A_1004 = arith.constant 0 : i32
    %dma_wait3A_1005 = arith.constant 0 : i32
    %dma_wait3A_1006 = tpu.memref_slice %arg2[%dma_wait3A_1004, %dma_wait3A_1005] : memref<2704000x32xf32, #tpu.memory_space<hbm>> -> memref<2704000x32xf32, #tpu.memory_space<hbm>>
    tpu.wait_indirect_dma semaphore(%arg11 : memref<!tpu.dma_semaphore, #tpu.memory_space<semaphore_mem>>) src(%dma_wait3A_1006 : memref<2704000x32xf32, #tpu.memory_space<hbm>>) dst(%arg9 : memref<416x32xf32, #tpu.memory_space<vmem>>)
    %add3A_1007 = arith.constant 0 : i32
    %add3A_1008 = arith.addi %mul3A_9, %add3A_1007 : i32
    %dma_start3A_1009 = arith.constant 16 : i32
    %dma_start3A_1010 = arith.constant 0 : i32
    %dma_start3A_1011 = tpu.memref_slice %arg4[%add3A_1008, %dma_start3A_1009, %dma_start3A_1010] : memref<26624x32x128xf32, #tpu.memory_space<hbm>> -> memref<416x1x32xf32, #tpu.memory_space<hbm>>
    %dma_start3A_1012 = tpu.memref_squeeze %dma_start3A_1011 : memref<416x1x32xf32, #tpu.memory_space<hbm>> -> memref<416x32xf32, #tpu.memory_space<hbm>>
    %dma_start3A_1013 = arith.constant 0 : i32
    %dma_start3A_1014 = tpu.memref_slice %arg4[%add3A_1008, %dma_start3A_1009, %dma_start3A_1013] : memref<26624x32x128xf32, #tpu.memory_space<hbm>> -> memref<416x1x32xf32, #tpu.memory_space<hbm>>
    %dma_start3A_1015 = tpu.memref_squeeze %dma_start3A_1014 : memref<416x1x32xf32, #tpu.memory_space<hbm>> -> memref<416x32xf32, #tpu.memory_space<hbm>>
    tpu.enqueue_dma source(%arg9 : memref<416x32xf32, #tpu.memory_space<vmem>>) target(%dma_start3A_1015 : memref<416x32xf32, #tpu.memory_space<hbm>>) target_semaphore(%arg12 : memref<!tpu.dma_semaphore, #tpu.memory_space<semaphore_mem>>)
    %dma_wait3A_1016 = arith.constant 0 : i32
    %dma_wait3A_1017 = arith.constant 0 : i32
    %dma_wait3A_1018 = arith.constant 0 : i32
    %dma_wait3A_1019 = tpu.memref_slice %arg4[%dma_wait3A_1017, %dma_wait3A_1016, %dma_wait3A_1018] : memref<26624x32x128xf32, #tpu.memory_space<hbm>> -> memref<416x1x32xf32, #tpu.memory_space<hbm>>
    %dma_wait3A_1020 = tpu.memref_squeeze %dma_wait3A_1019 : memref<416x1x32xf32, #tpu.memory_space<hbm>> -> memref<416x32xf32, #tpu.memory_space<hbm>>
    %dma_wait3A_1021 = arith.constant 0 : i32
    %dma_wait3A_1022 = arith.constant 0 : i32
    %dma_wait3A_1023 = tpu.memref_slice %arg4[%dma_wait3A_1021, %dma_wait3A_1016, %dma_wait3A_1022] : memref<26624x32x128xf32, #tpu.memory_space<hbm>> -> memref<416x1x32xf32, #tpu.memory_space<hbm>>
    %dma_wait3A_1024 = tpu.memref_squeeze %dma_wait3A_1023 : memref<416x1x32xf32, #tpu.memory_space<hbm>> -> memref<416x32xf32, #tpu.memory_space<hbm>>
    tpu.wait_dma2 semaphore(%arg13 : memref<!tpu.dma_semaphore, #tpu.memory_space<semaphore_mem>>) src(%arg10 : memref<416x32xf32, #tpu.memory_space<vmem>>) dst(%dma_wait3A_1024 : memref<416x32xf32, #tpu.memory_space<hbm>>)
    %dma_start3A_1025 = arith.constant 416 : i32
    %dma_start3A_1026 = tpu.memref_slice %arg7[%dma_start3A_1025] : memref<832xi32, #tpu.memory_space<vmem>> -> memref<416xi32, #tpu.memory_space<vmem>>
    %dma_start3A_1027 = arith.constant 0 : i32
    %dma_start3A_1028 = arith.constant 0 : i32
    %dma_start3A_1029 = tpu.memref_slice %arg2[%dma_start3A_1027, %dma_start3A_1028] : memref<2704000x32xf32, #tpu.memory_space<hbm>> -> memref<2704000x32xf32, #tpu.memory_space<hbm>>
    tpu.enqueue_indirect_dma source(%dma_start3A_1029 : memref<2704000x32xf32, #tpu.memory_space<hbm>>) target(%arg10 : memref<416x32xf32, #tpu.memory_space<vmem>>) offsets(%dma_start3A_1026 : memref<416xi32, #tpu.memory_space<vmem>>) semaphore(%arg11 : memref<!tpu.dma_semaphore, #tpu.memory_space<semaphore_mem>>)
    %dma_wait3A_1030 = arith.constant 416 : i32
    %dma_wait3A_1031 = tpu.memref_slice %arg7[%dma_wait3A_1030] : memref<832xi32, #tpu.memory_space<vmem>> -> memref<416xi32, #tpu.memory_space<vmem>>
    %dma_wait3A_1032 = arith.constant 0 : i32
    %dma_wait3A_1033 = arith.constant 0 : i32
    %dma_wait3A_1034 = tpu.memref_slice %arg2[%dma_wait3A_1032, %dma_wait3A_1033] : memref<2704000x32xf32, #tpu.memory_space<hbm>> -> memref<2704000x32xf32, #tpu.memory_space<hbm>>
    tpu.wait_indirect_dma semaphore(%arg11 : memref<!tpu.dma_semaphore, #tpu.memory_space<semaphore_mem>>) src(%dma_wait3A_1034 : memref<2704000x32xf32, #tpu.memory_space<hbm>>) dst(%arg10 : memref<416x32xf32, #tpu.memory_space<vmem>>)
    %add3A_1035 = arith.constant 416 : i32
    %add3A_1036 = arith.addi %mul3A_9, %add3A_1035 : i32
    %dma_start3A_1037 = arith.constant 16 : i32
    %dma_start3A_1038 = arith.constant 0 : i32
    %dma_start3A_1039 = tpu.memref_slice %arg4[%add3A_1036, %dma_start3A_1037, %dma_start3A_1038] : memref<26624x32x128xf32, #tpu.memory_space<hbm>> -> memref<416x1x32xf32, #tpu.memory_space<hbm>>
    %dma_start3A_1040 = tpu.memref_squeeze %dma_start3A_1039 : memref<416x1x32xf32, #tpu.memory_space<hbm>> -> memref<416x32xf32, #tpu.memory_space<hbm>>
    %dma_start3A_1041 = arith.constant 0 : i32
    %dma_start3A_1042 = tpu.memref_slice %arg4[%add3A_1036, %dma_start3A_1037, %dma_start3A_1041] : memref<26624x32x128xf32, #tpu.memory_space<hbm>> -> memref<416x1x32xf32, #tpu.memory_space<hbm>>
    %dma_start3A_1043 = tpu.memref_squeeze %dma_start3A_1042 : memref<416x1x32xf32, #tpu.memory_space<hbm>> -> memref<416x32xf32, #tpu.memory_space<hbm>>
    tpu.enqueue_dma source(%arg10 : memref<416x32xf32, #tpu.memory_space<vmem>>) target(%dma_start3A_1043 : memref<416x32xf32, #tpu.memory_space<hbm>>) target_semaphore(%arg13 : memref<!tpu.dma_semaphore, #tpu.memory_space<semaphore_mem>>)
    %scan3A_1044 = arith.constant 0 : i32
    %scan3A_1045 = arith.constant 0 : i32
    %scan3A_1046 = arith.constant 52 : i32
    %scan3A_1047 = arith.addi %scan3A_1045, %scan3A_1046 : i32
    %scan3A_1048 = arith.constant 1 : i32
    scf.for %scan3A_1620 = %scan3A_1045 to %scan3A_1047 step %scan3A_1048  : i32 {
      %mul3A_1621 = arith.constant 16 : i32
      %mul3A_1622 = arith.muli %scan3A_1620, %mul3A_1621 : i32
      %get3A = arith.index_cast %mul3A_1622 : i32 to index
      %get3A_1623 = tpu.vector_load %arg6[%get3A] {strides = array<i32>} : memref<832xi32, #tpu.memory_space<vmem>>, vector<16xi32>,
      %get3A_1624 = vector.shape_cast %get3A_1623 : vector<16xi32> to vector<16xi32>
      %add3A_1625 = arith.constant 442000 : i32
      %add3A_1626 = vector.broadcast %add3A_1625 : i32 to vector<16xi32>
      %add3A_1627 = arith.addi %get3A_1624, %add3A_1626 : vector<16xi32>
      %mul3A_1628 = arith.constant 4 : i32
      %mul3A_1629 = vector.broadcast %mul3A_1628 : i32 to vector<16xi32>
      %mul3A_1630 = arith.muli %add3A_1627, %mul3A_1629 : vector<16xi32>
      %mul3A_1631 = arith.constant 16 : i32
      %mul3A_1632 = arith.muli %scan3A_1620, %mul3A_1631 : i32
      %swap3A = arith.index_cast %mul3A_1632 : i32 to index
      %swap3A_1633 = tpu.vector_load %arg8[%swap3A] {strides = array<i32>} : memref<832xi32, #tpu.memory_space<vmem>>, vector<16xi32>,
      %swap3A_1634 = vector.shape_cast %swap3A_1633 : vector<16xi32> to vector<16xi32>
      %swap3A_1635 = vector.shape_cast %mul3A_1630 : vector<16xi32> to vector<16xi32>
      tpu.vector_store %arg8[%swap3A], %swap3A_1635 {strides = array<i32>} : memref<832xi32, #tpu.memory_space<vmem>>, vector<16xi32>,
    }
    %scan3A_1049 = arith.constant 52 : i32
    %dma_wait3A_1050 = arith.constant 0 : i32
    %dma_wait3A_1051 = arith.constant 0 : i32
    %dma_wait3A_1052 = arith.constant 0 : i32
    %dma_wait3A_1053 = tpu.memref_slice %arg4[%dma_wait3A_1051, %dma_wait3A_1050, %dma_wait3A_1052] : memref<26624x32x128xf32, #tpu.memory_space<hbm>> -> memref<416x1x32xf32, #tpu.memory_space<hbm>>
    %dma_wait3A_1054 = tpu.memref_squeeze %dma_wait3A_1053 : memref<416x1x32xf32, #tpu.memory_space<hbm>> -> memref<416x32xf32, #tpu.memory_space<hbm>>
    %dma_wait3A_1055 = arith.constant 0 : i32
    %dma_wait3A_1056 = arith.constant 0 : i32
    %dma_wait3A_1057 = tpu.memref_slice %arg4[%dma_wait3A_1055, %dma_wait3A_1050, %dma_wait3A_1056] : memref<26624x32x128xf32, #tpu.memory_space<hbm>> -> memref<416x1x32xf32, #tpu.memory_space<hbm>>
    %dma_wait3A_1058 = tpu.memref_squeeze %dma_wait3A_1057 : memref<416x1x32xf32, #tpu.memory_space<hbm>> -> memref<416x32xf32, #tpu.memory_space<hbm>>
    tpu.wait_dma2 semaphore(%arg12 : memref<!tpu.dma_semaphore, #tpu.memory_space<semaphore_mem>>) src(%arg9 : memref<416x32xf32, #tpu.memory_space<vmem>>) dst(%dma_wait3A_1058 : memref<416x32xf32, #tpu.memory_space<hbm>>)
    %dma_start3A_1059 = arith.constant 0 : i32
    %dma_start3A_1060 = tpu.memref_slice %arg8[%dma_start3A_1059] : memref<832xi32, #tpu.memory_space<vmem>> -> memref<416xi32, #tpu.memory_space<vmem>>
    %dma_start3A_1061 = arith.constant 0 : i32
    %dma_start3A_1062 = arith.constant 0 : i32
    %dma_start3A_1063 = tpu.memref_slice %arg2[%dma_start3A_1061, %dma_start3A_1062] : memref<2704000x32xf32, #tpu.memory_space<hbm>> -> memref<2704000x32xf32, #tpu.memory_space<hbm>>
    tpu.enqueue_indirect_dma source(%dma_start3A_1063 : memref<2704000x32xf32, #tpu.memory_space<hbm>>) target(%arg9 : memref<416x32xf32, #tpu.memory_space<vmem>>) offsets(%dma_start3A_1060 : memref<416xi32, #tpu.memory_space<vmem>>) semaphore(%arg11 : memref<!tpu.dma_semaphore, #tpu.memory_space<semaphore_mem>>)
    %dma_wait3A_1064 = arith.constant 0 : i32
    %dma_wait3A_1065 = tpu.memref_slice %arg8[%dma_wait3A_1064] : memref<832xi32, #tpu.memory_space<vmem>> -> memref<416xi32, #tpu.memory_space<vmem>>
    %dma_wait3A_1066 = arith.constant 0 : i32
    %dma_wait3A_1067 = arith.constant 0 : i32
    %dma_wait3A_1068 = tpu.memref_slice %arg2[%dma_wait3A_1066, %dma_wait3A_1067] : memref<2704000x32xf32, #tpu.memory_space<hbm>> -> memref<2704000x32xf32, #tpu.memory_space<hbm>>
    tpu.wait_indirect_dma semaphore(%arg11 : memref<!tpu.dma_semaphore, #tpu.memory_space<semaphore_mem>>) src(%dma_wait3A_1068 : memref<2704000x32xf32, #tpu.memory_space<hbm>>) dst(%arg9 : memref<416x32xf32, #tpu.memory_space<vmem>>)
    %add3A_1069 = arith.constant 0 : i32
    %add3A_1070 = arith.addi %mul3A_9, %add3A_1069 : i32
    %dma_start3A_1071 = arith.constant 17 : i32
    %dma_start3A_1072 = arith.constant 0 : i32
    %dma_start3A_1073 = tpu.memref_slice %arg4[%add3A_1070, %dma_start3A_1071, %dma_start3A_1072] : memref<26624x32x128xf32, #tpu.memory_space<hbm>> -> memref<416x1x32xf32, #tpu.memory_space<hbm>>
    %dma_start3A_1074 = tpu.memref_squeeze %dma_start3A_1073 : memref<416x1x32xf32, #tpu.memory_space<hbm>> -> memref<416x32xf32, #tpu.memory_space<hbm>>
    %dma_start3A_1075 = arith.constant 0 : i32
    %dma_start3A_1076 = tpu.memref_slice %arg4[%add3A_1070, %dma_start3A_1071, %dma_start3A_1075] : memref<26624x32x128xf32, #tpu.memory_space<hbm>> -> memref<416x1x32xf32, #tpu.memory_space<hbm>>
    %dma_start3A_1077 = tpu.memref_squeeze %dma_start3A_1076 : memref<416x1x32xf32, #tpu.memory_space<hbm>> -> memref<416x32xf32, #tpu.memory_space<hbm>>
    tpu.enqueue_dma source(%arg9 : memref<416x32xf32, #tpu.memory_space<vmem>>) target(%dma_start3A_1077 : memref<416x32xf32, #tpu.memory_space<hbm>>) target_semaphore(%arg12 : memref<!tpu.dma_semaphore, #tpu.memory_space<semaphore_mem>>)
    %dma_wait3A_1078 = arith.constant 0 : i32
    %dma_wait3A_1079 = arith.constant 0 : i32
    %dma_wait3A_1080 = arith.constant 0 : i32
    %dma_wait3A_1081 = tpu.memref_slice %arg4[%dma_wait3A_1079, %dma_wait3A_1078, %dma_wait3A_1080] : memref<26624x32x128xf32, #tpu.memory_space<hbm>> -> memref<416x1x32xf32, #tpu.memory_space<hbm>>
    %dma_wait3A_1082 = tpu.memref_squeeze %dma_wait3A_1081 : memref<416x1x32xf32, #tpu.memory_space<hbm>> -> memref<416x32xf32, #tpu.memory_space<hbm>>
    %dma_wait3A_1083 = arith.constant 0 : i32
    %dma_wait3A_1084 = arith.constant 0 : i32
    %dma_wait3A_1085 = tpu.memref_slice %arg4[%dma_wait3A_1083, %dma_wait3A_1078, %dma_wait3A_1084] : memref<26624x32x128xf32, #tpu.memory_space<hbm>> -> memref<416x1x32xf32, #tpu.memory_space<hbm>>
    %dma_wait3A_1086 = tpu.memref_squeeze %dma_wait3A_1085 : memref<416x1x32xf32, #tpu.memory_space<hbm>> -> memref<416x32xf32, #tpu.memory_space<hbm>>
    tpu.wait_dma2 semaphore(%arg13 : memref<!tpu.dma_semaphore, #tpu.memory_space<semaphore_mem>>) src(%arg10 : memref<416x32xf32, #tpu.memory_space<vmem>>) dst(%dma_wait3A_1086 : memref<416x32xf32, #tpu.memory_space<hbm>>)
    %dma_start3A_1087 = arith.constant 416 : i32
    %dma_start3A_1088 = tpu.memref_slice %arg8[%dma_start3A_1087] : memref<832xi32, #tpu.memory_space<vmem>> -> memref<416xi32, #tpu.memory_space<vmem>>
    %dma_start3A_1089 = arith.constant 0 : i32
    %dma_start3A_1090 = arith.constant 0 : i32
    %dma_start3A_1091 = tpu.memref_slice %arg2[%dma_start3A_1089, %dma_start3A_1090] : memref<2704000x32xf32, #tpu.memory_space<hbm>> -> memref<2704000x32xf32, #tpu.memory_space<hbm>>
    tpu.enqueue_indirect_dma source(%dma_start3A_1091 : memref<2704000x32xf32, #tpu.memory_space<hbm>>) target(%arg10 : memref<416x32xf32, #tpu.memory_space<vmem>>) offsets(%dma_start3A_1088 : memref<416xi32, #tpu.memory_space<vmem>>) semaphore(%arg11 : memref<!tpu.dma_semaphore, #tpu.memory_space<semaphore_mem>>)
    %dma_wait3A_1092 = arith.constant 416 : i32
    %dma_wait3A_1093 = tpu.memref_slice %arg8[%dma_wait3A_1092] : memref<832xi32, #tpu.memory_space<vmem>> -> memref<416xi32, #tpu.memory_space<vmem>>
    %dma_wait3A_1094 = arith.constant 0 : i32
    %dma_wait3A_1095 = arith.constant 0 : i32
    %dma_wait3A_1096 = tpu.memref_slice %arg2[%dma_wait3A_1094, %dma_wait3A_1095] : memref<2704000x32xf32, #tpu.memory_space<hbm>> -> memref<2704000x32xf32, #tpu.memory_space<hbm>>
    tpu.wait_indirect_dma semaphore(%arg11 : memref<!tpu.dma_semaphore, #tpu.memory_space<semaphore_mem>>) src(%dma_wait3A_1096 : memref<2704000x32xf32, #tpu.memory_space<hbm>>) dst(%arg10 : memref<416x32xf32, #tpu.memory_space<vmem>>)
    %add3A_1097 = arith.constant 416 : i32
    %add3A_1098 = arith.addi %mul3A_9, %add3A_1097 : i32
    %dma_start3A_1099 = arith.constant 17 : i32
    %dma_start3A_1100 = arith.constant 0 : i32
    %dma_start3A_1101 = tpu.memref_slice %arg4[%add3A_1098, %dma_start3A_1099, %dma_start3A_1100] : memref<26624x32x128xf32, #tpu.memory_space<hbm>> -> memref<416x1x32xf32, #tpu.memory_space<hbm>>
    %dma_start3A_1102 = tpu.memref_squeeze %dma_start3A_1101 : memref<416x1x32xf32, #tpu.memory_space<hbm>> -> memref<416x32xf32, #tpu.memory_space<hbm>>
    %dma_start3A_1103 = arith.constant 0 : i32
    %dma_start3A_1104 = tpu.memref_slice %arg4[%add3A_1098, %dma_start3A_1099, %dma_start3A_1103] : memref<26624x32x128xf32, #tpu.memory_space<hbm>> -> memref<416x1x32xf32, #tpu.memory_space<hbm>>
    %dma_start3A_1105 = tpu.memref_squeeze %dma_start3A_1104 : memref<416x1x32xf32, #tpu.memory_space<hbm>> -> memref<416x32xf32, #tpu.memory_space<hbm>>
    tpu.enqueue_dma source(%arg10 : memref<416x32xf32, #tpu.memory_space<vmem>>) target(%dma_start3A_1105 : memref<416x32xf32, #tpu.memory_space<hbm>>) target_semaphore(%arg13 : memref<!tpu.dma_semaphore, #tpu.memory_space<semaphore_mem>>)
    %scan3A_1106 = arith.constant 0 : i32
    %scan3A_1107 = arith.constant 0 : i32
    %scan3A_1108 = arith.constant 52 : i32
    %scan3A_1109 = arith.addi %scan3A_1107, %scan3A_1108 : i32
    %scan3A_1110 = arith.constant 1 : i32
    scf.for %scan3A_1620 = %scan3A_1107 to %scan3A_1109 step %scan3A_1110  : i32 {
      %mul3A_1621 = arith.constant 16 : i32
      %mul3A_1622 = arith.muli %scan3A_1620, %mul3A_1621 : i32
      %get3A = arith.index_cast %mul3A_1622 : i32 to index
      %get3A_1623 = tpu.vector_load %arg6[%get3A] {strides = array<i32>} : memref<832xi32, #tpu.memory_space<vmem>>, vector<16xi32>,
      %get3A_1624 = vector.shape_cast %get3A_1623 : vector<16xi32> to vector<16xi32>
      %add3A_1625 = arith.constant 468000 : i32
      %add3A_1626 = vector.broadcast %add3A_1625 : i32 to vector<16xi32>
      %add3A_1627 = arith.addi %get3A_1624, %add3A_1626 : vector<16xi32>
      %mul3A_1628 = arith.constant 4 : i32
      %mul3A_1629 = vector.broadcast %mul3A_1628 : i32 to vector<16xi32>
      %mul3A_1630 = arith.muli %add3A_1627, %mul3A_1629 : vector<16xi32>
      %mul3A_1631 = arith.constant 16 : i32
      %mul3A_1632 = arith.muli %scan3A_1620, %mul3A_1631 : i32
      %swap3A = arith.index_cast %mul3A_1632 : i32 to index
      %swap3A_1633 = tpu.vector_load %arg7[%swap3A] {strides = array<i32>} : memref<832xi32, #tpu.memory_space<vmem>>, vector<16xi32>,
      %swap3A_1634 = vector.shape_cast %swap3A_1633 : vector<16xi32> to vector<16xi32>
      %swap3A_1635 = vector.shape_cast %mul3A_1630 : vector<16xi32> to vector<16xi32>
      tpu.vector_store %arg7[%swap3A], %swap3A_1635 {strides = array<i32>} : memref<832xi32, #tpu.memory_space<vmem>>, vector<16xi32>,
    }
    %scan3A_1111 = arith.constant 52 : i32
    %dma_wait3A_1112 = arith.constant 0 : i32
    %dma_wait3A_1113 = arith.constant 0 : i32
    %dma_wait3A_1114 = arith.constant 0 : i32
    %dma_wait3A_1115 = tpu.memref_slice %arg4[%dma_wait3A_1113, %dma_wait3A_1112, %dma_wait3A_1114] : memref<26624x32x128xf32, #tpu.memory_space<hbm>> -> memref<416x1x32xf32, #tpu.memory_space<hbm>>
    %dma_wait3A_1116 = tpu.memref_squeeze %dma_wait3A_1115 : memref<416x1x32xf32, #tpu.memory_space<hbm>> -> memref<416x32xf32, #tpu.memory_space<hbm>>
    %dma_wait3A_1117 = arith.constant 0 : i32
    %dma_wait3A_1118 = arith.constant 0 : i32
    %dma_wait3A_1119 = tpu.memref_slice %arg4[%dma_wait3A_1117, %dma_wait3A_1112, %dma_wait3A_1118] : memref<26624x32x128xf32, #tpu.memory_space<hbm>> -> memref<416x1x32xf32, #tpu.memory_space<hbm>>
    %dma_wait3A_1120 = tpu.memref_squeeze %dma_wait3A_1119 : memref<416x1x32xf32, #tpu.memory_space<hbm>> -> memref<416x32xf32, #tpu.memory_space<hbm>>
    tpu.wait_dma2 semaphore(%arg12 : memref<!tpu.dma_semaphore, #tpu.memory_space<semaphore_mem>>) src(%arg9 : memref<416x32xf32, #tpu.memory_space<vmem>>) dst(%dma_wait3A_1120 : memref<416x32xf32, #tpu.memory_space<hbm>>)
    %dma_start3A_1121 = arith.constant 0 : i32
    %dma_start3A_1122 = tpu.memref_slice %arg7[%dma_start3A_1121] : memref<832xi32, #tpu.memory_space<vmem>> -> memref<416xi32, #tpu.memory_space<vmem>>
    %dma_start3A_1123 = arith.constant 0 : i32
    %dma_start3A_1124 = arith.constant 0 : i32
    %dma_start3A_1125 = tpu.memref_slice %arg2[%dma_start3A_1123, %dma_start3A_1124] : memref<2704000x32xf32, #tpu.memory_space<hbm>> -> memref<2704000x32xf32, #tpu.memory_space<hbm>>
    tpu.enqueue_indirect_dma source(%dma_start3A_1125 : memref<2704000x32xf32, #tpu.memory_space<hbm>>) target(%arg9 : memref<416x32xf32, #tpu.memory_space<vmem>>) offsets(%dma_start3A_1122 : memref<416xi32, #tpu.memory_space<vmem>>) semaphore(%arg11 : memref<!tpu.dma_semaphore, #tpu.memory_space<semaphore_mem>>)
    %dma_wait3A_1126 = arith.constant 0 : i32
    %dma_wait3A_1127 = tpu.memref_slice %arg7[%dma_wait3A_1126] : memref<832xi32, #tpu.memory_space<vmem>> -> memref<416xi32, #tpu.memory_space<vmem>>
    %dma_wait3A_1128 = arith.constant 0 : i32
    %dma_wait3A_1129 = arith.constant 0 : i32
    %dma_wait3A_1130 = tpu.memref_slice %arg2[%dma_wait3A_1128, %dma_wait3A_1129] : memref<2704000x32xf32, #tpu.memory_space<hbm>> -> memref<2704000x32xf32, #tpu.memory_space<hbm>>
    tpu.wait_indirect_dma semaphore(%arg11 : memref<!tpu.dma_semaphore, #tpu.memory_space<semaphore_mem>>) src(%dma_wait3A_1130 : memref<2704000x32xf32, #tpu.memory_space<hbm>>) dst(%arg9 : memref<416x32xf32, #tpu.memory_space<vmem>>)
    %add3A_1131 = arith.constant 0 : i32
    %add3A_1132 = arith.addi %mul3A_9, %add3A_1131 : i32
    %dma_start3A_1133 = arith.constant 18 : i32
    %dma_start3A_1134 = arith.constant 0 : i32
    %dma_start3A_1135 = tpu.memref_slice %arg4[%add3A_1132, %dma_start3A_1133, %dma_start3A_1134] : memref<26624x32x128xf32, #tpu.memory_space<hbm>> -> memref<416x1x32xf32, #tpu.memory_space<hbm>>
    %dma_start3A_1136 = tpu.memref_squeeze %dma_start3A_1135 : memref<416x1x32xf32, #tpu.memory_space<hbm>> -> memref<416x32xf32, #tpu.memory_space<hbm>>
    %dma_start3A_1137 = arith.constant 0 : i32
    %dma_start3A_1138 = tpu.memref_slice %arg4[%add3A_1132, %dma_start3A_1133, %dma_start3A_1137] : memref<26624x32x128xf32, #tpu.memory_space<hbm>> -> memref<416x1x32xf32, #tpu.memory_space<hbm>>
    %dma_start3A_1139 = tpu.memref_squeeze %dma_start3A_1138 : memref<416x1x32xf32, #tpu.memory_space<hbm>> -> memref<416x32xf32, #tpu.memory_space<hbm>>
    tpu.enqueue_dma source(%arg9 : memref<416x32xf32, #tpu.memory_space<vmem>>) target(%dma_start3A_1139 : memref<416x32xf32, #tpu.memory_space<hbm>>) target_semaphore(%arg12 : memref<!tpu.dma_semaphore, #tpu.memory_space<semaphore_mem>>)
    %dma_wait3A_1140 = arith.constant 0 : i32
    %dma_wait3A_1141 = arith.constant 0 : i32
    %dma_wait3A_1142 = arith.constant 0 : i32
    %dma_wait3A_1143 = tpu.memref_slice %arg4[%dma_wait3A_1141, %dma_wait3A_1140, %dma_wait3A_1142] : memref<26624x32x128xf32, #tpu.memory_space<hbm>> -> memref<416x1x32xf32, #tpu.memory_space<hbm>>
    %dma_wait3A_1144 = tpu.memref_squeeze %dma_wait3A_1143 : memref<416x1x32xf32, #tpu.memory_space<hbm>> -> memref<416x32xf32, #tpu.memory_space<hbm>>
    %dma_wait3A_1145 = arith.constant 0 : i32
    %dma_wait3A_1146 = arith.constant 0 : i32
    %dma_wait3A_1147 = tpu.memref_slice %arg4[%dma_wait3A_1145, %dma_wait3A_1140, %dma_wait3A_1146] : memref<26624x32x128xf32, #tpu.memory_space<hbm>> -> memref<416x1x32xf32, #tpu.memory_space<hbm>>
    %dma_wait3A_1148 = tpu.memref_squeeze %dma_wait3A_1147 : memref<416x1x32xf32, #tpu.memory_space<hbm>> -> memref<416x32xf32, #tpu.memory_space<hbm>>
    tpu.wait_dma2 semaphore(%arg13 : memref<!tpu.dma_semaphore, #tpu.memory_space<semaphore_mem>>) src(%arg10 : memref<416x32xf32, #tpu.memory_space<vmem>>) dst(%dma_wait3A_1148 : memref<416x32xf32, #tpu.memory_space<hbm>>)
    %dma_start3A_1149 = arith.constant 416 : i32
    %dma_start3A_1150 = tpu.memref_slice %arg7[%dma_start3A_1149] : memref<832xi32, #tpu.memory_space<vmem>> -> memref<416xi32, #tpu.memory_space<vmem>>
    %dma_start3A_1151 = arith.constant 0 : i32
    %dma_start3A_1152 = arith.constant 0 : i32
    %dma_start3A_1153 = tpu.memref_slice %arg2[%dma_start3A_1151, %dma_start3A_1152] : memref<2704000x32xf32, #tpu.memory_space<hbm>> -> memref<2704000x32xf32, #tpu.memory_space<hbm>>
    tpu.enqueue_indirect_dma source(%dma_start3A_1153 : memref<2704000x32xf32, #tpu.memory_space<hbm>>) target(%arg10 : memref<416x32xf32, #tpu.memory_space<vmem>>) offsets(%dma_start3A_1150 : memref<416xi32, #tpu.memory_space<vmem>>) semaphore(%arg11 : memref<!tpu.dma_semaphore, #tpu.memory_space<semaphore_mem>>)
    %dma_wait3A_1154 = arith.constant 416 : i32
    %dma_wait3A_1155 = tpu.memref_slice %arg7[%dma_wait3A_1154] : memref<832xi32, #tpu.memory_space<vmem>> -> memref<416xi32, #tpu.memory_space<vmem>>
    %dma_wait3A_1156 = arith.constant 0 : i32
    %dma_wait3A_1157 = arith.constant 0 : i32
    %dma_wait3A_1158 = tpu.memref_slice %arg2[%dma_wait3A_1156, %dma_wait3A_1157] : memref<2704000x32xf32, #tpu.memory_space<hbm>> -> memref<2704000x32xf32, #tpu.memory_space<hbm>>
    tpu.wait_indirect_dma semaphore(%arg11 : memref<!tpu.dma_semaphore, #tpu.memory_space<semaphore_mem>>) src(%dma_wait3A_1158 : memref<2704000x32xf32, #tpu.memory_space<hbm>>) dst(%arg10 : memref<416x32xf32, #tpu.memory_space<vmem>>)
    %add3A_1159 = arith.constant 416 : i32
    %add3A_1160 = arith.addi %mul3A_9, %add3A_1159 : i32
    %dma_start3A_1161 = arith.constant 18 : i32
    %dma_start3A_1162 = arith.constant 0 : i32
    %dma_start3A_1163 = tpu.memref_slice %arg4[%add3A_1160, %dma_start3A_1161, %dma_start3A_1162] : memref<26624x32x128xf32, #tpu.memory_space<hbm>> -> memref<416x1x32xf32, #tpu.memory_space<hbm>>
    %dma_start3A_1164 = tpu.memref_squeeze %dma_start3A_1163 : memref<416x1x32xf32, #tpu.memory_space<hbm>> -> memref<416x32xf32, #tpu.memory_space<hbm>>
    %dma_start3A_1165 = arith.constant 0 : i32
    %dma_start3A_1166 = tpu.memref_slice %arg4[%add3A_1160, %dma_start3A_1161, %dma_start3A_1165] : memref<26624x32x128xf32, #tpu.memory_space<hbm>> -> memref<416x1x32xf32, #tpu.memory_space<hbm>>
    %dma_start3A_1167 = tpu.memref_squeeze %dma_start3A_1166 : memref<416x1x32xf32, #tpu.memory_space<hbm>> -> memref<416x32xf32, #tpu.memory_space<hbm>>
    tpu.enqueue_dma source(%arg10 : memref<416x32xf32, #tpu.memory_space<vmem>>) target(%dma_start3A_1167 : memref<416x32xf32, #tpu.memory_space<hbm>>) target_semaphore(%arg13 : memref<!tpu.dma_semaphore, #tpu.memory_space<semaphore_mem>>)
    %scan3A_1168 = arith.constant 0 : i32
    %scan3A_1169 = arith.constant 0 : i32
    %scan3A_1170 = arith.constant 52 : i32
    %scan3A_1171 = arith.addi %scan3A_1169, %scan3A_1170 : i32
    %scan3A_1172 = arith.constant 1 : i32
    scf.for %scan3A_1620 = %scan3A_1169 to %scan3A_1171 step %scan3A_1172  : i32 {
      %mul3A_1621 = arith.constant 16 : i32
      %mul3A_1622 = arith.muli %scan3A_1620, %mul3A_1621 : i32
      %get3A = arith.index_cast %mul3A_1622 : i32 to index
      %get3A_1623 = tpu.vector_load %arg6[%get3A] {strides = array<i32>} : memref<832xi32, #tpu.memory_space<vmem>>, vector<16xi32>,
      %get3A_1624 = vector.shape_cast %get3A_1623 : vector<16xi32> to vector<16xi32>
      %add3A_1625 = arith.constant 494000 : i32
      %add3A_1626 = vector.broadcast %add3A_1625 : i32 to vector<16xi32>
      %add3A_1627 = arith.addi %get3A_1624, %add3A_1626 : vector<16xi32>
      %mul3A_1628 = arith.constant 4 : i32
      %mul3A_1629 = vector.broadcast %mul3A_1628 : i32 to vector<16xi32>
      %mul3A_1630 = arith.muli %add3A_1627, %mul3A_1629 : vector<16xi32>
      %mul3A_1631 = arith.constant 16 : i32
      %mul3A_1632 = arith.muli %scan3A_1620, %mul3A_1631 : i32
      %swap3A = arith.index_cast %mul3A_1632 : i32 to index
      %swap3A_1633 = tpu.vector_load %arg8[%swap3A] {strides = array<i32>} : memref<832xi32, #tpu.memory_space<vmem>>, vector<16xi32>,
      %swap3A_1634 = vector.shape_cast %swap3A_1633 : vector<16xi32> to vector<16xi32>
      %swap3A_1635 = vector.shape_cast %mul3A_1630 : vector<16xi32> to vector<16xi32>
      tpu.vector_store %arg8[%swap3A], %swap3A_1635 {strides = array<i32>} : memref<832xi32, #tpu.memory_space<vmem>>, vector<16xi32>,
    }
    %scan3A_1173 = arith.constant 52 : i32
    %dma_wait3A_1174 = arith.constant 0 : i32
    %dma_wait3A_1175 = arith.constant 0 : i32
    %dma_wait3A_1176 = arith.constant 0 : i32
    %dma_wait3A_1177 = tpu.memref_slice %arg4[%dma_wait3A_1175, %dma_wait3A_1174, %dma_wait3A_1176] : memref<26624x32x128xf32, #tpu.memory_space<hbm>> -> memref<416x1x32xf32, #tpu.memory_space<hbm>>
    %dma_wait3A_1178 = tpu.memref_squeeze %dma_wait3A_1177 : memref<416x1x32xf32, #tpu.memory_space<hbm>> -> memref<416x32xf32, #tpu.memory_space<hbm>>
    %dma_wait3A_1179 = arith.constant 0 : i32
    %dma_wait3A_1180 = arith.constant 0 : i32
    %dma_wait3A_1181 = tpu.memref_slice %arg4[%dma_wait3A_1179, %dma_wait3A_1174, %dma_wait3A_1180] : memref<26624x32x128xf32, #tpu.memory_space<hbm>> -> memref<416x1x32xf32, #tpu.memory_space<hbm>>
    %dma_wait3A_1182 = tpu.memref_squeeze %dma_wait3A_1181 : memref<416x1x32xf32, #tpu.memory_space<hbm>> -> memref<416x32xf32, #tpu.memory_space<hbm>>
    tpu.wait_dma2 semaphore(%arg12 : memref<!tpu.dma_semaphore, #tpu.memory_space<semaphore_mem>>) src(%arg9 : memref<416x32xf32, #tpu.memory_space<vmem>>) dst(%dma_wait3A_1182 : memref<416x32xf32, #tpu.memory_space<hbm>>)
    %dma_start3A_1183 = arith.constant 0 : i32
    %dma_start3A_1184 = tpu.memref_slice %arg8[%dma_start3A_1183] : memref<832xi32, #tpu.memory_space<vmem>> -> memref<416xi32, #tpu.memory_space<vmem>>
    %dma_start3A_1185 = arith.constant 0 : i32
    %dma_start3A_1186 = arith.constant 0 : i32
    %dma_start3A_1187 = tpu.memref_slice %arg2[%dma_start3A_1185, %dma_start3A_1186] : memref<2704000x32xf32, #tpu.memory_space<hbm>> -> memref<2704000x32xf32, #tpu.memory_space<hbm>>
    tpu.enqueue_indirect_dma source(%dma_start3A_1187 : memref<2704000x32xf32, #tpu.memory_space<hbm>>) target(%arg9 : memref<416x32xf32, #tpu.memory_space<vmem>>) offsets(%dma_start3A_1184 : memref<416xi32, #tpu.memory_space<vmem>>) semaphore(%arg11 : memref<!tpu.dma_semaphore, #tpu.memory_space<semaphore_mem>>)
    %dma_wait3A_1188 = arith.constant 0 : i32
    %dma_wait3A_1189 = tpu.memref_slice %arg8[%dma_wait3A_1188] : memref<832xi32, #tpu.memory_space<vmem>> -> memref<416xi32, #tpu.memory_space<vmem>>
    %dma_wait3A_1190 = arith.constant 0 : i32
    %dma_wait3A_1191 = arith.constant 0 : i32
    %dma_wait3A_1192 = tpu.memref_slice %arg2[%dma_wait3A_1190, %dma_wait3A_1191] : memref<2704000x32xf32, #tpu.memory_space<hbm>> -> memref<2704000x32xf32, #tpu.memory_space<hbm>>
    tpu.wait_indirect_dma semaphore(%arg11 : memref<!tpu.dma_semaphore, #tpu.memory_space<semaphore_mem>>) src(%dma_wait3A_1192 : memref<2704000x32xf32, #tpu.memory_space<hbm>>) dst(%arg9 : memref<416x32xf32, #tpu.memory_space<vmem>>)
    %add3A_1193 = arith.constant 0 : i32
    %add3A_1194 = arith.addi %mul3A_9, %add3A_1193 : i32
    %dma_start3A_1195 = arith.constant 19 : i32
    %dma_start3A_1196 = arith.constant 0 : i32
    %dma_start3A_1197 = tpu.memref_slice %arg4[%add3A_1194, %dma_start3A_1195, %dma_start3A_1196] : memref<26624x32x128xf32, #tpu.memory_space<hbm>> -> memref<416x1x32xf32, #tpu.memory_space<hbm>>
    %dma_start3A_1198 = tpu.memref_squeeze %dma_start3A_1197 : memref<416x1x32xf32, #tpu.memory_space<hbm>> -> memref<416x32xf32, #tpu.memory_space<hbm>>
    %dma_start3A_1199 = arith.constant 0 : i32
    %dma_start3A_1200 = tpu.memref_slice %arg4[%add3A_1194, %dma_start3A_1195, %dma_start3A_1199] : memref<26624x32x128xf32, #tpu.memory_space<hbm>> -> memref<416x1x32xf32, #tpu.memory_space<hbm>>
    %dma_start3A_1201 = tpu.memref_squeeze %dma_start3A_1200 : memref<416x1x32xf32, #tpu.memory_space<hbm>> -> memref<416x32xf32, #tpu.memory_space<hbm>>
    tpu.enqueue_dma source(%arg9 : memref<416x32xf32, #tpu.memory_space<vmem>>) target(%dma_start3A_1201 : memref<416x32xf32, #tpu.memory_space<hbm>>) target_semaphore(%arg12 : memref<!tpu.dma_semaphore, #tpu.memory_space<semaphore_mem>>)
    %dma_wait3A_1202 = arith.constant 0 : i32
    %dma_wait3A_1203 = arith.constant 0 : i32
    %dma_wait3A_1204 = arith.constant 0 : i32
    %dma_wait3A_1205 = tpu.memref_slice %arg4[%dma_wait3A_1203, %dma_wait3A_1202, %dma_wait3A_1204] : memref<26624x32x128xf32, #tpu.memory_space<hbm>> -> memref<416x1x32xf32, #tpu.memory_space<hbm>>
    %dma_wait3A_1206 = tpu.memref_squeeze %dma_wait3A_1205 : memref<416x1x32xf32, #tpu.memory_space<hbm>> -> memref<416x32xf32, #tpu.memory_space<hbm>>
    %dma_wait3A_1207 = arith.constant 0 : i32
    %dma_wait3A_1208 = arith.constant 0 : i32
    %dma_wait3A_1209 = tpu.memref_slice %arg4[%dma_wait3A_1207, %dma_wait3A_1202, %dma_wait3A_1208] : memref<26624x32x128xf32, #tpu.memory_space<hbm>> -> memref<416x1x32xf32, #tpu.memory_space<hbm>>
    %dma_wait3A_1210 = tpu.memref_squeeze %dma_wait3A_1209 : memref<416x1x32xf32, #tpu.memory_space<hbm>> -> memref<416x32xf32, #tpu.memory_space<hbm>>
    tpu.wait_dma2 semaphore(%arg13 : memref<!tpu.dma_semaphore, #tpu.memory_space<semaphore_mem>>) src(%arg10 : memref<416x32xf32, #tpu.memory_space<vmem>>) dst(%dma_wait3A_1210 : memref<416x32xf32, #tpu.memory_space<hbm>>)
    %dma_start3A_1211 = arith.constant 416 : i32
    %dma_start3A_1212 = tpu.memref_slice %arg8[%dma_start3A_1211] : memref<832xi32, #tpu.memory_space<vmem>> -> memref<416xi32, #tpu.memory_space<vmem>>
    %dma_start3A_1213 = arith.constant 0 : i32
    %dma_start3A_1214 = arith.constant 0 : i32
    %dma_start3A_1215 = tpu.memref_slice %arg2[%dma_start3A_1213, %dma_start3A_1214] : memref<2704000x32xf32, #tpu.memory_space<hbm>> -> memref<2704000x32xf32, #tpu.memory_space<hbm>>
    tpu.enqueue_indirect_dma source(%dma_start3A_1215 : memref<2704000x32xf32, #tpu.memory_space<hbm>>) target(%arg10 : memref<416x32xf32, #tpu.memory_space<vmem>>) offsets(%dma_start3A_1212 : memref<416xi32, #tpu.memory_space<vmem>>) semaphore(%arg11 : memref<!tpu.dma_semaphore, #tpu.memory_space<semaphore_mem>>)
    %dma_wait3A_1216 = arith.constant 416 : i32
    %dma_wait3A_1217 = tpu.memref_slice %arg8[%dma_wait3A_1216] : memref<832xi32, #tpu.memory_space<vmem>> -> memref<416xi32, #tpu.memory_space<vmem>>
    %dma_wait3A_1218 = arith.constant 0 : i32
    %dma_wait3A_1219 = arith.constant 0 : i32
    %dma_wait3A_1220 = tpu.memref_slice %arg2[%dma_wait3A_1218, %dma_wait3A_1219] : memref<2704000x32xf32, #tpu.memory_space<hbm>> -> memref<2704000x32xf32, #tpu.memory_space<hbm>>
    tpu.wait_indirect_dma semaphore(%arg11 : memref<!tpu.dma_semaphore, #tpu.memory_space<semaphore_mem>>) src(%dma_wait3A_1220 : memref<2704000x32xf32, #tpu.memory_space<hbm>>) dst(%arg10 : memref<416x32xf32, #tpu.memory_space<vmem>>)
    %add3A_1221 = arith.constant 416 : i32
    %add3A_1222 = arith.addi %mul3A_9, %add3A_1221 : i32
    %dma_start3A_1223 = arith.constant 19 : i32
    %dma_start3A_1224 = arith.constant 0 : i32
    %dma_start3A_1225 = tpu.memref_slice %arg4[%add3A_1222, %dma_start3A_1223, %dma_start3A_1224] : memref<26624x32x128xf32, #tpu.memory_space<hbm>> -> memref<416x1x32xf32, #tpu.memory_space<hbm>>
    %dma_start3A_1226 = tpu.memref_squeeze %dma_start3A_1225 : memref<416x1x32xf32, #tpu.memory_space<hbm>> -> memref<416x32xf32, #tpu.memory_space<hbm>>
    %dma_start3A_1227 = arith.constant 0 : i32
    %dma_start3A_1228 = tpu.memref_slice %arg4[%add3A_1222, %dma_start3A_1223, %dma_start3A_1227] : memref<26624x32x128xf32, #tpu.memory_space<hbm>> -> memref<416x1x32xf32, #tpu.memory_space<hbm>>
    %dma_start3A_1229 = tpu.memref_squeeze %dma_start3A_1228 : memref<416x1x32xf32, #tpu.memory_space<hbm>> -> memref<416x32xf32, #tpu.memory_space<hbm>>
    tpu.enqueue_dma source(%arg10 : memref<416x32xf32, #tpu.memory_space<vmem>>) target(%dma_start3A_1229 : memref<416x32xf32, #tpu.memory_space<hbm>>) target_semaphore(%arg13 : memref<!tpu.dma_semaphore, #tpu.memory_space<semaphore_mem>>)
    %scan3A_1230 = arith.constant 0 : i32
    %scan3A_1231 = arith.constant 0 : i32
    %scan3A_1232 = arith.constant 52 : i32
    %scan3A_1233 = arith.addi %scan3A_1231, %scan3A_1232 : i32
    %scan3A_1234 = arith.constant 1 : i32
    scf.for %scan3A_1620 = %scan3A_1231 to %scan3A_1233 step %scan3A_1234  : i32 {
      %mul3A_1621 = arith.constant 16 : i32
      %mul3A_1622 = arith.muli %scan3A_1620, %mul3A_1621 : i32
      %get3A = arith.index_cast %mul3A_1622 : i32 to index
      %get3A_1623 = tpu.vector_load %arg6[%get3A] {strides = array<i32>} : memref<832xi32, #tpu.memory_space<vmem>>, vector<16xi32>,
      %get3A_1624 = vector.shape_cast %get3A_1623 : vector<16xi32> to vector<16xi32>
      %add3A_1625 = arith.constant 520000 : i32
      %add3A_1626 = vector.broadcast %add3A_1625 : i32 to vector<16xi32>
      %add3A_1627 = arith.addi %get3A_1624, %add3A_1626 : vector<16xi32>
      %mul3A_1628 = arith.constant 4 : i32
      %mul3A_1629 = vector.broadcast %mul3A_1628 : i32 to vector<16xi32>
      %mul3A_1630 = arith.muli %add3A_1627, %mul3A_1629 : vector<16xi32>
      %mul3A_1631 = arith.constant 16 : i32
      %mul3A_1632 = arith.muli %scan3A_1620, %mul3A_1631 : i32
      %swap3A = arith.index_cast %mul3A_1632 : i32 to index
      %swap3A_1633 = tpu.vector_load %arg7[%swap3A] {strides = array<i32>} : memref<832xi32, #tpu.memory_space<vmem>>, vector<16xi32>,
      %swap3A_1634 = vector.shape_cast %swap3A_1633 : vector<16xi32> to vector<16xi32>
      %swap3A_1635 = vector.shape_cast %mul3A_1630 : vector<16xi32> to vector<16xi32>
      tpu.vector_store %arg7[%swap3A], %swap3A_1635 {strides = array<i32>} : memref<832xi32, #tpu.memory_space<vmem>>, vector<16xi32>,
    }
    %scan3A_1235 = arith.constant 52 : i32
    %dma_wait3A_1236 = arith.constant 0 : i32
    %dma_wait3A_1237 = arith.constant 0 : i32
    %dma_wait3A_1238 = arith.constant 0 : i32
    %dma_wait3A_1239 = tpu.memref_slice %arg4[%dma_wait3A_1237, %dma_wait3A_1236, %dma_wait3A_1238] : memref<26624x32x128xf32, #tpu.memory_space<hbm>> -> memref<416x1x32xf32, #tpu.memory_space<hbm>>
    %dma_wait3A_1240 = tpu.memref_squeeze %dma_wait3A_1239 : memref<416x1x32xf32, #tpu.memory_space<hbm>> -> memref<416x32xf32, #tpu.memory_space<hbm>>
    %dma_wait3A_1241 = arith.constant 0 : i32
    %dma_wait3A_1242 = arith.constant 0 : i32
    %dma_wait3A_1243 = tpu.memref_slice %arg4[%dma_wait3A_1241, %dma_wait3A_1236, %dma_wait3A_1242] : memref<26624x32x128xf32, #tpu.memory_space<hbm>> -> memref<416x1x32xf32, #tpu.memory_space<hbm>>
    %dma_wait3A_1244 = tpu.memref_squeeze %dma_wait3A_1243 : memref<416x1x32xf32, #tpu.memory_space<hbm>> -> memref<416x32xf32, #tpu.memory_space<hbm>>
    tpu.wait_dma2 semaphore(%arg12 : memref<!tpu.dma_semaphore, #tpu.memory_space<semaphore_mem>>) src(%arg9 : memref<416x32xf32, #tpu.memory_space<vmem>>) dst(%dma_wait3A_1244 : memref<416x32xf32, #tpu.memory_space<hbm>>)
    %dma_start3A_1245 = arith.constant 0 : i32
    %dma_start3A_1246 = tpu.memref_slice %arg7[%dma_start3A_1245] : memref<832xi32, #tpu.memory_space<vmem>> -> memref<416xi32, #tpu.memory_space<vmem>>
    %dma_start3A_1247 = arith.constant 0 : i32
    %dma_start3A_1248 = arith.constant 0 : i32
    %dma_start3A_1249 = tpu.memref_slice %arg2[%dma_start3A_1247, %dma_start3A_1248] : memref<2704000x32xf32, #tpu.memory_space<hbm>> -> memref<2704000x32xf32, #tpu.memory_space<hbm>>
    tpu.enqueue_indirect_dma source(%dma_start3A_1249 : memref<2704000x32xf32, #tpu.memory_space<hbm>>) target(%arg9 : memref<416x32xf32, #tpu.memory_space<vmem>>) offsets(%dma_start3A_1246 : memref<416xi32, #tpu.memory_space<vmem>>) semaphore(%arg11 : memref<!tpu.dma_semaphore, #tpu.memory_space<semaphore_mem>>)
    %dma_wait3A_1250 = arith.constant 0 : i32
    %dma_wait3A_1251 = tpu.memref_slice %arg7[%dma_wait3A_1250] : memref<832xi32, #tpu.memory_space<vmem>> -> memref<416xi32, #tpu.memory_space<vmem>>
    %dma_wait3A_1252 = arith.constant 0 : i32
    %dma_wait3A_1253 = arith.constant 0 : i32
    %dma_wait3A_1254 = tpu.memref_slice %arg2[%dma_wait3A_1252, %dma_wait3A_1253] : memref<2704000x32xf32, #tpu.memory_space<hbm>> -> memref<2704000x32xf32, #tpu.memory_space<hbm>>
    tpu.wait_indirect_dma semaphore(%arg11 : memref<!tpu.dma_semaphore, #tpu.memory_space<semaphore_mem>>) src(%dma_wait3A_1254 : memref<2704000x32xf32, #tpu.memory_space<hbm>>) dst(%arg9 : memref<416x32xf32, #tpu.memory_space<vmem>>)
    %add3A_1255 = arith.constant 0 : i32
    %add3A_1256 = arith.addi %mul3A_9, %add3A_1255 : i32
    %dma_start3A_1257 = arith.constant 20 : i32
    %dma_start3A_1258 = arith.constant 0 : i32
    %dma_start3A_1259 = tpu.memref_slice %arg4[%add3A_1256, %dma_start3A_1257, %dma_start3A_1258] : memref<26624x32x128xf32, #tpu.memory_space<hbm>> -> memref<416x1x32xf32, #tpu.memory_space<hbm>>
    %dma_start3A_1260 = tpu.memref_squeeze %dma_start3A_1259 : memref<416x1x32xf32, #tpu.memory_space<hbm>> -> memref<416x32xf32, #tpu.memory_space<hbm>>
    %dma_start3A_1261 = arith.constant 0 : i32
    %dma_start3A_1262 = tpu.memref_slice %arg4[%add3A_1256, %dma_start3A_1257, %dma_start3A_1261] : memref<26624x32x128xf32, #tpu.memory_space<hbm>> -> memref<416x1x32xf32, #tpu.memory_space<hbm>>
    %dma_start3A_1263 = tpu.memref_squeeze %dma_start3A_1262 : memref<416x1x32xf32, #tpu.memory_space<hbm>> -> memref<416x32xf32, #tpu.memory_space<hbm>>
    tpu.enqueue_dma source(%arg9 : memref<416x32xf32, #tpu.memory_space<vmem>>) target(%dma_start3A_1263 : memref<416x32xf32, #tpu.memory_space<hbm>>) target_semaphore(%arg12 : memref<!tpu.dma_semaphore, #tpu.memory_space<semaphore_mem>>)
    %dma_wait3A_1264 = arith.constant 0 : i32
    %dma_wait3A_1265 = arith.constant 0 : i32
    %dma_wait3A_1266 = arith.constant 0 : i32
    %dma_wait3A_1267 = tpu.memref_slice %arg4[%dma_wait3A_1265, %dma_wait3A_1264, %dma_wait3A_1266] : memref<26624x32x128xf32, #tpu.memory_space<hbm>> -> memref<416x1x32xf32, #tpu.memory_space<hbm>>
    %dma_wait3A_1268 = tpu.memref_squeeze %dma_wait3A_1267 : memref<416x1x32xf32, #tpu.memory_space<hbm>> -> memref<416x32xf32, #tpu.memory_space<hbm>>
    %dma_wait3A_1269 = arith.constant 0 : i32
    %dma_wait3A_1270 = arith.constant 0 : i32
    %dma_wait3A_1271 = tpu.memref_slice %arg4[%dma_wait3A_1269, %dma_wait3A_1264, %dma_wait3A_1270] : memref<26624x32x128xf32, #tpu.memory_space<hbm>> -> memref<416x1x32xf32, #tpu.memory_space<hbm>>
    %dma_wait3A_1272 = tpu.memref_squeeze %dma_wait3A_1271 : memref<416x1x32xf32, #tpu.memory_space<hbm>> -> memref<416x32xf32, #tpu.memory_space<hbm>>
    tpu.wait_dma2 semaphore(%arg13 : memref<!tpu.dma_semaphore, #tpu.memory_space<semaphore_mem>>) src(%arg10 : memref<416x32xf32, #tpu.memory_space<vmem>>) dst(%dma_wait3A_1272 : memref<416x32xf32, #tpu.memory_space<hbm>>)
    %dma_start3A_1273 = arith.constant 416 : i32
    %dma_start3A_1274 = tpu.memref_slice %arg7[%dma_start3A_1273] : memref<832xi32, #tpu.memory_space<vmem>> -> memref<416xi32, #tpu.memory_space<vmem>>
    %dma_start3A_1275 = arith.constant 0 : i32
    %dma_start3A_1276 = arith.constant 0 : i32
    %dma_start3A_1277 = tpu.memref_slice %arg2[%dma_start3A_1275, %dma_start3A_1276] : memref<2704000x32xf32, #tpu.memory_space<hbm>> -> memref<2704000x32xf32, #tpu.memory_space<hbm>>
    tpu.enqueue_indirect_dma source(%dma_start3A_1277 : memref<2704000x32xf32, #tpu.memory_space<hbm>>) target(%arg10 : memref<416x32xf32, #tpu.memory_space<vmem>>) offsets(%dma_start3A_1274 : memref<416xi32, #tpu.memory_space<vmem>>) semaphore(%arg11 : memref<!tpu.dma_semaphore, #tpu.memory_space<semaphore_mem>>)
    %dma_wait3A_1278 = arith.constant 416 : i32
    %dma_wait3A_1279 = tpu.memref_slice %arg7[%dma_wait3A_1278] : memref<832xi32, #tpu.memory_space<vmem>> -> memref<416xi32, #tpu.memory_space<vmem>>
    %dma_wait3A_1280 = arith.constant 0 : i32
    %dma_wait3A_1281 = arith.constant 0 : i32
    %dma_wait3A_1282 = tpu.memref_slice %arg2[%dma_wait3A_1280, %dma_wait3A_1281] : memref<2704000x32xf32, #tpu.memory_space<hbm>> -> memref<2704000x32xf32, #tpu.memory_space<hbm>>
    tpu.wait_indirect_dma semaphore(%arg11 : memref<!tpu.dma_semaphore, #tpu.memory_space<semaphore_mem>>) src(%dma_wait3A_1282 : memref<2704000x32xf32, #tpu.memory_space<hbm>>) dst(%arg10 : memref<416x32xf32, #tpu.memory_space<vmem>>)
    %add3A_1283 = arith.constant 416 : i32
    %add3A_1284 = arith.addi %mul3A_9, %add3A_1283 : i32
    %dma_start3A_1285 = arith.constant 20 : i32
    %dma_start3A_1286 = arith.constant 0 : i32
    %dma_start3A_1287 = tpu.memref_slice %arg4[%add3A_1284, %dma_start3A_1285, %dma_start3A_1286] : memref<26624x32x128xf32, #tpu.memory_space<hbm>> -> memref<416x1x32xf32, #tpu.memory_space<hbm>>
    %dma_start3A_1288 = tpu.memref_squeeze %dma_start3A_1287 : memref<416x1x32xf32, #tpu.memory_space<hbm>> -> memref<416x32xf32, #tpu.memory_space<hbm>>
    %dma_start3A_1289 = arith.constant 0 : i32
    %dma_start3A_1290 = tpu.memref_slice %arg4[%add3A_1284, %dma_start3A_1285, %dma_start3A_1289] : memref<26624x32x128xf32, #tpu.memory_space<hbm>> -> memref<416x1x32xf32, #tpu.memory_space<hbm>>
    %dma_start3A_1291 = tpu.memref_squeeze %dma_start3A_1290 : memref<416x1x32xf32, #tpu.memory_space<hbm>> -> memref<416x32xf32, #tpu.memory_space<hbm>>
    tpu.enqueue_dma source(%arg10 : memref<416x32xf32, #tpu.memory_space<vmem>>) target(%dma_start3A_1291 : memref<416x32xf32, #tpu.memory_space<hbm>>) target_semaphore(%arg13 : memref<!tpu.dma_semaphore, #tpu.memory_space<semaphore_mem>>)
    %scan3A_1292 = arith.constant 0 : i32
    %scan3A_1293 = arith.constant 0 : i32
    %scan3A_1294 = arith.constant 52 : i32
    %scan3A_1295 = arith.addi %scan3A_1293, %scan3A_1294 : i32
    %scan3A_1296 = arith.constant 1 : i32
    scf.for %scan3A_1620 = %scan3A_1293 to %scan3A_1295 step %scan3A_1296  : i32 {
      %mul3A_1621 = arith.constant 16 : i32
      %mul3A_1622 = arith.muli %scan3A_1620, %mul3A_1621 : i32
      %get3A = arith.index_cast %mul3A_1622 : i32 to index
      %get3A_1623 = tpu.vector_load %arg6[%get3A] {strides = array<i32>} : memref<832xi32, #tpu.memory_space<vmem>>, vector<16xi32>,
      %get3A_1624 = vector.shape_cast %get3A_1623 : vector<16xi32> to vector<16xi32>
      %add3A_1625 = arith.constant 546000 : i32
      %add3A_1626 = vector.broadcast %add3A_1625 : i32 to vector<16xi32>
      %add3A_1627 = arith.addi %get3A_1624, %add3A_1626 : vector<16xi32>
      %mul3A_1628 = arith.constant 4 : i32
      %mul3A_1629 = vector.broadcast %mul3A_1628 : i32 to vector<16xi32>
      %mul3A_1630 = arith.muli %add3A_1627, %mul3A_1629 : vector<16xi32>
      %mul3A_1631 = arith.constant 16 : i32
      %mul3A_1632 = arith.muli %scan3A_1620, %mul3A_1631 : i32
      %swap3A = arith.index_cast %mul3A_1632 : i32 to index
      %swap3A_1633 = tpu.vector_load %arg8[%swap3A] {strides = array<i32>} : memref<832xi32, #tpu.memory_space<vmem>>, vector<16xi32>,
      %swap3A_1634 = vector.shape_cast %swap3A_1633 : vector<16xi32> to vector<16xi32>
      %swap3A_1635 = vector.shape_cast %mul3A_1630 : vector<16xi32> to vector<16xi32>
      tpu.vector_store %arg8[%swap3A], %swap3A_1635 {strides = array<i32>} : memref<832xi32, #tpu.memory_space<vmem>>, vector<16xi32>,
    }
    %scan3A_1297 = arith.constant 52 : i32
    %dma_wait3A_1298 = arith.constant 0 : i32
    %dma_wait3A_1299 = arith.constant 0 : i32
    %dma_wait3A_1300 = arith.constant 0 : i32
    %dma_wait3A_1301 = tpu.memref_slice %arg4[%dma_wait3A_1299, %dma_wait3A_1298, %dma_wait3A_1300] : memref<26624x32x128xf32, #tpu.memory_space<hbm>> -> memref<416x1x32xf32, #tpu.memory_space<hbm>>
    %dma_wait3A_1302 = tpu.memref_squeeze %dma_wait3A_1301 : memref<416x1x32xf32, #tpu.memory_space<hbm>> -> memref<416x32xf32, #tpu.memory_space<hbm>>
    %dma_wait3A_1303 = arith.constant 0 : i32
    %dma_wait3A_1304 = arith.constant 0 : i32
    %dma_wait3A_1305 = tpu.memref_slice %arg4[%dma_wait3A_1303, %dma_wait3A_1298, %dma_wait3A_1304] : memref<26624x32x128xf32, #tpu.memory_space<hbm>> -> memref<416x1x32xf32, #tpu.memory_space<hbm>>
    %dma_wait3A_1306 = tpu.memref_squeeze %dma_wait3A_1305 : memref<416x1x32xf32, #tpu.memory_space<hbm>> -> memref<416x32xf32, #tpu.memory_space<hbm>>
    tpu.wait_dma2 semaphore(%arg12 : memref<!tpu.dma_semaphore, #tpu.memory_space<semaphore_mem>>) src(%arg9 : memref<416x32xf32, #tpu.memory_space<vmem>>) dst(%dma_wait3A_1306 : memref<416x32xf32, #tpu.memory_space<hbm>>)
    %dma_start3A_1307 = arith.constant 0 : i32
    %dma_start3A_1308 = tpu.memref_slice %arg8[%dma_start3A_1307] : memref<832xi32, #tpu.memory_space<vmem>> -> memref<416xi32, #tpu.memory_space<vmem>>
    %dma_start3A_1309 = arith.constant 0 : i32
    %dma_start3A_1310 = arith.constant 0 : i32
    %dma_start3A_1311 = tpu.memref_slice %arg2[%dma_start3A_1309, %dma_start3A_1310] : memref<2704000x32xf32, #tpu.memory_space<hbm>> -> memref<2704000x32xf32, #tpu.memory_space<hbm>>
    tpu.enqueue_indirect_dma source(%dma_start3A_1311 : memref<2704000x32xf32, #tpu.memory_space<hbm>>) target(%arg9 : memref<416x32xf32, #tpu.memory_space<vmem>>) offsets(%dma_start3A_1308 : memref<416xi32, #tpu.memory_space<vmem>>) semaphore(%arg11 : memref<!tpu.dma_semaphore, #tpu.memory_space<semaphore_mem>>)
    %dma_wait3A_1312 = arith.constant 0 : i32
    %dma_wait3A_1313 = tpu.memref_slice %arg8[%dma_wait3A_1312] : memref<832xi32, #tpu.memory_space<vmem>> -> memref<416xi32, #tpu.memory_space<vmem>>
    %dma_wait3A_1314 = arith.constant 0 : i32
    %dma_wait3A_1315 = arith.constant 0 : i32
    %dma_wait3A_1316 = tpu.memref_slice %arg2[%dma_wait3A_1314, %dma_wait3A_1315] : memref<2704000x32xf32, #tpu.memory_space<hbm>> -> memref<2704000x32xf32, #tpu.memory_space<hbm>>
    tpu.wait_indirect_dma semaphore(%arg11 : memref<!tpu.dma_semaphore, #tpu.memory_space<semaphore_mem>>) src(%dma_wait3A_1316 : memref<2704000x32xf32, #tpu.memory_space<hbm>>) dst(%arg9 : memref<416x32xf32, #tpu.memory_space<vmem>>)
    %add3A_1317 = arith.constant 0 : i32
    %add3A_1318 = arith.addi %mul3A_9, %add3A_1317 : i32
    %dma_start3A_1319 = arith.constant 21 : i32
    %dma_start3A_1320 = arith.constant 0 : i32
    %dma_start3A_1321 = tpu.memref_slice %arg4[%add3A_1318, %dma_start3A_1319, %dma_start3A_1320] : memref<26624x32x128xf32, #tpu.memory_space<hbm>> -> memref<416x1x32xf32, #tpu.memory_space<hbm>>
    %dma_start3A_1322 = tpu.memref_squeeze %dma_start3A_1321 : memref<416x1x32xf32, #tpu.memory_space<hbm>> -> memref<416x32xf32, #tpu.memory_space<hbm>>
    %dma_start3A_1323 = arith.constant 0 : i32
    %dma_start3A_1324 = tpu.memref_slice %arg4[%add3A_1318, %dma_start3A_1319, %dma_start3A_1323] : memref<26624x32x128xf32, #tpu.memory_space<hbm>> -> memref<416x1x32xf32, #tpu.memory_space<hbm>>
    %dma_start3A_1325 = tpu.memref_squeeze %dma_start3A_1324 : memref<416x1x32xf32, #tpu.memory_space<hbm>> -> memref<416x32xf32, #tpu.memory_space<hbm>>
    tpu.enqueue_dma source(%arg9 : memref<416x32xf32, #tpu.memory_space<vmem>>) target(%dma_start3A_1325 : memref<416x32xf32, #tpu.memory_space<hbm>>) target_semaphore(%arg12 : memref<!tpu.dma_semaphore, #tpu.memory_space<semaphore_mem>>)
    %dma_wait3A_1326 = arith.constant 0 : i32
    %dma_wait3A_1327 = arith.constant 0 : i32
    %dma_wait3A_1328 = arith.constant 0 : i32
    %dma_wait3A_1329 = tpu.memref_slice %arg4[%dma_wait3A_1327, %dma_wait3A_1326, %dma_wait3A_1328] : memref<26624x32x128xf32, #tpu.memory_space<hbm>> -> memref<416x1x32xf32, #tpu.memory_space<hbm>>
    %dma_wait3A_1330 = tpu.memref_squeeze %dma_wait3A_1329 : memref<416x1x32xf32, #tpu.memory_space<hbm>> -> memref<416x32xf32, #tpu.memory_space<hbm>>
    %dma_wait3A_1331 = arith.constant 0 : i32
    %dma_wait3A_1332 = arith.constant 0 : i32
    %dma_wait3A_1333 = tpu.memref_slice %arg4[%dma_wait3A_1331, %dma_wait3A_1326, %dma_wait3A_1332] : memref<26624x32x128xf32, #tpu.memory_space<hbm>> -> memref<416x1x32xf32, #tpu.memory_space<hbm>>
    %dma_wait3A_1334 = tpu.memref_squeeze %dma_wait3A_1333 : memref<416x1x32xf32, #tpu.memory_space<hbm>> -> memref<416x32xf32, #tpu.memory_space<hbm>>
    tpu.wait_dma2 semaphore(%arg13 : memref<!tpu.dma_semaphore, #tpu.memory_space<semaphore_mem>>) src(%arg10 : memref<416x32xf32, #tpu.memory_space<vmem>>) dst(%dma_wait3A_1334 : memref<416x32xf32, #tpu.memory_space<hbm>>)
    %dma_start3A_1335 = arith.constant 416 : i32
    %dma_start3A_1336 = tpu.memref_slice %arg8[%dma_start3A_1335] : memref<832xi32, #tpu.memory_space<vmem>> -> memref<416xi32, #tpu.memory_space<vmem>>
    %dma_start3A_1337 = arith.constant 0 : i32
    %dma_start3A_1338 = arith.constant 0 : i32
    %dma_start3A_1339 = tpu.memref_slice %arg2[%dma_start3A_1337, %dma_start3A_1338] : memref<2704000x32xf32, #tpu.memory_space<hbm>> -> memref<2704000x32xf32, #tpu.memory_space<hbm>>
    tpu.enqueue_indirect_dma source(%dma_start3A_1339 : memref<2704000x32xf32, #tpu.memory_space<hbm>>) target(%arg10 : memref<416x32xf32, #tpu.memory_space<vmem>>) offsets(%dma_start3A_1336 : memref<416xi32, #tpu.memory_space<vmem>>) semaphore(%arg11 : memref<!tpu.dma_semaphore, #tpu.memory_space<semaphore_mem>>)
    %dma_wait3A_1340 = arith.constant 416 : i32
    %dma_wait3A_1341 = tpu.memref_slice %arg8[%dma_wait3A_1340] : memref<832xi32, #tpu.memory_space<vmem>> -> memref<416xi32, #tpu.memory_space<vmem>>
    %dma_wait3A_1342 = arith.constant 0 : i32
    %dma_wait3A_1343 = arith.constant 0 : i32
    %dma_wait3A_1344 = tpu.memref_slice %arg2[%dma_wait3A_1342, %dma_wait3A_1343] : memref<2704000x32xf32, #tpu.memory_space<hbm>> -> memref<2704000x32xf32, #tpu.memory_space<hbm>>
    tpu.wait_indirect_dma semaphore(%arg11 : memref<!tpu.dma_semaphore, #tpu.memory_space<semaphore_mem>>) src(%dma_wait3A_1344 : memref<2704000x32xf32, #tpu.memory_space<hbm>>) dst(%arg10 : memref<416x32xf32, #tpu.memory_space<vmem>>)
    %add3A_1345 = arith.constant 416 : i32
    %add3A_1346 = arith.addi %mul3A_9, %add3A_1345 : i32
    %dma_start3A_1347 = arith.constant 21 : i32
    %dma_start3A_1348 = arith.constant 0 : i32
    %dma_start3A_1349 = tpu.memref_slice %arg4[%add3A_1346, %dma_start3A_1347, %dma_start3A_1348] : memref<26624x32x128xf32, #tpu.memory_space<hbm>> -> memref<416x1x32xf32, #tpu.memory_space<hbm>>
    %dma_start3A_1350 = tpu.memref_squeeze %dma_start3A_1349 : memref<416x1x32xf32, #tpu.memory_space<hbm>> -> memref<416x32xf32, #tpu.memory_space<hbm>>
    %dma_start3A_1351 = arith.constant 0 : i32
    %dma_start3A_1352 = tpu.memref_slice %arg4[%add3A_1346, %dma_start3A_1347, %dma_start3A_1351] : memref<26624x32x128xf32, #tpu.memory_space<hbm>> -> memref<416x1x32xf32, #tpu.memory_space<hbm>>
    %dma_start3A_1353 = tpu.memref_squeeze %dma_start3A_1352 : memref<416x1x32xf32, #tpu.memory_space<hbm>> -> memref<416x32xf32, #tpu.memory_space<hbm>>
    tpu.enqueue_dma source(%arg10 : memref<416x32xf32, #tpu.memory_space<vmem>>) target(%dma_start3A_1353 : memref<416x32xf32, #tpu.memory_space<hbm>>) target_semaphore(%arg13 : memref<!tpu.dma_semaphore, #tpu.memory_space<semaphore_mem>>)
    %scan3A_1354 = arith.constant 0 : i32
    %scan3A_1355 = arith.constant 0 : i32
    %scan3A_1356 = arith.constant 52 : i32
    %scan3A_1357 = arith.addi %scan3A_1355, %scan3A_1356 : i32
    %scan3A_1358 = arith.constant 1 : i32
    scf.for %scan3A_1620 = %scan3A_1355 to %scan3A_1357 step %scan3A_1358  : i32 {
      %mul3A_1621 = arith.constant 16 : i32
      %mul3A_1622 = arith.muli %scan3A_1620, %mul3A_1621 : i32
      %get3A = arith.index_cast %mul3A_1622 : i32 to index
      %get3A_1623 = tpu.vector_load %arg6[%get3A] {strides = array<i32>} : memref<832xi32, #tpu.memory_space<vmem>>, vector<16xi32>,
      %get3A_1624 = vector.shape_cast %get3A_1623 : vector<16xi32> to vector<16xi32>
      %add3A_1625 = arith.constant 572000 : i32
      %add3A_1626 = vector.broadcast %add3A_1625 : i32 to vector<16xi32>
      %add3A_1627 = arith.addi %get3A_1624, %add3A_1626 : vector<16xi32>
      %mul3A_1628 = arith.constant 4 : i32
      %mul3A_1629 = vector.broadcast %mul3A_1628 : i32 to vector<16xi32>
      %mul3A_1630 = arith.muli %add3A_1627, %mul3A_1629 : vector<16xi32>
      %mul3A_1631 = arith.constant 16 : i32
      %mul3A_1632 = arith.muli %scan3A_1620, %mul3A_1631 : i32
      %swap3A = arith.index_cast %mul3A_1632 : i32 to index
      %swap3A_1633 = tpu.vector_load %arg7[%swap3A] {strides = array<i32>} : memref<832xi32, #tpu.memory_space<vmem>>, vector<16xi32>,
      %swap3A_1634 = vector.shape_cast %swap3A_1633 : vector<16xi32> to vector<16xi32>
      %swap3A_1635 = vector.shape_cast %mul3A_1630 : vector<16xi32> to vector<16xi32>
      tpu.vector_store %arg7[%swap3A], %swap3A_1635 {strides = array<i32>} : memref<832xi32, #tpu.memory_space<vmem>>, vector<16xi32>,
    }
    %scan3A_1359 = arith.constant 52 : i32
    %dma_wait3A_1360 = arith.constant 0 : i32
    %dma_wait3A_1361 = arith.constant 0 : i32
    %dma_wait3A_1362 = arith.constant 0 : i32
    %dma_wait3A_1363 = tpu.memref_slice %arg4[%dma_wait3A_1361, %dma_wait3A_1360, %dma_wait3A_1362] : memref<26624x32x128xf32, #tpu.memory_space<hbm>> -> memref<416x1x32xf32, #tpu.memory_space<hbm>>
    %dma_wait3A_1364 = tpu.memref_squeeze %dma_wait3A_1363 : memref<416x1x32xf32, #tpu.memory_space<hbm>> -> memref<416x32xf32, #tpu.memory_space<hbm>>
    %dma_wait3A_1365 = arith.constant 0 : i32
    %dma_wait3A_1366 = arith.constant 0 : i32
    %dma_wait3A_1367 = tpu.memref_slice %arg4[%dma_wait3A_1365, %dma_wait3A_1360, %dma_wait3A_1366] : memref<26624x32x128xf32, #tpu.memory_space<hbm>> -> memref<416x1x32xf32, #tpu.memory_space<hbm>>
    %dma_wait3A_1368 = tpu.memref_squeeze %dma_wait3A_1367 : memref<416x1x32xf32, #tpu.memory_space<hbm>> -> memref<416x32xf32, #tpu.memory_space<hbm>>
    tpu.wait_dma2 semaphore(%arg12 : memref<!tpu.dma_semaphore, #tpu.memory_space<semaphore_mem>>) src(%arg9 : memref<416x32xf32, #tpu.memory_space<vmem>>) dst(%dma_wait3A_1368 : memref<416x32xf32, #tpu.memory_space<hbm>>)
    %dma_start3A_1369 = arith.constant 0 : i32
    %dma_start3A_1370 = tpu.memref_slice %arg7[%dma_start3A_1369] : memref<832xi32, #tpu.memory_space<vmem>> -> memref<416xi32, #tpu.memory_space<vmem>>
    %dma_start3A_1371 = arith.constant 0 : i32
    %dma_start3A_1372 = arith.constant 0 : i32
    %dma_start3A_1373 = tpu.memref_slice %arg2[%dma_start3A_1371, %dma_start3A_1372] : memref<2704000x32xf32, #tpu.memory_space<hbm>> -> memref<2704000x32xf32, #tpu.memory_space<hbm>>
    tpu.enqueue_indirect_dma source(%dma_start3A_1373 : memref<2704000x32xf32, #tpu.memory_space<hbm>>) target(%arg9 : memref<416x32xf32, #tpu.memory_space<vmem>>) offsets(%dma_start3A_1370 : memref<416xi32, #tpu.memory_space<vmem>>) semaphore(%arg11 : memref<!tpu.dma_semaphore, #tpu.memory_space<semaphore_mem>>)
    %dma_wait3A_1374 = arith.constant 0 : i32
    %dma_wait3A_1375 = tpu.memref_slice %arg7[%dma_wait3A_1374] : memref<832xi32, #tpu.memory_space<vmem>> -> memref<416xi32, #tpu.memory_space<vmem>>
    %dma_wait3A_1376 = arith.constant 0 : i32
    %dma_wait3A_1377 = arith.constant 0 : i32
    %dma_wait3A_1378 = tpu.memref_slice %arg2[%dma_wait3A_1376, %dma_wait3A_1377] : memref<2704000x32xf32, #tpu.memory_space<hbm>> -> memref<2704000x32xf32, #tpu.memory_space<hbm>>
    tpu.wait_indirect_dma semaphore(%arg11 : memref<!tpu.dma_semaphore, #tpu.memory_space<semaphore_mem>>) src(%dma_wait3A_1378 : memref<2704000x32xf32, #tpu.memory_space<hbm>>) dst(%arg9 : memref<416x32xf32, #tpu.memory_space<vmem>>)
    %add3A_1379 = arith.constant 0 : i32
    %add3A_1380 = arith.addi %mul3A_9, %add3A_1379 : i32
    %dma_start3A_1381 = arith.constant 22 : i32
    %dma_start3A_1382 = arith.constant 0 : i32
    %dma_start3A_1383 = tpu.memref_slice %arg4[%add3A_1380, %dma_start3A_1381, %dma_start3A_1382] : memref<26624x32x128xf32, #tpu.memory_space<hbm>> -> memref<416x1x32xf32, #tpu.memory_space<hbm>>
    %dma_start3A_1384 = tpu.memref_squeeze %dma_start3A_1383 : memref<416x1x32xf32, #tpu.memory_space<hbm>> -> memref<416x32xf32, #tpu.memory_space<hbm>>
    %dma_start3A_1385 = arith.constant 0 : i32
    %dma_start3A_1386 = tpu.memref_slice %arg4[%add3A_1380, %dma_start3A_1381, %dma_start3A_1385] : memref<26624x32x128xf32, #tpu.memory_space<hbm>> -> memref<416x1x32xf32, #tpu.memory_space<hbm>>
    %dma_start3A_1387 = tpu.memref_squeeze %dma_start3A_1386 : memref<416x1x32xf32, #tpu.memory_space<hbm>> -> memref<416x32xf32, #tpu.memory_space<hbm>>
    tpu.enqueue_dma source(%arg9 : memref<416x32xf32, #tpu.memory_space<vmem>>) target(%dma_start3A_1387 : memref<416x32xf32, #tpu.memory_space<hbm>>) target_semaphore(%arg12 : memref<!tpu.dma_semaphore, #tpu.memory_space<semaphore_mem>>)
    %dma_wait3A_1388 = arith.constant 0 : i32
    %dma_wait3A_1389 = arith.constant 0 : i32
    %dma_wait3A_1390 = arith.constant 0 : i32
    %dma_wait3A_1391 = tpu.memref_slice %arg4[%dma_wait3A_1389, %dma_wait3A_1388, %dma_wait3A_1390] : memref<26624x32x128xf32, #tpu.memory_space<hbm>> -> memref<416x1x32xf32, #tpu.memory_space<hbm>>
    %dma_wait3A_1392 = tpu.memref_squeeze %dma_wait3A_1391 : memref<416x1x32xf32, #tpu.memory_space<hbm>> -> memref<416x32xf32, #tpu.memory_space<hbm>>
    %dma_wait3A_1393 = arith.constant 0 : i32
    %dma_wait3A_1394 = arith.constant 0 : i32
    %dma_wait3A_1395 = tpu.memref_slice %arg4[%dma_wait3A_1393, %dma_wait3A_1388, %dma_wait3A_1394] : memref<26624x32x128xf32, #tpu.memory_space<hbm>> -> memref<416x1x32xf32, #tpu.memory_space<hbm>>
    %dma_wait3A_1396 = tpu.memref_squeeze %dma_wait3A_1395 : memref<416x1x32xf32, #tpu.memory_space<hbm>> -> memref<416x32xf32, #tpu.memory_space<hbm>>
    tpu.wait_dma2 semaphore(%arg13 : memref<!tpu.dma_semaphore, #tpu.memory_space<semaphore_mem>>) src(%arg10 : memref<416x32xf32, #tpu.memory_space<vmem>>) dst(%dma_wait3A_1396 : memref<416x32xf32, #tpu.memory_space<hbm>>)
    %dma_start3A_1397 = arith.constant 416 : i32
    %dma_start3A_1398 = tpu.memref_slice %arg7[%dma_start3A_1397] : memref<832xi32, #tpu.memory_space<vmem>> -> memref<416xi32, #tpu.memory_space<vmem>>
    %dma_start3A_1399 = arith.constant 0 : i32
    %dma_start3A_1400 = arith.constant 0 : i32
    %dma_start3A_1401 = tpu.memref_slice %arg2[%dma_start3A_1399, %dma_start3A_1400] : memref<2704000x32xf32, #tpu.memory_space<hbm>> -> memref<2704000x32xf32, #tpu.memory_space<hbm>>
    tpu.enqueue_indirect_dma source(%dma_start3A_1401 : memref<2704000x32xf32, #tpu.memory_space<hbm>>) target(%arg10 : memref<416x32xf32, #tpu.memory_space<vmem>>) offsets(%dma_start3A_1398 : memref<416xi32, #tpu.memory_space<vmem>>) semaphore(%arg11 : memref<!tpu.dma_semaphore, #tpu.memory_space<semaphore_mem>>)
    %dma_wait3A_1402 = arith.constant 416 : i32
    %dma_wait3A_1403 = tpu.memref_slice %arg7[%dma_wait3A_1402] : memref<832xi32, #tpu.memory_space<vmem>> -> memref<416xi32, #tpu.memory_space<vmem>>
    %dma_wait3A_1404 = arith.constant 0 : i32
    %dma_wait3A_1405 = arith.constant 0 : i32
    %dma_wait3A_1406 = tpu.memref_slice %arg2[%dma_wait3A_1404, %dma_wait3A_1405] : memref<2704000x32xf32, #tpu.memory_space<hbm>> -> memref<2704000x32xf32, #tpu.memory_space<hbm>>
    tpu.wait_indirect_dma semaphore(%arg11 : memref<!tpu.dma_semaphore, #tpu.memory_space<semaphore_mem>>) src(%dma_wait3A_1406 : memref<2704000x32xf32, #tpu.memory_space<hbm>>) dst(%arg10 : memref<416x32xf32, #tpu.memory_space<vmem>>)
    %add3A_1407 = arith.constant 416 : i32
    %add3A_1408 = arith.addi %mul3A_9, %add3A_1407 : i32
    %dma_start3A_1409 = arith.constant 22 : i32
    %dma_start3A_1410 = arith.constant 0 : i32
    %dma_start3A_1411 = tpu.memref_slice %arg4[%add3A_1408, %dma_start3A_1409, %dma_start3A_1410] : memref<26624x32x128xf32, #tpu.memory_space<hbm>> -> memref<416x1x32xf32, #tpu.memory_space<hbm>>
    %dma_start3A_1412 = tpu.memref_squeeze %dma_start3A_1411 : memref<416x1x32xf32, #tpu.memory_space<hbm>> -> memref<416x32xf32, #tpu.memory_space<hbm>>
    %dma_start3A_1413 = arith.constant 0 : i32
    %dma_start3A_1414 = tpu.memref_slice %arg4[%add3A_1408, %dma_start3A_1409, %dma_start3A_1413] : memref<26624x32x128xf32, #tpu.memory_space<hbm>> -> memref<416x1x32xf32, #tpu.memory_space<hbm>>
    %dma_start3A_1415 = tpu.memref_squeeze %dma_start3A_1414 : memref<416x1x32xf32, #tpu.memory_space<hbm>> -> memref<416x32xf32, #tpu.memory_space<hbm>>
    tpu.enqueue_dma source(%arg10 : memref<416x32xf32, #tpu.memory_space<vmem>>) target(%dma_start3A_1415 : memref<416x32xf32, #tpu.memory_space<hbm>>) target_semaphore(%arg13 : memref<!tpu.dma_semaphore, #tpu.memory_space<semaphore_mem>>)
    %scan3A_1416 = arith.constant 0 : i32
    %scan3A_1417 = arith.constant 0 : i32
    %scan3A_1418 = arith.constant 52 : i32
    %scan3A_1419 = arith.addi %scan3A_1417, %scan3A_1418 : i32
    %scan3A_1420 = arith.constant 1 : i32
    scf.for %scan3A_1620 = %scan3A_1417 to %scan3A_1419 step %scan3A_1420  : i32 {
      %mul3A_1621 = arith.constant 16 : i32
      %mul3A_1622 = arith.muli %scan3A_1620, %mul3A_1621 : i32
      %get3A = arith.index_cast %mul3A_1622 : i32 to index
      %get3A_1623 = tpu.vector_load %arg6[%get3A] {strides = array<i32>} : memref<832xi32, #tpu.memory_space<vmem>>, vector<16xi32>,
      %get3A_1624 = vector.shape_cast %get3A_1623 : vector<16xi32> to vector<16xi32>
      %add3A_1625 = arith.constant 598000 : i32
      %add3A_1626 = vector.broadcast %add3A_1625 : i32 to vector<16xi32>
      %add3A_1627 = arith.addi %get3A_1624, %add3A_1626 : vector<16xi32>
      %mul3A_1628 = arith.constant 4 : i32
      %mul3A_1629 = vector.broadcast %mul3A_1628 : i32 to vector<16xi32>
      %mul3A_1630 = arith.muli %add3A_1627, %mul3A_1629 : vector<16xi32>
      %mul3A_1631 = arith.constant 16 : i32
      %mul3A_1632 = arith.muli %scan3A_1620, %mul3A_1631 : i32
      %swap3A = arith.index_cast %mul3A_1632 : i32 to index
      %swap3A_1633 = tpu.vector_load %arg8[%swap3A] {strides = array<i32>} : memref<832xi32, #tpu.memory_space<vmem>>, vector<16xi32>,
      %swap3A_1634 = vector.shape_cast %swap3A_1633 : vector<16xi32> to vector<16xi32>
      %swap3A_1635 = vector.shape_cast %mul3A_1630 : vector<16xi32> to vector<16xi32>
      tpu.vector_store %arg8[%swap3A], %swap3A_1635 {strides = array<i32>} : memref<832xi32, #tpu.memory_space<vmem>>, vector<16xi32>,
    }
    %scan3A_1421 = arith.constant 52 : i32
    %dma_wait3A_1422 = arith.constant 0 : i32
    %dma_wait3A_1423 = arith.constant 0 : i32
    %dma_wait3A_1424 = arith.constant 0 : i32
    %dma_wait3A_1425 = tpu.memref_slice %arg4[%dma_wait3A_1423, %dma_wait3A_1422, %dma_wait3A_1424] : memref<26624x32x128xf32, #tpu.memory_space<hbm>> -> memref<416x1x32xf32, #tpu.memory_space<hbm>>
    %dma_wait3A_1426 = tpu.memref_squeeze %dma_wait3A_1425 : memref<416x1x32xf32, #tpu.memory_space<hbm>> -> memref<416x32xf32, #tpu.memory_space<hbm>>
    %dma_wait3A_1427 = arith.constant 0 : i32
    %dma_wait3A_1428 = arith.constant 0 : i32
    %dma_wait3A_1429 = tpu.memref_slice %arg4[%dma_wait3A_1427, %dma_wait3A_1422, %dma_wait3A_1428] : memref<26624x32x128xf32, #tpu.memory_space<hbm>> -> memref<416x1x32xf32, #tpu.memory_space<hbm>>
    %dma_wait3A_1430 = tpu.memref_squeeze %dma_wait3A_1429 : memref<416x1x32xf32, #tpu.memory_space<hbm>> -> memref<416x32xf32, #tpu.memory_space<hbm>>
    tpu.wait_dma2 semaphore(%arg12 : memref<!tpu.dma_semaphore, #tpu.memory_space<semaphore_mem>>) src(%arg9 : memref<416x32xf32, #tpu.memory_space<vmem>>) dst(%dma_wait3A_1430 : memref<416x32xf32, #tpu.memory_space<hbm>>)
    %dma_start3A_1431 = arith.constant 0 : i32
    %dma_start3A_1432 = tpu.memref_slice %arg8[%dma_start3A_1431] : memref<832xi32, #tpu.memory_space<vmem>> -> memref<416xi32, #tpu.memory_space<vmem>>
    %dma_start3A_1433 = arith.constant 0 : i32
    %dma_start3A_1434 = arith.constant 0 : i32
    %dma_start3A_1435 = tpu.memref_slice %arg2[%dma_start3A_1433, %dma_start3A_1434] : memref<2704000x32xf32, #tpu.memory_space<hbm>> -> memref<2704000x32xf32, #tpu.memory_space<hbm>>
    tpu.enqueue_indirect_dma source(%dma_start3A_1435 : memref<2704000x32xf32, #tpu.memory_space<hbm>>) target(%arg9 : memref<416x32xf32, #tpu.memory_space<vmem>>) offsets(%dma_start3A_1432 : memref<416xi32, #tpu.memory_space<vmem>>) semaphore(%arg11 : memref<!tpu.dma_semaphore, #tpu.memory_space<semaphore_mem>>)
    %dma_wait3A_1436 = arith.constant 0 : i32
    %dma_wait3A_1437 = tpu.memref_slice %arg8[%dma_wait3A_1436] : memref<832xi32, #tpu.memory_space<vmem>> -> memref<416xi32, #tpu.memory_space<vmem>>
    %dma_wait3A_1438 = arith.constant 0 : i32
    %dma_wait3A_1439 = arith.constant 0 : i32
    %dma_wait3A_1440 = tpu.memref_slice %arg2[%dma_wait3A_1438, %dma_wait3A_1439] : memref<2704000x32xf32, #tpu.memory_space<hbm>> -> memref<2704000x32xf32, #tpu.memory_space<hbm>>
    tpu.wait_indirect_dma semaphore(%arg11 : memref<!tpu.dma_semaphore, #tpu.memory_space<semaphore_mem>>) src(%dma_wait3A_1440 : memref<2704000x32xf32, #tpu.memory_space<hbm>>) dst(%arg9 : memref<416x32xf32, #tpu.memory_space<vmem>>)
    %add3A_1441 = arith.constant 0 : i32
    %add3A_1442 = arith.addi %mul3A_9, %add3A_1441 : i32
    %dma_start3A_1443 = arith.constant 23 : i32
    %dma_start3A_1444 = arith.constant 0 : i32
    %dma_start3A_1445 = tpu.memref_slice %arg4[%add3A_1442, %dma_start3A_1443, %dma_start3A_1444] : memref<26624x32x128xf32, #tpu.memory_space<hbm>> -> memref<416x1x32xf32, #tpu.memory_space<hbm>>
    %dma_start3A_1446 = tpu.memref_squeeze %dma_start3A_1445 : memref<416x1x32xf32, #tpu.memory_space<hbm>> -> memref<416x32xf32, #tpu.memory_space<hbm>>
    %dma_start3A_1447 = arith.constant 0 : i32
    %dma_start3A_1448 = tpu.memref_slice %arg4[%add3A_1442, %dma_start3A_1443, %dma_start3A_1447] : memref<26624x32x128xf32, #tpu.memory_space<hbm>> -> memref<416x1x32xf32, #tpu.memory_space<hbm>>
    %dma_start3A_1449 = tpu.memref_squeeze %dma_start3A_1448 : memref<416x1x32xf32, #tpu.memory_space<hbm>> -> memref<416x32xf32, #tpu.memory_space<hbm>>
    tpu.enqueue_dma source(%arg9 : memref<416x32xf32, #tpu.memory_space<vmem>>) target(%dma_start3A_1449 : memref<416x32xf32, #tpu.memory_space<hbm>>) target_semaphore(%arg12 : memref<!tpu.dma_semaphore, #tpu.memory_space<semaphore_mem>>)
    %dma_wait3A_1450 = arith.constant 0 : i32
    %dma_wait3A_1451 = arith.constant 0 : i32
    %dma_wait3A_1452 = arith.constant 0 : i32
    %dma_wait3A_1453 = tpu.memref_slice %arg4[%dma_wait3A_1451, %dma_wait3A_1450, %dma_wait3A_1452] : memref<26624x32x128xf32, #tpu.memory_space<hbm>> -> memref<416x1x32xf32, #tpu.memory_space<hbm>>
    %dma_wait3A_1454 = tpu.memref_squeeze %dma_wait3A_1453 : memref<416x1x32xf32, #tpu.memory_space<hbm>> -> memref<416x32xf32, #tpu.memory_space<hbm>>
    %dma_wait3A_1455 = arith.constant 0 : i32
    %dma_wait3A_1456 = arith.constant 0 : i32
    %dma_wait3A_1457 = tpu.memref_slice %arg4[%dma_wait3A_1455, %dma_wait3A_1450, %dma_wait3A_1456] : memref<26624x32x128xf32, #tpu.memory_space<hbm>> -> memref<416x1x32xf32, #tpu.memory_space<hbm>>
    %dma_wait3A_1458 = tpu.memref_squeeze %dma_wait3A_1457 : memref<416x1x32xf32, #tpu.memory_space<hbm>> -> memref<416x32xf32, #tpu.memory_space<hbm>>
    tpu.wait_dma2 semaphore(%arg13 : memref<!tpu.dma_semaphore, #tpu.memory_space<semaphore_mem>>) src(%arg10 : memref<416x32xf32, #tpu.memory_space<vmem>>) dst(%dma_wait3A_1458 : memref<416x32xf32, #tpu.memory_space<hbm>>)
    %dma_start3A_1459 = arith.constant 416 : i32
    %dma_start3A_1460 = tpu.memref_slice %arg8[%dma_start3A_1459] : memref<832xi32, #tpu.memory_space<vmem>> -> memref<416xi32, #tpu.memory_space<vmem>>
    %dma_start3A_1461 = arith.constant 0 : i32
    %dma_start3A_1462 = arith.constant 0 : i32
    %dma_start3A_1463 = tpu.memref_slice %arg2[%dma_start3A_1461, %dma_start3A_1462] : memref<2704000x32xf32, #tpu.memory_space<hbm>> -> memref<2704000x32xf32, #tpu.memory_space<hbm>>
    tpu.enqueue_indirect_dma source(%dma_start3A_1463 : memref<2704000x32xf32, #tpu.memory_space<hbm>>) target(%arg10 : memref<416x32xf32, #tpu.memory_space<vmem>>) offsets(%dma_start3A_1460 : memref<416xi32, #tpu.memory_space<vmem>>) semaphore(%arg11 : memref<!tpu.dma_semaphore, #tpu.memory_space<semaphore_mem>>)
    %dma_wait3A_1464 = arith.constant 416 : i32
    %dma_wait3A_1465 = tpu.memref_slice %arg8[%dma_wait3A_1464] : memref<832xi32, #tpu.memory_space<vmem>> -> memref<416xi32, #tpu.memory_space<vmem>>
    %dma_wait3A_1466 = arith.constant 0 : i32
    %dma_wait3A_1467 = arith.constant 0 : i32
    %dma_wait3A_1468 = tpu.memref_slice %arg2[%dma_wait3A_1466, %dma_wait3A_1467] : memref<2704000x32xf32, #tpu.memory_space<hbm>> -> memref<2704000x32xf32, #tpu.memory_space<hbm>>
    tpu.wait_indirect_dma semaphore(%arg11 : memref<!tpu.dma_semaphore, #tpu.memory_space<semaphore_mem>>) src(%dma_wait3A_1468 : memref<2704000x32xf32, #tpu.memory_space<hbm>>) dst(%arg10 : memref<416x32xf32, #tpu.memory_space<vmem>>)
    %add3A_1469 = arith.constant 416 : i32
    %add3A_1470 = arith.addi %mul3A_9, %add3A_1469 : i32
    %dma_start3A_1471 = arith.constant 23 : i32
    %dma_start3A_1472 = arith.constant 0 : i32
    %dma_start3A_1473 = tpu.memref_slice %arg4[%add3A_1470, %dma_start3A_1471, %dma_start3A_1472] : memref<26624x32x128xf32, #tpu.memory_space<hbm>> -> memref<416x1x32xf32, #tpu.memory_space<hbm>>
    %dma_start3A_1474 = tpu.memref_squeeze %dma_start3A_1473 : memref<416x1x32xf32, #tpu.memory_space<hbm>> -> memref<416x32xf32, #tpu.memory_space<hbm>>
    %dma_start3A_1475 = arith.constant 0 : i32
    %dma_start3A_1476 = tpu.memref_slice %arg4[%add3A_1470, %dma_start3A_1471, %dma_start3A_1475] : memref<26624x32x128xf32, #tpu.memory_space<hbm>> -> memref<416x1x32xf32, #tpu.memory_space<hbm>>
    %dma_start3A_1477 = tpu.memref_squeeze %dma_start3A_1476 : memref<416x1x32xf32, #tpu.memory_space<hbm>> -> memref<416x32xf32, #tpu.memory_space<hbm>>
    tpu.enqueue_dma source(%arg10 : memref<416x32xf32, #tpu.memory_space<vmem>>) target(%dma_start3A_1477 : memref<416x32xf32, #tpu.memory_space<hbm>>) target_semaphore(%arg13 : memref<!tpu.dma_semaphore, #tpu.memory_space<semaphore_mem>>)
    %scan3A_1478 = arith.constant 0 : i32
    %scan3A_1479 = arith.constant 0 : i32
    %scan3A_1480 = arith.constant 52 : i32
    %scan3A_1481 = arith.addi %scan3A_1479, %scan3A_1480 : i32
    %scan3A_1482 = arith.constant 1 : i32
    scf.for %scan3A_1620 = %scan3A_1479 to %scan3A_1481 step %scan3A_1482  : i32 {
      %mul3A_1621 = arith.constant 16 : i32
      %mul3A_1622 = arith.muli %scan3A_1620, %mul3A_1621 : i32
      %get3A = arith.index_cast %mul3A_1622 : i32 to index
      %get3A_1623 = tpu.vector_load %arg6[%get3A] {strides = array<i32>} : memref<832xi32, #tpu.memory_space<vmem>>, vector<16xi32>,
      %get3A_1624 = vector.shape_cast %get3A_1623 : vector<16xi32> to vector<16xi32>
      %add3A_1625 = arith.constant 624000 : i32
      %add3A_1626 = vector.broadcast %add3A_1625 : i32 to vector<16xi32>
      %add3A_1627 = arith.addi %get3A_1624, %add3A_1626 : vector<16xi32>
      %mul3A_1628 = arith.constant 4 : i32
      %mul3A_1629 = vector.broadcast %mul3A_1628 : i32 to vector<16xi32>
      %mul3A_1630 = arith.muli %add3A_1627, %mul3A_1629 : vector<16xi32>
      %mul3A_1631 = arith.constant 16 : i32
      %mul3A_1632 = arith.muli %scan3A_1620, %mul3A_1631 : i32
      %swap3A = arith.index_cast %mul3A_1632 : i32 to index
      %swap3A_1633 = tpu.vector_load %arg7[%swap3A] {strides = array<i32>} : memref<832xi32, #tpu.memory_space<vmem>>, vector<16xi32>,
      %swap3A_1634 = vector.shape_cast %swap3A_1633 : vector<16xi32> to vector<16xi32>
      %swap3A_1635 = vector.shape_cast %mul3A_1630 : vector<16xi32> to vector<16xi32>
      tpu.vector_store %arg7[%swap3A], %swap3A_1635 {strides = array<i32>} : memref<832xi32, #tpu.memory_space<vmem>>, vector<16xi32>,
    }
    %scan3A_1483 = arith.constant 52 : i32
    %dma_wait3A_1484 = arith.constant 0 : i32
    %dma_wait3A_1485 = arith.constant 0 : i32
    %dma_wait3A_1486 = arith.constant 0 : i32
    %dma_wait3A_1487 = tpu.memref_slice %arg4[%dma_wait3A_1485, %dma_wait3A_1484, %dma_wait3A_1486] : memref<26624x32x128xf32, #tpu.memory_space<hbm>> -> memref<416x1x32xf32, #tpu.memory_space<hbm>>
    %dma_wait3A_1488 = tpu.memref_squeeze %dma_wait3A_1487 : memref<416x1x32xf32, #tpu.memory_space<hbm>> -> memref<416x32xf32, #tpu.memory_space<hbm>>
    %dma_wait3A_1489 = arith.constant 0 : i32
    %dma_wait3A_1490 = arith.constant 0 : i32
    %dma_wait3A_1491 = tpu.memref_slice %arg4[%dma_wait3A_1489, %dma_wait3A_1484, %dma_wait3A_1490] : memref<26624x32x128xf32, #tpu.memory_space<hbm>> -> memref<416x1x32xf32, #tpu.memory_space<hbm>>
    %dma_wait3A_1492 = tpu.memref_squeeze %dma_wait3A_1491 : memref<416x1x32xf32, #tpu.memory_space<hbm>> -> memref<416x32xf32, #tpu.memory_space<hbm>>
    tpu.wait_dma2 semaphore(%arg12 : memref<!tpu.dma_semaphore, #tpu.memory_space<semaphore_mem>>) src(%arg9 : memref<416x32xf32, #tpu.memory_space<vmem>>) dst(%dma_wait3A_1492 : memref<416x32xf32, #tpu.memory_space<hbm>>)
    %dma_start3A_1493 = arith.constant 0 : i32
    %dma_start3A_1494 = tpu.memref_slice %arg7[%dma_start3A_1493] : memref<832xi32, #tpu.memory_space<vmem>> -> memref<416xi32, #tpu.memory_space<vmem>>
    %dma_start3A_1495 = arith.constant 0 : i32
    %dma_start3A_1496 = arith.constant 0 : i32
    %dma_start3A_1497 = tpu.memref_slice %arg2[%dma_start3A_1495, %dma_start3A_1496] : memref<2704000x32xf32, #tpu.memory_space<hbm>> -> memref<2704000x32xf32, #tpu.memory_space<hbm>>
    tpu.enqueue_indirect_dma source(%dma_start3A_1497 : memref<2704000x32xf32, #tpu.memory_space<hbm>>) target(%arg9 : memref<416x32xf32, #tpu.memory_space<vmem>>) offsets(%dma_start3A_1494 : memref<416xi32, #tpu.memory_space<vmem>>) semaphore(%arg11 : memref<!tpu.dma_semaphore, #tpu.memory_space<semaphore_mem>>)
    %dma_wait3A_1498 = arith.constant 0 : i32
    %dma_wait3A_1499 = tpu.memref_slice %arg7[%dma_wait3A_1498] : memref<832xi32, #tpu.memory_space<vmem>> -> memref<416xi32, #tpu.memory_space<vmem>>
    %dma_wait3A_1500 = arith.constant 0 : i32
    %dma_wait3A_1501 = arith.constant 0 : i32
    %dma_wait3A_1502 = tpu.memref_slice %arg2[%dma_wait3A_1500, %dma_wait3A_1501] : memref<2704000x32xf32, #tpu.memory_space<hbm>> -> memref<2704000x32xf32, #tpu.memory_space<hbm>>
    tpu.wait_indirect_dma semaphore(%arg11 : memref<!tpu.dma_semaphore, #tpu.memory_space<semaphore_mem>>) src(%dma_wait3A_1502 : memref<2704000x32xf32, #tpu.memory_space<hbm>>) dst(%arg9 : memref<416x32xf32, #tpu.memory_space<vmem>>)
    %add3A_1503 = arith.constant 0 : i32
    %add3A_1504 = arith.addi %mul3A_9, %add3A_1503 : i32
    %dma_start3A_1505 = arith.constant 24 : i32
    %dma_start3A_1506 = arith.constant 0 : i32
    %dma_start3A_1507 = tpu.memref_slice %arg4[%add3A_1504, %dma_start3A_1505, %dma_start3A_1506] : memref<26624x32x128xf32, #tpu.memory_space<hbm>> -> memref<416x1x32xf32, #tpu.memory_space<hbm>>
    %dma_start3A_1508 = tpu.memref_squeeze %dma_start3A_1507 : memref<416x1x32xf32, #tpu.memory_space<hbm>> -> memref<416x32xf32, #tpu.memory_space<hbm>>
    %dma_start3A_1509 = arith.constant 0 : i32
    %dma_start3A_1510 = tpu.memref_slice %arg4[%add3A_1504, %dma_start3A_1505, %dma_start3A_1509] : memref<26624x32x128xf32, #tpu.memory_space<hbm>> -> memref<416x1x32xf32, #tpu.memory_space<hbm>>
    %dma_start3A_1511 = tpu.memref_squeeze %dma_start3A_1510 : memref<416x1x32xf32, #tpu.memory_space<hbm>> -> memref<416x32xf32, #tpu.memory_space<hbm>>
    tpu.enqueue_dma source(%arg9 : memref<416x32xf32, #tpu.memory_space<vmem>>) target(%dma_start3A_1511 : memref<416x32xf32, #tpu.memory_space<hbm>>) target_semaphore(%arg12 : memref<!tpu.dma_semaphore, #tpu.memory_space<semaphore_mem>>)
    %dma_wait3A_1512 = arith.constant 0 : i32
    %dma_wait3A_1513 = arith.constant 0 : i32
    %dma_wait3A_1514 = arith.constant 0 : i32
    %dma_wait3A_1515 = tpu.memref_slice %arg4[%dma_wait3A_1513, %dma_wait3A_1512, %dma_wait3A_1514] : memref<26624x32x128xf32, #tpu.memory_space<hbm>> -> memref<416x1x32xf32, #tpu.memory_space<hbm>>
    %dma_wait3A_1516 = tpu.memref_squeeze %dma_wait3A_1515 : memref<416x1x32xf32, #tpu.memory_space<hbm>> -> memref<416x32xf32, #tpu.memory_space<hbm>>
    %dma_wait3A_1517 = arith.constant 0 : i32
    %dma_wait3A_1518 = arith.constant 0 : i32
    %dma_wait3A_1519 = tpu.memref_slice %arg4[%dma_wait3A_1517, %dma_wait3A_1512, %dma_wait3A_1518] : memref<26624x32x128xf32, #tpu.memory_space<hbm>> -> memref<416x1x32xf32, #tpu.memory_space<hbm>>
    %dma_wait3A_1520 = tpu.memref_squeeze %dma_wait3A_1519 : memref<416x1x32xf32, #tpu.memory_space<hbm>> -> memref<416x32xf32, #tpu.memory_space<hbm>>
    tpu.wait_dma2 semaphore(%arg13 : memref<!tpu.dma_semaphore, #tpu.memory_space<semaphore_mem>>) src(%arg10 : memref<416x32xf32, #tpu.memory_space<vmem>>) dst(%dma_wait3A_1520 : memref<416x32xf32, #tpu.memory_space<hbm>>)
    %dma_start3A_1521 = arith.constant 416 : i32
    %dma_start3A_1522 = tpu.memref_slice %arg7[%dma_start3A_1521] : memref<832xi32, #tpu.memory_space<vmem>> -> memref<416xi32, #tpu.memory_space<vmem>>
    %dma_start3A_1523 = arith.constant 0 : i32
    %dma_start3A_1524 = arith.constant 0 : i32
    %dma_start3A_1525 = tpu.memref_slice %arg2[%dma_start3A_1523, %dma_start3A_1524] : memref<2704000x32xf32, #tpu.memory_space<hbm>> -> memref<2704000x32xf32, #tpu.memory_space<hbm>>
    tpu.enqueue_indirect_dma source(%dma_start3A_1525 : memref<2704000x32xf32, #tpu.memory_space<hbm>>) target(%arg10 : memref<416x32xf32, #tpu.memory_space<vmem>>) offsets(%dma_start3A_1522 : memref<416xi32, #tpu.memory_space<vmem>>) semaphore(%arg11 : memref<!tpu.dma_semaphore, #tpu.memory_space<semaphore_mem>>)
    %dma_wait3A_1526 = arith.constant 416 : i32
    %dma_wait3A_1527 = tpu.memref_slice %arg7[%dma_wait3A_1526] : memref<832xi32, #tpu.memory_space<vmem>> -> memref<416xi32, #tpu.memory_space<vmem>>
    %dma_wait3A_1528 = arith.constant 0 : i32
    %dma_wait3A_1529 = arith.constant 0 : i32
    %dma_wait3A_1530 = tpu.memref_slice %arg2[%dma_wait3A_1528, %dma_wait3A_1529] : memref<2704000x32xf32, #tpu.memory_space<hbm>> -> memref<2704000x32xf32, #tpu.memory_space<hbm>>
    tpu.wait_indirect_dma semaphore(%arg11 : memref<!tpu.dma_semaphore, #tpu.memory_space<semaphore_mem>>) src(%dma_wait3A_1530 : memref<2704000x32xf32, #tpu.memory_space<hbm>>) dst(%arg10 : memref<416x32xf32, #tpu.memory_space<vmem>>)
    %add3A_1531 = arith.constant 416 : i32
    %add3A_1532 = arith.addi %mul3A_9, %add3A_1531 : i32
    %dma_start3A_1533 = arith.constant 24 : i32
    %dma_start3A_1534 = arith.constant 0 : i32
    %dma_start3A_1535 = tpu.memref_slice %arg4[%add3A_1532, %dma_start3A_1533, %dma_start3A_1534] : memref<26624x32x128xf32, #tpu.memory_space<hbm>> -> memref<416x1x32xf32, #tpu.memory_space<hbm>>
    %dma_start3A_1536 = tpu.memref_squeeze %dma_start3A_1535 : memref<416x1x32xf32, #tpu.memory_space<hbm>> -> memref<416x32xf32, #tpu.memory_space<hbm>>
    %dma_start3A_1537 = arith.constant 0 : i32
    %dma_start3A_1538 = tpu.memref_slice %arg4[%add3A_1532, %dma_start3A_1533, %dma_start3A_1537] : memref<26624x32x128xf32, #tpu.memory_space<hbm>> -> memref<416x1x32xf32, #tpu.memory_space<hbm>>
    %dma_start3A_1539 = tpu.memref_squeeze %dma_start3A_1538 : memref<416x1x32xf32, #tpu.memory_space<hbm>> -> memref<416x32xf32, #tpu.memory_space<hbm>>
    tpu.enqueue_dma source(%arg10 : memref<416x32xf32, #tpu.memory_space<vmem>>) target(%dma_start3A_1539 : memref<416x32xf32, #tpu.memory_space<hbm>>) target_semaphore(%arg13 : memref<!tpu.dma_semaphore, #tpu.memory_space<semaphore_mem>>)
    %scan3A_1540 = arith.constant 0 : i32
    %scan3A_1541 = arith.constant 0 : i32
    %scan3A_1542 = arith.constant 52 : i32
    %scan3A_1543 = arith.addi %scan3A_1541, %scan3A_1542 : i32
    %scan3A_1544 = arith.constant 1 : i32
    scf.for %scan3A_1620 = %scan3A_1541 to %scan3A_1543 step %scan3A_1544  : i32 {
      %mul3A_1621 = arith.constant 16 : i32
      %mul3A_1622 = arith.muli %scan3A_1620, %mul3A_1621 : i32
      %get3A = arith.index_cast %mul3A_1622 : i32 to index
      %get3A_1623 = tpu.vector_load %arg6[%get3A] {strides = array<i32>} : memref<832xi32, #tpu.memory_space<vmem>>, vector<16xi32>,
      %get3A_1624 = vector.shape_cast %get3A_1623 : vector<16xi32> to vector<16xi32>
      %add3A_1625 = arith.constant 650000 : i32
      %add3A_1626 = vector.broadcast %add3A_1625 : i32 to vector<16xi32>
      %add3A_1627 = arith.addi %get3A_1624, %add3A_1626 : vector<16xi32>
      %mul3A_1628 = arith.constant 4 : i32
      %mul3A_1629 = vector.broadcast %mul3A_1628 : i32 to vector<16xi32>
      %mul3A_1630 = arith.muli %add3A_1627, %mul3A_1629 : vector<16xi32>
      %mul3A_1631 = arith.constant 16 : i32
      %mul3A_1632 = arith.muli %scan3A_1620, %mul3A_1631 : i32
      %swap3A = arith.index_cast %mul3A_1632 : i32 to index
      %swap3A_1633 = tpu.vector_load %arg8[%swap3A] {strides = array<i32>} : memref<832xi32, #tpu.memory_space<vmem>>, vector<16xi32>,
      %swap3A_1634 = vector.shape_cast %swap3A_1633 : vector<16xi32> to vector<16xi32>
      %swap3A_1635 = vector.shape_cast %mul3A_1630 : vector<16xi32> to vector<16xi32>
      tpu.vector_store %arg8[%swap3A], %swap3A_1635 {strides = array<i32>} : memref<832xi32, #tpu.memory_space<vmem>>, vector<16xi32>,
    }
    %scan3A_1545 = arith.constant 52 : i32
    %dma_wait3A_1546 = arith.constant 0 : i32
    %dma_wait3A_1547 = arith.constant 0 : i32
    %dma_wait3A_1548 = arith.constant 0 : i32
    %dma_wait3A_1549 = tpu.memref_slice %arg4[%dma_wait3A_1547, %dma_wait3A_1546, %dma_wait3A_1548] : memref<26624x32x128xf32, #tpu.memory_space<hbm>> -> memref<416x1x32xf32, #tpu.memory_space<hbm>>
    %dma_wait3A_1550 = tpu.memref_squeeze %dma_wait3A_1549 : memref<416x1x32xf32, #tpu.memory_space<hbm>> -> memref<416x32xf32, #tpu.memory_space<hbm>>
    %dma_wait3A_1551 = arith.constant 0 : i32
    %dma_wait3A_1552 = arith.constant 0 : i32
    %dma_wait3A_1553 = tpu.memref_slice %arg4[%dma_wait3A_1551, %dma_wait3A_1546, %dma_wait3A_1552] : memref<26624x32x128xf32, #tpu.memory_space<hbm>> -> memref<416x1x32xf32, #tpu.memory_space<hbm>>
    %dma_wait3A_1554 = tpu.memref_squeeze %dma_wait3A_1553 : memref<416x1x32xf32, #tpu.memory_space<hbm>> -> memref<416x32xf32, #tpu.memory_space<hbm>>
    tpu.wait_dma2 semaphore(%arg12 : memref<!tpu.dma_semaphore, #tpu.memory_space<semaphore_mem>>) src(%arg9 : memref<416x32xf32, #tpu.memory_space<vmem>>) dst(%dma_wait3A_1554 : memref<416x32xf32, #tpu.memory_space<hbm>>)
    %dma_start3A_1555 = arith.constant 0 : i32
    %dma_start3A_1556 = tpu.memref_slice %arg8[%dma_start3A_1555] : memref<832xi32, #tpu.memory_space<vmem>> -> memref<416xi32, #tpu.memory_space<vmem>>
    %dma_start3A_1557 = arith.constant 0 : i32
    %dma_start3A_1558 = arith.constant 0 : i32
    %dma_start3A_1559 = tpu.memref_slice %arg2[%dma_start3A_1557, %dma_start3A_1558] : memref<2704000x32xf32, #tpu.memory_space<hbm>> -> memref<2704000x32xf32, #tpu.memory_space<hbm>>
    tpu.enqueue_indirect_dma source(%dma_start3A_1559 : memref<2704000x32xf32, #tpu.memory_space<hbm>>) target(%arg9 : memref<416x32xf32, #tpu.memory_space<vmem>>) offsets(%dma_start3A_1556 : memref<416xi32, #tpu.memory_space<vmem>>) semaphore(%arg11 : memref<!tpu.dma_semaphore, #tpu.memory_space<semaphore_mem>>)
    %dma_wait3A_1560 = arith.constant 0 : i32
    %dma_wait3A_1561 = tpu.memref_slice %arg8[%dma_wait3A_1560] : memref<832xi32, #tpu.memory_space<vmem>> -> memref<416xi32, #tpu.memory_space<vmem>>
    %dma_wait3A_1562 = arith.constant 0 : i32
    %dma_wait3A_1563 = arith.constant 0 : i32
    %dma_wait3A_1564 = tpu.memref_slice %arg2[%dma_wait3A_1562, %dma_wait3A_1563] : memref<2704000x32xf32, #tpu.memory_space<hbm>> -> memref<2704000x32xf32, #tpu.memory_space<hbm>>
    tpu.wait_indirect_dma semaphore(%arg11 : memref<!tpu.dma_semaphore, #tpu.memory_space<semaphore_mem>>) src(%dma_wait3A_1564 : memref<2704000x32xf32, #tpu.memory_space<hbm>>) dst(%arg9 : memref<416x32xf32, #tpu.memory_space<vmem>>)
    %add3A_1565 = arith.constant 0 : i32
    %add3A_1566 = arith.addi %mul3A_9, %add3A_1565 : i32
    %dma_start3A_1567 = arith.constant 25 : i32
    %dma_start3A_1568 = arith.constant 0 : i32
    %dma_start3A_1569 = tpu.memref_slice %arg4[%add3A_1566, %dma_start3A_1567, %dma_start3A_1568] : memref<26624x32x128xf32, #tpu.memory_space<hbm>> -> memref<416x1x32xf32, #tpu.memory_space<hbm>>
    %dma_start3A_1570 = tpu.memref_squeeze %dma_start3A_1569 : memref<416x1x32xf32, #tpu.memory_space<hbm>> -> memref<416x32xf32, #tpu.memory_space<hbm>>
    %dma_start3A_1571 = arith.constant 0 : i32
    %dma_start3A_1572 = tpu.memref_slice %arg4[%add3A_1566, %dma_start3A_1567, %dma_start3A_1571] : memref<26624x32x128xf32, #tpu.memory_space<hbm>> -> memref<416x1x32xf32, #tpu.memory_space<hbm>>
    %dma_start3A_1573 = tpu.memref_squeeze %dma_start3A_1572 : memref<416x1x32xf32, #tpu.memory_space<hbm>> -> memref<416x32xf32, #tpu.memory_space<hbm>>
    tpu.enqueue_dma source(%arg9 : memref<416x32xf32, #tpu.memory_space<vmem>>) target(%dma_start3A_1573 : memref<416x32xf32, #tpu.memory_space<hbm>>) target_semaphore(%arg12 : memref<!tpu.dma_semaphore, #tpu.memory_space<semaphore_mem>>)
    %dma_wait3A_1574 = arith.constant 0 : i32
    %dma_wait3A_1575 = arith.constant 0 : i32
    %dma_wait3A_1576 = arith.constant 0 : i32
    %dma_wait3A_1577 = tpu.memref_slice %arg4[%dma_wait3A_1575, %dma_wait3A_1574, %dma_wait3A_1576] : memref<26624x32x128xf32, #tpu.memory_space<hbm>> -> memref<416x1x32xf32, #tpu.memory_space<hbm>>
    %dma_wait3A_1578 = tpu.memref_squeeze %dma_wait3A_1577 : memref<416x1x32xf32, #tpu.memory_space<hbm>> -> memref<416x32xf32, #tpu.memory_space<hbm>>
    %dma_wait3A_1579 = arith.constant 0 : i32
    %dma_wait3A_1580 = arith.constant 0 : i32
    %dma_wait3A_1581 = tpu.memref_slice %arg4[%dma_wait3A_1579, %dma_wait3A_1574, %dma_wait3A_1580] : memref<26624x32x128xf32, #tpu.memory_space<hbm>> -> memref<416x1x32xf32, #tpu.memory_space<hbm>>
    %dma_wait3A_1582 = tpu.memref_squeeze %dma_wait3A_1581 : memref<416x1x32xf32, #tpu.memory_space<hbm>> -> memref<416x32xf32, #tpu.memory_space<hbm>>
    tpu.wait_dma2 semaphore(%arg13 : memref<!tpu.dma_semaphore, #tpu.memory_space<semaphore_mem>>) src(%arg10 : memref<416x32xf32, #tpu.memory_space<vmem>>) dst(%dma_wait3A_1582 : memref<416x32xf32, #tpu.memory_space<hbm>>)
    %dma_start3A_1583 = arith.constant 416 : i32
    %dma_start3A_1584 = tpu.memref_slice %arg8[%dma_start3A_1583] : memref<832xi32, #tpu.memory_space<vmem>> -> memref<416xi32, #tpu.memory_space<vmem>>
    %dma_start3A_1585 = arith.constant 0 : i32
    %dma_start3A_1586 = arith.constant 0 : i32
    %dma_start3A_1587 = tpu.memref_slice %arg2[%dma_start3A_1585, %dma_start3A_1586] : memref<2704000x32xf32, #tpu.memory_space<hbm>> -> memref<2704000x32xf32, #tpu.memory_space<hbm>>
    tpu.enqueue_indirect_dma source(%dma_start3A_1587 : memref<2704000x32xf32, #tpu.memory_space<hbm>>) target(%arg10 : memref<416x32xf32, #tpu.memory_space<vmem>>) offsets(%dma_start3A_1584 : memref<416xi32, #tpu.memory_space<vmem>>) semaphore(%arg11 : memref<!tpu.dma_semaphore, #tpu.memory_space<semaphore_mem>>)
    %dma_wait3A_1588 = arith.constant 416 : i32
    %dma_wait3A_1589 = tpu.memref_slice %arg8[%dma_wait3A_1588] : memref<832xi32, #tpu.memory_space<vmem>> -> memref<416xi32, #tpu.memory_space<vmem>>
    %dma_wait3A_1590 = arith.constant 0 : i32
    %dma_wait3A_1591 = arith.constant 0 : i32
    %dma_wait3A_1592 = tpu.memref_slice %arg2[%dma_wait3A_1590, %dma_wait3A_1591] : memref<2704000x32xf32, #tpu.memory_space<hbm>> -> memref<2704000x32xf32, #tpu.memory_space<hbm>>
    tpu.wait_indirect_dma semaphore(%arg11 : memref<!tpu.dma_semaphore, #tpu.memory_space<semaphore_mem>>) src(%dma_wait3A_1592 : memref<2704000x32xf32, #tpu.memory_space<hbm>>) dst(%arg10 : memref<416x32xf32, #tpu.memory_space<vmem>>)
    %add3A_1593 = arith.constant 416 : i32
    %add3A_1594 = arith.addi %mul3A_9, %add3A_1593 : i32
    %dma_start3A_1595 = arith.constant 25 : i32
    %dma_start3A_1596 = arith.constant 0 : i32
    %dma_start3A_1597 = tpu.memref_slice %arg4[%add3A_1594, %dma_start3A_1595, %dma_start3A_1596] : memref<26624x32x128xf32, #tpu.memory_space<hbm>> -> memref<416x1x32xf32, #tpu.memory_space<hbm>>
    %dma_start3A_1598 = tpu.memref_squeeze %dma_start3A_1597 : memref<416x1x32xf32, #tpu.memory_space<hbm>> -> memref<416x32xf32, #tpu.memory_space<hbm>>
    %dma_start3A_1599 = arith.constant 0 : i32
    %dma_start3A_1600 = tpu.memref_slice %arg4[%add3A_1594, %dma_start3A_1595, %dma_start3A_1599] : memref<26624x32x128xf32, #tpu.memory_space<hbm>> -> memref<416x1x32xf32, #tpu.memory_space<hbm>>
    %dma_start3A_1601 = tpu.memref_squeeze %dma_start3A_1600 : memref<416x1x32xf32, #tpu.memory_space<hbm>> -> memref<416x32xf32, #tpu.memory_space<hbm>>
    tpu.enqueue_dma source(%arg10 : memref<416x32xf32, #tpu.memory_space<vmem>>) target(%dma_start3A_1601 : memref<416x32xf32, #tpu.memory_space<hbm>>) target_semaphore(%arg13 : memref<!tpu.dma_semaphore, #tpu.memory_space<semaphore_mem>>)
    %dma_wait3A_1602 = arith.constant 0 : i32
    %dma_wait3A_1603 = arith.constant 0 : i32
    %dma_wait3A_1604 = arith.constant 0 : i32
    %dma_wait3A_1605 = tpu.memref_slice %arg4[%dma_wait3A_1603, %dma_wait3A_1602, %dma_wait3A_1604] : memref<26624x32x128xf32, #tpu.memory_space<hbm>> -> memref<416x1x32xf32, #tpu.memory_space<hbm>>
    %dma_wait3A_1606 = tpu.memref_squeeze %dma_wait3A_1605 : memref<416x1x32xf32, #tpu.memory_space<hbm>> -> memref<416x32xf32, #tpu.memory_space<hbm>>
    %dma_wait3A_1607 = arith.constant 0 : i32
    %dma_wait3A_1608 = arith.constant 0 : i32
    %dma_wait3A_1609 = tpu.memref_slice %arg4[%dma_wait3A_1607, %dma_wait3A_1602, %dma_wait3A_1608] : memref<26624x32x128xf32, #tpu.memory_space<hbm>> -> memref<416x1x32xf32, #tpu.memory_space<hbm>>
    %dma_wait3A_1610 = tpu.memref_squeeze %dma_wait3A_1609 : memref<416x1x32xf32, #tpu.memory_space<hbm>> -> memref<416x32xf32, #tpu.memory_space<hbm>>
    tpu.wait_dma2 semaphore(%arg12 : memref<!tpu.dma_semaphore, #tpu.memory_space<semaphore_mem>>) src(%arg9 : memref<416x32xf32, #tpu.memory_space<vmem>>) dst(%dma_wait3A_1610 : memref<416x32xf32, #tpu.memory_space<hbm>>)
    %dma_wait3A_1611 = arith.constant 0 : i32
    %dma_wait3A_1612 = arith.constant 0 : i32
    %dma_wait3A_1613 = arith.constant 0 : i32
    %dma_wait3A_1614 = tpu.memref_slice %arg4[%dma_wait3A_1612, %dma_wait3A_1611, %dma_wait3A_1613] : memref<26624x32x128xf32, #tpu.memory_space<hbm>> -> memref<416x1x32xf32, #tpu.memory_space<hbm>>
    %dma_wait3A_1615 = tpu.memref_squeeze %dma_wait3A_1614 : memref<416x1x32xf32, #tpu.memory_space<hbm>> -> memref<416x32xf32, #tpu.memory_space<hbm>>
    %dma_wait3A_1616 = arith.constant 0 : i32
    %dma_wait3A_1617 = arith.constant 0 : i32
    %dma_wait3A_1618 = tpu.memref_slice %arg4[%dma_wait3A_1616, %dma_wait3A_1611, %dma_wait3A_1617] : memref<26624x32x128xf32, #tpu.memory_space<hbm>> -> memref<416x1x32xf32, #tpu.memory_space<hbm>>
    %dma_wait3A_1619 = tpu.memref_squeeze %dma_wait3A_1618 : memref<416x1x32xf32, #tpu.memory_space<hbm>> -> memref<416x32xf32, #tpu.memory_space<hbm>>
    tpu.wait_dma2 semaphore(%arg13 : memref<!tpu.dma_semaphore, #tpu.memory_space<semaphore_mem>>) src(%arg10 : memref<416x32xf32, #tpu.memory_space<vmem>>) dst(%dma_wait3A_1619 : memref<416x32xf32, #tpu.memory_space<hbm>>)
    return
  }
}

</mosaic_0001>

<sc_bundles>
// kernel: _sc_gather.3.cloned.1.call-start
scs
__scs_entry_jumppad:
0x0: {  	(pc) =	sbr.rel $0x88, $3  }
0x1: {  	(tag) =	ssettag $0x0;
	lr =	simm.s32 $0x1  }
0x2: {  	[smem:$0x3F9F] =	sst lr;
	_ =	strace $0xD0000000  }
0x3: {  	_ = 	snop  }
0x4: {  	_ = 	snop  }
0x5: {  	_ = 	snop  }
0x6: {  	_ = 	snop  }
0x7: {  	_ = 	snop  }
__scs_overlays_trampoline_lowered:
0x8: {  	[smem:$0x3FAE] =	sst s0  }
0x9: {  	[smem:$0x3FAF] =	sst s1  }
0xa: {  	[smem:$0x3FB0] =	sst s2  }
0xb: {  	[smem:$0x3FB1] =	sst s3  }
0xc: {  	[smem:$0x3FB2] =	sst s4  }
0xd: {  	[smem:$0x3FB3] =	sst s5  }
0xe: {  	[smem:$0x3FB4] =	sst s6  }
0xf: {  	[smem:$0x3FB5] =	sst s7  }
0x10: {  	[smem:$0x3FB6] =	sst s8  }
0x11: {  	[smem:$0x3FB7] =	sst s9;
	s0 =	simm.s32 @!p0 $0x0  }
0x12: {  	s1 =	sld [smem:$0x3F9D];
	s0 =	simm.s32 @p0 $0x1  }
0x13: {  	[smem:$0x3FB8] =	sst s0;
	s0 =	simm.s32 @!p1 $0x0  }
0x14: {  	s2 =	sld [smem:$0x3F9C];
	s0 =	simm.s32 @p1 $0x1  }
0x15: {  	[smem:$0x3FB9] =	sst s0;
	s0 =	simm.s32 @!p2 $0x0  }
0x16: {  	s3 =	sld [smem:$0x3FDB];
	s0 =	simm.s32 @p2 $0x1  }
0x17: {  	s4 =	simm.s32 $0x1BF5;
	[smem:$0x3FBB] =	sst s0  }
0x18: {  	s0 =	sld [smem:$0x3F9E];
	_ =	swait.ge [sflag:s4], $0x0  }
0x19: {  	s7 =	sld [smem:$0x3F9F]  }
0x1a: {  	s8 =	sadd.s32 $0xFFFFE003, lr  }
0x1b: {  	s9 =	sadd.s32 $0xFFFFFEF7, lr;
	s5 =	simm.s32 $0xFFFFFFFF;
	p2 =	slt.u32 s8, $0xFFFFF086  }
0x1c: {  	p1 =	slt.u32 s9, $0xF7A;
	s5 =	simm.s32 @!p2 $0x0  }
0x1d: {  	s5 =	simm.s32 @p1 $0x1;
	p0 =	seq.s32 s7, s2  }
0x1e: {  	s7 =	smul.u32 @!p0 $0xF7A, s2;
	p2 =	seq.s32 @!p0 s5, $0x0  }
0x1f: {  	s9 =	smul.u32 $0xF7A, s1;
	s8 =	simm.s32 @!p0 $0x1BF5;
	p2 =	por !p2, p0  }
0x20: {  	[sflag:s8] =	ssyncset.s32 @!p0 $0xFFFFF086;
	s6 =	sadd.s32 @!p0 s3, s7;
	s7 =	simm.s32 @!p0 $0x108  }
0x21: {  	s3 =	sadd.s32 s3, s9;
	s6 =	sadd.s32 @!p0 $0x88, s6;
	s7 =	simm.s32 @p2 $0x1082  }
0x22: {  	[simem:s7], [sflag:s8] =	dma.local @!p0 [hbm:s6], $0xF7A  }
0x23: {  	s9 =	sor.u32 $0xD0000000, s2;
	s6 =	simm.s32 $0x108;
	_ =	swait.ge @!p0 [sflag:s8], $0x0  }
0x24: {  	s3 =	sadd.s32 $0x88, s3;
	s6 =	simm.s32 @!p1 $0x1082;
	[sflag:s4] =	ssyncset.s32 $0xFFFFF086  }
0x25: {  	[simem:s6], [sflag:s4] =	dma.local [hbm:s3], $0xF7A  }
0x26: {  	[smem:$0x3F9F] =	sst s1;
	(tag) =	ssettag s2;
	_ =	strace s9  }
0x27: {  	s1 =	sld [smem:$0x3FAF]  }
0x28: {  	s2 =	sld [smem:$0x3FB0]  }
0x29: {  	s4 =	sld [smem:$0x3FB2]  }
0x2a: {  	p0 =	seq.s32 s5, $0x0;
	s5 =	sld [smem:$0x3FB3]  }
0x2b: {  	s6 =	sld [smem:$0x3FB4]  }
0x2c: {  	s7 =	sld [smem:$0x3FB5]  }
0x2d: {  	s3 =	simm.s32 $0x108;
	s8 =	sld [smem:$0x3FB6]  }
0x2e: {  	s3 =	simm.s32 @!p0 $0x1082;
	s9 =	sld [smem:$0x3FB7]  }
0x2f: {  	lr =	sadd.s32 s0, s3;
	s0 =	sld [smem:$0x3FAE]  }
0x30: {  	s3 =	sld [smem:$0x3FB1]  }
0x31: {  	[smem:$0x3FBA] =	sst s10  }
0x32: {  	s10 =	sld [smem:$0x3FB8];
	_ =	sdelay $0x3  }
0x33: {  	p0 =	seq.s32 s10, $0x1;
	s10 =	sld [smem:$0x3FBA];
	_ =	sdelay $0x3  }
0x34: {  	[smem:$0x3FBA] =	sst s10  }
0x35: {  	s10 =	sld [smem:$0x3FB9];
	_ =	sdelay $0x3  }
0x36: {  	p1 =	seq.s32 s10, $0x1;
	s10 =	sld [smem:$0x3FBA];
	_ =	sdelay $0x3  }
0x37: {  	[smem:$0x3FBA] =	sst s10  }
0x38: {  	s10 =	sld [smem:$0x3FBB]  }
0x39: {  	_ = 	snop;
	(pc) =	sbr.ind lr, $3  }
0x3a: {  	_ = 	snop  }
0x3b: {  	_ = 	snop  }
0x3c: {  	p2 =	seq.s32 s10, $0x1;
	s10 =	sld [smem:$0x3FBA]  }
0x3d: {  	_ =	shalt  }
0x3e: {  	_ =	shalt  }
0x3f: {  	_ =	shalt  }
0x40: {  	_ =	shalt  }
0x41: {  	_ =	shalt  }
0x42: {  	_ =	shalt  }
0x43: {  	_ =	shalt  }
0x44: {  	_ =	shalt  }
0x45: {  	_ =	shalt  }
0x46: {  	_ =	shalt  }
0x47: {  	_ =	shalt  }
0x48: {  	_ =	shalt  }
0x49: {  	_ =	shalt  }
0x4a: {  	_ =	shalt  }
0x4b: {  	_ =	shalt  }
0x4c: {  	_ =	shalt  }
0x4d: {  	_ =	shalt  }
0x4e: {  	_ =	shalt  }
0x4f: {  	_ =	shalt  }
0x50: {  	_ =	shalt  }
0x51: {  	_ =	shalt  }
0x52: {  	_ =	shalt  }
0x53: {  	_ =	shalt  }
0x54: {  	_ =	shalt  }
0x55: {  	_ =	shalt  }
0x56: {  	_ =	shalt  }
0x57: {  	_ =	shalt  }
0x58: {  	_ =	shalt  }
0x59: {  	_ =	shalt  }
0x5a: {  	_ =	shalt  }
0x5b: {  	_ =	shalt  }
0x5c: {  	_ =	shalt  }
0x5d: {  	_ =	shalt  }
0x5e: {  	_ =	shalt  }
0x5f: {  	_ =	shalt  }
0x60: {  	_ =	shalt  }
0x61: {  	_ =	shalt  }
0x62: {  	_ =	shalt  }
0x63: {  	_ =	shalt  }
0x64: {  	_ =	shalt  }
0x65: {  	_ =	shalt  }
0x66: {  	_ =	shalt  }
0x67: {  	_ =	shalt  }
0x68: {  	_ =	shalt  }
0x69: {  	_ =	shalt  }
0x6a: {  	_ =	shalt  }
0x6b: {  	_ =	shalt  }
0x6c: {  	_ =	shalt  }
0x6d: {  	_ =	shalt  }
0x6e: {  	_ =	shalt  }
0x6f: {  	_ =	shalt  }
0x70: {  	_ =	shalt  }
0x71: {  	_ =	shalt  }
0x72: {  	_ =	shalt  }
0x73: {  	_ =	shalt  }
0x74: {  	_ =	shalt  }
0x75: {  	_ =	shalt  }
0x76: {  	_ =	shalt  }
0x77: {  	_ =	shalt  }
0x78: {  	_ =	shalt  }
0x79: {  	_ =	shalt  }
0x7a: {  	_ =	shalt  }
0x7b: {  	_ =	shalt  }
0x7c: {  	_ =	shalt  }
0x7d: {  	_ =	shalt  }
0x7e: {  	_ =	shalt  }
0x7f: {  	_ =	shalt  }
0x80: {  	_ =	shalt  }
0x81: {  	_ =	shalt  }
0x82: {  	_ =	shalt  }
0x83: {  	_ =	shalt  }
0x84: {  	_ =	shalt  }
0x85: {  	_ =	shalt  }
0x86: {  	_ =	shalt  }
0x87: {  	_ =	shalt  }
.Lfunc_end0:
.L_simem_size_0:
called_computation_lowered:
.L_overlay_start_0:
0x88: {  	s2 =	sld [smem:$0x3FD9]  }
0x89: {  	s3 =	sld [smem:$0x3FFE];
	_ =	sdelay $0x1  }
0x8a: {  	s1 =	srdreg.scid  }
0x8b: {  	s0 =	sand.u32 $0x1, s1  }
0x8c: {  	s17 =	sshll.u32 s0, $0xA;
	s2 =	sadd.s32 s3, s2  }
0x8d: {  	s2 =	sadd.s32 s2, s17  }
0x8e: {  	[smem:$0x3FC6] =	sst s2  }
0x8f: {  	_ = 	snop  }
0x90: {  	s2 =	sld [smem:$0x3FC8]  }
0x91: {  	s18 =	sld [smem:$0x3FD0];
	(tm) =	ssettm $0x1  }
0x92: {  	s4 =	sld [smem:$0x3FFB];
	_ =	sdelay $0x3  }
0x93: {  	_ =	strace s4  }
0x94: {  	s4 =	sld [smem:$0x3FFC];
	_ =	sdelay $0x3  }
0x95: {  	_ =	strace s4  }
0x96: {  	s4 =	sld [smem:$0x3FFD];
	_ =	sdelay $0x3  }
0x97: {  	_ =	strace s4  }
0x98: {  	_ =	strace $0x8FFFFFFF  }
0x99: {  	s19 =	sld [smem:$0x3FDB];
	_ =	sdelay $0x1  }
0x9a: {  	s5 =	simm.s32 $_scs_section_size  }
0x9b: {  	s6 =	simm.s32 $_size__tile_overlayer_lowered;
	s7 =	simm.s32 $_tile_overlayer_lowered  }
0x9c: {  	s22 =	simm.s32 $0x1BFF;
	s21 =	sshll.u32 s7, $0x1;
	s4 =	sadd.s32 s5, s19  }
0x9d: {  	s8 =	simm.s32 $0x0;
	s20 =	sshll.u32 s6, $0x1;
	s6 =	sadd.s32 s21, s4  }
0x9e: {  	[timem:s8], [sflag:s22] =	dma.local [hbm:s6], s20  }
0x9f: {  	_ =	swait.ge [sflag:s22], s20  }
0xa0: {  	s5 =	ssub.s32 $0x0, s20;
	[sflag:s22] =	ssyncset.done $0x0  }
0xa1: {  	[sflag:s22] =	ssyncadd.s32 s5;
	_ =	sdelay $0x1  }
0xa2: {  	s23 =	simm.s32 $0x1B8B  }
0xa3: {  	_ =	swait.ge [sflag:s23], $0x1  }
0xa4: {  	[sflag:s23] =	ssyncset.done $0x0  }
0xa5: {  	s25 =	simm.s32 $0x1B8E;
	s24 =	sld [smem:$0x3FFE];
	[sflag:s23] =	ssyncadd.s32 $0xFFFFFFFF  }
0xa6: {  	s26 =	simm.s32 $execute0_lowered;
	[smem:$0x3FD2] =	sst s25  }
0xa7: {  	s6 =	sshll.u32 s26, $0x1;
	_ =	strace $0x80000046;
	[dreg:$0x1] =	wrdreg $0xFFFFFFFF  }
0xa8: {  	s28 =	simm.s32 $_size_execute0_lowered;
	s4 =	sadd.s32 s4, s6;
	[dreg:$0x0] =	wrdreg $0x0  }
0xa9: {  	s6 =	sshll.u32 s28, $0x1;
	[dreg:$0x2] =	wrdreg s4  }
0xaa: {  	[dreg:$0x3] =	wrdreg s6  }
0xab: {  	[dreg:$0x4] =	wrdreg $0xC0  }
0xac: {  	_ =	task [dreg:s8], $0x5FFFF  }
0xad: {  	[dreg:$0x1] =	wrdreg $0xFFFFFFFF  }
0xae: {  	[dreg:$0x0] =	wrdreg $0x60  }
0xaf: {  	[dreg:$0x2] =	wrdreg s24  }
0xb0: {  	[dreg:$0x3] =	wrdreg s2  }
0xb1: {  	[dreg:$0x4] =	wrdreg s18  }
0xb2: {  	[dreg:$0x5] =	wrdreg $0x9  }
0xb3: {  	_ =	task.clear_ibuf [dreg:s8], $0x6FFFF;
	_ =	strace $0x90000046  }
0xb4: {  	s29 =	simm.s32 $0x9;
	_ =	strace $0x80000048  }
0xb5: {  	_ =	swait.ge [sflag:s29], $0x1  }
0xb6: {  	[sflag:s29] =	ssyncadd.s32 $0xFFFFFFFF  }
0xb7: {  	_ =	strace $0x90000048  }
0xb8: {  	_ =	sfence  }
0xb9: {  	s30 =	sld [smem:$0x0];
	_ =	sdelay $0x2  }
0xba: {  	s31 =	sshll.u32 s1, $0xD;
	s1 =	sshrl.u32 s1, $0x2  }
0xbb: {  	s3 =	sand.u32 $0x4000, s31;
	s1 =	sadd.s32 s1, s30  }
0xbc: {  	s0 =	sor.u32 s3, s0;
	s1 =	sshll.u32 s1, $0x11  }
0xbd: {  	s0 =	sor.u32 s1, s0  }
0xbe: {  	s0 =	sadd.s32 $0x8F2B, s0  }
0xbf: {  	[sflag:s0] =	ssyncadd.remote.s32 $0x1  }
0xc0: {  	_ =	sfence.sel $0xFFFF  }
0xc1: {  	[dreg:$0x0] =	wrdreg $0xFFFFFFFF;
	(pc) =	sbr.abs _section_cstart, $3  }
0xc2: {  	[dreg:$0x1] =	wrdreg $0xFFFFFFFF  }
0xc3: {  	_ =	task.clear_ibuf [dreg:s8], $0x2FFFF;
	_ =	strace $0x9FFFFFFF  }
0xc4: {  	(tm) =	ssettm $0x7FFFFFFF  }
0xc5: {  	_ =	shalt  }
tec
execute0_lowered:
.L_overlay_start_1:
0x0: {  	(tag) =	ssettag $0x1  }
0x1: {  	s2 =	srdreg.scid;
	s5 =	stileid.u32  }
0x2: {  	s0 =	rddreg [dreg:$0x0];
	s3 =	sand.u32 $0x1, s2;
	s5 =	sshll.u32 s5, $0x1  }
0x3: {  	s1 =	rddreg [dreg:$0x1];
	s5 =	sor.u32 s3, s5  }
0x4: {  	s4 =	rddreg [dreg:$0x2];
	s2 =	simm.s32 $0x0;
	s6 =	smul.u32 $0x340000, s5  }
0x5: {  	[smem:$0x7FF] =	sst s2;
	s7 =	ssub.s32 $0x2, s3;
	s5 =	smul.u32 $0x68, s5  }
0x6: {  	s3 =	sadd.s32 $0x2942C00, s0;
	_ =	strace $0x80000047;
	s8 =	sshrl.u32 s7, $0x1  }
0x7: {  	s0 =	ssub.s32 s7, s8;
	s6 =	sshrl.u32 s6, $0x3;
	s1 =	sadd.s32 s1, s5  }
0x8: {  	s0 =	smax.u32 s0, $0x1;
	[dreg:$0x4] =	wrdreg s1;
	s5 =	sadd.s32 s4, s6  }
0x9: {  	[dreg:$0x18] =	wrdreg s0;
	s9 =	sadd.s32 $0x34000, s5  }
0xa: {  	s10 =	sadd.s32 $0x10, s5;
	[dreg:$0x5] =	wrdreg s9  }
0xb: {  	s11 =	sadd.s32 $0x34010, s5;
	[dreg:$0x6] =	wrdreg s10  }
0xc: {  	s12 =	sadd.s32 $0x20, s5;
	[dreg:$0x7] =	wrdreg s11  }
0xd: {  	s13 =	sadd.s32 $0x34020, s5;
	[dreg:$0x8] =	wrdreg s12  }
0xe: {  	s14 =	sadd.s32 $0x30, s5;
	[dreg:$0x9] =	wrdreg s13  }
0xf: {  	s15 =	sadd.s32 $0x34030, s5;
	[dreg:$0xa] =	wrdreg s14  }
0x10: {  	s16 =	sadd.s32 $0x40, s5;
	[dreg:$0xb] =	wrdreg s15  }
0x11: {  	s17 =	sadd.s32 $0x34040, s5;
	[dreg:$0xc] =	wrdreg s16  }
0x12: {  	s18 =	sadd.s32 $0x50, s5;
	[dreg:$0xd] =	wrdreg s17  }
0x13: {  	s19 =	sadd.s32 $0x34050, s5;
	[dreg:$0xe] =	wrdreg s18  }
0x14: {  	s20 =	sadd.s32 $0x60, s5;
	[dreg:$0xf] =	wrdreg s19  }
0x15: {  	s21 =	sadd.s32 $0x34060, s5;
	[dreg:$0x10] =	wrdreg s20  }
0x16: {  	s22 =	sadd.s32 $0x70, s5;
	[dreg:$0x11] =	wrdreg s21  }
0x17: {  	s23 =	sadd.s32 $0x34070, s5;
	[dreg:$0x12] =	wrdreg s22  }
0x18: {  	s24 =	sadd.s32 $0x80, s5;
	[dreg:$0x13] =	wrdreg s23  }
0x19: {  	s25 =	sadd.s32 $0x34080, s5;
	[dreg:$0x14] =	wrdreg s24  }
0x1a: {  	s26 =	sadd.s32 $0x90, s5;
	[dreg:$0x15] =	wrdreg s25  }
0x1b: {  	s4 =	sadd.s32 $0x34090, s5;
	[dreg:$0x16] =	wrdreg s26  }
0x1c: {  	s6 =	sadd.s32 $0xA0, s5;
	[dreg:$0x17] =	wrdreg s4  }
0x1d: {  	s7 =	sadd.s32 $0x340A0, s5;
	[dreg:$0x19] =	wrdreg s6  }
0x1e: {  	s8 =	sadd.s32 $0xB0, s5;
	[dreg:$0x1a] =	wrdreg s7  }
0x1f: {  	[dreg:$0x1b] =	wrdreg s8;
	s9 =	sadd.s32 $0x340B0, s5  }
0x20: {  	s10 =	sadd.s32 $0xC0, s5;
	[dreg:$0x1c] =	wrdreg s9  }
0x21: {  	s11 =	sadd.s32 $0x340C0, s5;
	[dreg:$0x1d] =	wrdreg s10  }
0x22: {  	s12 =	sadd.s32 $0xD0, s5;
	[dreg:$0x1e] =	wrdreg s11  }
0x23: {  	s13 =	sadd.s32 $0x340D0, s5;
	[dreg:$0x1f] =	wrdreg s12  }
0x24: {  	s14 =	sadd.s32 $0xE0, s5;
	[smem:$0x7F0] =	sst s13  }
0x25: {  	s15 =	sadd.s32 $0x340E0, s5;
	[smem:$0x7F1] =	sst s14  }
0x26: {  	s16 =	sadd.s32 $0xF0, s5;
	[smem:$0x7F2] =	sst s15  }
0x27: {  	s17 =	sadd.s32 $0x340F0, s5;
	[smem:$0x7F3] =	sst s16  }
0x28: {  	s18 =	sadd.s32 $0x100, s5;
	[smem:$0x7F4] =	sst s17  }
0x29: {  	s31 =	simm.s32 $0x4;
	s19 =	sadd.s32 $0x34100, s5;
	[smem:$0x7F5] =	sst s18  }
0x2a: {  	s1 =	simm.s32 $0x1A0;
	s20 =	sadd.s32 $0x110, s5;
	[smem:$0x7F6] =	sst s19  }
0x2b: {  	s0 =	simm.s32 $0x680;
	s21 =	sadd.s32 $0x34110, s5;
	[smem:$0x7F7] =	sst s20  }
0x2c: {  	s28 =	sadd.s32 $0x34180, s5;
	s22 =	sadd.s32 $0x120, s5;
	[smem:$0x7F8] =	sst s21  }
0x2d: {  	s29 =	sadd.s32 $0x190, s5;
	s23 =	sadd.s32 $0x34120, s5;
	[smem:$0x7F9] =	sst s22  }
0x2e: {  	s30 =	sadd.s32 $0x34190, s5;
	s24 =	sadd.s32 $0x130, s5;
	[smem:$0x7FA] =	sst s23  }
0x2f: {  	s25 =	sadd.s32 $0x34130, s5;
	s26 =	sadd.s32 $0x140, s5;
	[smem:$0x7FB] =	sst s24  }
0x30: {  	s4 =	simm.s32 $0xD00;
	s6 =	simm.s32 $0x1;
	[smem:$0x7FC] =	sst s25  }
0x31: {  	s7 =	simm.s32 $0x20;
	s8 =	simm.s32 $0x1000;
	[smem:$0x7FD] =	sst s26  }
0x32: {  	s19 =	sadd.s32 $0x34140, s5;
	s20 =	sadd.s32 $0x150, s5;
	s21 =	sadd.s32 $0x34150, s5  }
0x33: {  	s22 =	sadd.s32 $0x160, s5;
	s23 =	sadd.s32 $0x34160, s5;
	s24 =	sadd.s32 $0x170, s5  }
0x34: {  	s25 =	sadd.s32 $0x34170, s5;
	s26 =	sadd.s32 $0x180, s5;
	s9 =	simm.s32 $0x820  }
0x35: {  	s10 =	simm.s32 $0x4100;
	s11 =	simm.s32 $0x2;
	s12 =	simm.s32 $0x9C0  }
0x36: {  	v0 =	vlaneseq.u32;
	s13 =	simm.s32 $0x3;
	s14 =	simm.s32 $0xB60;
	s15 =	simm.s32 $0x0  }
.LBB2_1:
0x37: {  	s16 =	rddreg [dreg:$0x4]  }
0x38: {  	v1 =	vor.u32 s2, v0;
	[tilespmem:s2], [sflag:$0x4] =	stream.linear.gather [hbm4b:s16+s2], $0x340, $0x38;
	[tilespmem:$0x7500] =	vst v63  }
0x39: {  	v2 =	vmulhi.u32 $0x4EC4EC4F, v1;
	_ =	swait.ge [sflag:s31], $0x340  }
0x3a: {  	[sflag:s31] =	ssyncset.done $0x0  }
0x3b: {  	v2 =	vshrl.u32 v2, $0x3;
	[sflag:s31] =	ssyncadd.s32 $0xFFFFFCC0  }
0x3c: {  	s16 =	simm.s32 $0x10;
	v2 =	vmul.u32 $0x1A, v2;
	v3 =	vld [tilespmem:s2+$0x0]  }
0x3d: {  	v4 =	vor.u32 s16, v0  }
0x3e: {  	v5 =	vmulhi.u32 $0x4EC4EC4F, v4;
	v1 =	vsub.s32 v1, v2  }
0x3f: {  	v1 =	vmul.u32 $0x3E8, v1  }
0x40: {  	v2 =	vshrl.u32 v5, $0x3  }
0x41: {  	s17 =	simm.s32 $0x340;
	v2 =	vmul.u32 $0x1A, v2;
	v1 =	vadd.s32 v1, v3  }
0x42: {  	[tilespmem:s17+$0x0] =	vst v1  }
0x43: {  	v3 =	vsub.s32 v4, v2;
	v2 =	vld [tilespmem:s16+$0x0];
	_ =	sdelay $0x1  }
0x44: {  	s18 =	simm.s32 $0x20  }
0x45: {  	v1 =	vor.u32 s18, v0;
	s18 =	simm.s32 $0x30;
	v3 =	vmul.u32 $0x3E8, v3  }
.LBB2_2:
0x46: {  	p0 =	sne.s32 s18, $0x330;
	v4 =	vmulhi.u32 $0x4EC4EC4F, v1  }
0x47: {  	s17 =	sadd.s32 $0x10, s17;
	v2 =	vadd.s32 v3, v2  }
.Ltmp0:
0x48: {  	s16 =	sadd.s32 $0x10, s16;
	v3 =	vshrl.u32 v4, $0x3;
	[tilespmem:s17+$0x0] =	vst v2;
	(pc) =	sbr.rel @p0 .LBB2_2-.Ltmp0, $3  }
0x49: {  	v3 =	vmul.u32 $0x1A, v3;
	v2 =	vld [tilespmem:s16+$0x0];
	_ =	sdelay $0x1  }
0x4a: {  	v3 =	vsub.s32 v1, v3  }
0x4b: {  	v1 =	vor.u32 s18, v0;
	s18 =	sadd.s32 $0x10, s18;
	v3 =	vmul.u32 $0x3E8, v3  }
0x4c: {  	v4 =	vmulhi.u32 $0x4EC4EC4F, v1  }
0x4d: {  	s17 =	sadd.s32 $0x10, s17;
	v2 =	vadd.s32 v3, v2  }
0x4e: {  	s16 =	sadd.s32 $0x10, s16;
	v3 =	vshrl.u32 v4, $0x3;
	[tilespmem:s17+$0x0] =	vst v2  }
0x4f: {  	v2 =	vmul.u32 $0x1A, v3;
	v3 =	vld [tilespmem:s16+$0x0];
	_ =	sdelay $0x1  }
0x50: {  	v1 =	vsub.s32 v1, v2  }
0x51: {  	v1 =	vmul.u32 $0x3E8, v1;
	_ =	sdelay $0x1  }
0x52: {  	s18 =	sadd.s32 $0x10, s17;
	v1 =	vadd.s32 v1, v3  }
0x53: {  	s16 =	simm.s32 $0x0;
	[tilespmem:s18+$0x0] =	vst v1  }
0x54: {  	s17 =	simm.s32 $0x40;
	v1 =	vld [tilespmem:s16+$0x340]  }
.LBB2_4:
0x55: {  	p0 =	sne.s32 s17, $0xCC0  }
.Ltmp1:
0x56: {  	_ = 	snop;
	(pc) =	sbr.rel @p0 .LBB2_4-.Ltmp1, $3  }
0x57: {  	_ =	sdelay $0x1  }
0x58: {  	s18 =	sshra.s32 s17, $0x2;
	s17 =	sadd.s32 $0x40, s17;
	v2 =	vshll.u32 v1, $0x2  }
0x59: {  	v1 =	vld [tilespmem:s18+$0x340];
	[tilespmem:s16+$0x680] =	vst v2;
	s16 =	smov.u32 s18  }
0x5a: {  	_ =	sdelay $0x3  }
0x5b: {  	v1 =	vshll.u32 v1, $0x2  }
0x5c: {  	[tilespmem:s16+$0x680] =	vst v1  }
0x5d: {  	[tilespmem:s4], [sflag:$0x1] =	stream.indirect.gather [hbm4b:s3+s1], $0x20, s0, s1, $0xb8;
	[tilespmem:$0x7500] =	vst v63  }
0x5e: {  	_ =	swait.ge [sflag:s6], $0x3400  }
0x5f: {  	[sflag:s6] =	ssyncset.done $0x0  }
0x60: {  	[sflag:s6] =	ssyncadd.s32 $0xFFFFCC00  }
0x61: {  	[hbm4b:s5+s7] =	stream.strided.scatter [tilespmem:s4], [sflag:$0x2], $0x3400, s8, s7, $0x38;
	[tilespmem:$0x7500] =	vst v63  }
0x62: {  	_ = 	snop  }
0x63: {  	[tilespmem:s10], [sflag:$0x1] =	stream.indirect.gather [hbm4b:s3+s1], $0x20, s9, s1, $0xb8;
	[tilespmem:$0x7500] =	vst v63  }
0x64: {  	_ =	swait.ge [sflag:s6], $0x3400  }
0x65: {  	[sflag:s6] =	ssyncset.done $0x0  }
0x66: {  	s16 =	simm.s32 $0x0;
	s18 =	rddreg [dreg:$0x5];
	[sflag:s6] =	ssyncadd.s32 $0xFFFFCC00  }
0x67: {  	[hbm4b:s18+s7] =	stream.strided.scatter [tilespmem:s10], [sflag:$0x3], $0x3400, s8, s7, $0x38;
	[tilespmem:$0x7500] =	vst v63  }
0x68: {  	v1 =	vld [tilespmem:s16+$0x340]  }
0x69: {  	s17 =	simm.s32 $0x40  }
.LBB2_6:
0x6a: {  	p0 =	sne.s32 s17, $0xCC0  }
.Ltmp2:
0x6b: {  	_ = 	snop;
	(pc) =	sbr.rel @p0 .LBB2_6-.Ltmp2, $4  }
0x6c: {  	_ = 	snop  }
0x6d: {  	s18 =	sshra.s32 s17, $0x2;
	s17 =	sadd.s32 $0x40, s17;
	v2 =	vshll.u32 v1, $0x2  }
0x6e: {  	v1 =	vld [tilespmem:s18+$0x340];
	v2 =	vadd.s32 $0x19640, v2  }
0x6f: {  	[tilespmem:s16+$0x9C0] =	vst v2;
	s16 =	smov.u32 s18  }
0x70: {  	_ =	sdelay $0x2  }
0x71: {  	v1 =	vshll.u32 v1, $0x2  }
0x72: {  	v1 =	vadd.s32 $0x19640, v1  }
0x73: {  	[tilespmem:s16+$0x9C0] =	vst v1  }
0x74: {  	_ =	swait.ge [sflag:s11], $0x3400  }
0x75: {  	[sflag:s11] =	ssyncset.done $0x0  }
0x76: {  	[sflag:s11] =	ssyncadd.s32 $0xFFFFCC00  }
0x77: {  	[tilespmem:s4], [sflag:$0x1] =	stream.indirect.gather [hbm4b:s3+s1], $0x20, s12, s1, $0xb8;
	[tilespmem:$0x7500] =	vst v63  }
0x78: {  	_ =	swait.ge [sflag:s6], $0x3400  }
0x79: {  	[sflag:s6] =	ssyncset.done $0x0  }
0x7a: {  	s17 =	rddreg [dreg:$0x6];
	[sflag:s6] =	ssyncadd.s32 $0xFFFFCC00  }
0x7b: {  	[hbm4b:s17+s7] =	stream.strided.scatter [tilespmem:s4], [sflag:$0x2], $0x3400, s8, s7, $0x38;
	[tilespmem:$0x7500] =	vst v63  }
0x7c: {  	_ =	swait.ge [sflag:s13], $0x3400  }
0x7d: {  	[sflag:s13] =	ssyncset.done $0x0  }
0x7e: {  	[sflag:s13] =	ssyncadd.s32 $0xFFFFCC00  }
0x7f: {  	[tilespmem:s10], [sflag:$0x1] =	stream.indirect.gather [hbm4b:s3+s1], $0x20, s14, s1, $0xb8;
	[tilespmem:$0x7500] =	vst v63  }
0x80: {  	_ =	swait.ge [sflag:s6], $0x3400  }
0x81: {  	[sflag:s6] =	ssyncset.done $0x0  }
0x82: {  	s16 =	simm.s32 $0x0;
	s18 =	rddreg [dreg:$0x7];
	[sflag:s6] =	ssyncadd.s32 $0xFFFFCC00  }
0x83: {  	[hbm4b:s18+s7] =	stream.strided.scatter [tilespmem:s10], [sflag:$0x3], $0x3400, s8, s7, $0x38;
	[tilespmem:$0x7500] =	vst v63  }
0x84: {  	v1 =	vld [tilespmem:s16+$0x340]  }
0x85: {  	s17 =	simm.s32 $0x40  }
.LBB2_8:
0x86: {  	p0 =	sne.s32 s17, $0xCC0  }
.Ltmp3:
0x87: {  	_ = 	snop;
	(pc) =	sbr.rel @p0 .LBB2_8-.Ltmp3, $4  }
0x88: {  	_ = 	snop  }
0x89: {  	s18 =	sshra.s32 s17, $0x2;
	s17 =	sadd.s32 $0x40, s17;
	v2 =	vshll.u32 v1, $0x2  }
0x8a: {  	v1 =	vld [tilespmem:s18+$0x340];
	v2 =	vadd.s32 $0x32C80, v2  }
0x8b: {  	[tilespmem:s16+$0x680] =	vst v2;
	s16 =	smov.u32 s18  }
0x8c: {  	_ =	sdelay $0x2  }
0x8d: {  	v1 =	vshll.u32 v1, $0x2  }
0x8e: {  	v1 =	vadd.s32 $0x32C80, v1  }
0x8f: {  	[tilespmem:s16+$0x680] =	vst v1  }
0x90: {  	_ =	swait.ge [sflag:s11], $0x3400  }
0x91: {  	[sflag:s11] =	ssyncset.done $0x0  }
0x92: {  	[sflag:s11] =	ssyncadd.s32 $0xFFFFCC00  }
0x93: {  	[tilespmem:s4], [sflag:$0x1] =	stream.indirect.gather [hbm4b:s3+s1], $0x20, s0, s1, $0xb8;
	[tilespmem:$0x7500] =	vst v63  }
0x94: {  	_ =	swait.ge [sflag:s6], $0x3400  }
0x95: {  	[sflag:s6] =	ssyncset.done $0x0  }
0x96: {  	s17 =	rddreg [dreg:$0x8];
	[sflag:s6] =	ssyncadd.s32 $0xFFFFCC00  }
0x97: {  	[hbm4b:s17+s7] =	stream.strided.scatter [tilespmem:s4], [sflag:$0x2], $0x3400, s8, s7, $0x38;
	[tilespmem:$0x7500] =	vst v63  }
0x98: {  	_ =	swait.ge [sflag:s13], $0x3400  }
0x99: {  	[sflag:s13] =	ssyncset.done $0x0  }
0x9a: {  	[sflag:s13] =	ssyncadd.s32 $0xFFFFCC00  }
0x9b: {  	[tilespmem:s10], [sflag:$0x1] =	stream.indirect.gather [hbm4b:s3+s1], $0x20, s9, s1, $0xb8;
	[tilespmem:$0x7500] =	vst v63  }
0x9c: {  	_ =	swait.ge [sflag:s6], $0x3400  }
0x9d: {  	[sflag:s6] =	ssyncset.done $0x0  }
0x9e: {  	s16 =	simm.s32 $0x0;
	s18 =	rddreg [dreg:$0x9];
	[sflag:s6] =	ssyncadd.s32 $0xFFFFCC00  }
0x9f: {  	[hbm4b:s18+s7] =	stream.strided.scatter [tilespmem:s10], [sflag:$0x3], $0x3400, s8, s7, $0x38;
	[tilespmem:$0x7500] =	vst v63  }
0xa0: {  	v1 =	vld [tilespmem:s16+$0x340]  }
0xa1: {  	s17 =	simm.s32 $0x40  }
.LBB2_10:
0xa2: {  	p0 =	sne.s32 s17, $0xCC0  }
.Ltmp4:
0xa3: {  	_ = 	snop;
	(pc) =	sbr.rel @p0 .LBB2_10-.Ltmp4, $4  }
0xa4: {  	_ = 	snop  }
0xa5: {  	s18 =	sshra.s32 s17, $0x2;
	s17 =	sadd.s32 $0x40, s17;
	v2 =	vshll.u32 v1, $0x2  }
0xa6: {  	v1 =	vld [tilespmem:s18+$0x340];
	v2 =	vadd.s32 $0x4C2C0, v2  }
0xa7: {  	[tilespmem:s16+$0x9C0] =	vst v2;
	s16 =	smov.u32 s18  }
0xa8: {  	_ =	sdelay $0x2  }
0xa9: {  	v1 =	vshll.u32 v1, $0x2  }
0xaa: {  	v1 =	vadd.s32 $0x4C2C0, v1  }
0xab: {  	[tilespmem:s16+$0x9C0] =	vst v1  }
0xac: {  	_ =	swait.ge [sflag:s11], $0x3400  }
0xad: {  	[sflag:s11] =	ssyncset.done $0x0  }
0xae: {  	[sflag:s11] =	ssyncadd.s32 $0xFFFFCC00  }
0xaf: {  	[tilespmem:s4], [sflag:$0x1] =	stream.indirect.gather [hbm4b:s3+s1], $0x20, s12, s1, $0xb8;
	[tilespmem:$0x7500] =	vst v63  }
0xb0: {  	_ =	swait.ge [sflag:s6], $0x3400  }
0xb1: {  	[sflag:s6] =	ssyncset.done $0x0  }
0xb2: {  	s17 =	rddreg [dreg:$0xa];
	[sflag:s6] =	ssyncadd.s32 $0xFFFFCC00  }
0xb3: {  	[hbm4b:s17+s7] =	stream.strided.scatter [tilespmem:s4], [sflag:$0x2], $0x3400, s8, s7, $0x38;
	[tilespmem:$0x7500] =	vst v63  }
0xb4: {  	_ =	swait.ge [sflag:s13], $0x3400  }
0xb5: {  	[sflag:s13] =	ssyncset.done $0x0  }
0xb6: {  	[sflag:s13] =	ssyncadd.s32 $0xFFFFCC00  }
0xb7: {  	[tilespmem:s10], [sflag:$0x1] =	stream.indirect.gather [hbm4b:s3+s1], $0x20, s14, s1, $0xb8;
	[tilespmem:$0x7500] =	vst v63  }
0xb8: {  	_ =	swait.ge [sflag:s6], $0x3400  }
0xb9: {  	[sflag:s6] =	ssyncset.done $0x0  }
0xba: {  	s16 =	simm.s32 $0x0;
	s18 =	rddreg [dreg:$0xb];
	[sflag:s6] =	ssyncadd.s32 $0xFFFFCC00  }
0xbb: {  	[hbm4b:s18+s7] =	stream.strided.scatter [tilespmem:s10], [sflag:$0x3], $0x3400, s8, s7, $0x38;
	[tilespmem:$0x7500] =	vst v63  }
0xbc: {  	v1 =	vld [tilespmem:s16+$0x340]  }
0xbd: {  	s17 =	simm.s32 $0x40  }
.LBB2_12:
0xbe: {  	p0 =	sne.s32 s17, $0xCC0  }
.Ltmp5:
0xbf: {  	_ = 	snop;
	(pc) =	sbr.rel @p0 .LBB2_12-.Ltmp5, $4  }
0xc0: {  	_ = 	snop  }
0xc1: {  	s18 =	sshra.s32 s17, $0x2;
	s17 =	sadd.s32 $0x40, s17;
	v2 =	vshll.u32 v1, $0x2  }
0xc2: {  	v1 =	vld [tilespmem:s18+$0x340];
	v2 =	vadd.s32 $0x65900, v2  }
0xc3: {  	[tilespmem:s16+$0x680] =	vst v2;
	s16 =	smov.u32 s18  }
0xc4: {  	_ =	sdelay $0x2  }
0xc5: {  	v1 =	vshll.u32 v1, $0x2  }
0xc6: {  	v1 =	vadd.s32 $0x65900, v1  }
0xc7: {  	[tilespmem:s16+$0x680] =	vst v1  }
0xc8: {  	_ =	swait.ge [sflag:s11], $0x3400  }
0xc9: {  	[sflag:s11] =	ssyncset.done $0x0  }
0xca: {  	[sflag:s11] =	ssyncadd.s32 $0xFFFFCC00  }
0xcb: {  	[tilespmem:s4], [sflag:$0x1] =	stream.indirect.gather [hbm4b:s3+s1], $0x20, s0, s1, $0xb8;
	[tilespmem:$0x7500] =	vst v63  }
0xcc: {  	_ =	swait.ge [sflag:s6], $0x3400  }
0xcd: {  	[sflag:s6] =	ssyncset.done $0x0  }
0xce: {  	s17 =	rddreg [dreg:$0xc];
	[sflag:s6] =	ssyncadd.s32 $0xFFFFCC00  }
0xcf: {  	[hbm4b:s17+s7] =	stream.strided.scatter [tilespmem:s4], [sflag:$0x2], $0x3400, s8, s7, $0x38;
	[tilespmem:$0x7500] =	vst v63  }
0xd0: {  	_ =	swait.ge [sflag:s13], $0x3400  }
0xd1: {  	[sflag:s13] =	ssyncset.done $0x0  }
0xd2: {  	[sflag:s13] =	ssyncadd.s32 $0xFFFFCC00  }
0xd3: {  	[tilespmem:s10], [sflag:$0x1] =	stream.indirect.gather [hbm4b:s3+s1], $0x20, s9, s1, $0xb8;
	[tilespmem:$0x7500] =	vst v63  }
0xd4: {  	_ =	swait.ge [sflag:s6], $0x3400  }
0xd5: {  	[sflag:s6] =	ssyncset.done $0x0  }
0xd6: {  	s16 =	simm.s32 $0x0;
	s18 =	rddreg [dreg:$0xd];
	[sflag:s6] =	ssyncadd.s32 $0xFFFFCC00  }
0xd7: {  	[hbm4b:s18+s7] =	stream.strided.scatter [tilespmem:s10], [sflag:$0x3], $0x3400, s8, s7, $0x38;
	[tilespmem:$0x7500] =	vst v63  }
0xd8: {  	v1 =	vld [tilespmem:s16+$0x340]  }
0xd9: {  	s17 =	simm.s32 $0x40  }
.LBB2_14:
0xda: {  	p0 =	sne.s32 s17, $0xCC0  }
.Ltmp6:
0xdb: {  	_ = 	snop;
	(pc) =	sbr.rel @p0 .LBB2_14-.Ltmp6, $4  }
0xdc: {  	_ = 	snop  }
0xdd: {  	s18 =	sshra.s32 s17, $0x2;
	s17 =	sadd.s32 $0x40, s17;
	v2 =	vshll.u32 v1, $0x2  }
0xde: {  	v1 =	vld [tilespmem:s18+$0x340];
	v2 =	vadd.s32 $0x7EF40, v2  }
0xdf: {  	[tilespmem:s16+$0x9C0] =	vst v2;
	s16 =	smov.u32 s18  }
0xe0: {  	_ =	sdelay $0x2  }
0xe1: {  	v1 =	vshll.u32 v1, $0x2  }
0xe2: {  	v1 =	vadd.s32 $0x7EF40, v1  }
0xe3: {  	[tilespmem:s16+$0x9C0] =	vst v1  }
0xe4: {  	_ =	swait.ge [sflag:s11], $0x3400  }
0xe5: {  	[sflag:s11] =	ssyncset.done $0x0  }
0xe6: {  	[sflag:s11] =	ssyncadd.s32 $0xFFFFCC00  }
0xe7: {  	[tilespmem:s4], [sflag:$0x1] =	stream.indirect.gather [hbm4b:s3+s1], $0x20, s12, s1, $0xb8;
	[tilespmem:$0x7500] =	vst v63  }
0xe8: {  	_ =	swait.ge [sflag:s6], $0x3400  }
0xe9: {  	[sflag:s6] =	ssyncset.done $0x0  }
0xea: {  	s17 =	rddreg [dreg:$0xe];
	[sflag:s6] =	ssyncadd.s32 $0xFFFFCC00  }
0xeb: {  	[hbm4b:s17+s7] =	stream.strided.scatter [tilespmem:s4], [sflag:$0x2], $0x3400, s8, s7, $0x38;
	[tilespmem:$0x7500] =	vst v63  }
0xec: {  	_ =	swait.ge [sflag:s13], $0x3400  }
0xed: {  	[sflag:s13] =	ssyncset.done $0x0  }
0xee: {  	[sflag:s13] =	ssyncadd.s32 $0xFFFFCC00  }
0xef: {  	[tilespmem:s10], [sflag:$0x1] =	stream.indirect.gather [hbm4b:s3+s1], $0x20, s14, s1, $0xb8;
	[tilespmem:$0x7500] =	vst v63  }
0xf0: {  	_ =	swait.ge [sflag:s6], $0x3400  }
0xf1: {  	[sflag:s6] =	ssyncset.done $0x0  }
0xf2: {  	s16 =	simm.s32 $0x0;
	s18 =	rddreg [dreg:$0xf];
	[sflag:s6] =	ssyncadd.s32 $0xFFFFCC00  }
0xf3: {  	[hbm4b:s18+s7] =	stream.strided.scatter [tilespmem:s10], [sflag:$0x3], $0x3400, s8, s7, $0x38;
	[tilespmem:$0x7500] =	vst v63  }
0xf4: {  	v1 =	vld [tilespmem:s16+$0x340]  }
0xf5: {  	s17 =	simm.s32 $0x40  }
.LBB2_16:
0xf6: {  	p0 =	sne.s32 s17, $0xCC0  }
.Ltmp7:
0xf7: {  	_ = 	snop;
	(pc) =	sbr.rel @p0 .LBB2_16-.Ltmp7, $4  }
0xf8: {  	_ = 	snop  }
0xf9: {  	s18 =	sshra.s32 s17, $0x2;
	s17 =	sadd.s32 $0x40, s17;
	v2 =	vshll.u32 v1, $0x2  }
0xfa: {  	v1 =	vld [tilespmem:s18+$0x340];
	v2 =	vadd.s32 $0x98580, v2  }
0xfb: {  	[tilespmem:s16+$0x680] =	vst v2;
	s16 =	smov.u32 s18  }
0xfc: {  	_ =	sdelay $0x2  }
0xfd: {  	v1 =	vshll.u32 v1, $0x2  }
0xfe: {  	v1 =	vadd.s32 $0x98580, v1  }
0xff: {  	[tilespmem:s16+$0x680] =	vst v1  }
0x100: {  	_ =	swait.ge [sflag:s11], $0x3400  }
0x101: {  	[sflag:s11] =	ssyncset.done $0x0  }
0x102: {  	[sflag:s11] =	ssyncadd.s32 $0xFFFFCC00  }
0x103: {  	[tilespmem:s4], [sflag:$0x1] =	stream.indirect.gather [hbm4b:s3+s1], $0x20, s0, s1, $0xb8;
	[tilespmem:$0x7500] =	vst v63  }
0x104: {  	_ =	swait.ge [sflag:s6], $0x3400  }
0x105: {  	[sflag:s6] =	ssyncset.done $0x0  }
0x106: {  	s17 =	rddreg [dreg:$0x10];
	[sflag:s6] =	ssyncadd.s32 $0xFFFFCC00  }
0x107: {  	[hbm4b:s17+s7] =	stream.strided.scatter [tilespmem:s4], [sflag:$0x2], $0x3400, s8, s7, $0x38;
	[tilespmem:$0x7500] =	vst v63  }
0x108: {  	_ =	swait.ge [sflag:s13], $0x3400  }
0x109: {  	[sflag:s13] =	ssyncset.done $0x0  }
0x10a: {  	[sflag:s13] =	ssyncadd.s32 $0xFFFFCC00  }
0x10b: {  	[tilespmem:s10], [sflag:$0x1] =	stream.indirect.gather [hbm4b:s3+s1], $0x20, s9, s1, $0xb8;
	[tilespmem:$0x7500] =	vst v63  }
0x10c: {  	_ =	swait.ge [sflag:s6], $0x3400  }
0x10d: {  	[sflag:s6] =	ssyncset.done $0x0  }
0x10e: {  	s16 =	simm.s32 $0x0;
	s18 =	rddreg [dreg:$0x11];
	[sflag:s6] =	ssyncadd.s32 $0xFFFFCC00  }
0x10f: {  	[hbm4b:s18+s7] =	stream.strided.scatter [tilespmem:s10], [sflag:$0x3], $0x3400, s8, s7, $0x38;
	[tilespmem:$0x7500] =	vst v63  }
0x110: {  	v1 =	vld [tilespmem:s16+$0x340]  }
0x111: {  	s17 =	simm.s32 $0x40  }
.LBB2_18:
0x112: {  	p0 =	sne.s32 s17, $0xCC0  }
.Ltmp8:
0x113: {  	_ = 	snop;
	(pc) =	sbr.rel @p0 .LBB2_18-.Ltmp8, $4  }
0x114: {  	_ = 	snop  }
0x115: {  	s18 =	sshra.s32 s17, $0x2;
	s17 =	sadd.s32 $0x40, s17;
	v2 =	vshll.u32 v1, $0x2  }
0x116: {  	v1 =	vld [tilespmem:s18+$0x340];
	v2 =	vadd.s32 $0xB1BC0, v2  }
0x117: {  	[tilespmem:s16+$0x9C0] =	vst v2;
	s16 =	smov.u32 s18  }
0x118: {  	_ =	sdelay $0x2  }
0x119: {  	v1 =	vshll.u32 v1, $0x2  }
0x11a: {  	v1 =	vadd.s32 $0xB1BC0, v1  }
0x11b: {  	[tilespmem:s16+$0x9C0] =	vst v1  }
0x11c: {  	_ =	swait.ge [sflag:s11], $0x3400  }
0x11d: {  	[sflag:s11] =	ssyncset.done $0x0  }
0x11e: {  	[sflag:s11] =	ssyncadd.s32 $0xFFFFCC00  }
0x11f: {  	[tilespmem:s4], [sflag:$0x1] =	stream.indirect.gather [hbm4b:s3+s1], $0x20, s12, s1, $0xb8;
	[tilespmem:$0x7500] =	vst v63  }
0x120: {  	_ =	swait.ge [sflag:s6], $0x3400  }
0x121: {  	[sflag:s6] =	ssyncset.done $0x0  }
0x122: {  	s17 =	rddreg [dreg:$0x12];
	[sflag:s6] =	ssyncadd.s32 $0xFFFFCC00  }
0x123: {  	[hbm4b:s17+s7] =	stream.strided.scatter [tilespmem:s4], [sflag:$0x2], $0x3400, s8, s7, $0x38;
	[tilespmem:$0x7500] =	vst v63  }
0x124: {  	_ =	swait.ge [sflag:s13], $0x3400  }
0x125: {  	[sflag:s13] =	ssyncset.done $0x0  }
0x126: {  	[sflag:s13] =	ssyncadd.s32 $0xFFFFCC00  }
0x127: {  	[tilespmem:s10], [sflag:$0x1] =	stream.indirect.gather [hbm4b:s3+s1], $0x20, s14, s1, $0xb8;
	[tilespmem:$0x7500] =	vst v63  }
0x128: {  	_ =	swait.ge [sflag:s6], $0x3400  }
0x129: {  	[sflag:s6] =	ssyncset.done $0x0  }
0x12a: {  	s16 =	simm.s32 $0x0;
	s18 =	rddreg [dreg:$0x13];
	[sflag:s6] =	ssyncadd.s32 $0xFFFFCC00  }
0x12b: {  	[hbm4b:s18+s7] =	stream.strided.scatter [tilespmem:s10], [sflag:$0x3], $0x3400, s8, s7, $0x38;
	[tilespmem:$0x7500] =	vst v63  }
0x12c: {  	v1 =	vld [tilespmem:s16+$0x340]  }
0x12d: {  	s17 =	simm.s32 $0x40  }
.LBB2_20:
0x12e: {  	p0 =	sne.s32 s17, $0xCC0  }
.Ltmp9:
0x12f: {  	_ = 	snop;
	(pc) =	sbr.rel @p0 .LBB2_20-.Ltmp9, $4  }
0x130: {  	_ = 	snop  }
0x131: {  	s18 =	sshra.s32 s17, $0x2;
	s17 =	sadd.s32 $0x40, s17;
	v2 =	vshll.u32 v1, $0x2  }
0x132: {  	v1 =	vld [tilespmem:s18+$0x340];
	v2 =	vadd.s32 $0xCB200, v2  }
0x133: {  	[tilespmem:s16+$0x680] =	vst v2;
	s16 =	smov.u32 s18  }
0x134: {  	_ =	sdelay $0x2  }
0x135: {  	v1 =	vshll.u32 v1, $0x2  }
0x136: {  	v1 =	vadd.s32 $0xCB200, v1  }
0x137: {  	[tilespmem:s16+$0x680] =	vst v1  }
0x138: {  	_ =	swait.ge [sflag:s11], $0x3400  }
0x139: {  	[sflag:s11] =	ssyncset.done $0x0  }
0x13a: {  	[sflag:s11] =	ssyncadd.s32 $0xFFFFCC00  }
0x13b: {  	[tilespmem:s4], [sflag:$0x1] =	stream.indirect.gather [hbm4b:s3+s1], $0x20, s0, s1, $0xb8;
	[tilespmem:$0x7500] =	vst v63  }
0x13c: {  	_ =	swait.ge [sflag:s6], $0x3400  }
0x13d: {  	[sflag:s6] =	ssyncset.done $0x0  }
0x13e: {  	s17 =	rddreg [dreg:$0x14];
	[sflag:s6] =	ssyncadd.s32 $0xFFFFCC00  }
0x13f: {  	[hbm4b:s17+s7] =	stream.strided.scatter [tilespmem:s4], [sflag:$0x2], $0x3400, s8, s7, $0x38;
	[tilespmem:$0x7500] =	vst v63  }
0x140: {  	_ =	swait.ge [sflag:s13], $0x3400  }
0x141: {  	[sflag:s13] =	ssyncset.done $0x0  }
0x142: {  	[sflag:s13] =	ssyncadd.s32 $0xFFFFCC00  }
0x143: {  	[tilespmem:s10], [sflag:$0x1] =	stream.indirect.gather [hbm4b:s3+s1], $0x20, s9, s1, $0xb8;
	[tilespmem:$0x7500] =	vst v63  }
0x144: {  	_ =	swait.ge [sflag:s6], $0x3400  }
0x145: {  	[sflag:s6] =	ssyncset.done $0x0  }
0x146: {  	s16 =	simm.s32 $0x0;
	s18 =	rddreg [dreg:$0x15];
	[sflag:s6] =	ssyncadd.s32 $0xFFFFCC00  }
0x147: {  	[hbm4b:s18+s7] =	stream.strided.scatter [tilespmem:s10], [sflag:$0x3], $0x3400, s8, s7, $0x38;
	[tilespmem:$0x7500] =	vst v63  }
0x148: {  	v1 =	vld [tilespmem:s16+$0x340]  }
0x149: {  	s17 =	simm.s32 $0x40  }
.LBB2_22:
0x14a: {  	p0 =	sne.s32 s17, $0xCC0  }
.Ltmp10:
0x14b: {  	_ = 	snop;
	(pc) =	sbr.rel @p0 .LBB2_22-.Ltmp10, $4  }
0x14c: {  	_ = 	snop  }
0x14d: {  	s18 =	sshra.s32 s17, $0x2;
	s17 =	sadd.s32 $0x40, s17;
	v2 =	vshll.u32 v1, $0x2  }
0x14e: {  	v1 =	vld [tilespmem:s18+$0x340];
	v2 =	vadd.s32 $0xE4840, v2  }
0x14f: {  	[tilespmem:s16+$0x9C0] =	vst v2;
	s16 =	smov.u32 s18  }
0x150: {  	_ =	sdelay $0x2  }
0x151: {  	v1 =	vshll.u32 v1, $0x2  }
0x152: {  	v1 =	vadd.s32 $0xE4840, v1  }
0x153: {  	[tilespmem:s16+$0x9C0] =	vst v1  }
0x154: {  	_ =	swait.ge [sflag:s11], $0x3400  }
0x155: {  	[sflag:s11] =	ssyncset.done $0x0  }
0x156: {  	[sflag:s11] =	ssyncadd.s32 $0xFFFFCC00  }
0x157: {  	[tilespmem:s4], [sflag:$0x1] =	stream.indirect.gather [hbm4b:s3+s1], $0x20, s12, s1, $0xb8;
	[tilespmem:$0x7500] =	vst v63  }
0x158: {  	_ =	swait.ge [sflag:s6], $0x3400  }
0x159: {  	[sflag:s6] =	ssyncset.done $0x0  }
0x15a: {  	s17 =	rddreg [dreg:$0x16];
	[sflag:s6] =	ssyncadd.s32 $0xFFFFCC00  }
0x15b: {  	[hbm4b:s17+s7] =	stream.strided.scatter [tilespmem:s4], [sflag:$0x2], $0x3400, s8, s7, $0x38;
	[tilespmem:$0x7500] =	vst v63  }
0x15c: {  	_ =	swait.ge [sflag:s13], $0x3400  }
0x15d: {  	[sflag:s13] =	ssyncset.done $0x0  }
0x15e: {  	[sflag:s13] =	ssyncadd.s32 $0xFFFFCC00  }
0x15f: {  	[tilespmem:s10], [sflag:$0x1] =	stream.indirect.gather [hbm4b:s3+s1], $0x20, s14, s1, $0xb8;
	[tilespmem:$0x7500] =	vst v63  }
0x160: {  	_ =	swait.ge [sflag:s6], $0x3400  }
0x161: {  	[sflag:s6] =	ssyncset.done $0x0  }
0x162: {  	s16 =	simm.s32 $0x0;
	s18 =	rddreg [dreg:$0x17];
	[sflag:s6] =	ssyncadd.s32 $0xFFFFCC00  }
0x163: {  	[hbm4b:s18+s7] =	stream.strided.scatter [tilespmem:s10], [sflag:$0x3], $0x3400, s8, s7, $0x38;
	[tilespmem:$0x7500] =	vst v63  }
0x164: {  	v1 =	vld [tilespmem:s16+$0x340]  }
0x165: {  	s17 =	simm.s32 $0x40  }
.LBB2_24:
0x166: {  	p0 =	sne.s32 s17, $0xCC0  }
.Ltmp11:
0x167: {  	_ = 	snop;
	(pc) =	sbr.rel @p0 .LBB2_24-.Ltmp11, $4  }
0x168: {  	_ = 	snop  }
0x169: {  	s18 =	sshra.s32 s17, $0x2;
	s17 =	sadd.s32 $0x40, s17;
	v2 =	vshll.u32 v1, $0x2  }
0x16a: {  	v1 =	vld [tilespmem:s18+$0x340];
	v2 =	vadd.s32 $0xFDE80, v2  }
0x16b: {  	[tilespmem:s16+$0x680] =	vst v2;
	s16 =	smov.u32 s18  }
0x16c: {  	_ =	sdelay $0x2  }
0x16d: {  	v1 =	vshll.u32 v1, $0x2  }
0x16e: {  	v1 =	vadd.s32 $0xFDE80, v1  }
0x16f: {  	[tilespmem:s16+$0x680] =	vst v1  }
0x170: {  	_ =	swait.ge [sflag:s11], $0x3400  }
0x171: {  	[sflag:s11] =	ssyncset.done $0x0  }
0x172: {  	[sflag:s11] =	ssyncadd.s32 $0xFFFFCC00  }
0x173: {  	[tilespmem:s4], [sflag:$0x1] =	stream.indirect.gather [hbm4b:s3+s1], $0x20, s0, s1, $0xb8;
	[tilespmem:$0x7500] =	vst v63  }
0x174: {  	_ =	swait.ge [sflag:s6], $0x3400  }
0x175: {  	[sflag:s6] =	ssyncset.done $0x0  }
0x176: {  	s17 =	rddreg [dreg:$0x19];
	[sflag:s6] =	ssyncadd.s32 $0xFFFFCC00  }
0x177: {  	[hbm4b:s17+s7] =	stream.strided.scatter [tilespmem:s4], [sflag:$0x2], $0x3400, s8, s7, $0x38;
	[tilespmem:$0x7500] =	vst v63  }
0x178: {  	_ =	swait.ge [sflag:s13], $0x3400  }
0x179: {  	[sflag:s13] =	ssyncset.done $0x0  }
0x17a: {  	[sflag:s13] =	ssyncadd.s32 $0xFFFFCC00  }
0x17b: {  	[tilespmem:s10], [sflag:$0x1] =	stream.indirect.gather [hbm4b:s3+s1], $0x20, s9, s1, $0xb8;
	[tilespmem:$0x7500] =	vst v63  }
0x17c: {  	_ =	swait.ge [sflag:s6], $0x3400  }
0x17d: {  	[sflag:s6] =	ssyncset.done $0x0  }
0x17e: {  	s16 =	simm.s32 $0x0;
	s18 =	rddreg [dreg:$0x1a];
	[sflag:s6] =	ssyncadd.s32 $0xFFFFCC00  }
0x17f: {  	[hbm4b:s18+s7] =	stream.strided.scatter [tilespmem:s10], [sflag:$0x3], $0x3400, s8, s7, $0x38;
	[tilespmem:$0x7500] =	vst v63  }
0x180: {  	v1 =	vld [tilespmem:s16+$0x340]  }
0x181: {  	s17 =	simm.s32 $0x40  }
.LBB2_26:
0x182: {  	p0 =	sne.s32 s17, $0xCC0  }
.Ltmp12:
0x183: {  	_ = 	snop;
	(pc) =	sbr.rel @p0 .LBB2_26-.Ltmp12, $4  }
0x184: {  	_ = 	snop  }
0x185: {  	s18 =	sshra.s32 s17, $0x2;
	s17 =	sadd.s32 $0x40, s17;
	v2 =	vshll.u32 v1, $0x2  }
0x186: {  	v1 =	vld [tilespmem:s18+$0x340];
	v2 =	vadd.s32 $0x1174C0, v2  }
0x187: {  	[tilespmem:s16+$0x9C0] =	vst v2;
	s16 =	smov.u32 s18  }
0x188: {  	_ =	sdelay $0x2  }
0x189: {  	v1 =	vshll.u32 v1, $0x2  }
0x18a: {  	v1 =	vadd.s32 $0x1174C0, v1  }
0x18b: {  	[tilespmem:s16+$0x9C0] =	vst v1  }
0x18c: {  	_ =	swait.ge [sflag:s11], $0x3400  }
0x18d: {  	[sflag:s11] =	ssyncset.done $0x0  }
0x18e: {  	[sflag:s11] =	ssyncadd.s32 $0xFFFFCC00  }
0x18f: {  	[tilespmem:s4], [sflag:$0x1] =	stream.indirect.gather [hbm4b:s3+s1], $0x20, s12, s1, $0xb8;
	[tilespmem:$0x7500] =	vst v63  }
0x190: {  	_ =	swait.ge [sflag:s6], $0x3400  }
0x191: {  	[sflag:s6] =	ssyncset.done $0x0  }
0x192: {  	s17 =	rddreg [dreg:$0x1b];
	[sflag:s6] =	ssyncadd.s32 $0xFFFFCC00  }
0x193: {  	[hbm4b:s17+s7] =	stream.strided.scatter [tilespmem:s4], [sflag:$0x2], $0x3400, s8, s7, $0x38;
	[tilespmem:$0x7500] =	vst v63  }
0x194: {  	_ =	swait.ge [sflag:s13], $0x3400  }
0x195: {  	[sflag:s13] =	ssyncset.done $0x0  }
0x196: {  	[sflag:s13] =	ssyncadd.s32 $0xFFFFCC00  }
0x197: {  	[tilespmem:s10], [sflag:$0x1] =	stream.indirect.gather [hbm4b:s3+s1], $0x20, s14, s1, $0xb8;
	[tilespmem:$0x7500] =	vst v63  }
0x198: {  	_ =	swait.ge [sflag:s6], $0x3400  }
0x199: {  	[sflag:s6] =	ssyncset.done $0x0  }
0x19a: {  	s16 =	simm.s32 $0x0;
	s18 =	rddreg [dreg:$0x1c];
	[sflag:s6] =	ssyncadd.s32 $0xFFFFCC00  }
0x19b: {  	[hbm4b:s18+s7] =	stream.strided.scatter [tilespmem:s10], [sflag:$0x3], $0x3400, s8, s7, $0x38;
	[tilespmem:$0x7500] =	vst v63  }
0x19c: {  	v1 =	vld [tilespmem:s16+$0x340]  }
0x19d: {  	s17 =	simm.s32 $0x40  }
.LBB2_28:
0x19e: {  	p0 =	sne.s32 s17, $0xCC0  }
.Ltmp13:
0x19f: {  	_ = 	snop;
	(pc) =	sbr.rel @p0 .LBB2_28-.Ltmp13, $4  }
0x1a0: {  	_ = 	snop  }
0x1a1: {  	s18 =	sshra.s32 s17, $0x2;
	s17 =	sadd.s32 $0x40, s17;
	v2 =	vshll.u32 v1, $0x2  }
0x1a2: {  	v1 =	vld [tilespmem:s18+$0x340];
	v2 =	vadd.s32 $0x130B00, v2  }
0x1a3: {  	[tilespmem:s16+$0x680] =	vst v2;
	s16 =	smov.u32 s18  }
0x1a4: {  	_ =	sdelay $0x2  }
0x1a5: {  	v1 =	vshll.u32 v1, $0x2  }
0x1a6: {  	v1 =	vadd.s32 $0x130B00, v1  }
0x1a7: {  	[tilespmem:s16+$0x680] =	vst v1  }
0x1a8: {  	_ =	swait.ge [sflag:s11], $0x3400  }
0x1a9: {  	[sflag:s11] =	ssyncset.done $0x0  }
0x1aa: {  	[sflag:s11] =	ssyncadd.s32 $0xFFFFCC00  }
0x1ab: {  	[tilespmem:s4], [sflag:$0x1] =	stream.indirect.gather [hbm4b:s3+s1], $0x20, s0, s1, $0xb8;
	[tilespmem:$0x7500] =	vst v63  }
0x1ac: {  	_ =	swait.ge [sflag:s6], $0x3400  }
0x1ad: {  	[sflag:s6] =	ssyncset.done $0x0  }
0x1ae: {  	s17 =	rddreg [dreg:$0x1d];
	[sflag:s6] =	ssyncadd.s32 $0xFFFFCC00  }
0x1af: {  	[hbm4b:s17+s7] =	stream.strided.scatter [tilespmem:s4], [sflag:$0x2], $0x3400, s8, s7, $0x38;
	[tilespmem:$0x7500] =	vst v63  }
0x1b0: {  	_ =	swait.ge [sflag:s13], $0x3400  }
0x1b1: {  	[sflag:s13] =	ssyncset.done $0x0  }
0x1b2: {  	[sflag:s13] =	ssyncadd.s32 $0xFFFFCC00  }
0x1b3: {  	[tilespmem:s10], [sflag:$0x1] =	stream.indirect.gather [hbm4b:s3+s1], $0x20, s9, s1, $0xb8;
	[tilespmem:$0x7500] =	vst v63  }
0x1b4: {  	_ =	swait.ge [sflag:s6], $0x3400  }
0x1b5: {  	[sflag:s6] =	ssyncset.done $0x0  }
0x1b6: {  	s16 =	simm.s32 $0x0;
	s18 =	rddreg [dreg:$0x1e];
	[sflag:s6] =	ssyncadd.s32 $0xFFFFCC00  }
0x1b7: {  	[hbm4b:s18+s7] =	stream.strided.scatter [tilespmem:s10], [sflag:$0x3], $0x3400, s8, s7, $0x38;
	[tilespmem:$0x7500] =	vst v63  }
0x1b8: {  	v1 =	vld [tilespmem:s16+$0x340]  }
0x1b9: {  	s17 =	simm.s32 $0x40  }
.LBB2_30:
0x1ba: {  	p0 =	sne.s32 s17, $0xCC0  }
.Ltmp14:
0x1bb: {  	_ = 	snop;
	(pc) =	sbr.rel @p0 .LBB2_30-.Ltmp14, $4  }
0x1bc: {  	_ = 	snop  }
0x1bd: {  	s18 =	sshra.s32 s17, $0x2;
	s17 =	sadd.s32 $0x40, s17;
	v2 =	vshll.u32 v1, $0x2  }
0x1be: {  	v1 =	vld [tilespmem:s18+$0x340];
	v2 =	vadd.s32 $0x14A140, v2  }
0x1bf: {  	[tilespmem:s16+$0x9C0] =	vst v2;
	s16 =	smov.u32 s18  }
0x1c0: {  	_ =	sdelay $0x2  }
0x1c1: {  	v1 =	vshll.u32 v1, $0x2  }
0x1c2: {  	v1 =	vadd.s32 $0x14A140, v1  }
0x1c3: {  	[tilespmem:s16+$0x9C0] =	vst v1  }
0x1c4: {  	_ =	swait.ge [sflag:s11], $0x3400  }
0x1c5: {  	[sflag:s11] =	ssyncset.done $0x0  }
0x1c6: {  	[sflag:s11] =	ssyncadd.s32 $0xFFFFCC00  }
0x1c7: {  	[tilespmem:s4], [sflag:$0x1] =	stream.indirect.gather [hbm4b:s3+s1], $0x20, s12, s1, $0xb8;
	[tilespmem:$0x7500] =	vst v63  }
0x1c8: {  	_ =	swait.ge [sflag:s6], $0x3400  }
0x1c9: {  	[sflag:s6] =	ssyncset.done $0x0  }
0x1ca: {  	s17 =	rddreg [dreg:$0x1f];
	[sflag:s6] =	ssyncadd.s32 $0xFFFFCC00  }
0x1cb: {  	[hbm4b:s17+s7] =	stream.strided.scatter [tilespmem:s4], [sflag:$0x2], $0x3400, s8, s7, $0x38;
	[tilespmem:$0x7500] =	vst v63  }
0x1cc: {  	_ =	swait.ge [sflag:s13], $0x3400  }
0x1cd: {  	[sflag:s13] =	ssyncset.done $0x0  }
0x1ce: {  	[sflag:s13] =	ssyncadd.s32 $0xFFFFCC00  }
0x1cf: {  	[tilespmem:s10], [sflag:$0x1] =	stream.indirect.gather [hbm4b:s3+s1], $0x20, s14, s1, $0xb8;
	[tilespmem:$0x7500] =	vst v63  }
0x1d0: {  	_ =	swait.ge [sflag:s6], $0x3400  }
0x1d1: {  	s18 =	sld [smem:$0x7F0]  }
0x1d2: {  	[sflag:s6] =	ssyncset.done $0x0  }
0x1d3: {  	s16 =	simm.s32 $0x0;
	[sflag:s6] =	ssyncadd.s32 $0xFFFFCC00  }
0x1d4: {  	[hbm4b:s18+s7] =	stream.strided.scatter [tilespmem:s10], [sflag:$0x3], $0x3400, s8, s7, $0x38;
	[tilespmem:$0x7500] =	vst v63  }
0x1d5: {  	v1 =	vld [tilespmem:s16+$0x340]  }
0x1d6: {  	s17 =	simm.s32 $0x40  }
.LBB2_32:
0x1d7: {  	p0 =	sne.s32 s17, $0xCC0  }
.Ltmp15:
0x1d8: {  	_ = 	snop;
	(pc) =	sbr.rel @p0 .LBB2_32-.Ltmp15, $4  }
0x1d9: {  	_ = 	snop  }
0x1da: {  	s18 =	sshra.s32 s17, $0x2;
	s17 =	sadd.s32 $0x40, s17;
	v2 =	vshll.u32 v1, $0x2  }
0x1db: {  	v1 =	vld [tilespmem:s18+$0x340];
	v2 =	vadd.s32 $0x163780, v2  }
0x1dc: {  	[tilespmem:s16+$0x680] =	vst v2;
	s16 =	smov.u32 s18  }
0x1dd: {  	_ =	sdelay $0x2  }
0x1de: {  	v1 =	vshll.u32 v1, $0x2  }
0x1df: {  	v1 =	vadd.s32 $0x163780, v1  }
0x1e0: {  	[tilespmem:s16+$0x680] =	vst v1  }
0x1e1: {  	_ =	swait.ge [sflag:s11], $0x3400  }
0x1e2: {  	[sflag:s11] =	ssyncset.done $0x0  }
0x1e3: {  	[sflag:s11] =	ssyncadd.s32 $0xFFFFCC00  }
0x1e4: {  	[tilespmem:s4], [sflag:$0x1] =	stream.indirect.gather [hbm4b:s3+s1], $0x20, s0, s1, $0xb8;
	[tilespmem:$0x7500] =	vst v63  }
0x1e5: {  	_ =	swait.ge [sflag:s6], $0x3400  }
0x1e6: {  	s17 =	sld [smem:$0x7F1]  }
0x1e7: {  	[sflag:s6] =	ssyncset.done $0x0  }
0x1e8: {  	[sflag:s6] =	ssyncadd.s32 $0xFFFFCC00  }
0x1e9: {  	[hbm4b:s17+s7] =	stream.strided.scatter [tilespmem:s4], [sflag:$0x2], $0x3400, s8, s7, $0x38;
	[tilespmem:$0x7500] =	vst v63  }
0x1ea: {  	_ =	swait.ge [sflag:s13], $0x3400  }
0x1eb: {  	[sflag:s13] =	ssyncset.done $0x0  }
0x1ec: {  	[sflag:s13] =	ssyncadd.s32 $0xFFFFCC00  }
0x1ed: {  	[tilespmem:s10], [sflag:$0x1] =	stream.indirect.gather [hbm4b:s3+s1], $0x20, s9, s1, $0xb8;
	[tilespmem:$0x7500] =	vst v63  }
0x1ee: {  	_ =	swait.ge [sflag:s6], $0x3400  }
0x1ef: {  	s18 =	sld [smem:$0x7F2]  }
0x1f0: {  	[sflag:s6] =	ssyncset.done $0x0  }
0x1f1: {  	s16 =	simm.s32 $0x0;
	[sflag:s6] =	ssyncadd.s32 $0xFFFFCC00  }
0x1f2: {  	[hbm4b:s18+s7] =	stream.strided.scatter [tilespmem:s10], [sflag:$0x3], $0x3400, s8, s7, $0x38;
	[tilespmem:$0x7500] =	vst v63  }
0x1f3: {  	v1 =	vld [tilespmem:s16+$0x340]  }
0x1f4: {  	s17 =	simm.s32 $0x40  }
.LBB2_34:
0x1f5: {  	p0 =	sne.s32 s17, $0xCC0  }
.Ltmp16:
0x1f6: {  	_ = 	snop;
	(pc) =	sbr.rel @p0 .LBB2_34-.Ltmp16, $4  }
0x1f7: {  	_ = 	snop  }
0x1f8: {  	s18 =	sshra.s32 s17, $0x2;
	s17 =	sadd.s32 $0x40, s17;
	v2 =	vshll.u32 v1, $0x2  }
0x1f9: {  	v1 =	vld [tilespmem:s18+$0x340];
	v2 =	vadd.s32 $0x17CDC0, v2  }
0x1fa: {  	[tilespmem:s16+$0x9C0] =	vst v2;
	s16 =	smov.u32 s18  }
0x1fb: {  	_ =	sdelay $0x2  }
0x1fc: {  	v1 =	vshll.u32 v1, $0x2  }
0x1fd: {  	v1 =	vadd.s32 $0x17CDC0, v1  }
0x1fe: {  	[tilespmem:s16+$0x9C0] =	vst v1  }
0x1ff: {  	_ =	swait.ge [sflag:s11], $0x3400  }
0x200: {  	[sflag:s11] =	ssyncset.done $0x0  }
0x201: {  	[sflag:s11] =	ssyncadd.s32 $0xFFFFCC00  }
0x202: {  	[tilespmem:s4], [sflag:$0x1] =	stream.indirect.gather [hbm4b:s3+s1], $0x20, s12, s1, $0xb8;
	[tilespmem:$0x7500] =	vst v63  }
0x203: {  	_ =	swait.ge [sflag:s6], $0x3400  }
0x204: {  	s17 =	sld [smem:$0x7F3]  }
0x205: {  	[sflag:s6] =	ssyncset.done $0x0  }
0x206: {  	[sflag:s6] =	ssyncadd.s32 $0xFFFFCC00  }
0x207: {  	[hbm4b:s17+s7] =	stream.strided.scatter [tilespmem:s4], [sflag:$0x2], $0x3400, s8, s7, $0x38;
	[tilespmem:$0x7500] =	vst v63  }
0x208: {  	_ =	swait.ge [sflag:s13], $0x3400  }
0x209: {  	[sflag:s13] =	ssyncset.done $0x0  }
0x20a: {  	[sflag:s13] =	ssyncadd.s32 $0xFFFFCC00  }
0x20b: {  	[tilespmem:s10], [sflag:$0x1] =	stream.indirect.gather [hbm4b:s3+s1], $0x20, s14, s1, $0xb8;
	[tilespmem:$0x7500] =	vst v63  }
0x20c: {  	_ =	swait.ge [sflag:s6], $0x3400  }
0x20d: {  	s18 =	sld [smem:$0x7F4]  }
0x20e: {  	[sflag:s6] =	ssyncset.done $0x0  }
0x20f: {  	s16 =	simm.s32 $0x0;
	[sflag:s6] =	ssyncadd.s32 $0xFFFFCC00  }
0x210: {  	[hbm4b:s18+s7] =	stream.strided.scatter [tilespmem:s10], [sflag:$0x3], $0x3400, s8, s7, $0x38;
	[tilespmem:$0x7500] =	vst v63  }
0x211: {  	v1 =	vld [tilespmem:s16+$0x340]  }
0x212: {  	s17 =	simm.s32 $0x40  }
.LBB2_36:
0x213: {  	p0 =	sne.s32 s17, $0xCC0  }
.Ltmp17:
0x214: {  	_ = 	snop;
	(pc) =	sbr.rel @p0 .LBB2_36-.Ltmp17, $4  }
0x215: {  	_ = 	snop  }
0x216: {  	s18 =	sshra.s32 s17, $0x2;
	s17 =	sadd.s32 $0x40, s17;
	v2 =	vshll.u32 v1, $0x2  }
0x217: {  	v1 =	vld [tilespmem:s18+$0x340];
	v2 =	vadd.s32 $0x196400, v2  }
0x218: {  	[tilespmem:s16+$0x680] =	vst v2;
	s16 =	smov.u32 s18  }
0x219: {  	_ =	sdelay $0x2  }
0x21a: {  	v1 =	vshll.u32 v1, $0x2  }
0x21b: {  	v1 =	vadd.s32 $0x196400, v1  }
0x21c: {  	[tilespmem:s16+$0x680] =	vst v1  }
0x21d: {  	_ =	swait.ge [sflag:s11], $0x3400  }
0x21e: {  	[sflag:s11] =	ssyncset.done $0x0  }
0x21f: {  	[sflag:s11] =	ssyncadd.s32 $0xFFFFCC00  }
0x220: {  	[tilespmem:s4], [sflag:$0x1] =	stream.indirect.gather [hbm4b:s3+s1], $0x20, s0, s1, $0xb8;
	[tilespmem:$0x7500] =	vst v63  }
0x221: {  	_ =	swait.ge [sflag:s6], $0x3400  }
0x222: {  	s17 =	sld [smem:$0x7F5]  }
0x223: {  	[sflag:s6] =	ssyncset.done $0x0  }
0x224: {  	[sflag:s6] =	ssyncadd.s32 $0xFFFFCC00  }
0x225: {  	[hbm4b:s17+s7] =	stream.strided.scatter [tilespmem:s4], [sflag:$0x2], $0x3400, s8, s7, $0x38;
	[tilespmem:$0x7500] =	vst v63  }
0x226: {  	_ =	swait.ge [sflag:s13], $0x3400  }
0x227: {  	[sflag:s13] =	ssyncset.done $0x0  }
0x228: {  	[sflag:s13] =	ssyncadd.s32 $0xFFFFCC00  }
0x229: {  	[tilespmem:s10], [sflag:$0x1] =	stream.indirect.gather [hbm4b:s3+s1], $0x20, s9, s1, $0xb8;
	[tilespmem:$0x7500] =	vst v63  }
0x22a: {  	_ =	swait.ge [sflag:s6], $0x3400  }
0x22b: {  	s18 =	sld [smem:$0x7F6]  }
0x22c: {  	[sflag:s6] =	ssyncset.done $0x0  }
0x22d: {  	s16 =	simm.s32 $0x0;
	[sflag:s6] =	ssyncadd.s32 $0xFFFFCC00  }
0x22e: {  	[hbm4b:s18+s7] =	stream.strided.scatter [tilespmem:s10], [sflag:$0x3], $0x3400, s8, s7, $0x38;
	[tilespmem:$0x7500] =	vst v63  }
0x22f: {  	v1 =	vld [tilespmem:s16+$0x340]  }
0x230: {  	s17 =	simm.s32 $0x40  }
.LBB2_38:
0x231: {  	p0 =	sne.s32 s17, $0xCC0  }
.Ltmp18:
0x232: {  	_ = 	snop;
	(pc) =	sbr.rel @p0 .LBB2_38-.Ltmp18, $4  }
0x233: {  	_ = 	snop  }
0x234: {  	s18 =	sshra.s32 s17, $0x2;
	s17 =	sadd.s32 $0x40, s17;
	v2 =	vshll.u32 v1, $0x2  }
0x235: {  	v1 =	vld [tilespmem:s18+$0x340];
	v2 =	vadd.s32 $0x1AFA40, v2  }
0x236: {  	[tilespmem:s16+$0x9C0] =	vst v2;
	s16 =	smov.u32 s18  }
0x237: {  	_ =	sdelay $0x2  }
0x238: {  	v1 =	vshll.u32 v1, $0x2  }
0x239: {  	v1 =	vadd.s32 $0x1AFA40, v1  }
0x23a: {  	[tilespmem:s16+$0x9C0] =	vst v1  }
0x23b: {  	_ =	swait.ge [sflag:s11], $0x3400  }
0x23c: {  	[sflag:s11] =	ssyncset.done $0x0  }
0x23d: {  	[sflag:s11] =	ssyncadd.s32 $0xFFFFCC00  }
0x23e: {  	[tilespmem:s4], [sflag:$0x1] =	stream.indirect.gather [hbm4b:s3+s1], $0x20, s12, s1, $0xb8;
	[tilespmem:$0x7500] =	vst v63  }
0x23f: {  	_ =	swait.ge [sflag:s6], $0x3400  }
0x240: {  	s17 =	sld [smem:$0x7F7]  }
0x241: {  	[sflag:s6] =	ssyncset.done $0x0  }
0x242: {  	[sflag:s6] =	ssyncadd.s32 $0xFFFFCC00  }
0x243: {  	[hbm4b:s17+s7] =	stream.strided.scatter [tilespmem:s4], [sflag:$0x2], $0x3400, s8, s7, $0x38;
	[tilespmem:$0x7500] =	vst v63  }
0x244: {  	_ =	swait.ge [sflag:s13], $0x3400  }
0x245: {  	[sflag:s13] =	ssyncset.done $0x0  }
0x246: {  	[sflag:s13] =	ssyncadd.s32 $0xFFFFCC00  }
0x247: {  	[tilespmem:s10], [sflag:$0x1] =	stream.indirect.gather [hbm4b:s3+s1], $0x20, s14, s1, $0xb8;
	[tilespmem:$0x7500] =	vst v63  }
0x248: {  	_ =	swait.ge [sflag:s6], $0x3400  }
0x249: {  	s18 =	sld [smem:$0x7F8]  }
0x24a: {  	[sflag:s6] =	ssyncset.done $0x0  }
0x24b: {  	s16 =	simm.s32 $0x0;
	[sflag:s6] =	ssyncadd.s32 $0xFFFFCC00  }
0x24c: {  	[hbm4b:s18+s7] =	stream.strided.scatter [tilespmem:s10], [sflag:$0x3], $0x3400, s8, s7, $0x38;
	[tilespmem:$0x7500] =	vst v63  }
0x24d: {  	v1 =	vld [tilespmem:s16+$0x340]  }
0x24e: {  	s17 =	simm.s32 $0x40  }
.LBB2_40:
0x24f: {  	p0 =	sne.s32 s17, $0xCC0  }
.Ltmp19:
0x250: {  	_ = 	snop;
	(pc) =	sbr.rel @p0 .LBB2_40-.Ltmp19, $4  }
0x251: {  	_ = 	snop  }
0x252: {  	s18 =	sshra.s32 s17, $0x2;
	s17 =	sadd.s32 $0x40, s17;
	v2 =	vshll.u32 v1, $0x2  }
0x253: {  	v1 =	vld [tilespmem:s18+$0x340];
	v2 =	vadd.s32 $0x1C9080, v2  }
0x254: {  	[tilespmem:s16+$0x680] =	vst v2;
	s16 =	smov.u32 s18  }
0x255: {  	_ =	sdelay $0x2  }
0x256: {  	v1 =	vshll.u32 v1, $0x2  }
0x257: {  	v1 =	vadd.s32 $0x1C9080, v1  }
0x258: {  	[tilespmem:s16+$0x680] =	vst v1  }
0x259: {  	_ =	swait.ge [sflag:s11], $0x3400  }
0x25a: {  	[sflag:s11] =	ssyncset.done $0x0  }
0x25b: {  	[sflag:s11] =	ssyncadd.s32 $0xFFFFCC00  }
0x25c: {  	[tilespmem:s4], [sflag:$0x1] =	stream.indirect.gather [hbm4b:s3+s1], $0x20, s0, s1, $0xb8;
	[tilespmem:$0x7500] =	vst v63  }
0x25d: {  	_ =	swait.ge [sflag:s6], $0x3400  }
0x25e: {  	s17 =	sld [smem:$0x7F9]  }
0x25f: {  	[sflag:s6] =	ssyncset.done $0x0  }
0x260: {  	[sflag:s6] =	ssyncadd.s32 $0xFFFFCC00  }
0x261: {  	[hbm4b:s17+s7] =	stream.strided.scatter [tilespmem:s4], [sflag:$0x2], $0x3400, s8, s7, $0x38;
	[tilespmem:$0x7500] =	vst v63  }
0x262: {  	_ =	swait.ge [sflag:s13], $0x3400  }
0x263: {  	[sflag:s13] =	ssyncset.done $0x0  }
0x264: {  	[sflag:s13] =	ssyncadd.s32 $0xFFFFCC00  }
0x265: {  	[tilespmem:s10], [sflag:$0x1] =	stream.indirect.gather [hbm4b:s3+s1], $0x20, s9, s1, $0xb8;
	[tilespmem:$0x7500] =	vst v63  }
0x266: {  	_ =	swait.ge [sflag:s6], $0x3400  }
0x267: {  	s18 =	sld [smem:$0x7FA]  }
0x268: {  	[sflag:s6] =	ssyncset.done $0x0  }
0x269: {  	s16 =	simm.s32 $0x0;
	[sflag:s6] =	ssyncadd.s32 $0xFFFFCC00  }
0x26a: {  	[hbm4b:s18+s7] =	stream.strided.scatter [tilespmem:s10], [sflag:$0x3], $0x3400, s8, s7, $0x38;
	[tilespmem:$0x7500] =	vst v63  }
0x26b: {  	v1 =	vld [tilespmem:s16+$0x340]  }
0x26c: {  	s17 =	simm.s32 $0x40  }
.LBB2_42:
0x26d: {  	p0 =	sne.s32 s17, $0xCC0  }
.Ltmp20:
0x26e: {  	_ = 	snop;
	(pc) =	sbr.rel @p0 .LBB2_42-.Ltmp20, $4  }
0x26f: {  	_ = 	snop  }
0x270: {  	s18 =	sshra.s32 s17, $0x2;
	s17 =	sadd.s32 $0x40, s17;
	v2 =	vshll.u32 v1, $0x2  }
0x271: {  	v1 =	vld [tilespmem:s18+$0x340];
	v2 =	vadd.s32 $0x1E26C0, v2  }
0x272: {  	[tilespmem:s16+$0x9C0] =	vst v2;
	s16 =	smov.u32 s18  }
0x273: {  	_ =	sdelay $0x2  }
0x274: {  	v1 =	vshll.u32 v1, $0x2  }
0x275: {  	v1 =	vadd.s32 $0x1E26C0, v1  }
0x276: {  	[tilespmem:s16+$0x9C0] =	vst v1  }
0x277: {  	_ =	swait.ge [sflag:s11], $0x3400  }
0x278: {  	[sflag:s11] =	ssyncset.done $0x0  }
0x279: {  	[sflag:s11] =	ssyncadd.s32 $0xFFFFCC00  }
0x27a: {  	[tilespmem:s4], [sflag:$0x1] =	stream.indirect.gather [hbm4b:s3+s1], $0x20, s12, s1, $0xb8;
	[tilespmem:$0x7500] =	vst v63  }
0x27b: {  	_ =	swait.ge [sflag:s6], $0x3400  }
0x27c: {  	s17 =	sld [smem:$0x7FB]  }
0x27d: {  	[sflag:s6] =	ssyncset.done $0x0  }
0x27e: {  	[sflag:s6] =	ssyncadd.s32 $0xFFFFCC00  }
0x27f: {  	[hbm4b:s17+s7] =	stream.strided.scatter [tilespmem:s4], [sflag:$0x2], $0x3400, s8, s7, $0x38;
	[tilespmem:$0x7500] =	vst v63  }
0x280: {  	_ =	swait.ge [sflag:s13], $0x3400  }
0x281: {  	[sflag:s13] =	ssyncset.done $0x0  }
0x282: {  	[sflag:s13] =	ssyncadd.s32 $0xFFFFCC00  }
0x283: {  	[tilespmem:s10], [sflag:$0x1] =	stream.indirect.gather [hbm4b:s3+s1], $0x20, s14, s1, $0xb8;
	[tilespmem:$0x7500] =	vst v63  }
0x284: {  	_ =	swait.ge [sflag:s6], $0x3400  }
0x285: {  	s18 =	sld [smem:$0x7FC]  }
0x286: {  	[sflag:s6] =	ssyncset.done $0x0  }
0x287: {  	s16 =	simm.s32 $0x0;
	[sflag:s6] =	ssyncadd.s32 $0xFFFFCC00  }
0x288: {  	[hbm4b:s18+s7] =	stream.strided.scatter [tilespmem:s10], [sflag:$0x3], $0x3400, s8, s7, $0x38;
	[tilespmem:$0x7500] =	vst v63  }
0x289: {  	v1 =	vld [tilespmem:s16+$0x340]  }
0x28a: {  	s17 =	simm.s32 $0x40  }
.LBB2_44:
0x28b: {  	p0 =	sne.s32 s17, $0xCC0  }
.Ltmp21:
0x28c: {  	_ = 	snop;
	(pc) =	sbr.rel @p0 .LBB2_44-.Ltmp21, $4  }
0x28d: {  	_ = 	snop  }
0x28e: {  	s18 =	sshra.s32 s17, $0x2;
	s17 =	sadd.s32 $0x40, s17;
	v2 =	vshll.u32 v1, $0x2  }
0x28f: {  	v1 =	vld [tilespmem:s18+$0x340];
	v2 =	vadd.s32 $0x1FBD00, v2  }
0x290: {  	[tilespmem:s16+$0x680] =	vst v2;
	s16 =	smov.u32 s18  }
0x291: {  	_ =	sdelay $0x2  }
0x292: {  	v1 =	vshll.u32 v1, $0x2  }
0x293: {  	v1 =	vadd.s32 $0x1FBD00, v1  }
0x294: {  	[tilespmem:s16+$0x680] =	vst v1  }
0x295: {  	_ =	swait.ge [sflag:s11], $0x3400  }
0x296: {  	[sflag:s11] =	ssyncset.done $0x0  }
0x297: {  	[sflag:s11] =	ssyncadd.s32 $0xFFFFCC00  }
0x298: {  	[tilespmem:s4], [sflag:$0x1] =	stream.indirect.gather [hbm4b:s3+s1], $0x20, s0, s1, $0xb8;
	[tilespmem:$0x7500] =	vst v63  }
0x299: {  	_ =	swait.ge [sflag:s6], $0x3400  }
0x29a: {  	s18 =	sld [smem:$0x7FD]  }
0x29b: {  	[sflag:s6] =	ssyncset.done $0x0  }
0x29c: {  	[sflag:s6] =	ssyncadd.s32 $0xFFFFCC00  }
0x29d: {  	[hbm4b:s18+s7] =	stream.strided.scatter [tilespmem:s4], [sflag:$0x2], $0x3400, s8, s7, $0x38;
	[tilespmem:$0x7500] =	vst v63  }
0x29e: {  	_ =	swait.ge [sflag:s13], $0x3400  }
0x29f: {  	[sflag:s13] =	ssyncset.done $0x0  }
0x2a0: {  	[sflag:s13] =	ssyncadd.s32 $0xFFFFCC00  }
0x2a1: {  	[tilespmem:s10], [sflag:$0x1] =	stream.indirect.gather [hbm4b:s3+s1], $0x20, s9, s1, $0xb8;
	[tilespmem:$0x7500] =	vst v63  }
0x2a2: {  	_ =	swait.ge [sflag:s6], $0x3400  }
0x2a3: {  	[sflag:s6] =	ssyncset.done $0x0  }
0x2a4: {  	s16 =	simm.s32 $0x0;
	[sflag:s6] =	ssyncadd.s32 $0xFFFFCC00  }
0x2a5: {  	[hbm4b:s19+s7] =	stream.strided.scatter [tilespmem:s10], [sflag:$0x3], $0x3400, s8, s7, $0x38;
	[tilespmem:$0x7500] =	vst v63  }
0x2a6: {  	v1 =	vld [tilespmem:s16+$0x340]  }
0x2a7: {  	s17 =	simm.s32 $0x40  }
.LBB2_46:
0x2a8: {  	p0 =	sne.s32 s17, $0xCC0  }
.Ltmp22:
0x2a9: {  	_ = 	snop;
	(pc) =	sbr.rel @p0 .LBB2_46-.Ltmp22, $4  }
0x2aa: {  	_ = 	snop  }
0x2ab: {  	s18 =	sshra.s32 s17, $0x2;
	s17 =	sadd.s32 $0x40, s17;
	v2 =	vshll.u32 v1, $0x2  }
0x2ac: {  	v1 =	vld [tilespmem:s18+$0x340];
	v2 =	vadd.s32 $0x215340, v2  }
0x2ad: {  	[tilespmem:s16+$0x9C0] =	vst v2;
	s16 =	smov.u32 s18  }
0x2ae: {  	_ =	sdelay $0x2  }
0x2af: {  	v1 =	vshll.u32 v1, $0x2  }
0x2b0: {  	v1 =	vadd.s32 $0x215340, v1  }
0x2b1: {  	[tilespmem:s16+$0x9C0] =	vst v1  }
0x2b2: {  	_ =	swait.ge [sflag:s11], $0x3400  }
0x2b3: {  	[sflag:s11] =	ssyncset.done $0x0  }
0x2b4: {  	[sflag:s11] =	ssyncadd.s32 $0xFFFFCC00  }
0x2b5: {  	[tilespmem:s4], [sflag:$0x1] =	stream.indirect.gather [hbm4b:s3+s1], $0x20, s12, s1, $0xb8;
	[tilespmem:$0x7500] =	vst v63  }
0x2b6: {  	_ =	swait.ge [sflag:s6], $0x3400  }
0x2b7: {  	[sflag:s6] =	ssyncset.done $0x0  }
0x2b8: {  	[sflag:s6] =	ssyncadd.s32 $0xFFFFCC00  }
0x2b9: {  	[hbm4b:s20+s7] =	stream.strided.scatter [tilespmem:s4], [sflag:$0x2], $0x3400, s8, s7, $0x38;
	[tilespmem:$0x7500] =	vst v63  }
0x2ba: {  	_ =	swait.ge [sflag:s13], $0x3400  }
0x2bb: {  	[sflag:s13] =	ssyncset.done $0x0  }
0x2bc: {  	[sflag:s13] =	ssyncadd.s32 $0xFFFFCC00  }
0x2bd: {  	[tilespmem:s10], [sflag:$0x1] =	stream.indirect.gather [hbm4b:s3+s1], $0x20, s14, s1, $0xb8;
	[tilespmem:$0x7500] =	vst v63  }
0x2be: {  	_ =	swait.ge [sflag:s6], $0x3400  }
0x2bf: {  	[sflag:s6] =	ssyncset.done $0x0  }
0x2c0: {  	s16 =	simm.s32 $0x0;
	[sflag:s6] =	ssyncadd.s32 $0xFFFFCC00  }
0x2c1: {  	[hbm4b:s21+s7] =	stream.strided.scatter [tilespmem:s10], [sflag:$0x3], $0x3400, s8, s7, $0x38;
	[tilespmem:$0x7500] =	vst v63  }
0x2c2: {  	v1 =	vld [tilespmem:s16+$0x340]  }
0x2c3: {  	s17 =	simm.s32 $0x40  }
.LBB2_48:
0x2c4: {  	p0 =	sne.s32 s17, $0xCC0  }
.Ltmp23:
0x2c5: {  	_ = 	snop;
	(pc) =	sbr.rel @p0 .LBB2_48-.Ltmp23, $4  }
0x2c6: {  	_ = 	snop  }
0x2c7: {  	s18 =	sshra.s32 s17, $0x2;
	s17 =	sadd.s32 $0x40, s17;
	v2 =	vshll.u32 v1, $0x2  }
0x2c8: {  	v1 =	vld [tilespmem:s18+$0x340];
	v2 =	vadd.s32 $0x22E980, v2  }
0x2c9: {  	[tilespmem:s16+$0x680] =	vst v2;
	s16 =	smov.u32 s18  }
0x2ca: {  	_ =	sdelay $0x2  }
0x2cb: {  	v1 =	vshll.u32 v1, $0x2  }
0x2cc: {  	v1 =	vadd.s32 $0x22E980, v1  }
0x2cd: {  	[tilespmem:s16+$0x680] =	vst v1  }
0x2ce: {  	_ =	swait.ge [sflag:s11], $0x3400  }
0x2cf: {  	[sflag:s11] =	ssyncset.done $0x0  }
0x2d0: {  	[sflag:s11] =	ssyncadd.s32 $0xFFFFCC00  }
0x2d1: {  	[tilespmem:s4], [sflag:$0x1] =	stream.indirect.gather [hbm4b:s3+s1], $0x20, s0, s1, $0xb8;
	[tilespmem:$0x7500] =	vst v63  }
0x2d2: {  	_ =	swait.ge [sflag:s6], $0x3400  }
0x2d3: {  	[sflag:s6] =	ssyncset.done $0x0  }
0x2d4: {  	[sflag:s6] =	ssyncadd.s32 $0xFFFFCC00  }
0x2d5: {  	[hbm4b:s22+s7] =	stream.strided.scatter [tilespmem:s4], [sflag:$0x2], $0x3400, s8, s7, $0x38;
	[tilespmem:$0x7500] =	vst v63  }
0x2d6: {  	_ =	swait.ge [sflag:s13], $0x3400  }
0x2d7: {  	[sflag:s13] =	ssyncset.done $0x0  }
0x2d8: {  	[sflag:s13] =	ssyncadd.s32 $0xFFFFCC00  }
0x2d9: {  	[tilespmem:s10], [sflag:$0x1] =	stream.indirect.gather [hbm4b:s3+s1], $0x20, s9, s1, $0xb8;
	[tilespmem:$0x7500] =	vst v63  }
0x2da: {  	_ =	swait.ge [sflag:s6], $0x3400  }
0x2db: {  	[sflag:s6] =	ssyncset.done $0x0  }
0x2dc: {  	s16 =	simm.s32 $0x0;
	[sflag:s6] =	ssyncadd.s32 $0xFFFFCC00  }
0x2dd: {  	[hbm4b:s23+s7] =	stream.strided.scatter [tilespmem:s10], [sflag:$0x3], $0x3400, s8, s7, $0x38;
	[tilespmem:$0x7500] =	vst v63  }
0x2de: {  	v1 =	vld [tilespmem:s16+$0x340]  }
0x2df: {  	s17 =	simm.s32 $0x40  }
.LBB2_50:
0x2e0: {  	p0 =	sne.s32 s17, $0xCC0  }
.Ltmp24:
0x2e1: {  	_ = 	snop;
	(pc) =	sbr.rel @p0 .LBB2_50-.Ltmp24, $4  }
0x2e2: {  	_ = 	snop  }
0x2e3: {  	s18 =	sshra.s32 s17, $0x2;
	s17 =	sadd.s32 $0x40, s17;
	v2 =	vshll.u32 v1, $0x2  }
0x2e4: {  	v1 =	vld [tilespmem:s18+$0x340];
	v2 =	vadd.s32 $0x247FC0, v2  }
0x2e5: {  	[tilespmem:s16+$0x9C0] =	vst v2;
	s16 =	smov.u32 s18  }
0x2e6: {  	_ =	sdelay $0x2  }
0x2e7: {  	v1 =	vshll.u32 v1, $0x2  }
0x2e8: {  	v1 =	vadd.s32 $0x247FC0, v1  }
0x2e9: {  	[tilespmem:s16+$0x9C0] =	vst v1  }
0x2ea: {  	_ =	swait.ge [sflag:s11], $0x3400  }
0x2eb: {  	[sflag:s11] =	ssyncset.done $0x0  }
0x2ec: {  	[sflag:s11] =	ssyncadd.s32 $0xFFFFCC00  }
0x2ed: {  	[tilespmem:s4], [sflag:$0x1] =	stream.indirect.gather [hbm4b:s3+s1], $0x20, s12, s1, $0xb8;
	[tilespmem:$0x7500] =	vst v63  }
0x2ee: {  	_ =	swait.ge [sflag:s6], $0x3400  }
0x2ef: {  	[sflag:s6] =	ssyncset.done $0x0  }
0x2f0: {  	[sflag:s6] =	ssyncadd.s32 $0xFFFFCC00  }
0x2f1: {  	[hbm4b:s24+s7] =	stream.strided.scatter [tilespmem:s4], [sflag:$0x2], $0x3400, s8, s7, $0x38;
	[tilespmem:$0x7500] =	vst v63  }
0x2f2: {  	_ =	swait.ge [sflag:s13], $0x3400  }
0x2f3: {  	[sflag:s13] =	ssyncset.done $0x0  }
0x2f4: {  	[sflag:s13] =	ssyncadd.s32 $0xFFFFCC00  }
0x2f5: {  	[tilespmem:s10], [sflag:$0x1] =	stream.indirect.gather [hbm4b:s3+s1], $0x20, s14, s1, $0xb8;
	[tilespmem:$0x7500] =	vst v63  }
0x2f6: {  	_ =	swait.ge [sflag:s6], $0x3400  }
0x2f7: {  	[sflag:s6] =	ssyncset.done $0x0  }
0x2f8: {  	s16 =	simm.s32 $0x0;
	[sflag:s6] =	ssyncadd.s32 $0xFFFFCC00  }
0x2f9: {  	[hbm4b:s25+s7] =	stream.strided.scatter [tilespmem:s10], [sflag:$0x3], $0x3400, s8, s7, $0x38;
	[tilespmem:$0x7500] =	vst v63  }
0x2fa: {  	v1 =	vld [tilespmem:s16+$0x340]  }
0x2fb: {  	s17 =	simm.s32 $0x40  }
.LBB2_52:
0x2fc: {  	p0 =	sne.s32 s17, $0xCC0  }
.Ltmp25:
0x2fd: {  	_ = 	snop;
	(pc) =	sbr.rel @p0 .LBB2_52-.Ltmp25, $4  }
0x2fe: {  	_ = 	snop  }
0x2ff: {  	s18 =	sshra.s32 s17, $0x2;
	s17 =	sadd.s32 $0x40, s17;
	v2 =	vshll.u32 v1, $0x2  }
0x300: {  	v1 =	vld [tilespmem:s18+$0x340];
	v2 =	vadd.s32 $0x261600, v2  }
0x301: {  	[tilespmem:s16+$0x680] =	vst v2;
	s16 =	smov.u32 s18  }
0x302: {  	_ =	sdelay $0x2  }
0x303: {  	v1 =	vshll.u32 v1, $0x2  }
0x304: {  	v1 =	vadd.s32 $0x261600, v1  }
0x305: {  	[tilespmem:s16+$0x680] =	vst v1  }
0x306: {  	_ =	swait.ge [sflag:s11], $0x3400  }
0x307: {  	[sflag:s11] =	ssyncset.done $0x0  }
0x308: {  	[sflag:s11] =	ssyncadd.s32 $0xFFFFCC00  }
0x309: {  	[tilespmem:s4], [sflag:$0x1] =	stream.indirect.gather [hbm4b:s3+s1], $0x20, s0, s1, $0xb8;
	[tilespmem:$0x7500] =	vst v63  }
0x30a: {  	_ =	swait.ge [sflag:s6], $0x3400  }
0x30b: {  	[sflag:s6] =	ssyncset.done $0x0  }
0x30c: {  	[sflag:s6] =	ssyncadd.s32 $0xFFFFCC00  }
0x30d: {  	[hbm4b:s26+s7] =	stream.strided.scatter [tilespmem:s4], [sflag:$0x2], $0x3400, s8, s7, $0x38;
	[tilespmem:$0x7500] =	vst v63  }
0x30e: {  	_ =	swait.ge [sflag:s13], $0x3400  }
0x30f: {  	[sflag:s13] =	ssyncset.done $0x0  }
0x310: {  	[sflag:s13] =	ssyncadd.s32 $0xFFFFCC00  }
0x311: {  	[tilespmem:s10], [sflag:$0x1] =	stream.indirect.gather [hbm4b:s3+s1], $0x20, s9, s1, $0xb8;
	[tilespmem:$0x7500] =	vst v63  }
0x312: {  	_ =	swait.ge [sflag:s6], $0x3400  }
0x313: {  	[sflag:s6] =	ssyncset.done $0x0  }
0x314: {  	s16 =	simm.s32 $0x0;
	[sflag:s6] =	ssyncadd.s32 $0xFFFFCC00  }
0x315: {  	[hbm4b:s28+s7] =	stream.strided.scatter [tilespmem:s10], [sflag:$0x3], $0x3400, s8, s7, $0x38;
	[tilespmem:$0x7500] =	vst v63  }
0x316: {  	v1 =	vld [tilespmem:s16+$0x340]  }
0x317: {  	s17 =	simm.s32 $0x40  }
.LBB2_54:
0x318: {  	p0 =	sne.s32 s17, $0xCC0  }
.Ltmp26:
0x319: {  	_ = 	snop;
	(pc) =	sbr.rel @p0 .LBB2_54-.Ltmp26, $4  }
0x31a: {  	_ = 	snop  }
0x31b: {  	s18 =	sshra.s32 s17, $0x2;
	s17 =	sadd.s32 $0x40, s17;
	v2 =	vshll.u32 v1, $0x2  }
0x31c: {  	v1 =	vld [tilespmem:s18+$0x340];
	v2 =	vadd.s32 $0x27AC40, v2  }
0x31d: {  	[tilespmem:s16+$0x9C0] =	vst v2;
	s16 =	smov.u32 s18  }
0x31e: {  	_ =	sdelay $0x2  }
0x31f: {  	v1 =	vshll.u32 v1, $0x2  }
0x320: {  	v1 =	vadd.s32 $0x27AC40, v1  }
0x321: {  	[tilespmem:s16+$0x9C0] =	vst v1  }
0x322: {  	_ =	swait.ge [sflag:s11], $0x3400  }
0x323: {  	[sflag:s11] =	ssyncset.done $0x0  }
0x324: {  	[sflag:s11] =	ssyncadd.s32 $0xFFFFCC00  }
0x325: {  	[tilespmem:s4], [sflag:$0x1] =	stream.indirect.gather [hbm4b:s3+s1], $0x20, s12, s1, $0xb8;
	[tilespmem:$0x7500] =	vst v63  }
0x326: {  	_ =	swait.ge [sflag:s6], $0x3400  }
0x327: {  	[sflag:s6] =	ssyncset.done $0x0  }
0x328: {  	[sflag:s6] =	ssyncadd.s32 $0xFFFFCC00  }
0x329: {  	[hbm4b:s29+s7] =	stream.strided.scatter [tilespmem:s4], [sflag:$0x2], $0x3400, s8, s7, $0x38;
	[tilespmem:$0x7500] =	vst v63  }
0x32a: {  	_ =	swait.ge [sflag:s13], $0x3400  }
0x32b: {  	[sflag:s13] =	ssyncset.done $0x0  }
0x32c: {  	[sflag:s13] =	ssyncadd.s32 $0xFFFFCC00  }
0x32d: {  	[tilespmem:s10], [sflag:$0x1] =	stream.indirect.gather [hbm4b:s3+s1], $0x20, s14, s1, $0xb8;
	[tilespmem:$0x7500] =	vst v63  }
0x32e: {  	_ =	swait.ge [sflag:s6], $0x3400  }
0x32f: {  	[sflag:s6] =	ssyncset.done $0x0  }
0x330: {  	[sflag:s6] =	ssyncadd.s32 $0xFFFFCC00  }
0x331: {  	[hbm4b:s30+s7] =	stream.strided.scatter [tilespmem:s10], [sflag:$0x3], $0x3400, s8, s7, $0x38;
	[tilespmem:$0x7500] =	vst v63  }
0x332: {  	_ =	swait.ge [sflag:s11], $0x3400  }
0x333: {  	[sflag:s11] =	ssyncset.done $0x0  }
0x334: {  	[sflag:s11] =	ssyncadd.s32 $0xFFFFCC00  }
0x335: {  	_ =	swait.ge [sflag:s13], $0x3400  }
0x336: {  	s15 =	sadd.s32 $0x1, s15;
	s18 =	rddreg [dreg:$0x18]  }
0x337: {  	p0 =	sne.s32 s15, s18  }
.Ltmp27:
0x338: {  	_ = 	snop;
	(pc) =	sbr.rel @p0 .LBB2_1-.Ltmp27, $3  }
0x339: {  	_ =	sdelay $0x1  }
0x33a: {  	[sflag:s13] =	ssyncset.done $0x0  }
0x33b: {  	[sflag:s13] =	ssyncadd.s32 $0xFFFFCC00  }
0x33c: {  	_ =	sfence.sel $0x180000  }
0x33d: {  	[bflag:$0x0] =	sbarrier.arrive $0xFFFF  }
0x33e: {  	_ =	strace $0x90000047  }
0x33f: {  	s0 =	stileid.u32;
	[bflag:$0x2] =	sbarrier.arrive $0xFFFF  }
0x340: {  	p0 =	sne.s32 s0, $0x0;
	s0 =	rddreg [dreg:$0x3]  }
0x341: {  	s0 =	sadd.s32 @!p0 $0x100000, s0  }
0x342: {  	[sflag:s0] =	ssyncadd.tile.s32 @!p0 $0x1;
	_ =	shalt  }
.Lfunc_end2:
_tile_overlayer_lowered:
.L_overlay_start_2:
0x343: {  	(tag) =	ssettag $0x2  }
0x344: {  	s0 =	rddreg [dreg:$0x0];
	s2 =	stileid.u32  }
0x345: {  	s1 =	rddreg [dreg:$0x1];
	p0 =	sne.s32 s2, $0x0  }
0x346: {  	s3 =	rddreg [dreg:$0x2];
	[bflag:$0x3] =	sbarrier.arrive $0xFFFF;
	s2 =	simm.s32 @!p0 $0x1C04  }
0x347: {  	[timem:s3], [sflag:s2] =	dma.local @!p0 [hbm:s0], s1  }
0x348: {  	s0 =	simm.s32 @!p0 $0x4  }
0x349: {  	_ =	swait.ge @!p0 [sflag:s0], s1  }
0x34a: {  	s1 =	ssub.s32 @!p0 $0x0, s1;
	[sflag:s0] =	ssyncset.done @!p0 $0x0  }
0x34b: {  	[sflag:s0] =	ssyncadd.s32 @!p0 s1  }
0x34c: {  	[bflag:$0x3] =	sbarrier.arrive $0xFFFF  }
0x34d: {  	_ =	shalt  }

</sc_bundles>
